<compile_context>
chip_gen: v7x
topology: tpu7x:2x2x1
jax: 0.10.2.dev20260603
libtpu: 0.0.44.dev20260713+nightly
codegen_flags: <defaults>
</compile_context>

<pallas_src>
import functools

import jax
import jax.numpy as jnp
from jax import lax
from jax.experimental import pallas as pl
from jax.experimental.pallas import tpu as pltpu
from jax.experimental.pallas import tpu_sc as plsc

_LANES = 16


def _make_gather(batch: int, fields: int, dim: int, num_workers: int):
  per_w = batch // num_workers
  pitch = per_w + 1
  mesh = plsc.VectorSubcoreMesh(core_axis_name="c", subcore_axis_name="s")
  nc = mesh.num_cores

  @functools.partial(
      pl.kernel,
      out_type=jax.ShapeDtypeStruct(
          (fields, dim // 8, batch // 128, 8, 128), jnp.float32),
      mesh=mesh,
      scratch_types=[
          pltpu.VMEM((2, per_w), jnp.int32),
          pltpu.VMEM((2, per_w, dim), jnp.float32),
          pltpu.VMEM((2, dim, pitch), jnp.float32),
          pltpu.SemaphoreType.DMA,
          pltpu.SemaphoreType.DMA,
          pltpu.SemaphoreType.DMA,
          pltpu.SemaphoreType.DMA,
          pltpu.SemaphoreType.DMA,
          pltpu.SemaphoreType.DMA,
      ],
      compiler_params=pltpu.CompilerParams(
          use_tc_tiling_on_sc=False, needs_layout_passes=False,
          disable_bounds_checks=True),
  )
  def gather_kernel(table_hbm, idxt_hbm, out_hbm, idx_v, rows_v, cols_v,
                    is0, is1, gs0, gs1, ss0, ss1):
    wid = lax.axis_index("s") * nc + lax.axis_index("c")
    b0 = wid * per_w
    lane = lax.iota(jnp.int32, _LANES)
    isem = (is0, is1)
    gsem = (gs0, gs1)
    ssem = (ss0, ss1)

    def fire_idx(f, p):
      pltpu.async_copy(idxt_hbm.at[f, pl.ds(b0, per_w)], idx_v.at[p], isem[p])

    def wait_idx(p):
      pltpu.make_async_copy(idxt_hbm.at[0, pl.ds(b0, per_w)], idx_v.at[p],
                            isem[p]).wait()

    def fire_gather(p):
      pltpu.async_copy(table_hbm.at[idx_v.at[p]], rows_v.at[p], gsem[p])

    def wait_gather(p):
      pltpu.make_async_copy(table_hbm.at[idx_v.at[p]], rows_v.at[p],
                            gsem[p]).wait()

    def fire_store(f, p):
      for dt in range(dim // 8):
        for btr in range(per_w // 128):
          pltpu.async_copy(
              cols_v.at[p, pl.ds(dt * 8, 8), pl.ds(btr * 128, 128)],
              out_hbm.at[f, dt, wid * (per_w // 128) + btr, :, :], ssem[p])

    def wait_store(p):
      for dt in range(dim // 8):
        for btr in range(per_w // 128):
          pltpu.make_async_copy(
              cols_v.at[p, pl.ds(dt * 8, 8), pl.ds(btr * 128, 128)],
              out_hbm.at[0, dt, wid * (per_w // 128) + btr, :, :],
              ssem[p]).wait()

    def transpose(p):
      @plsc.parallel_loop(0, per_w, step=1, unroll=8)
      def _t_loop(r):
        rsplat = jnp.full((_LANES,), 0, jnp.int32) + r
        for h in range(dim // _LANES):
          d_ids = lane + h * _LANES
          v = rows_v[p, r, pl.ds(h * _LANES, _LANES)]
          plsc.store_scatter(cols_v.at[p], [d_ids, rsplat], v)

    fire_idx(0, 0)
    fire_idx(1, 1)
    wait_idx(0)
    fire_gather(0)

    @pl.loop(0, fields // 2)
    def _o_loop(o):
      for q in (0, 1):
        f = 2 * o + q
        p = q
        @pl.when(f < fields - 1)
        def _():
          wait_idx(1 - p)
          fire_gather(1 - p)

        wait_gather(p)

        @pl.when(f >= 2)
        def _():
          wait_store(p)

        transpose(p)
        fire_store(f, p)

        @pl.when(f < fields - 2)
        def _():
          fire_idx(f + 2, p)

    wait_store(0)
    wait_store(1)

  return gather_kernel


def kernel(x, emb_weight):
  b, f = x.shape
  dim = emb_weight.shape[1]
  xt = jnp.transpose(x)
  out5 = _make_gather(b, f, dim, 32)(emb_weight, xt)
  o7 = jnp.transpose(out5, (2, 4, 0, 1, 3))
  return o7.reshape(b, f, dim)

# --- scband reference (transcript-rebuilt; emitter-appended) ---
"""Pipeline reference for scband-state-embedding-40742059770331 (READ-ONLY COPY).

The authoritative reference and input builder live on the scoring server;
editing this copy changes nothing except your own understanding.
"""

import jax, jax.numpy as jnp
import numpy as np

NUM_EMBEDDINGS = 1000000
EMBEDDING_DIM = 32
BATCH = 16384
FIELDS = 100


def setup_inputs(seed: int = 0) -> dict:
    key = jax.random.key(seed)
    k_idx, k_w = jax.random.split(key)
    x = jax.random.randint(k_idx, (BATCH, FIELDS), 0, NUM_EMBEDDINGS, dtype=jnp.int32)
    # nn.Embedding default init: N(0, 1)
    emb_weight = jax.random.normal(k_w, (NUM_EMBEDDINGS, EMBEDDING_DIM), dtype=jnp.float32)
    return {"x": x, "emb_weight": emb_weight}


def reference(x, emb_weight):
    # Non-factored path of StateEmbedding.forward: return self.emb(x)
    return jnp.take(emb_weight, x, axis=0)

if __name__ == "__main__":
    import jax
    _d = setup_inputs()
    print(jax.jit(kernel)(*tuple(_d.values())))

</pallas_src>

<mosaic_0001>
#map = affine_map<(d0, d1) -> (0, 0)>
#map1 = affine_map<(d0, d1) -> (0, 0, 0, 0, 0)>
module attributes {stable_mosaic.version = 14 : i64} {
  func.func @gather_kernel(%arg0: i32, %arg1: i32, %arg2: memref<1000000x32xf32, #tpu.memory_space<hbm>>, %arg3: memref<100x16384xi32, #tpu.memory_space<hbm>>, %arg4: memref<100x4x128x8x128xf32, #tpu.memory_space<hbm>>, %arg5: memref<2x512xi32, #tpu.memory_space<vmem>>, %arg6: memref<2x512x32xf32, #tpu.memory_space<vmem>>, %arg7: memref<2x32x513xf32, #tpu.memory_space<vmem>>, %arg8: memref<!tpu.dma_semaphore, #tpu.memory_space<semaphore_mem>>, %arg9: memref<!tpu.dma_semaphore, #tpu.memory_space<semaphore_mem>>, %arg10: memref<!tpu.dma_semaphore, #tpu.memory_space<semaphore_mem>>, %arg11: memref<!tpu.dma_semaphore, #tpu.memory_space<semaphore_mem>>, %arg12: memref<!tpu.dma_semaphore, #tpu.memory_space<semaphore_mem>>, %arg13: memref<!tpu.dma_semaphore, #tpu.memory_space<semaphore_mem>>) attributes {dimension_semantics = [#tpu.dimension_semantics<core_parallel>, #tpu.dimension_semantics<subcore_parallel>], iteration_bounds = array<i64: 2, 16>, scalar_prefetch = 0 : i64, scratch_operands = 9 : i64, tpu.core_type = #tpu.core_type<sc_vector_subcore>, window_params = [{transform_indices = #map}, {transform_indices = #map}, {transform_indices = #map1}]} {
    %mul3A = arith.constant 2 : i32
    %mul3A_0 = arith.muli %arg1, %mul3A : i32
    %add3A = arith.addi %mul3A_0, %arg0 : i32
    %mul3A_1 = arith.constant 512 : i32
    %mul3A_2 = arith.muli %add3A, %mul3A_1 : i32
    %iota3A = tpu.iota {dimensions = array<i32: 0>} : vector<16xi32>
    %dma_start3A = arith.constant 0 : i32
    %dma_start3A_3 = arith.constant 0 : i32
    %dma_start3A_4 = arith.constant 0 : i32
    %dma_start3A_5 = tpu.memref_slice %arg5[%dma_start3A_3, %dma_start3A_4] : memref<2x512xi32, #tpu.memory_space<vmem>> -> memref<1x512xi32, #tpu.memory_space<vmem>>
    %dma_start3A_6 = tpu.memref_squeeze %dma_start3A_5 : memref<1x512xi32, #tpu.memory_space<vmem>> -> memref<512xi32, #tpu.memory_space<vmem>>
    %dma_start3A_7 = tpu.memref_slice %arg3[%dma_start3A, %mul3A_2] : memref<100x16384xi32, #tpu.memory_space<hbm>> -> memref<1x512xi32, #tpu.memory_space<hbm>>
    %dma_start3A_8 = tpu.memref_squeeze %dma_start3A_7 : memref<1x512xi32, #tpu.memory_space<hbm>> -> memref<512xi32, #tpu.memory_space<hbm>>
    %dma_start3A_9 = arith.constant 0 : i32
    %dma_start3A_10 = tpu.memref_slice %arg5[%dma_start3A_3, %dma_start3A_9] : memref<2x512xi32, #tpu.memory_space<vmem>> -> memref<1x512xi32, #tpu.memory_space<vmem>>
    %dma_start3A_11 = tpu.memref_squeeze %dma_start3A_10 : memref<1x512xi32, #tpu.memory_space<vmem>> -> memref<512xi32, #tpu.memory_space<vmem>>
    %dma_start3A_12 = tpu.memref_slice %arg3[%dma_start3A, %mul3A_2] : memref<100x16384xi32, #tpu.memory_space<hbm>> -> memref<1x512xi32, #tpu.memory_space<hbm>>
    %dma_start3A_13 = tpu.memref_squeeze %dma_start3A_12 : memref<1x512xi32, #tpu.memory_space<hbm>> -> memref<512xi32, #tpu.memory_space<hbm>>
    tpu.enqueue_dma source(%dma_start3A_13 : memref<512xi32, #tpu.memory_space<hbm>>) target(%dma_start3A_11 : memref<512xi32, #tpu.memory_space<vmem>>) target_semaphore(%arg8 : memref<!tpu.dma_semaphore, #tpu.memory_space<semaphore_mem>>)
    %dma_start3A_14 = arith.constant 1 : i32
    %dma_start3A_15 = arith.constant 1 : i32
    %dma_start3A_16 = arith.constant 0 : i32
    %dma_start3A_17 = tpu.memref_slice %arg5[%dma_start3A_15, %dma_start3A_16] : memref<2x512xi32, #tpu.memory_space<vmem>> -> memref<1x512xi32, #tpu.memory_space<vmem>>
    %dma_start3A_18 = tpu.memref_squeeze %dma_start3A_17 : memref<1x512xi32, #tpu.memory_space<vmem>> -> memref<512xi32, #tpu.memory_space<vmem>>
    %dma_start3A_19 = tpu.memref_slice %arg3[%dma_start3A_14, %mul3A_2] : memref<100x16384xi32, #tpu.memory_space<hbm>> -> memref<1x512xi32, #tpu.memory_space<hbm>>
    %dma_start3A_20 = tpu.memref_squeeze %dma_start3A_19 : memref<1x512xi32, #tpu.memory_space<hbm>> -> memref<512xi32, #tpu.memory_space<hbm>>
    %dma_start3A_21 = arith.constant 0 : i32
    %dma_start3A_22 = tpu.memref_slice %arg5[%dma_start3A_15, %dma_start3A_21] : memref<2x512xi32, #tpu.memory_space<vmem>> -> memref<1x512xi32, #tpu.memory_space<vmem>>
    %dma_start3A_23 = tpu.memref_squeeze %dma_start3A_22 : memref<1x512xi32, #tpu.memory_space<vmem>> -> memref<512xi32, #tpu.memory_space<vmem>>
    %dma_start3A_24 = tpu.memref_slice %arg3[%dma_start3A_14, %mul3A_2] : memref<100x16384xi32, #tpu.memory_space<hbm>> -> memref<1x512xi32, #tpu.memory_space<hbm>>
    %dma_start3A_25 = tpu.memref_squeeze %dma_start3A_24 : memref<1x512xi32, #tpu.memory_space<hbm>> -> memref<512xi32, #tpu.memory_space<hbm>>
    tpu.enqueue_dma source(%dma_start3A_25 : memref<512xi32, #tpu.memory_space<hbm>>) target(%dma_start3A_23 : memref<512xi32, #tpu.memory_space<vmem>>) target_semaphore(%arg9 : memref<!tpu.dma_semaphore, #tpu.memory_space<semaphore_mem>>)
    %dma_wait3A = arith.constant 0 : i32
    %dma_wait3A_26 = arith.constant 0 : i32
    %dma_wait3A_27 = arith.constant 0 : i32
    %dma_wait3A_28 = tpu.memref_slice %arg5[%dma_wait3A_26, %dma_wait3A_27] : memref<2x512xi32, #tpu.memory_space<vmem>> -> memref<1x512xi32, #tpu.memory_space<vmem>>
    %dma_wait3A_29 = tpu.memref_squeeze %dma_wait3A_28 : memref<1x512xi32, #tpu.memory_space<vmem>> -> memref<512xi32, #tpu.memory_space<vmem>>
    %dma_wait3A_30 = tpu.memref_slice %arg3[%dma_wait3A, %mul3A_2] : memref<100x16384xi32, #tpu.memory_space<hbm>> -> memref<1x512xi32, #tpu.memory_space<hbm>>
    %dma_wait3A_31 = tpu.memref_squeeze %dma_wait3A_30 : memref<1x512xi32, #tpu.memory_space<hbm>> -> memref<512xi32, #tpu.memory_space<hbm>>
    %dma_wait3A_32 = arith.constant 0 : i32
    %dma_wait3A_33 = tpu.memref_slice %arg5[%dma_wait3A_26, %dma_wait3A_32] : memref<2x512xi32, #tpu.memory_space<vmem>> -> memref<1x512xi32, #tpu.memory_space<vmem>>
    %dma_wait3A_34 = tpu.memref_squeeze %dma_wait3A_33 : memref<1x512xi32, #tpu.memory_space<vmem>> -> memref<512xi32, #tpu.memory_space<vmem>>
    %dma_wait3A_35 = tpu.memref_slice %arg3[%dma_wait3A, %mul3A_2] : memref<100x16384xi32, #tpu.memory_space<hbm>> -> memref<1x512xi32, #tpu.memory_space<hbm>>
    %dma_wait3A_36 = tpu.memref_squeeze %dma_wait3A_35 : memref<1x512xi32, #tpu.memory_space<hbm>> -> memref<512xi32, #tpu.memory_space<hbm>>
    tpu.wait_dma2 semaphore(%arg8 : memref<!tpu.dma_semaphore, #tpu.memory_space<semaphore_mem>>) src(%dma_wait3A_36 : memref<512xi32, #tpu.memory_space<hbm>>) dst(%dma_wait3A_34 : memref<512xi32, #tpu.memory_space<vmem>>)
    %dma_start3A_37 = arith.constant 0 : i32
    %dma_start3A_38 = arith.constant 0 : i32
    %dma_start3A_39 = arith.constant 0 : i32
    %dma_start3A_40 = arith.constant 0 : i32
    %dma_start3A_41 = tpu.memref_slice %arg6[%dma_start3A_38, %dma_start3A_39, %dma_start3A_40] : memref<2x512x32xf32, #tpu.memory_space<vmem>> -> memref<1x512x32xf32, #tpu.memory_space<vmem>>
    %dma_start3A_42 = tpu.memref_squeeze %dma_start3A_41 : memref<1x512x32xf32, #tpu.memory_space<vmem>> -> memref<512x32xf32, #tpu.memory_space<vmem>>
    %dma_start3A_43 = arith.constant 0 : i32
    %dma_start3A_44 = tpu.memref_slice %arg5[%dma_start3A_37, %dma_start3A_43] : memref<2x512xi32, #tpu.memory_space<vmem>> -> memref<1x512xi32, #tpu.memory_space<vmem>>
    %dma_start3A_45 = tpu.memref_squeeze %dma_start3A_44 : memref<1x512xi32, #tpu.memory_space<vmem>> -> memref<512xi32, #tpu.memory_space<vmem>>
    %dma_start3A_46 = arith.constant 0 : i32
    %dma_start3A_47 = arith.constant 0 : i32
    %dma_start3A_48 = tpu.memref_slice %arg2[%dma_start3A_46, %dma_start3A_47] : memref<1000000x32xf32, #tpu.memory_space<hbm>> -> memref<1000000x32xf32, #tpu.memory_space<hbm>>
    tpu.enqueue_indirect_dma source(%dma_start3A_48 : memref<1000000x32xf32, #tpu.memory_space<hbm>>) target(%dma_start3A_42 : memref<512x32xf32, #tpu.memory_space<vmem>>) offsets(%dma_start3A_45 : memref<512xi32, #tpu.memory_space<vmem>>) semaphore(%arg10 : memref<!tpu.dma_semaphore, #tpu.memory_space<semaphore_mem>>)
    %scan3A = arith.constant 0 : i32
    %scan3A_49 = arith.constant 50 : i32
    %scan3A_50 = arith.addi %scan3A, %scan3A_49 : i32
    %scan3A_51 = arith.constant 1 : i32
    scf.for %scan3A_789 = %scan3A to %scan3A_50 step %scan3A_51  : i32 {
      %mul3A_790 = arith.constant 1 : i32
      %mul3A_791 = arith.muli %scan3A_789, %mul3A_790 : i32
      %add3A_792 = arith.constant 0 : i32
      %add3A_793 = arith.addi %add3A_792, %mul3A_791 : i32
      %mul3A_794 = arith.constant 2 : i32
      %mul3A_795 = arith.muli %mul3A_794, %add3A_793 : i32
      %add3A_796 = arith.constant 0 : i32
      %add3A_797 = arith.addi %mul3A_795, %add3A_796 : i32
      %lt3A = arith.constant 99 : i32
      %lt3A_798 = arith.cmpi slt, %add3A_797, %lt3A : i32
      %convert_element_type3A = arith.extui %lt3A_798 : i1 to i32
      %cond3A = arith.constant 0 : i32
      %cond3A_799 = arith.cmpi ne, %convert_element_type3A, %cond3A : i32
      scf.if %cond3A_799 {
        %dma_wait3A_1561 = arith.constant 0 : i32
        %dma_wait3A_1562 = arith.constant 1 : i32
        %dma_wait3A_1563 = arith.constant 0 : i32
        %dma_wait3A_1564 = tpu.memref_slice %arg5[%dma_wait3A_1562, %dma_wait3A_1563] : memref<2x512xi32, #tpu.memory_space<vmem>> -> memref<1x512xi32, #tpu.memory_space<vmem>>
        %dma_wait3A_1565 = tpu.memref_squeeze %dma_wait3A_1564 : memref<1x512xi32, #tpu.memory_space<vmem>> -> memref<512xi32, #tpu.memory_space<vmem>>
        %dma_wait3A_1566 = tpu.memref_slice %arg3[%dma_wait3A_1561, %mul3A_2] : memref<100x16384xi32, #tpu.memory_space<hbm>> -> memref<1x512xi32, #tpu.memory_space<hbm>>
        %dma_wait3A_1567 = tpu.memref_squeeze %dma_wait3A_1566 : memref<1x512xi32, #tpu.memory_space<hbm>> -> memref<512xi32, #tpu.memory_space<hbm>>
        %dma_wait3A_1568 = arith.constant 0 : i32
        %dma_wait3A_1569 = tpu.memref_slice %arg5[%dma_wait3A_1562, %dma_wait3A_1568] : memref<2x512xi32, #tpu.memory_space<vmem>> -> memref<1x512xi32, #tpu.memory_space<vmem>>
        %dma_wait3A_1570 = tpu.memref_squeeze %dma_wait3A_1569 : memref<1x512xi32, #tpu.memory_space<vmem>> -> memref<512xi32, #tpu.memory_space<vmem>>
        %dma_wait3A_1571 = tpu.memref_slice %arg3[%dma_wait3A_1561, %mul3A_2] : memref<100x16384xi32, #tpu.memory_space<hbm>> -> memref<1x512xi32, #tpu.memory_space<hbm>>
        %dma_wait3A_1572 = tpu.memref_squeeze %dma_wait3A_1571 : memref<1x512xi32, #tpu.memory_space<hbm>> -> memref<512xi32, #tpu.memory_space<hbm>>
        tpu.wait_dma2 semaphore(%arg9 : memref<!tpu.dma_semaphore, #tpu.memory_space<semaphore_mem>>) src(%dma_wait3A_1572 : memref<512xi32, #tpu.memory_space<hbm>>) dst(%dma_wait3A_1570 : memref<512xi32, #tpu.memory_space<vmem>>)
        %dma_start3A_1573 = arith.constant 1 : i32
        %dma_start3A_1574 = arith.constant 1 : i32
        %dma_start3A_1575 = arith.constant 0 : i32
        %dma_start3A_1576 = arith.constant 0 : i32
        %dma_start3A_1577 = tpu.memref_slice %arg6[%dma_start3A_1574, %dma_start3A_1575, %dma_start3A_1576] : memref<2x512x32xf32, #tpu.memory_space<vmem>> -> memref<1x512x32xf32, #tpu.memory_space<vmem>>
        %dma_start3A_1578 = tpu.memref_squeeze %dma_start3A_1577 : memref<1x512x32xf32, #tpu.memory_space<vmem>> -> memref<512x32xf32, #tpu.memory_space<vmem>>
        %dma_start3A_1579 = arith.constant 0 : i32
        %dma_start3A_1580 = tpu.memref_slice %arg5[%dma_start3A_1573, %dma_start3A_1579] : memref<2x512xi32, #tpu.memory_space<vmem>> -> memref<1x512xi32, #tpu.memory_space<vmem>>
        %dma_start3A_1581 = tpu.memref_squeeze %dma_start3A_1580 : memref<1x512xi32, #tpu.memory_space<vmem>> -> memref<512xi32, #tpu.memory_space<vmem>>
        %dma_start3A_1582 = arith.constant 0 : i32
        %dma_start3A_1583 = arith.constant 0 : i32
        %dma_start3A_1584 = tpu.memref_slice %arg2[%dma_start3A_1582, %dma_start3A_1583] : memref<1000000x32xf32, #tpu.memory_space<hbm>> -> memref<1000000x32xf32, #tpu.memory_space<hbm>>
        tpu.enqueue_indirect_dma source(%dma_start3A_1584 : memref<1000000x32xf32, #tpu.memory_space<hbm>>) target(%dma_start3A_1578 : memref<512x32xf32, #tpu.memory_space<vmem>>) offsets(%dma_start3A_1581 : memref<512xi32, #tpu.memory_space<vmem>>) semaphore(%arg11 : memref<!tpu.dma_semaphore, #tpu.memory_space<semaphore_mem>>)
      } else {
      }
      %dma_wait3A_800 = arith.constant 0 : i32
      %dma_wait3A_801 = arith.constant 0 : i32
      %dma_wait3A_802 = arith.constant 0 : i32
      %dma_wait3A_803 = arith.constant 0 : i32
      %dma_wait3A_804 = tpu.memref_slice %arg6[%dma_wait3A_801, %dma_wait3A_802, %dma_wait3A_803] : memref<2x512x32xf32, #tpu.memory_space<vmem>> -> memref<1x512x32xf32, #tpu.memory_space<vmem>>
      %dma_wait3A_805 = tpu.memref_squeeze %dma_wait3A_804 : memref<1x512x32xf32, #tpu.memory_space<vmem>> -> memref<512x32xf32, #tpu.memory_space<vmem>>
      %dma_wait3A_806 = arith.constant 0 : i32
      %dma_wait3A_807 = tpu.memref_slice %arg5[%dma_wait3A_800, %dma_wait3A_806] : memref<2x512xi32, #tpu.memory_space<vmem>> -> memref<1x512xi32, #tpu.memory_space<vmem>>
      %dma_wait3A_808 = tpu.memref_squeeze %dma_wait3A_807 : memref<1x512xi32, #tpu.memory_space<vmem>> -> memref<512xi32, #tpu.memory_space<vmem>>
      %dma_wait3A_809 = arith.constant 0 : i32
      %dma_wait3A_810 = arith.constant 0 : i32
      %dma_wait3A_811 = tpu.memref_slice %arg2[%dma_wait3A_809, %dma_wait3A_810] : memref<1000000x32xf32, #tpu.memory_space<hbm>> -> memref<1000000x32xf32, #tpu.memory_space<hbm>>
      tpu.wait_indirect_dma semaphore(%arg10 : memref<!tpu.dma_semaphore, #tpu.memory_space<semaphore_mem>>) src(%dma_wait3A_811 : memref<1000000x32xf32, #tpu.memory_space<hbm>>) dst(%dma_wait3A_805 : memref<512x32xf32, #tpu.memory_space<vmem>>)
      %ge3A = arith.constant 2 : i32
      %ge3A_812 = arith.cmpi sge, %add3A_797, %ge3A : i32
      %convert_element_type3A_813 = arith.extui %ge3A_812 : i1 to i32
      %cond3A_814 = arith.constant 0 : i32
      %cond3A_815 = arith.cmpi ne, %convert_element_type3A_813, %cond3A_814 : i32
      scf.if %cond3A_815 {
        %mul3A_1561 = arith.constant 4 : i32
        %mul3A_1562 = arith.muli %add3A, %mul3A_1561 : i32
        %add3A_1563 = arith.constant 0 : i32
        %add3A_1564 = arith.addi %mul3A_1562, %add3A_1563 : i32
        %dma_wait3A_1565 = arith.constant 0 : i32
        %dma_wait3A_1566 = arith.constant 0 : i32
        %dma_wait3A_1567 = arith.constant 0 : i32
        %dma_wait3A_1568 = arith.constant 0 : i32
        %dma_wait3A_1569 = arith.constant 0 : i32
        %dma_wait3A_1570 = tpu.memref_slice %arg7[%dma_wait3A_1565, %dma_wait3A_1568, %dma_wait3A_1569] : memref<2x32x513xf32, #tpu.memory_space<vmem>> -> memref<1x8x128xf32, #tpu.memory_space<vmem>>
        %dma_wait3A_1571 = tpu.memref_squeeze %dma_wait3A_1570 : memref<1x8x128xf32, #tpu.memory_space<vmem>> -> memref<8x128xf32, #tpu.memory_space<vmem>>
        %dma_wait3A_1572 = arith.constant 0 : i32
        %dma_wait3A_1573 = arith.constant 0 : i32
        %dma_wait3A_1574 = tpu.memref_slice %arg4[%dma_wait3A_1566, %dma_wait3A_1567, %add3A_1564, %dma_wait3A_1572, %dma_wait3A_1573] : memref<100x4x128x8x128xf32, #tpu.memory_space<hbm>> -> memref<1x1x1x8x128xf32, #tpu.memory_space<hbm>>
        %dma_wait3A_1575 = tpu.memref_squeeze %dma_wait3A_1574 : memref<1x1x1x8x128xf32, #tpu.memory_space<hbm>> -> memref<8x128xf32, #tpu.memory_space<hbm>>
        %dma_wait3A_1576 = arith.constant 0 : i32
        %dma_wait3A_1577 = arith.constant 0 : i32
        %dma_wait3A_1578 = tpu.memref_slice %arg4[%dma_wait3A_1566, %dma_wait3A_1567, %add3A_1564, %dma_wait3A_1576, %dma_wait3A_1577] : memref<100x4x128x8x128xf32, #tpu.memory_space<hbm>> -> memref<1x1x1x8x128xf32, #tpu.memory_space<hbm>>
        %dma_wait3A_1579 = tpu.memref_squeeze %dma_wait3A_1578 : memref<1x1x1x8x128xf32, #tpu.memory_space<hbm>> -> memref<8x128xf32, #tpu.memory_space<hbm>>
        %dma_wait3A_1580 = arith.constant 0 : i32
        %dma_wait3A_1581 = arith.constant 0 : i32
        %dma_wait3A_1582 = tpu.memref_slice %arg7[%dma_wait3A_1565, %dma_wait3A_1580, %dma_wait3A_1581] : memref<2x32x513xf32, #tpu.memory_space<vmem>> -> memref<1x8x128xf32, #tpu.memory_space<vmem>>
        %dma_wait3A_1583 = tpu.memref_squeeze %dma_wait3A_1582 : memref<1x8x128xf32, #tpu.memory_space<vmem>> -> memref<8x128xf32, #tpu.memory_space<vmem>>
        tpu.wait_dma2 semaphore(%arg12 : memref<!tpu.dma_semaphore, #tpu.memory_space<semaphore_mem>>) src(%dma_wait3A_1583 : memref<8x128xf32, #tpu.memory_space<vmem>>) dst(%dma_wait3A_1579 : memref<8x128xf32, #tpu.memory_space<hbm>>)
        %mul3A_1584 = arith.constant 4 : i32
        %mul3A_1585 = arith.muli %add3A, %mul3A_1584 : i32
        %add3A_1586 = arith.constant 1 : i32
        %add3A_1587 = arith.addi %mul3A_1585, %add3A_1586 : i32
        %dma_wait3A_1588 = arith.constant 0 : i32
        %dma_wait3A_1589 = arith.constant 0 : i32
        %dma_wait3A_1590 = arith.constant 0 : i32
        %dma_wait3A_1591 = arith.constant 0 : i32
        %dma_wait3A_1592 = arith.constant 128 : i32
        %dma_wait3A_1593 = tpu.memref_slice %arg7[%dma_wait3A_1588, %dma_wait3A_1591, %dma_wait3A_1592] : memref<2x32x513xf32, #tpu.memory_space<vmem>> -> memref<1x8x128xf32, #tpu.memory_space<vmem>>
        %dma_wait3A_1594 = tpu.memref_squeeze %dma_wait3A_1593 : memref<1x8x128xf32, #tpu.memory_space<vmem>> -> memref<8x128xf32, #tpu.memory_space<vmem>>
        %dma_wait3A_1595 = arith.constant 0 : i32
        %dma_wait3A_1596 = arith.constant 0 : i32
        %dma_wait3A_1597 = tpu.memref_slice %arg4[%dma_wait3A_1589, %dma_wait3A_1590, %add3A_1587, %dma_wait3A_1595, %dma_wait3A_1596] : memref<100x4x128x8x128xf32, #tpu.memory_space<hbm>> -> memref<1x1x1x8x128xf32, #tpu.memory_space<hbm>>
        %dma_wait3A_1598 = tpu.memref_squeeze %dma_wait3A_1597 : memref<1x1x1x8x128xf32, #tpu.memory_space<hbm>> -> memref<8x128xf32, #tpu.memory_space<hbm>>
        %dma_wait3A_1599 = arith.constant 0 : i32
        %dma_wait3A_1600 = arith.constant 0 : i32
        %dma_wait3A_1601 = tpu.memref_slice %arg4[%dma_wait3A_1589, %dma_wait3A_1590, %add3A_1587, %dma_wait3A_1599, %dma_wait3A_1600] : memref<100x4x128x8x128xf32, #tpu.memory_space<hbm>> -> memref<1x1x1x8x128xf32, #tpu.memory_space<hbm>>
        %dma_wait3A_1602 = tpu.memref_squeeze %dma_wait3A_1601 : memref<1x1x1x8x128xf32, #tpu.memory_space<hbm>> -> memref<8x128xf32, #tpu.memory_space<hbm>>
        %dma_wait3A_1603 = arith.constant 0 : i32
        %dma_wait3A_1604 = arith.constant 128 : i32
        %dma_wait3A_1605 = tpu.memref_slice %arg7[%dma_wait3A_1588, %dma_wait3A_1603, %dma_wait3A_1604] : memref<2x32x513xf32, #tpu.memory_space<vmem>> -> memref<1x8x128xf32, #tpu.memory_space<vmem>>
        %dma_wait3A_1606 = tpu.memref_squeeze %dma_wait3A_1605 : memref<1x8x128xf32, #tpu.memory_space<vmem>> -> memref<8x128xf32, #tpu.memory_space<vmem>>
        tpu.wait_dma2 semaphore(%arg12 : memref<!tpu.dma_semaphore, #tpu.memory_space<semaphore_mem>>) src(%dma_wait3A_1606 : memref<8x128xf32, #tpu.memory_space<vmem>>) dst(%dma_wait3A_1602 : memref<8x128xf32, #tpu.memory_space<hbm>>)
        %mul3A_1607 = arith.constant 4 : i32
        %mul3A_1608 = arith.muli %add3A, %mul3A_1607 : i32
        %add3A_1609 = arith.constant 2 : i32
        %add3A_1610 = arith.addi %mul3A_1608, %add3A_1609 : i32
        %dma_wait3A_1611 = arith.constant 0 : i32
        %dma_wait3A_1612 = arith.constant 0 : i32
        %dma_wait3A_1613 = arith.constant 0 : i32
        %dma_wait3A_1614 = arith.constant 0 : i32
        %dma_wait3A_1615 = arith.constant 256 : i32
        %dma_wait3A_1616 = tpu.memref_slice %arg7[%dma_wait3A_1611, %dma_wait3A_1614, %dma_wait3A_1615] : memref<2x32x513xf32, #tpu.memory_space<vmem>> -> memref<1x8x128xf32, #tpu.memory_space<vmem>>
        %dma_wait3A_1617 = tpu.memref_squeeze %dma_wait3A_1616 : memref<1x8x128xf32, #tpu.memory_space<vmem>> -> memref<8x128xf32, #tpu.memory_space<vmem>>
        %dma_wait3A_1618 = arith.constant 0 : i32
        %dma_wait3A_1619 = arith.constant 0 : i32
        %dma_wait3A_1620 = tpu.memref_slice %arg4[%dma_wait3A_1612, %dma_wait3A_1613, %add3A_1610, %dma_wait3A_1618, %dma_wait3A_1619] : memref<100x4x128x8x128xf32, #tpu.memory_space<hbm>> -> memref<1x1x1x8x128xf32, #tpu.memory_space<hbm>>
        %dma_wait3A_1621 = tpu.memref_squeeze %dma_wait3A_1620 : memref<1x1x1x8x128xf32, #tpu.memory_space<hbm>> -> memref<8x128xf32, #tpu.memory_space<hbm>>
        %dma_wait3A_1622 = arith.constant 0 : i32
        %dma_wait3A_1623 = arith.constant 0 : i32
        %dma_wait3A_1624 = tpu.memref_slice %arg4[%dma_wait3A_1612, %dma_wait3A_1613, %add3A_1610, %dma_wait3A_1622, %dma_wait3A_1623] : memref<100x4x128x8x128xf32, #tpu.memory_space<hbm>> -> memref<1x1x1x8x128xf32, #tpu.memory_space<hbm>>
        %dma_wait3A_1625 = tpu.memref_squeeze %dma_wait3A_1624 : memref<1x1x1x8x128xf32, #tpu.memory_space<hbm>> -> memref<8x128xf32, #tpu.memory_space<hbm>>
        %dma_wait3A_1626 = arith.constant 0 : i32
        %dma_wait3A_1627 = arith.constant 256 : i32
        %dma_wait3A_1628 = tpu.memref_slice %arg7[%dma_wait3A_1611, %dma_wait3A_1626, %dma_wait3A_1627] : memref<2x32x513xf32, #tpu.memory_space<vmem>> -> memref<1x8x128xf32, #tpu.memory_space<vmem>>
        %dma_wait3A_1629 = tpu.memref_squeeze %dma_wait3A_1628 : memref<1x8x128xf32, #tpu.memory_space<vmem>> -> memref<8x128xf32, #tpu.memory_space<vmem>>
        tpu.wait_dma2 semaphore(%arg12 : memref<!tpu.dma_semaphore, #tpu.memory_space<semaphore_mem>>) src(%dma_wait3A_1629 : memref<8x128xf32, #tpu.memory_space<vmem>>) dst(%dma_wait3A_1625 : memref<8x128xf32, #tpu.memory_space<hbm>>)
        %mul3A_1630 = arith.constant 4 : i32
        %mul3A_1631 = arith.muli %add3A, %mul3A_1630 : i32
        %add3A_1632 = arith.constant 3 : i32
        %add3A_1633 = arith.addi %mul3A_1631, %add3A_1632 : i32
        %dma_wait3A_1634 = arith.constant 0 : i32
        %dma_wait3A_1635 = arith.constant 0 : i32
        %dma_wait3A_1636 = arith.constant 0 : i32
        %dma_wait3A_1637 = arith.constant 0 : i32
        %dma_wait3A_1638 = arith.constant 384 : i32
        %dma_wait3A_1639 = tpu.memref_slice %arg7[%dma_wait3A_1634, %dma_wait3A_1637, %dma_wait3A_1638] : memref<2x32x513xf32, #tpu.memory_space<vmem>> -> memref<1x8x128xf32, #tpu.memory_space<vmem>>
        %dma_wait3A_1640 = tpu.memref_squeeze %dma_wait3A_1639 : memref<1x8x128xf32, #tpu.memory_space<vmem>> -> memref<8x128xf32, #tpu.memory_space<vmem>>
        %dma_wait3A_1641 = arith.constant 0 : i32
        %dma_wait3A_1642 = arith.constant 0 : i32
        %dma_wait3A_1643 = tpu.memref_slice %arg4[%dma_wait3A_1635, %dma_wait3A_1636, %add3A_1633, %dma_wait3A_1641, %dma_wait3A_1642] : memref<100x4x128x8x128xf32, #tpu.memory_space<hbm>> -> memref<1x1x1x8x128xf32, #tpu.memory_space<hbm>>
        %dma_wait3A_1644 = tpu.memref_squeeze %dma_wait3A_1643 : memref<1x1x1x8x128xf32, #tpu.memory_space<hbm>> -> memref<8x128xf32, #tpu.memory_space<hbm>>
        %dma_wait3A_1645 = arith.constant 0 : i32
        %dma_wait3A_1646 = arith.constant 0 : i32
        %dma_wait3A_1647 = tpu.memref_slice %arg4[%dma_wait3A_1635, %dma_wait3A_1636, %add3A_1633, %dma_wait3A_1645, %dma_wait3A_1646] : memref<100x4x128x8x128xf32, #tpu.memory_space<hbm>> -> memref<1x1x1x8x128xf32, #tpu.memory_space<hbm>>
        %dma_wait3A_1648 = tpu.memref_squeeze %dma_wait3A_1647 : memref<1x1x1x8x128xf32, #tpu.memory_space<hbm>> -> memref<8x128xf32, #tpu.memory_space<hbm>>
        %dma_wait3A_1649 = arith.constant 0 : i32
        %dma_wait3A_1650 = arith.constant 384 : i32
        %dma_wait3A_1651 = tpu.memref_slice %arg7[%dma_wait3A_1634, %dma_wait3A_1649, %dma_wait3A_1650] : memref<2x32x513xf32, #tpu.memory_space<vmem>> -> memref<1x8x128xf32, #tpu.memory_space<vmem>>
        %dma_wait3A_1652 = tpu.memref_squeeze %dma_wait3A_1651 : memref<1x8x128xf32, #tpu.memory_space<vmem>> -> memref<8x128xf32, #tpu.memory_space<vmem>>
        tpu.wait_dma2 semaphore(%arg12 : memref<!tpu.dma_semaphore, #tpu.memory_space<semaphore_mem>>) src(%dma_wait3A_1652 : memref<8x128xf32, #tpu.memory_space<vmem>>) dst(%dma_wait3A_1648 : memref<8x128xf32, #tpu.memory_space<hbm>>)
        %mul3A_1653 = arith.constant 4 : i32
        %mul3A_1654 = arith.muli %add3A, %mul3A_1653 : i32
        %add3A_1655 = arith.constant 0 : i32
        %add3A_1656 = arith.addi %mul3A_1654, %add3A_1655 : i32
        %dma_wait3A_1657 = arith.constant 0 : i32
        %dma_wait3A_1658 = arith.constant 0 : i32
        %dma_wait3A_1659 = arith.constant 1 : i32
        %dma_wait3A_1660 = arith.constant 8 : i32
        %dma_wait3A_1661 = arith.constant 0 : i32
        %dma_wait3A_1662 = tpu.memref_slice %arg7[%dma_wait3A_1657, %dma_wait3A_1660, %dma_wait3A_1661] : memref<2x32x513xf32, #tpu.memory_space<vmem>> -> memref<1x8x128xf32, #tpu.memory_space<vmem>>
        %dma_wait3A_1663 = tpu.memref_squeeze %dma_wait3A_1662 : memref<1x8x128xf32, #tpu.memory_space<vmem>> -> memref<8x128xf32, #tpu.memory_space<vmem>>
        %dma_wait3A_1664 = arith.constant 0 : i32
        %dma_wait3A_1665 = arith.constant 0 : i32
        %dma_wait3A_1666 = tpu.memref_slice %arg4[%dma_wait3A_1658, %dma_wait3A_1659, %add3A_1656, %dma_wait3A_1664, %dma_wait3A_1665] : memref<100x4x128x8x128xf32, #tpu.memory_space<hbm>> -> memref<1x1x1x8x128xf32, #tpu.memory_space<hbm>>
        %dma_wait3A_1667 = tpu.memref_squeeze %dma_wait3A_1666 : memref<1x1x1x8x128xf32, #tpu.memory_space<hbm>> -> memref<8x128xf32, #tpu.memory_space<hbm>>
        %dma_wait3A_1668 = arith.constant 0 : i32
        %dma_wait3A_1669 = arith.constant 0 : i32
        %dma_wait3A_1670 = tpu.memref_slice %arg4[%dma_wait3A_1658, %dma_wait3A_1659, %add3A_1656, %dma_wait3A_1668, %dma_wait3A_1669] : memref<100x4x128x8x128xf32, #tpu.memory_space<hbm>> -> memref<1x1x1x8x128xf32, #tpu.memory_space<hbm>>
        %dma_wait3A_1671 = tpu.memref_squeeze %dma_wait3A_1670 : memref<1x1x1x8x128xf32, #tpu.memory_space<hbm>> -> memref<8x128xf32, #tpu.memory_space<hbm>>
        %dma_wait3A_1672 = arith.constant 8 : i32
        %dma_wait3A_1673 = arith.constant 0 : i32
        %dma_wait3A_1674 = tpu.memref_slice %arg7[%dma_wait3A_1657, %dma_wait3A_1672, %dma_wait3A_1673] : memref<2x32x513xf32, #tpu.memory_space<vmem>> -> memref<1x8x128xf32, #tpu.memory_space<vmem>>
        %dma_wait3A_1675 = tpu.memref_squeeze %dma_wait3A_1674 : memref<1x8x128xf32, #tpu.memory_space<vmem>> -> memref<8x128xf32, #tpu.memory_space<vmem>>
        tpu.wait_dma2 semaphore(%arg12 : memref<!tpu.dma_semaphore, #tpu.memory_space<semaphore_mem>>) src(%dma_wait3A_1675 : memref<8x128xf32, #tpu.memory_space<vmem>>) dst(%dma_wait3A_1671 : memref<8x128xf32, #tpu.memory_space<hbm>>)
        %mul3A_1676 = arith.constant 4 : i32
        %mul3A_1677 = arith.muli %add3A, %mul3A_1676 : i32
        %add3A_1678 = arith.constant 1 : i32
        %add3A_1679 = arith.addi %mul3A_1677, %add3A_1678 : i32
        %dma_wait3A_1680 = arith.constant 0 : i32
        %dma_wait3A_1681 = arith.constant 0 : i32
        %dma_wait3A_1682 = arith.constant 1 : i32
        %dma_wait3A_1683 = arith.constant 8 : i32
        %dma_wait3A_1684 = arith.constant 128 : i32
        %dma_wait3A_1685 = tpu.memref_slice %arg7[%dma_wait3A_1680, %dma_wait3A_1683, %dma_wait3A_1684] : memref<2x32x513xf32, #tpu.memory_space<vmem>> -> memref<1x8x128xf32, #tpu.memory_space<vmem>>
        %dma_wait3A_1686 = tpu.memref_squeeze %dma_wait3A_1685 : memref<1x8x128xf32, #tpu.memory_space<vmem>> -> memref<8x128xf32, #tpu.memory_space<vmem>>
        %dma_wait3A_1687 = arith.constant 0 : i32
        %dma_wait3A_1688 = arith.constant 0 : i32
        %dma_wait3A_1689 = tpu.memref_slice %arg4[%dma_wait3A_1681, %dma_wait3A_1682, %add3A_1679, %dma_wait3A_1687, %dma_wait3A_1688] : memref<100x4x128x8x128xf32, #tpu.memory_space<hbm>> -> memref<1x1x1x8x128xf32, #tpu.memory_space<hbm>>
        %dma_wait3A_1690 = tpu.memref_squeeze %dma_wait3A_1689 : memref<1x1x1x8x128xf32, #tpu.memory_space<hbm>> -> memref<8x128xf32, #tpu.memory_space<hbm>>
        %dma_wait3A_1691 = arith.constant 0 : i32
        %dma_wait3A_1692 = arith.constant 0 : i32
        %dma_wait3A_1693 = tpu.memref_slice %arg4[%dma_wait3A_1681, %dma_wait3A_1682, %add3A_1679, %dma_wait3A_1691, %dma_wait3A_1692] : memref<100x4x128x8x128xf32, #tpu.memory_space<hbm>> -> memref<1x1x1x8x128xf32, #tpu.memory_space<hbm>>
        %dma_wait3A_1694 = tpu.memref_squeeze %dma_wait3A_1693 : memref<1x1x1x8x128xf32, #tpu.memory_space<hbm>> -> memref<8x128xf32, #tpu.memory_space<hbm>>
        %dma_wait3A_1695 = arith.constant 8 : i32
        %dma_wait3A_1696 = arith.constant 128 : i32
        %dma_wait3A_1697 = tpu.memref_slice %arg7[%dma_wait3A_1680, %dma_wait3A_1695, %dma_wait3A_1696] : memref<2x32x513xf32, #tpu.memory_space<vmem>> -> memref<1x8x128xf32, #tpu.memory_space<vmem>>
        %dma_wait3A_1698 = tpu.memref_squeeze %dma_wait3A_1697 : memref<1x8x128xf32, #tpu.memory_space<vmem>> -> memref<8x128xf32, #tpu.memory_space<vmem>>
        tpu.wait_dma2 semaphore(%arg12 : memref<!tpu.dma_semaphore, #tpu.memory_space<semaphore_mem>>) src(%dma_wait3A_1698 : memref<8x128xf32, #tpu.memory_space<vmem>>) dst(%dma_wait3A_1694 : memref<8x128xf32, #tpu.memory_space<hbm>>)
        %mul3A_1699 = arith.constant 4 : i32
        %mul3A_1700 = arith.muli %add3A, %mul3A_1699 : i32
        %add3A_1701 = arith.constant 2 : i32
        %add3A_1702 = arith.addi %mul3A_1700, %add3A_1701 : i32
        %dma_wait3A_1703 = arith.constant 0 : i32
        %dma_wait3A_1704 = arith.constant 0 : i32
        %dma_wait3A_1705 = arith.constant 1 : i32
        %dma_wait3A_1706 = arith.constant 8 : i32
        %dma_wait3A_1707 = arith.constant 256 : i32
        %dma_wait3A_1708 = tpu.memref_slice %arg7[%dma_wait3A_1703, %dma_wait3A_1706, %dma_wait3A_1707] : memref<2x32x513xf32, #tpu.memory_space<vmem>> -> memref<1x8x128xf32, #tpu.memory_space<vmem>>
        %dma_wait3A_1709 = tpu.memref_squeeze %dma_wait3A_1708 : memref<1x8x128xf32, #tpu.memory_space<vmem>> -> memref<8x128xf32, #tpu.memory_space<vmem>>
        %dma_wait3A_1710 = arith.constant 0 : i32
        %dma_wait3A_1711 = arith.constant 0 : i32
        %dma_wait3A_1712 = tpu.memref_slice %arg4[%dma_wait3A_1704, %dma_wait3A_1705, %add3A_1702, %dma_wait3A_1710, %dma_wait3A_1711] : memref<100x4x128x8x128xf32, #tpu.memory_space<hbm>> -> memref<1x1x1x8x128xf32, #tpu.memory_space<hbm>>
        %dma_wait3A_1713 = tpu.memref_squeeze %dma_wait3A_1712 : memref<1x1x1x8x128xf32, #tpu.memory_space<hbm>> -> memref<8x128xf32, #tpu.memory_space<hbm>>
        %dma_wait3A_1714 = arith.constant 0 : i32
        %dma_wait3A_1715 = arith.constant 0 : i32
        %dma_wait3A_1716 = tpu.memref_slice %arg4[%dma_wait3A_1704, %dma_wait3A_1705, %add3A_1702, %dma_wait3A_1714, %dma_wait3A_1715] : memref<100x4x128x8x128xf32, #tpu.memory_space<hbm>> -> memref<1x1x1x8x128xf32, #tpu.memory_space<hbm>>
        %dma_wait3A_1717 = tpu.memref_squeeze %dma_wait3A_1716 : memref<1x1x1x8x128xf32, #tpu.memory_space<hbm>> -> memref<8x128xf32, #tpu.memory_space<hbm>>
        %dma_wait3A_1718 = arith.constant 8 : i32
        %dma_wait3A_1719 = arith.constant 256 : i32
        %dma_wait3A_1720 = tpu.memref_slice %arg7[%dma_wait3A_1703, %dma_wait3A_1718, %dma_wait3A_1719] : memref<2x32x513xf32, #tpu.memory_space<vmem>> -> memref<1x8x128xf32, #tpu.memory_space<vmem>>
        %dma_wait3A_1721 = tpu.memref_squeeze %dma_wait3A_1720 : memref<1x8x128xf32, #tpu.memory_space<vmem>> -> memref<8x128xf32, #tpu.memory_space<vmem>>
        tpu.wait_dma2 semaphore(%arg12 : memref<!tpu.dma_semaphore, #tpu.memory_space<semaphore_mem>>) src(%dma_wait3A_1721 : memref<8x128xf32, #tpu.memory_space<vmem>>) dst(%dma_wait3A_1717 : memref<8x128xf32, #tpu.memory_space<hbm>>)
        %mul3A_1722 = arith.constant 4 : i32
        %mul3A_1723 = arith.muli %add3A, %mul3A_1722 : i32
        %add3A_1724 = arith.constant 3 : i32
        %add3A_1725 = arith.addi %mul3A_1723, %add3A_1724 : i32
        %dma_wait3A_1726 = arith.constant 0 : i32
        %dma_wait3A_1727 = arith.constant 0 : i32
        %dma_wait3A_1728 = arith.constant 1 : i32
        %dma_wait3A_1729 = arith.constant 8 : i32
        %dma_wait3A_1730 = arith.constant 384 : i32
        %dma_wait3A_1731 = tpu.memref_slice %arg7[%dma_wait3A_1726, %dma_wait3A_1729, %dma_wait3A_1730] : memref<2x32x513xf32, #tpu.memory_space<vmem>> -> memref<1x8x128xf32, #tpu.memory_space<vmem>>
        %dma_wait3A_1732 = tpu.memref_squeeze %dma_wait3A_1731 : memref<1x8x128xf32, #tpu.memory_space<vmem>> -> memref<8x128xf32, #tpu.memory_space<vmem>>
        %dma_wait3A_1733 = arith.constant 0 : i32
        %dma_wait3A_1734 = arith.constant 0 : i32
        %dma_wait3A_1735 = tpu.memref_slice %arg4[%dma_wait3A_1727, %dma_wait3A_1728, %add3A_1725, %dma_wait3A_1733, %dma_wait3A_1734] : memref<100x4x128x8x128xf32, #tpu.memory_space<hbm>> -> memref<1x1x1x8x128xf32, #tpu.memory_space<hbm>>
        %dma_wait3A_1736 = tpu.memref_squeeze %dma_wait3A_1735 : memref<1x1x1x8x128xf32, #tpu.memory_space<hbm>> -> memref<8x128xf32, #tpu.memory_space<hbm>>
        %dma_wait3A_1737 = arith.constant 0 : i32
        %dma_wait3A_1738 = arith.constant 0 : i32
        %dma_wait3A_1739 = tpu.memref_slice %arg4[%dma_wait3A_1727, %dma_wait3A_1728, %add3A_1725, %dma_wait3A_1737, %dma_wait3A_1738] : memref<100x4x128x8x128xf32, #tpu.memory_space<hbm>> -> memref<1x1x1x8x128xf32, #tpu.memory_space<hbm>>
        %dma_wait3A_1740 = tpu.memref_squeeze %dma_wait3A_1739 : memref<1x1x1x8x128xf32, #tpu.memory_space<hbm>> -> memref<8x128xf32, #tpu.memory_space<hbm>>
        %dma_wait3A_1741 = arith.constant 8 : i32
        %dma_wait3A_1742 = arith.constant 384 : i32
        %dma_wait3A_1743 = tpu.memref_slice %arg7[%dma_wait3A_1726, %dma_wait3A_1741, %dma_wait3A_1742] : memref<2x32x513xf32, #tpu.memory_space<vmem>> -> memref<1x8x128xf32, #tpu.memory_space<vmem>>
        %dma_wait3A_1744 = tpu.memref_squeeze %dma_wait3A_1743 : memref<1x8x128xf32, #tpu.memory_space<vmem>> -> memref<8x128xf32, #tpu.memory_space<vmem>>
        tpu.wait_dma2 semaphore(%arg12 : memref<!tpu.dma_semaphore, #tpu.memory_space<semaphore_mem>>) src(%dma_wait3A_1744 : memref<8x128xf32, #tpu.memory_space<vmem>>) dst(%dma_wait3A_1740 : memref<8x128xf32, #tpu.memory_space<hbm>>)
        %mul3A_1745 = arith.constant 4 : i32
        %mul3A_1746 = arith.muli %add3A, %mul3A_1745 : i32
        %add3A_1747 = arith.constant 0 : i32
        %add3A_1748 = arith.addi %mul3A_1746, %add3A_1747 : i32
        %dma_wait3A_1749 = arith.constant 0 : i32
        %dma_wait3A_1750 = arith.constant 0 : i32
        %dma_wait3A_1751 = arith.constant 2 : i32
        %dma_wait3A_1752 = arith.constant 16 : i32
        %dma_wait3A_1753 = arith.constant 0 : i32
        %dma_wait3A_1754 = tpu.memref_slice %arg7[%dma_wait3A_1749, %dma_wait3A_1752, %dma_wait3A_1753] : memref<2x32x513xf32, #tpu.memory_space<vmem>> -> memref<1x8x128xf32, #tpu.memory_space<vmem>>
        %dma_wait3A_1755 = tpu.memref_squeeze %dma_wait3A_1754 : memref<1x8x128xf32, #tpu.memory_space<vmem>> -> memref<8x128xf32, #tpu.memory_space<vmem>>
        %dma_wait3A_1756 = arith.constant 0 : i32
        %dma_wait3A_1757 = arith.constant 0 : i32
        %dma_wait3A_1758 = tpu.memref_slice %arg4[%dma_wait3A_1750, %dma_wait3A_1751, %add3A_1748, %dma_wait3A_1756, %dma_wait3A_1757] : memref<100x4x128x8x128xf32, #tpu.memory_space<hbm>> -> memref<1x1x1x8x128xf32, #tpu.memory_space<hbm>>
        %dma_wait3A_1759 = tpu.memref_squeeze %dma_wait3A_1758 : memref<1x1x1x8x128xf32, #tpu.memory_space<hbm>> -> memref<8x128xf32, #tpu.memory_space<hbm>>
        %dma_wait3A_1760 = arith.constant 0 : i32
        %dma_wait3A_1761 = arith.constant 0 : i32
        %dma_wait3A_1762 = tpu.memref_slice %arg4[%dma_wait3A_1750, %dma_wait3A_1751, %add3A_1748, %dma_wait3A_1760, %dma_wait3A_1761] : memref<100x4x128x8x128xf32, #tpu.memory_space<hbm>> -> memref<1x1x1x8x128xf32, #tpu.memory_space<hbm>>
        %dma_wait3A_1763 = tpu.memref_squeeze %dma_wait3A_1762 : memref<1x1x1x8x128xf32, #tpu.memory_space<hbm>> -> memref<8x128xf32, #tpu.memory_space<hbm>>
        %dma_wait3A_1764 = arith.constant 16 : i32
        %dma_wait3A_1765 = arith.constant 0 : i32
        %dma_wait3A_1766 = tpu.memref_slice %arg7[%dma_wait3A_1749, %dma_wait3A_1764, %dma_wait3A_1765] : memref<2x32x513xf32, #tpu.memory_space<vmem>> -> memref<1x8x128xf32, #tpu.memory_space<vmem>>
        %dma_wait3A_1767 = tpu.memref_squeeze %dma_wait3A_1766 : memref<1x8x128xf32, #tpu.memory_space<vmem>> -> memref<8x128xf32, #tpu.memory_space<vmem>>
        tpu.wait_dma2 semaphore(%arg12 : memref<!tpu.dma_semaphore, #tpu.memory_space<semaphore_mem>>) src(%dma_wait3A_1767 : memref<8x128xf32, #tpu.memory_space<vmem>>) dst(%dma_wait3A_1763 : memref<8x128xf32, #tpu.memory_space<hbm>>)
        %mul3A_1768 = arith.constant 4 : i32
        %mul3A_1769 = arith.muli %add3A, %mul3A_1768 : i32
        %add3A_1770 = arith.constant 1 : i32
        %add3A_1771 = arith.addi %mul3A_1769, %add3A_1770 : i32
        %dma_wait3A_1772 = arith.constant 0 : i32
        %dma_wait3A_1773 = arith.constant 0 : i32
        %dma_wait3A_1774 = arith.constant 2 : i32
        %dma_wait3A_1775 = arith.constant 16 : i32
        %dma_wait3A_1776 = arith.constant 128 : i32
        %dma_wait3A_1777 = tpu.memref_slice %arg7[%dma_wait3A_1772, %dma_wait3A_1775, %dma_wait3A_1776] : memref<2x32x513xf32, #tpu.memory_space<vmem>> -> memref<1x8x128xf32, #tpu.memory_space<vmem>>
        %dma_wait3A_1778 = tpu.memref_squeeze %dma_wait3A_1777 : memref<1x8x128xf32, #tpu.memory_space<vmem>> -> memref<8x128xf32, #tpu.memory_space<vmem>>
        %dma_wait3A_1779 = arith.constant 0 : i32
        %dma_wait3A_1780 = arith.constant 0 : i32
        %dma_wait3A_1781 = tpu.memref_slice %arg4[%dma_wait3A_1773, %dma_wait3A_1774, %add3A_1771, %dma_wait3A_1779, %dma_wait3A_1780] : memref<100x4x128x8x128xf32, #tpu.memory_space<hbm>> -> memref<1x1x1x8x128xf32, #tpu.memory_space<hbm>>
        %dma_wait3A_1782 = tpu.memref_squeeze %dma_wait3A_1781 : memref<1x1x1x8x128xf32, #tpu.memory_space<hbm>> -> memref<8x128xf32, #tpu.memory_space<hbm>>
        %dma_wait3A_1783 = arith.constant 0 : i32
        %dma_wait3A_1784 = arith.constant 0 : i32
        %dma_wait3A_1785 = tpu.memref_slice %arg4[%dma_wait3A_1773, %dma_wait3A_1774, %add3A_1771, %dma_wait3A_1783, %dma_wait3A_1784] : memref<100x4x128x8x128xf32, #tpu.memory_space<hbm>> -> memref<1x1x1x8x128xf32, #tpu.memory_space<hbm>>
        %dma_wait3A_1786 = tpu.memref_squeeze %dma_wait3A_1785 : memref<1x1x1x8x128xf32, #tpu.memory_space<hbm>> -> memref<8x128xf32, #tpu.memory_space<hbm>>
        %dma_wait3A_1787 = arith.constant 16 : i32
        %dma_wait3A_1788 = arith.constant 128 : i32
        %dma_wait3A_1789 = tpu.memref_slice %arg7[%dma_wait3A_1772, %dma_wait3A_1787, %dma_wait3A_1788] : memref<2x32x513xf32, #tpu.memory_space<vmem>> -> memref<1x8x128xf32, #tpu.memory_space<vmem>>
        %dma_wait3A_1790 = tpu.memref_squeeze %dma_wait3A_1789 : memref<1x8x128xf32, #tpu.memory_space<vmem>> -> memref<8x128xf32, #tpu.memory_space<vmem>>
        tpu.wait_dma2 semaphore(%arg12 : memref<!tpu.dma_semaphore, #tpu.memory_space<semaphore_mem>>) src(%dma_wait3A_1790 : memref<8x128xf32, #tpu.memory_space<vmem>>) dst(%dma_wait3A_1786 : memref<8x128xf32, #tpu.memory_space<hbm>>)
        %mul3A_1791 = arith.constant 4 : i32
        %mul3A_1792 = arith.muli %add3A, %mul3A_1791 : i32
        %add3A_1793 = arith.constant 2 : i32
        %add3A_1794 = arith.addi %mul3A_1792, %add3A_1793 : i32
        %dma_wait3A_1795 = arith.constant 0 : i32
        %dma_wait3A_1796 = arith.constant 0 : i32
        %dma_wait3A_1797 = arith.constant 2 : i32
        %dma_wait3A_1798 = arith.constant 16 : i32
        %dma_wait3A_1799 = arith.constant 256 : i32
        %dma_wait3A_1800 = tpu.memref_slice %arg7[%dma_wait3A_1795, %dma_wait3A_1798, %dma_wait3A_1799] : memref<2x32x513xf32, #tpu.memory_space<vmem>> -> memref<1x8x128xf32, #tpu.memory_space<vmem>>
        %dma_wait3A_1801 = tpu.memref_squeeze %dma_wait3A_1800 : memref<1x8x128xf32, #tpu.memory_space<vmem>> -> memref<8x128xf32, #tpu.memory_space<vmem>>
        %dma_wait3A_1802 = arith.constant 0 : i32
        %dma_wait3A_1803 = arith.constant 0 : i32
        %dma_wait3A_1804 = tpu.memref_slice %arg4[%dma_wait3A_1796, %dma_wait3A_1797, %add3A_1794, %dma_wait3A_1802, %dma_wait3A_1803] : memref<100x4x128x8x128xf32, #tpu.memory_space<hbm>> -> memref<1x1x1x8x128xf32, #tpu.memory_space<hbm>>
        %dma_wait3A_1805 = tpu.memref_squeeze %dma_wait3A_1804 : memref<1x1x1x8x128xf32, #tpu.memory_space<hbm>> -> memref<8x128xf32, #tpu.memory_space<hbm>>
        %dma_wait3A_1806 = arith.constant 0 : i32
        %dma_wait3A_1807 = arith.constant 0 : i32
        %dma_wait3A_1808 = tpu.memref_slice %arg4[%dma_wait3A_1796, %dma_wait3A_1797, %add3A_1794, %dma_wait3A_1806, %dma_wait3A_1807] : memref<100x4x128x8x128xf32, #tpu.memory_space<hbm>> -> memref<1x1x1x8x128xf32, #tpu.memory_space<hbm>>
        %dma_wait3A_1809 = tpu.memref_squeeze %dma_wait3A_1808 : memref<1x1x1x8x128xf32, #tpu.memory_space<hbm>> -> memref<8x128xf32, #tpu.memory_space<hbm>>
        %dma_wait3A_1810 = arith.constant 16 : i32
        %dma_wait3A_1811 = arith.constant 256 : i32
        %dma_wait3A_1812 = tpu.memref_slice %arg7[%dma_wait3A_1795, %dma_wait3A_1810, %dma_wait3A_1811] : memref<2x32x513xf32, #tpu.memory_space<vmem>> -> memref<1x8x128xf32, #tpu.memory_space<vmem>>
        %dma_wait3A_1813 = tpu.memref_squeeze %dma_wait3A_1812 : memref<1x8x128xf32, #tpu.memory_space<vmem>> -> memref<8x128xf32, #tpu.memory_space<vmem>>
        tpu.wait_dma2 semaphore(%arg12 : memref<!tpu.dma_semaphore, #tpu.memory_space<semaphore_mem>>) src(%dma_wait3A_1813 : memref<8x128xf32, #tpu.memory_space<vmem>>) dst(%dma_wait3A_1809 : memref<8x128xf32, #tpu.memory_space<hbm>>)
        %mul3A_1814 = arith.constant 4 : i32
        %mul3A_1815 = arith.muli %add3A, %mul3A_1814 : i32
        %add3A_1816 = arith.constant 3 : i32
        %add3A_1817 = arith.addi %mul3A_1815, %add3A_1816 : i32
        %dma_wait3A_1818 = arith.constant 0 : i32
        %dma_wait3A_1819 = arith.constant 0 : i32
        %dma_wait3A_1820 = arith.constant 2 : i32
        %dma_wait3A_1821 = arith.constant 16 : i32
        %dma_wait3A_1822 = arith.constant 384 : i32
        %dma_wait3A_1823 = tpu.memref_slice %arg7[%dma_wait3A_1818, %dma_wait3A_1821, %dma_wait3A_1822] : memref<2x32x513xf32, #tpu.memory_space<vmem>> -> memref<1x8x128xf32, #tpu.memory_space<vmem>>
        %dma_wait3A_1824 = tpu.memref_squeeze %dma_wait3A_1823 : memref<1x8x128xf32, #tpu.memory_space<vmem>> -> memref<8x128xf32, #tpu.memory_space<vmem>>
        %dma_wait3A_1825 = arith.constant 0 : i32
        %dma_wait3A_1826 = arith.constant 0 : i32
        %dma_wait3A_1827 = tpu.memref_slice %arg4[%dma_wait3A_1819, %dma_wait3A_1820, %add3A_1817, %dma_wait3A_1825, %dma_wait3A_1826] : memref<100x4x128x8x128xf32, #tpu.memory_space<hbm>> -> memref<1x1x1x8x128xf32, #tpu.memory_space<hbm>>
        %dma_wait3A_1828 = tpu.memref_squeeze %dma_wait3A_1827 : memref<1x1x1x8x128xf32, #tpu.memory_space<hbm>> -> memref<8x128xf32, #tpu.memory_space<hbm>>
        %dma_wait3A_1829 = arith.constant 0 : i32
        %dma_wait3A_1830 = arith.constant 0 : i32
        %dma_wait3A_1831 = tpu.memref_slice %arg4[%dma_wait3A_1819, %dma_wait3A_1820, %add3A_1817, %dma_wait3A_1829, %dma_wait3A_1830] : memref<100x4x128x8x128xf32, #tpu.memory_space<hbm>> -> memref<1x1x1x8x128xf32, #tpu.memory_space<hbm>>
        %dma_wait3A_1832 = tpu.memref_squeeze %dma_wait3A_1831 : memref<1x1x1x8x128xf32, #tpu.memory_space<hbm>> -> memref<8x128xf32, #tpu.memory_space<hbm>>
        %dma_wait3A_1833 = arith.constant 16 : i32
        %dma_wait3A_1834 = arith.constant 384 : i32
        %dma_wait3A_1835 = tpu.memref_slice %arg7[%dma_wait3A_1818, %dma_wait3A_1833, %dma_wait3A_1834] : memref<2x32x513xf32, #tpu.memory_space<vmem>> -> memref<1x8x128xf32, #tpu.memory_space<vmem>>
        %dma_wait3A_1836 = tpu.memref_squeeze %dma_wait3A_1835 : memref<1x8x128xf32, #tpu.memory_space<vmem>> -> memref<8x128xf32, #tpu.memory_space<vmem>>
        tpu.wait_dma2 semaphore(%arg12 : memref<!tpu.dma_semaphore, #tpu.memory_space<semaphore_mem>>) src(%dma_wait3A_1836 : memref<8x128xf32, #tpu.memory_space<vmem>>) dst(%dma_wait3A_1832 : memref<8x128xf32, #tpu.memory_space<hbm>>)
        %mul3A_1837 = arith.constant 4 : i32
        %mul3A_1838 = arith.muli %add3A, %mul3A_1837 : i32
        %add3A_1839 = arith.constant 0 : i32
        %add3A_1840 = arith.addi %mul3A_1838, %add3A_1839 : i32
        %dma_wait3A_1841 = arith.constant 0 : i32
        %dma_wait3A_1842 = arith.constant 0 : i32
        %dma_wait3A_1843 = arith.constant 3 : i32
        %dma_wait3A_1844 = arith.constant 24 : i32
        %dma_wait3A_1845 = arith.constant 0 : i32
        %dma_wait3A_1846 = tpu.memref_slice %arg7[%dma_wait3A_1841, %dma_wait3A_1844, %dma_wait3A_1845] : memref<2x32x513xf32, #tpu.memory_space<vmem>> -> memref<1x8x128xf32, #tpu.memory_space<vmem>>
        %dma_wait3A_1847 = tpu.memref_squeeze %dma_wait3A_1846 : memref<1x8x128xf32, #tpu.memory_space<vmem>> -> memref<8x128xf32, #tpu.memory_space<vmem>>
        %dma_wait3A_1848 = arith.constant 0 : i32
        %dma_wait3A_1849 = arith.constant 0 : i32
        %dma_wait3A_1850 = tpu.memref_slice %arg4[%dma_wait3A_1842, %dma_wait3A_1843, %add3A_1840, %dma_wait3A_1848, %dma_wait3A_1849] : memref<100x4x128x8x128xf32, #tpu.memory_space<hbm>> -> memref<1x1x1x8x128xf32, #tpu.memory_space<hbm>>
        %dma_wait3A_1851 = tpu.memref_squeeze %dma_wait3A_1850 : memref<1x1x1x8x128xf32, #tpu.memory_space<hbm>> -> memref<8x128xf32, #tpu.memory_space<hbm>>
        %dma_wait3A_1852 = arith.constant 0 : i32
        %dma_wait3A_1853 = arith.constant 0 : i32
        %dma_wait3A_1854 = tpu.memref_slice %arg4[%dma_wait3A_1842, %dma_wait3A_1843, %add3A_1840, %dma_wait3A_1852, %dma_wait3A_1853] : memref<100x4x128x8x128xf32, #tpu.memory_space<hbm>> -> memref<1x1x1x8x128xf32, #tpu.memory_space<hbm>>
        %dma_wait3A_1855 = tpu.memref_squeeze %dma_wait3A_1854 : memref<1x1x1x8x128xf32, #tpu.memory_space<hbm>> -> memref<8x128xf32, #tpu.memory_space<hbm>>
        %dma_wait3A_1856 = arith.constant 24 : i32
        %dma_wait3A_1857 = arith.constant 0 : i32
        %dma_wait3A_1858 = tpu.memref_slice %arg7[%dma_wait3A_1841, %dma_wait3A_1856, %dma_wait3A_1857] : memref<2x32x513xf32, #tpu.memory_space<vmem>> -> memref<1x8x128xf32, #tpu.memory_space<vmem>>
        %dma_wait3A_1859 = tpu.memref_squeeze %dma_wait3A_1858 : memref<1x8x128xf32, #tpu.memory_space<vmem>> -> memref<8x128xf32, #tpu.memory_space<vmem>>
        tpu.wait_dma2 semaphore(%arg12 : memref<!tpu.dma_semaphore, #tpu.memory_space<semaphore_mem>>) src(%dma_wait3A_1859 : memref<8x128xf32, #tpu.memory_space<vmem>>) dst(%dma_wait3A_1855 : memref<8x128xf32, #tpu.memory_space<hbm>>)
        %mul3A_1860 = arith.constant 4 : i32
        %mul3A_1861 = arith.muli %add3A, %mul3A_1860 : i32
        %add3A_1862 = arith.constant 1 : i32
        %add3A_1863 = arith.addi %mul3A_1861, %add3A_1862 : i32
        %dma_wait3A_1864 = arith.constant 0 : i32
        %dma_wait3A_1865 = arith.constant 0 : i32
        %dma_wait3A_1866 = arith.constant 3 : i32
        %dma_wait3A_1867 = arith.constant 24 : i32
        %dma_wait3A_1868 = arith.constant 128 : i32
        %dma_wait3A_1869 = tpu.memref_slice %arg7[%dma_wait3A_1864, %dma_wait3A_1867, %dma_wait3A_1868] : memref<2x32x513xf32, #tpu.memory_space<vmem>> -> memref<1x8x128xf32, #tpu.memory_space<vmem>>
        %dma_wait3A_1870 = tpu.memref_squeeze %dma_wait3A_1869 : memref<1x8x128xf32, #tpu.memory_space<vmem>> -> memref<8x128xf32, #tpu.memory_space<vmem>>
        %dma_wait3A_1871 = arith.constant 0 : i32
        %dma_wait3A_1872 = arith.constant 0 : i32
        %dma_wait3A_1873 = tpu.memref_slice %arg4[%dma_wait3A_1865, %dma_wait3A_1866, %add3A_1863, %dma_wait3A_1871, %dma_wait3A_1872] : memref<100x4x128x8x128xf32, #tpu.memory_space<hbm>> -> memref<1x1x1x8x128xf32, #tpu.memory_space<hbm>>
        %dma_wait3A_1874 = tpu.memref_squeeze %dma_wait3A_1873 : memref<1x1x1x8x128xf32, #tpu.memory_space<hbm>> -> memref<8x128xf32, #tpu.memory_space<hbm>>
        %dma_wait3A_1875 = arith.constant 0 : i32
        %dma_wait3A_1876 = arith.constant 0 : i32
        %dma_wait3A_1877 = tpu.memref_slice %arg4[%dma_wait3A_1865, %dma_wait3A_1866, %add3A_1863, %dma_wait3A_1875, %dma_wait3A_1876] : memref<100x4x128x8x128xf32, #tpu.memory_space<hbm>> -> memref<1x1x1x8x128xf32, #tpu.memory_space<hbm>>
        %dma_wait3A_1878 = tpu.memref_squeeze %dma_wait3A_1877 : memref<1x1x1x8x128xf32, #tpu.memory_space<hbm>> -> memref<8x128xf32, #tpu.memory_space<hbm>>
        %dma_wait3A_1879 = arith.constant 24 : i32
        %dma_wait3A_1880 = arith.constant 128 : i32
        %dma_wait3A_1881 = tpu.memref_slice %arg7[%dma_wait3A_1864, %dma_wait3A_1879, %dma_wait3A_1880] : memref<2x32x513xf32, #tpu.memory_space<vmem>> -> memref<1x8x128xf32, #tpu.memory_space<vmem>>
        %dma_wait3A_1882 = tpu.memref_squeeze %dma_wait3A_1881 : memref<1x8x128xf32, #tpu.memory_space<vmem>> -> memref<8x128xf32, #tpu.memory_space<vmem>>
        tpu.wait_dma2 semaphore(%arg12 : memref<!tpu.dma_semaphore, #tpu.memory_space<semaphore_mem>>) src(%dma_wait3A_1882 : memref<8x128xf32, #tpu.memory_space<vmem>>) dst(%dma_wait3A_1878 : memref<8x128xf32, #tpu.memory_space<hbm>>)
        %mul3A_1883 = arith.constant 4 : i32
        %mul3A_1884 = arith.muli %add3A, %mul3A_1883 : i32
        %add3A_1885 = arith.constant 2 : i32
        %add3A_1886 = arith.addi %mul3A_1884, %add3A_1885 : i32
        %dma_wait3A_1887 = arith.constant 0 : i32
        %dma_wait3A_1888 = arith.constant 0 : i32
        %dma_wait3A_1889 = arith.constant 3 : i32
        %dma_wait3A_1890 = arith.constant 24 : i32
        %dma_wait3A_1891 = arith.constant 256 : i32
        %dma_wait3A_1892 = tpu.memref_slice %arg7[%dma_wait3A_1887, %dma_wait3A_1890, %dma_wait3A_1891] : memref<2x32x513xf32, #tpu.memory_space<vmem>> -> memref<1x8x128xf32, #tpu.memory_space<vmem>>
        %dma_wait3A_1893 = tpu.memref_squeeze %dma_wait3A_1892 : memref<1x8x128xf32, #tpu.memory_space<vmem>> -> memref<8x128xf32, #tpu.memory_space<vmem>>
        %dma_wait3A_1894 = arith.constant 0 : i32
        %dma_wait3A_1895 = arith.constant 0 : i32
        %dma_wait3A_1896 = tpu.memref_slice %arg4[%dma_wait3A_1888, %dma_wait3A_1889, %add3A_1886, %dma_wait3A_1894, %dma_wait3A_1895] : memref<100x4x128x8x128xf32, #tpu.memory_space<hbm>> -> memref<1x1x1x8x128xf32, #tpu.memory_space<hbm>>
        %dma_wait3A_1897 = tpu.memref_squeeze %dma_wait3A_1896 : memref<1x1x1x8x128xf32, #tpu.memory_space<hbm>> -> memref<8x128xf32, #tpu.memory_space<hbm>>
        %dma_wait3A_1898 = arith.constant 0 : i32
        %dma_wait3A_1899 = arith.constant 0 : i32
        %dma_wait3A_1900 = tpu.memref_slice %arg4[%dma_wait3A_1888, %dma_wait3A_1889, %add3A_1886, %dma_wait3A_1898, %dma_wait3A_1899] : memref<100x4x128x8x128xf32, #tpu.memory_space<hbm>> -> memref<1x1x1x8x128xf32, #tpu.memory_space<hbm>>
        %dma_wait3A_1901 = tpu.memref_squeeze %dma_wait3A_1900 : memref<1x1x1x8x128xf32, #tpu.memory_space<hbm>> -> memref<8x128xf32, #tpu.memory_space<hbm>>
        %dma_wait3A_1902 = arith.constant 24 : i32
        %dma_wait3A_1903 = arith.constant 256 : i32
        %dma_wait3A_1904 = tpu.memref_slice %arg7[%dma_wait3A_1887, %dma_wait3A_1902, %dma_wait3A_1903] : memref<2x32x513xf32, #tpu.memory_space<vmem>> -> memref<1x8x128xf32, #tpu.memory_space<vmem>>
        %dma_wait3A_1905 = tpu.memref_squeeze %dma_wait3A_1904 : memref<1x8x128xf32, #tpu.memory_space<vmem>> -> memref<8x128xf32, #tpu.memory_space<vmem>>
        tpu.wait_dma2 semaphore(%arg12 : memref<!tpu.dma_semaphore, #tpu.memory_space<semaphore_mem>>) src(%dma_wait3A_1905 : memref<8x128xf32, #tpu.memory_space<vmem>>) dst(%dma_wait3A_1901 : memref<8x128xf32, #tpu.memory_space<hbm>>)
        %mul3A_1906 = arith.constant 4 : i32
        %mul3A_1907 = arith.muli %add3A, %mul3A_1906 : i32
        %add3A_1908 = arith.constant 3 : i32
        %add3A_1909 = arith.addi %mul3A_1907, %add3A_1908 : i32
        %dma_wait3A_1910 = arith.constant 0 : i32
        %dma_wait3A_1911 = arith.constant 0 : i32
        %dma_wait3A_1912 = arith.constant 3 : i32
        %dma_wait3A_1913 = arith.constant 24 : i32
        %dma_wait3A_1914 = arith.constant 384 : i32
        %dma_wait3A_1915 = tpu.memref_slice %arg7[%dma_wait3A_1910, %dma_wait3A_1913, %dma_wait3A_1914] : memref<2x32x513xf32, #tpu.memory_space<vmem>> -> memref<1x8x128xf32, #tpu.memory_space<vmem>>
        %dma_wait3A_1916 = tpu.memref_squeeze %dma_wait3A_1915 : memref<1x8x128xf32, #tpu.memory_space<vmem>> -> memref<8x128xf32, #tpu.memory_space<vmem>>
        %dma_wait3A_1917 = arith.constant 0 : i32
        %dma_wait3A_1918 = arith.constant 0 : i32
        %dma_wait3A_1919 = tpu.memref_slice %arg4[%dma_wait3A_1911, %dma_wait3A_1912, %add3A_1909, %dma_wait3A_1917, %dma_wait3A_1918] : memref<100x4x128x8x128xf32, #tpu.memory_space<hbm>> -> memref<1x1x1x8x128xf32, #tpu.memory_space<hbm>>
        %dma_wait3A_1920 = tpu.memref_squeeze %dma_wait3A_1919 : memref<1x1x1x8x128xf32, #tpu.memory_space<hbm>> -> memref<8x128xf32, #tpu.memory_space<hbm>>
        %dma_wait3A_1921 = arith.constant 0 : i32
        %dma_wait3A_1922 = arith.constant 0 : i32
        %dma_wait3A_1923 = tpu.memref_slice %arg4[%dma_wait3A_1911, %dma_wait3A_1912, %add3A_1909, %dma_wait3A_1921, %dma_wait3A_1922] : memref<100x4x128x8x128xf32, #tpu.memory_space<hbm>> -> memref<1x1x1x8x128xf32, #tpu.memory_space<hbm>>
        %dma_wait3A_1924 = tpu.memref_squeeze %dma_wait3A_1923 : memref<1x1x1x8x128xf32, #tpu.memory_space<hbm>> -> memref<8x128xf32, #tpu.memory_space<hbm>>
        %dma_wait3A_1925 = arith.constant 24 : i32
        %dma_wait3A_1926 = arith.constant 384 : i32
        %dma_wait3A_1927 = tpu.memref_slice %arg7[%dma_wait3A_1910, %dma_wait3A_1925, %dma_wait3A_1926] : memref<2x32x513xf32, #tpu.memory_space<vmem>> -> memref<1x8x128xf32, #tpu.memory_space<vmem>>
        %dma_wait3A_1928 = tpu.memref_squeeze %dma_wait3A_1927 : memref<1x8x128xf32, #tpu.memory_space<vmem>> -> memref<8x128xf32, #tpu.memory_space<vmem>>
        tpu.wait_dma2 semaphore(%arg12 : memref<!tpu.dma_semaphore, #tpu.memory_space<semaphore_mem>>) src(%dma_wait3A_1928 : memref<8x128xf32, #tpu.memory_space<vmem>>) dst(%dma_wait3A_1924 : memref<8x128xf32, #tpu.memory_space<hbm>>)
      } else {
      }
      %parallel_loop3A = arith.constant 0 : i32
      %parallel_loop3A_816 = arith.constant 512 : i32
      %parallel_loop3A_817 = arith.constant 1 : i32
      scf.for %parallel_loop3A_1561 = %parallel_loop3A to %parallel_loop3A_816 step %parallel_loop3A_817  : i32 {
        %parallel_loop3A_1562 = arith.constant 0 : i32
        %parallel_loop3A_1563 = vector.broadcast %parallel_loop3A_1562 : i32 to vector<16xi32>
        %parallel_loop3A_1564 = vector.broadcast %parallel_loop3A_1561 : i32 to vector<16xi32>
        %parallel_loop3A_1565 = arith.addi %parallel_loop3A_1563, %parallel_loop3A_1564 : vector<16xi32>
        %parallel_loop3A_1566 = arith.constant 0 : i32
        %parallel_loop3A_1567 = vector.broadcast %parallel_loop3A_1566 : i32 to vector<16xi32>
        %parallel_loop3A_1568 = arith.addi %iota3A, %parallel_loop3A_1567 : vector<16xi32>
        %parallel_loop3A_1569 = arith.constant 0 : i32
        %parallel_loop3A_1570 = arith.index_cast %parallel_loop3A_1569 : i32 to index
        %parallel_loop3A_1571 = arith.index_cast %parallel_loop3A_1561 : i32 to index
        %parallel_loop3A_1572 = arith.constant 0 : index
        %parallel_loop3A_1573 = tpu.vector_load %arg6[%parallel_loop3A_1570, %parallel_loop3A_1571, %parallel_loop3A_1572] {strides = array<i32>} : memref<2x512x32xf32, #tpu.memory_space<vmem>>, vector<16xf32>,
        %parallel_loop3A_1574 = arith.constant 0 : i32
        %parallel_loop3A_1575 = arith.constant 0 : i32
        %parallel_loop3A_1576 = arith.constant 0 : i32
        %parallel_loop3A_1577 = tpu.memref_slice %arg7[%parallel_loop3A_1574, %parallel_loop3A_1575, %parallel_loop3A_1576] : memref<2x32x513xf32, #tpu.memory_space<vmem>> -> memref<1x32x513xf32, #tpu.memory_space<vmem>>
        %parallel_loop3A_1578 = tpu.memref_squeeze %parallel_loop3A_1577 : memref<1x32x513xf32, #tpu.memory_space<vmem>> -> memref<32x513xf32, #tpu.memory_space<vmem>>
        tpu.vector_store_idx %parallel_loop3A_1578[%parallel_loop3A_1568, %parallel_loop3A_1565], %parallel_loop3A_1573 : memref<32x513xf32, #tpu.memory_space<vmem>>[vector<16xi32>, vector<16xi32>], vector<16xf32>,
        %parallel_loop3A_1579 = arith.constant 16 : i32
        %parallel_loop3A_1580 = vector.broadcast %parallel_loop3A_1579 : i32 to vector<16xi32>
        %parallel_loop3A_1581 = arith.addi %iota3A, %parallel_loop3A_1580 : vector<16xi32>
        %parallel_loop3A_1582 = arith.constant 0 : i32
        %parallel_loop3A_1583 = arith.index_cast %parallel_loop3A_1582 : i32 to index
        %parallel_loop3A_1584 = arith.index_cast %parallel_loop3A_1561 : i32 to index
        %parallel_loop3A_1585 = arith.constant 16 : index
        %parallel_loop3A_1586 = tpu.vector_load %arg6[%parallel_loop3A_1583, %parallel_loop3A_1584, %parallel_loop3A_1585] {strides = array<i32>} : memref<2x512x32xf32, #tpu.memory_space<vmem>>, vector<16xf32>,
        %parallel_loop3A_1587 = arith.constant 0 : i32
        %parallel_loop3A_1588 = arith.constant 0 : i32
        %parallel_loop3A_1589 = arith.constant 0 : i32
        %parallel_loop3A_1590 = tpu.memref_slice %arg7[%parallel_loop3A_1587, %parallel_loop3A_1588, %parallel_loop3A_1589] : memref<2x32x513xf32, #tpu.memory_space<vmem>> -> memref<1x32x513xf32, #tpu.memory_space<vmem>>
        %parallel_loop3A_1591 = tpu.memref_squeeze %parallel_loop3A_1590 : memref<1x32x513xf32, #tpu.memory_space<vmem>> -> memref<32x513xf32, #tpu.memory_space<vmem>>
        tpu.vector_store_idx %parallel_loop3A_1591[%parallel_loop3A_1581, %parallel_loop3A_1565], %parallel_loop3A_1586 : memref<32x513xf32, #tpu.memory_space<vmem>>[vector<16xi32>, vector<16xi32>], vector<16xf32>,
      } {sc.loop_unroll_factor = 8 : i64, sc.parallel_access}
      %mul3A_818 = arith.constant 4 : i32
      %mul3A_819 = arith.muli %add3A, %mul3A_818 : i32
      %add3A_820 = arith.constant 0 : i32
      %add3A_821 = arith.addi %mul3A_819, %add3A_820 : i32
      %dma_start3A_822 = arith.constant 0 : i32
      %dma_start3A_823 = arith.constant 0 : i32
      %dma_start3A_824 = arith.constant 0 : i32
      %dma_start3A_825 = arith.constant 0 : i32
      %dma_start3A_826 = tpu.memref_slice %arg7[%dma_start3A_822, %dma_start3A_824, %dma_start3A_825] : memref<2x32x513xf32, #tpu.memory_space<vmem>> -> memref<1x8x128xf32, #tpu.memory_space<vmem>>
      %dma_start3A_827 = tpu.memref_squeeze %dma_start3A_826 : memref<1x8x128xf32, #tpu.memory_space<vmem>> -> memref<8x128xf32, #tpu.memory_space<vmem>>
      %dma_start3A_828 = arith.constant 0 : i32
      %dma_start3A_829 = arith.constant 0 : i32
      %dma_start3A_830 = tpu.memref_slice %arg4[%add3A_797, %dma_start3A_823, %add3A_821, %dma_start3A_828, %dma_start3A_829] : memref<100x4x128x8x128xf32, #tpu.memory_space<hbm>> -> memref<1x1x1x8x128xf32, #tpu.memory_space<hbm>>
      %dma_start3A_831 = tpu.memref_squeeze %dma_start3A_830 : memref<1x1x1x8x128xf32, #tpu.memory_space<hbm>> -> memref<8x128xf32, #tpu.memory_space<hbm>>
      %dma_start3A_832 = arith.constant 0 : i32
      %dma_start3A_833 = arith.constant 0 : i32
      %dma_start3A_834 = tpu.memref_slice %arg4[%add3A_797, %dma_start3A_823, %add3A_821, %dma_start3A_832, %dma_start3A_833] : memref<100x4x128x8x128xf32, #tpu.memory_space<hbm>> -> memref<1x1x1x8x128xf32, #tpu.memory_space<hbm>>
      %dma_start3A_835 = tpu.memref_squeeze %dma_start3A_834 : memref<1x1x1x8x128xf32, #tpu.memory_space<hbm>> -> memref<8x128xf32, #tpu.memory_space<hbm>>
      %dma_start3A_836 = arith.constant 0 : i32
      %dma_start3A_837 = arith.constant 0 : i32
      %dma_start3A_838 = tpu.memref_slice %arg7[%dma_start3A_822, %dma_start3A_836, %dma_start3A_837] : memref<2x32x513xf32, #tpu.memory_space<vmem>> -> memref<1x8x128xf32, #tpu.memory_space<vmem>>
      %dma_start3A_839 = tpu.memref_squeeze %dma_start3A_838 : memref<1x8x128xf32, #tpu.memory_space<vmem>> -> memref<8x128xf32, #tpu.memory_space<vmem>>
      tpu.enqueue_dma source(%dma_start3A_839 : memref<8x128xf32, #tpu.memory_space<vmem>>) target(%dma_start3A_835 : memref<8x128xf32, #tpu.memory_space<hbm>>) target_semaphore(%arg12 : memref<!tpu.dma_semaphore, #tpu.memory_space<semaphore_mem>>)
      %mul3A_840 = arith.constant 4 : i32
      %mul3A_841 = arith.muli %add3A, %mul3A_840 : i32
      %add3A_842 = arith.constant 1 : i32
      %add3A_843 = arith.addi %mul3A_841, %add3A_842 : i32
      %dma_start3A_844 = arith.constant 0 : i32
      %dma_start3A_845 = arith.constant 0 : i32
      %dma_start3A_846 = arith.constant 0 : i32
      %dma_start3A_847 = arith.constant 128 : i32
      %dma_start3A_848 = tpu.memref_slice %arg7[%dma_start3A_844, %dma_start3A_846, %dma_start3A_847] : memref<2x32x513xf32, #tpu.memory_space<vmem>> -> memref<1x8x128xf32, #tpu.memory_space<vmem>>
      %dma_start3A_849 = tpu.memref_squeeze %dma_start3A_848 : memref<1x8x128xf32, #tpu.memory_space<vmem>> -> memref<8x128xf32, #tpu.memory_space<vmem>>
      %dma_start3A_850 = arith.constant 0 : i32
      %dma_start3A_851 = arith.constant 0 : i32
      %dma_start3A_852 = tpu.memref_slice %arg4[%add3A_797, %dma_start3A_845, %add3A_843, %dma_start3A_850, %dma_start3A_851] : memref<100x4x128x8x128xf32, #tpu.memory_space<hbm>> -> memref<1x1x1x8x128xf32, #tpu.memory_space<hbm>>
      %dma_start3A_853 = tpu.memref_squeeze %dma_start3A_852 : memref<1x1x1x8x128xf32, #tpu.memory_space<hbm>> -> memref<8x128xf32, #tpu.memory_space<hbm>>
      %dma_start3A_854 = arith.constant 0 : i32
      %dma_start3A_855 = arith.constant 0 : i32
      %dma_start3A_856 = tpu.memref_slice %arg4[%add3A_797, %dma_start3A_845, %add3A_843, %dma_start3A_854, %dma_start3A_855] : memref<100x4x128x8x128xf32, #tpu.memory_space<hbm>> -> memref<1x1x1x8x128xf32, #tpu.memory_space<hbm>>
      %dma_start3A_857 = tpu.memref_squeeze %dma_start3A_856 : memref<1x1x1x8x128xf32, #tpu.memory_space<hbm>> -> memref<8x128xf32, #tpu.memory_space<hbm>>
      %dma_start3A_858 = arith.constant 0 : i32
      %dma_start3A_859 = arith.constant 128 : i32
      %dma_start3A_860 = tpu.memref_slice %arg7[%dma_start3A_844, %dma_start3A_858, %dma_start3A_859] : memref<2x32x513xf32, #tpu.memory_space<vmem>> -> memref<1x8x128xf32, #tpu.memory_space<vmem>>
      %dma_start3A_861 = tpu.memref_squeeze %dma_start3A_860 : memref<1x8x128xf32, #tpu.memory_space<vmem>> -> memref<8x128xf32, #tpu.memory_space<vmem>>
      tpu.enqueue_dma source(%dma_start3A_861 : memref<8x128xf32, #tpu.memory_space<vmem>>) target(%dma_start3A_857 : memref<8x128xf32, #tpu.memory_space<hbm>>) target_semaphore(%arg12 : memref<!tpu.dma_semaphore, #tpu.memory_space<semaphore_mem>>)
      %mul3A_862 = arith.constant 4 : i32
      %mul3A_863 = arith.muli %add3A, %mul3A_862 : i32
      %add3A_864 = arith.constant 2 : i32
      %add3A_865 = arith.addi %mul3A_863, %add3A_864 : i32
      %dma_start3A_866 = arith.constant 0 : i32
      %dma_start3A_867 = arith.constant 0 : i32
      %dma_start3A_868 = arith.constant 0 : i32
      %dma_start3A_869 = arith.constant 256 : i32
      %dma_start3A_870 = tpu.memref_slice %arg7[%dma_start3A_866, %dma_start3A_868, %dma_start3A_869] : memref<2x32x513xf32, #tpu.memory_space<vmem>> -> memref<1x8x128xf32, #tpu.memory_space<vmem>>
      %dma_start3A_871 = tpu.memref_squeeze %dma_start3A_870 : memref<1x8x128xf32, #tpu.memory_space<vmem>> -> memref<8x128xf32, #tpu.memory_space<vmem>>
      %dma_start3A_872 = arith.constant 0 : i32
      %dma_start3A_873 = arith.constant 0 : i32
      %dma_start3A_874 = tpu.memref_slice %arg4[%add3A_797, %dma_start3A_867, %add3A_865, %dma_start3A_872, %dma_start3A_873] : memref<100x4x128x8x128xf32, #tpu.memory_space<hbm>> -> memref<1x1x1x8x128xf32, #tpu.memory_space<hbm>>
      %dma_start3A_875 = tpu.memref_squeeze %dma_start3A_874 : memref<1x1x1x8x128xf32, #tpu.memory_space<hbm>> -> memref<8x128xf32, #tpu.memory_space<hbm>>
      %dma_start3A_876 = arith.constant 0 : i32
      %dma_start3A_877 = arith.constant 0 : i32
      %dma_start3A_878 = tpu.memref_slice %arg4[%add3A_797, %dma_start3A_867, %add3A_865, %dma_start3A_876, %dma_start3A_877] : memref<100x4x128x8x128xf32, #tpu.memory_space<hbm>> -> memref<1x1x1x8x128xf32, #tpu.memory_space<hbm>>
      %dma_start3A_879 = tpu.memref_squeeze %dma_start3A_878 : memref<1x1x1x8x128xf32, #tpu.memory_space<hbm>> -> memref<8x128xf32, #tpu.memory_space<hbm>>
      %dma_start3A_880 = arith.constant 0 : i32
      %dma_start3A_881 = arith.constant 256 : i32
      %dma_start3A_882 = tpu.memref_slice %arg7[%dma_start3A_866, %dma_start3A_880, %dma_start3A_881] : memref<2x32x513xf32, #tpu.memory_space<vmem>> -> memref<1x8x128xf32, #tpu.memory_space<vmem>>
      %dma_start3A_883 = tpu.memref_squeeze %dma_start3A_882 : memref<1x8x128xf32, #tpu.memory_space<vmem>> -> memref<8x128xf32, #tpu.memory_space<vmem>>
      tpu.enqueue_dma source(%dma_start3A_883 : memref<8x128xf32, #tpu.memory_space<vmem>>) target(%dma_start3A_879 : memref<8x128xf32, #tpu.memory_space<hbm>>) target_semaphore(%arg12 : memref<!tpu.dma_semaphore, #tpu.memory_space<semaphore_mem>>)
      %mul3A_884 = arith.constant 4 : i32
      %mul3A_885 = arith.muli %add3A, %mul3A_884 : i32
      %add3A_886 = arith.constant 3 : i32
      %add3A_887 = arith.addi %mul3A_885, %add3A_886 : i32
      %dma_start3A_888 = arith.constant 0 : i32
      %dma_start3A_889 = arith.constant 0 : i32
      %dma_start3A_890 = arith.constant 0 : i32
      %dma_start3A_891 = arith.constant 384 : i32
      %dma_start3A_892 = tpu.memref_slice %arg7[%dma_start3A_888, %dma_start3A_890, %dma_start3A_891] : memref<2x32x513xf32, #tpu.memory_space<vmem>> -> memref<1x8x128xf32, #tpu.memory_space<vmem>>
      %dma_start3A_893 = tpu.memref_squeeze %dma_start3A_892 : memref<1x8x128xf32, #tpu.memory_space<vmem>> -> memref<8x128xf32, #tpu.memory_space<vmem>>
      %dma_start3A_894 = arith.constant 0 : i32
      %dma_start3A_895 = arith.constant 0 : i32
      %dma_start3A_896 = tpu.memref_slice %arg4[%add3A_797, %dma_start3A_889, %add3A_887, %dma_start3A_894, %dma_start3A_895] : memref<100x4x128x8x128xf32, #tpu.memory_space<hbm>> -> memref<1x1x1x8x128xf32, #tpu.memory_space<hbm>>
      %dma_start3A_897 = tpu.memref_squeeze %dma_start3A_896 : memref<1x1x1x8x128xf32, #tpu.memory_space<hbm>> -> memref<8x128xf32, #tpu.memory_space<hbm>>
      %dma_start3A_898 = arith.constant 0 : i32
      %dma_start3A_899 = arith.constant 0 : i32
      %dma_start3A_900 = tpu.memref_slice %arg4[%add3A_797, %dma_start3A_889, %add3A_887, %dma_start3A_898, %dma_start3A_899] : memref<100x4x128x8x128xf32, #tpu.memory_space<hbm>> -> memref<1x1x1x8x128xf32, #tpu.memory_space<hbm>>
      %dma_start3A_901 = tpu.memref_squeeze %dma_start3A_900 : memref<1x1x1x8x128xf32, #tpu.memory_space<hbm>> -> memref<8x128xf32, #tpu.memory_space<hbm>>
      %dma_start3A_902 = arith.constant 0 : i32
      %dma_start3A_903 = arith.constant 384 : i32
      %dma_start3A_904 = tpu.memref_slice %arg7[%dma_start3A_888, %dma_start3A_902, %dma_start3A_903] : memref<2x32x513xf32, #tpu.memory_space<vmem>> -> memref<1x8x128xf32, #tpu.memory_space<vmem>>
      %dma_start3A_905 = tpu.memref_squeeze %dma_start3A_904 : memref<1x8x128xf32, #tpu.memory_space<vmem>> -> memref<8x128xf32, #tpu.memory_space<vmem>>
      tpu.enqueue_dma source(%dma_start3A_905 : memref<8x128xf32, #tpu.memory_space<vmem>>) target(%dma_start3A_901 : memref<8x128xf32, #tpu.memory_space<hbm>>) target_semaphore(%arg12 : memref<!tpu.dma_semaphore, #tpu.memory_space<semaphore_mem>>)
      %mul3A_906 = arith.constant 4 : i32
      %mul3A_907 = arith.muli %add3A, %mul3A_906 : i32
      %add3A_908 = arith.constant 0 : i32
      %add3A_909 = arith.addi %mul3A_907, %add3A_908 : i32
      %dma_start3A_910 = arith.constant 0 : i32
      %dma_start3A_911 = arith.constant 1 : i32
      %dma_start3A_912 = arith.constant 8 : i32
      %dma_start3A_913 = arith.constant 0 : i32
      %dma_start3A_914 = tpu.memref_slice %arg7[%dma_start3A_910, %dma_start3A_912, %dma_start3A_913] : memref<2x32x513xf32, #tpu.memory_space<vmem>> -> memref<1x8x128xf32, #tpu.memory_space<vmem>>
      %dma_start3A_915 = tpu.memref_squeeze %dma_start3A_914 : memref<1x8x128xf32, #tpu.memory_space<vmem>> -> memref<8x128xf32, #tpu.memory_space<vmem>>
      %dma_start3A_916 = arith.constant 0 : i32
      %dma_start3A_917 = arith.constant 0 : i32
      %dma_start3A_918 = tpu.memref_slice %arg4[%add3A_797, %dma_start3A_911, %add3A_909, %dma_start3A_916, %dma_start3A_917] : memref<100x4x128x8x128xf32, #tpu.memory_space<hbm>> -> memref<1x1x1x8x128xf32, #tpu.memory_space<hbm>>
      %dma_start3A_919 = tpu.memref_squeeze %dma_start3A_918 : memref<1x1x1x8x128xf32, #tpu.memory_space<hbm>> -> memref<8x128xf32, #tpu.memory_space<hbm>>
      %dma_start3A_920 = arith.constant 0 : i32
      %dma_start3A_921 = arith.constant 0 : i32
      %dma_start3A_922 = tpu.memref_slice %arg4[%add3A_797, %dma_start3A_911, %add3A_909, %dma_start3A_920, %dma_start3A_921] : memref<100x4x128x8x128xf32, #tpu.memory_space<hbm>> -> memref<1x1x1x8x128xf32, #tpu.memory_space<hbm>>
      %dma_start3A_923 = tpu.memref_squeeze %dma_start3A_922 : memref<1x1x1x8x128xf32, #tpu.memory_space<hbm>> -> memref<8x128xf32, #tpu.memory_space<hbm>>
      %dma_start3A_924 = arith.constant 8 : i32
      %dma_start3A_925 = arith.constant 0 : i32
      %dma_start3A_926 = tpu.memref_slice %arg7[%dma_start3A_910, %dma_start3A_924, %dma_start3A_925] : memref<2x32x513xf32, #tpu.memory_space<vmem>> -> memref<1x8x128xf32, #tpu.memory_space<vmem>>
      %dma_start3A_927 = tpu.memref_squeeze %dma_start3A_926 : memref<1x8x128xf32, #tpu.memory_space<vmem>> -> memref<8x128xf32, #tpu.memory_space<vmem>>
      tpu.enqueue_dma source(%dma_start3A_927 : memref<8x128xf32, #tpu.memory_space<vmem>>) target(%dma_start3A_923 : memref<8x128xf32, #tpu.memory_space<hbm>>) target_semaphore(%arg12 : memref<!tpu.dma_semaphore, #tpu.memory_space<semaphore_mem>>)
      %mul3A_928 = arith.constant 4 : i32
      %mul3A_929 = arith.muli %add3A, %mul3A_928 : i32
      %add3A_930 = arith.constant 1 : i32
      %add3A_931 = arith.addi %mul3A_929, %add3A_930 : i32
      %dma_start3A_932 = arith.constant 0 : i32
      %dma_start3A_933 = arith.constant 1 : i32
      %dma_start3A_934 = arith.constant 8 : i32
      %dma_start3A_935 = arith.constant 128 : i32
      %dma_start3A_936 = tpu.memref_slice %arg7[%dma_start3A_932, %dma_start3A_934, %dma_start3A_935] : memref<2x32x513xf32, #tpu.memory_space<vmem>> -> memref<1x8x128xf32, #tpu.memory_space<vmem>>
      %dma_start3A_937 = tpu.memref_squeeze %dma_start3A_936 : memref<1x8x128xf32, #tpu.memory_space<vmem>> -> memref<8x128xf32, #tpu.memory_space<vmem>>
      %dma_start3A_938 = arith.constant 0 : i32
      %dma_start3A_939 = arith.constant 0 : i32
      %dma_start3A_940 = tpu.memref_slice %arg4[%add3A_797, %dma_start3A_933, %add3A_931, %dma_start3A_938, %dma_start3A_939] : memref<100x4x128x8x128xf32, #tpu.memory_space<hbm>> -> memref<1x1x1x8x128xf32, #tpu.memory_space<hbm>>
      %dma_start3A_941 = tpu.memref_squeeze %dma_start3A_940 : memref<1x1x1x8x128xf32, #tpu.memory_space<hbm>> -> memref<8x128xf32, #tpu.memory_space<hbm>>
      %dma_start3A_942 = arith.constant 0 : i32
      %dma_start3A_943 = arith.constant 0 : i32
      %dma_start3A_944 = tpu.memref_slice %arg4[%add3A_797, %dma_start3A_933, %add3A_931, %dma_start3A_942, %dma_start3A_943] : memref<100x4x128x8x128xf32, #tpu.memory_space<hbm>> -> memref<1x1x1x8x128xf32, #tpu.memory_space<hbm>>
      %dma_start3A_945 = tpu.memref_squeeze %dma_start3A_944 : memref<1x1x1x8x128xf32, #tpu.memory_space<hbm>> -> memref<8x128xf32, #tpu.memory_space<hbm>>
      %dma_start3A_946 = arith.constant 8 : i32
      %dma_start3A_947 = arith.constant 128 : i32
      %dma_start3A_948 = tpu.memref_slice %arg7[%dma_start3A_932, %dma_start3A_946, %dma_start3A_947] : memref<2x32x513xf32, #tpu.memory_space<vmem>> -> memref<1x8x128xf32, #tpu.memory_space<vmem>>
      %dma_start3A_949 = tpu.memref_squeeze %dma_start3A_948 : memref<1x8x128xf32, #tpu.memory_space<vmem>> -> memref<8x128xf32, #tpu.memory_space<vmem>>
      tpu.enqueue_dma source(%dma_start3A_949 : memref<8x128xf32, #tpu.memory_space<vmem>>) target(%dma_start3A_945 : memref<8x128xf32, #tpu.memory_space<hbm>>) target_semaphore(%arg12 : memref<!tpu.dma_semaphore, #tpu.memory_space<semaphore_mem>>)
      %mul3A_950 = arith.constant 4 : i32
      %mul3A_951 = arith.muli %add3A, %mul3A_950 : i32
      %add3A_952 = arith.constant 2 : i32
      %add3A_953 = arith.addi %mul3A_951, %add3A_952 : i32
      %dma_start3A_954 = arith.constant 0 : i32
      %dma_start3A_955 = arith.constant 1 : i32
      %dma_start3A_956 = arith.constant 8 : i32
      %dma_start3A_957 = arith.constant 256 : i32
      %dma_start3A_958 = tpu.memref_slice %arg7[%dma_start3A_954, %dma_start3A_956, %dma_start3A_957] : memref<2x32x513xf32, #tpu.memory_space<vmem>> -> memref<1x8x128xf32, #tpu.memory_space<vmem>>
      %dma_start3A_959 = tpu.memref_squeeze %dma_start3A_958 : memref<1x8x128xf32, #tpu.memory_space<vmem>> -> memref<8x128xf32, #tpu.memory_space<vmem>>
      %dma_start3A_960 = arith.constant 0 : i32
      %dma_start3A_961 = arith.constant 0 : i32
      %dma_start3A_962 = tpu.memref_slice %arg4[%add3A_797, %dma_start3A_955, %add3A_953, %dma_start3A_960, %dma_start3A_961] : memref<100x4x128x8x128xf32, #tpu.memory_space<hbm>> -> memref<1x1x1x8x128xf32, #tpu.memory_space<hbm>>
      %dma_start3A_963 = tpu.memref_squeeze %dma_start3A_962 : memref<1x1x1x8x128xf32, #tpu.memory_space<hbm>> -> memref<8x128xf32, #tpu.memory_space<hbm>>
      %dma_start3A_964 = arith.constant 0 : i32
      %dma_start3A_965 = arith.constant 0 : i32
      %dma_start3A_966 = tpu.memref_slice %arg4[%add3A_797, %dma_start3A_955, %add3A_953, %dma_start3A_964, %dma_start3A_965] : memref<100x4x128x8x128xf32, #tpu.memory_space<hbm>> -> memref<1x1x1x8x128xf32, #tpu.memory_space<hbm>>
      %dma_start3A_967 = tpu.memref_squeeze %dma_start3A_966 : memref<1x1x1x8x128xf32, #tpu.memory_space<hbm>> -> memref<8x128xf32, #tpu.memory_space<hbm>>
      %dma_start3A_968 = arith.constant 8 : i32
      %dma_start3A_969 = arith.constant 256 : i32
      %dma_start3A_970 = tpu.memref_slice %arg7[%dma_start3A_954, %dma_start3A_968, %dma_start3A_969] : memref<2x32x513xf32, #tpu.memory_space<vmem>> -> memref<1x8x128xf32, #tpu.memory_space<vmem>>
      %dma_start3A_971 = tpu.memref_squeeze %dma_start3A_970 : memref<1x8x128xf32, #tpu.memory_space<vmem>> -> memref<8x128xf32, #tpu.memory_space<vmem>>
      tpu.enqueue_dma source(%dma_start3A_971 : memref<8x128xf32, #tpu.memory_space<vmem>>) target(%dma_start3A_967 : memref<8x128xf32, #tpu.memory_space<hbm>>) target_semaphore(%arg12 : memref<!tpu.dma_semaphore, #tpu.memory_space<semaphore_mem>>)
      %mul3A_972 = arith.constant 4 : i32
      %mul3A_973 = arith.muli %add3A, %mul3A_972 : i32
      %add3A_974 = arith.constant 3 : i32
      %add3A_975 = arith.addi %mul3A_973, %add3A_974 : i32
      %dma_start3A_976 = arith.constant 0 : i32
      %dma_start3A_977 = arith.constant 1 : i32
      %dma_start3A_978 = arith.constant 8 : i32
      %dma_start3A_979 = arith.constant 384 : i32
      %dma_start3A_980 = tpu.memref_slice %arg7[%dma_start3A_976, %dma_start3A_978, %dma_start3A_979] : memref<2x32x513xf32, #tpu.memory_space<vmem>> -> memref<1x8x128xf32, #tpu.memory_space<vmem>>
      %dma_start3A_981 = tpu.memref_squeeze %dma_start3A_980 : memref<1x8x128xf32, #tpu.memory_space<vmem>> -> memref<8x128xf32, #tpu.memory_space<vmem>>
      %dma_start3A_982 = arith.constant 0 : i32
      %dma_start3A_983 = arith.constant 0 : i32
      %dma_start3A_984 = tpu.memref_slice %arg4[%add3A_797, %dma_start3A_977, %add3A_975, %dma_start3A_982, %dma_start3A_983] : memref<100x4x128x8x128xf32, #tpu.memory_space<hbm>> -> memref<1x1x1x8x128xf32, #tpu.memory_space<hbm>>
      %dma_start3A_985 = tpu.memref_squeeze %dma_start3A_984 : memref<1x1x1x8x128xf32, #tpu.memory_space<hbm>> -> memref<8x128xf32, #tpu.memory_space<hbm>>
      %dma_start3A_986 = arith.constant 0 : i32
      %dma_start3A_987 = arith.constant 0 : i32
      %dma_start3A_988 = tpu.memref_slice %arg4[%add3A_797, %dma_start3A_977, %add3A_975, %dma_start3A_986, %dma_start3A_987] : memref<100x4x128x8x128xf32, #tpu.memory_space<hbm>> -> memref<1x1x1x8x128xf32, #tpu.memory_space<hbm>>
      %dma_start3A_989 = tpu.memref_squeeze %dma_start3A_988 : memref<1x1x1x8x128xf32, #tpu.memory_space<hbm>> -> memref<8x128xf32, #tpu.memory_space<hbm>>
      %dma_start3A_990 = arith.constant 8 : i32
      %dma_start3A_991 = arith.constant 384 : i32
      %dma_start3A_992 = tpu.memref_slice %arg7[%dma_start3A_976, %dma_start3A_990, %dma_start3A_991] : memref<2x32x513xf32, #tpu.memory_space<vmem>> -> memref<1x8x128xf32, #tpu.memory_space<vmem>>
      %dma_start3A_993 = tpu.memref_squeeze %dma_start3A_992 : memref<1x8x128xf32, #tpu.memory_space<vmem>> -> memref<8x128xf32, #tpu.memory_space<vmem>>
      tpu.enqueue_dma source(%dma_start3A_993 : memref<8x128xf32, #tpu.memory_space<vmem>>) target(%dma_start3A_989 : memref<8x128xf32, #tpu.memory_space<hbm>>) target_semaphore(%arg12 : memref<!tpu.dma_semaphore, #tpu.memory_space<semaphore_mem>>)
      %mul3A_994 = arith.constant 4 : i32
      %mul3A_995 = arith.muli %add3A, %mul3A_994 : i32
      %add3A_996 = arith.constant 0 : i32
      %add3A_997 = arith.addi %mul3A_995, %add3A_996 : i32
      %dma_start3A_998 = arith.constant 0 : i32
      %dma_start3A_999 = arith.constant 2 : i32
      %dma_start3A_1000 = arith.constant 16 : i32
      %dma_start3A_1001 = arith.constant 0 : i32
      %dma_start3A_1002 = tpu.memref_slice %arg7[%dma_start3A_998, %dma_start3A_1000, %dma_start3A_1001] : memref<2x32x513xf32, #tpu.memory_space<vmem>> -> memref<1x8x128xf32, #tpu.memory_space<vmem>>
      %dma_start3A_1003 = tpu.memref_squeeze %dma_start3A_1002 : memref<1x8x128xf32, #tpu.memory_space<vmem>> -> memref<8x128xf32, #tpu.memory_space<vmem>>
      %dma_start3A_1004 = arith.constant 0 : i32
      %dma_start3A_1005 = arith.constant 0 : i32
      %dma_start3A_1006 = tpu.memref_slice %arg4[%add3A_797, %dma_start3A_999, %add3A_997, %dma_start3A_1004, %dma_start3A_1005] : memref<100x4x128x8x128xf32, #tpu.memory_space<hbm>> -> memref<1x1x1x8x128xf32, #tpu.memory_space<hbm>>
      %dma_start3A_1007 = tpu.memref_squeeze %dma_start3A_1006 : memref<1x1x1x8x128xf32, #tpu.memory_space<hbm>> -> memref<8x128xf32, #tpu.memory_space<hbm>>
      %dma_start3A_1008 = arith.constant 0 : i32
      %dma_start3A_1009 = arith.constant 0 : i32
      %dma_start3A_1010 = tpu.memref_slice %arg4[%add3A_797, %dma_start3A_999, %add3A_997, %dma_start3A_1008, %dma_start3A_1009] : memref<100x4x128x8x128xf32, #tpu.memory_space<hbm>> -> memref<1x1x1x8x128xf32, #tpu.memory_space<hbm>>
      %dma_start3A_1011 = tpu.memref_squeeze %dma_start3A_1010 : memref<1x1x1x8x128xf32, #tpu.memory_space<hbm>> -> memref<8x128xf32, #tpu.memory_space<hbm>>
      %dma_start3A_1012 = arith.constant 16 : i32
      %dma_start3A_1013 = arith.constant 0 : i32
      %dma_start3A_1014 = tpu.memref_slice %arg7[%dma_start3A_998, %dma_start3A_1012, %dma_start3A_1013] : memref<2x32x513xf32, #tpu.memory_space<vmem>> -> memref<1x8x128xf32, #tpu.memory_space<vmem>>
      %dma_start3A_1015 = tpu.memref_squeeze %dma_start3A_1014 : memref<1x8x128xf32, #tpu.memory_space<vmem>> -> memref<8x128xf32, #tpu.memory_space<vmem>>
      tpu.enqueue_dma source(%dma_start3A_1015 : memref<8x128xf32, #tpu.memory_space<vmem>>) target(%dma_start3A_1011 : memref<8x128xf32, #tpu.memory_space<hbm>>) target_semaphore(%arg12 : memref<!tpu.dma_semaphore, #tpu.memory_space<semaphore_mem>>)
      %mul3A_1016 = arith.constant 4 : i32
      %mul3A_1017 = arith.muli %add3A, %mul3A_1016 : i32
      %add3A_1018 = arith.constant 1 : i32
      %add3A_1019 = arith.addi %mul3A_1017, %add3A_1018 : i32
      %dma_start3A_1020 = arith.constant 0 : i32
      %dma_start3A_1021 = arith.constant 2 : i32
      %dma_start3A_1022 = arith.constant 16 : i32
      %dma_start3A_1023 = arith.constant 128 : i32
      %dma_start3A_1024 = tpu.memref_slice %arg7[%dma_start3A_1020, %dma_start3A_1022, %dma_start3A_1023] : memref<2x32x513xf32, #tpu.memory_space<vmem>> -> memref<1x8x128xf32, #tpu.memory_space<vmem>>
      %dma_start3A_1025 = tpu.memref_squeeze %dma_start3A_1024 : memref<1x8x128xf32, #tpu.memory_space<vmem>> -> memref<8x128xf32, #tpu.memory_space<vmem>>
      %dma_start3A_1026 = arith.constant 0 : i32
      %dma_start3A_1027 = arith.constant 0 : i32
      %dma_start3A_1028 = tpu.memref_slice %arg4[%add3A_797, %dma_start3A_1021, %add3A_1019, %dma_start3A_1026, %dma_start3A_1027] : memref<100x4x128x8x128xf32, #tpu.memory_space<hbm>> -> memref<1x1x1x8x128xf32, #tpu.memory_space<hbm>>
      %dma_start3A_1029 = tpu.memref_squeeze %dma_start3A_1028 : memref<1x1x1x8x128xf32, #tpu.memory_space<hbm>> -> memref<8x128xf32, #tpu.memory_space<hbm>>
      %dma_start3A_1030 = arith.constant 0 : i32
      %dma_start3A_1031 = arith.constant 0 : i32
      %dma_start3A_1032 = tpu.memref_slice %arg4[%add3A_797, %dma_start3A_1021, %add3A_1019, %dma_start3A_1030, %dma_start3A_1031] : memref<100x4x128x8x128xf32, #tpu.memory_space<hbm>> -> memref<1x1x1x8x128xf32, #tpu.memory_space<hbm>>
      %dma_start3A_1033 = tpu.memref_squeeze %dma_start3A_1032 : memref<1x1x1x8x128xf32, #tpu.memory_space<hbm>> -> memref<8x128xf32, #tpu.memory_space<hbm>>
      %dma_start3A_1034 = arith.constant 16 : i32
      %dma_start3A_1035 = arith.constant 128 : i32
      %dma_start3A_1036 = tpu.memref_slice %arg7[%dma_start3A_1020, %dma_start3A_1034, %dma_start3A_1035] : memref<2x32x513xf32, #tpu.memory_space<vmem>> -> memref<1x8x128xf32, #tpu.memory_space<vmem>>
      %dma_start3A_1037 = tpu.memref_squeeze %dma_start3A_1036 : memref<1x8x128xf32, #tpu.memory_space<vmem>> -> memref<8x128xf32, #tpu.memory_space<vmem>>
      tpu.enqueue_dma source(%dma_start3A_1037 : memref<8x128xf32, #tpu.memory_space<vmem>>) target(%dma_start3A_1033 : memref<8x128xf32, #tpu.memory_space<hbm>>) target_semaphore(%arg12 : memref<!tpu.dma_semaphore, #tpu.memory_space<semaphore_mem>>)
      %mul3A_1038 = arith.constant 4 : i32
      %mul3A_1039 = arith.muli %add3A, %mul3A_1038 : i32
      %add3A_1040 = arith.constant 2 : i32
      %add3A_1041 = arith.addi %mul3A_1039, %add3A_1040 : i32
      %dma_start3A_1042 = arith.constant 0 : i32
      %dma_start3A_1043 = arith.constant 2 : i32
      %dma_start3A_1044 = arith.constant 16 : i32
      %dma_start3A_1045 = arith.constant 256 : i32
      %dma_start3A_1046 = tpu.memref_slice %arg7[%dma_start3A_1042, %dma_start3A_1044, %dma_start3A_1045] : memref<2x32x513xf32, #tpu.memory_space<vmem>> -> memref<1x8x128xf32, #tpu.memory_space<vmem>>
      %dma_start3A_1047 = tpu.memref_squeeze %dma_start3A_1046 : memref<1x8x128xf32, #tpu.memory_space<vmem>> -> memref<8x128xf32, #tpu.memory_space<vmem>>
      %dma_start3A_1048 = arith.constant 0 : i32
      %dma_start3A_1049 = arith.constant 0 : i32
      %dma_start3A_1050 = tpu.memref_slice %arg4[%add3A_797, %dma_start3A_1043, %add3A_1041, %dma_start3A_1048, %dma_start3A_1049] : memref<100x4x128x8x128xf32, #tpu.memory_space<hbm>> -> memref<1x1x1x8x128xf32, #tpu.memory_space<hbm>>
      %dma_start3A_1051 = tpu.memref_squeeze %dma_start3A_1050 : memref<1x1x1x8x128xf32, #tpu.memory_space<hbm>> -> memref<8x128xf32, #tpu.memory_space<hbm>>
      %dma_start3A_1052 = arith.constant 0 : i32
      %dma_start3A_1053 = arith.constant 0 : i32
      %dma_start3A_1054 = tpu.memref_slice %arg4[%add3A_797, %dma_start3A_1043, %add3A_1041, %dma_start3A_1052, %dma_start3A_1053] : memref<100x4x128x8x128xf32, #tpu.memory_space<hbm>> -> memref<1x1x1x8x128xf32, #tpu.memory_space<hbm>>
      %dma_start3A_1055 = tpu.memref_squeeze %dma_start3A_1054 : memref<1x1x1x8x128xf32, #tpu.memory_space<hbm>> -> memref<8x128xf32, #tpu.memory_space<hbm>>
      %dma_start3A_1056 = arith.constant 16 : i32
      %dma_start3A_1057 = arith.constant 256 : i32
      %dma_start3A_1058 = tpu.memref_slice %arg7[%dma_start3A_1042, %dma_start3A_1056, %dma_start3A_1057] : memref<2x32x513xf32, #tpu.memory_space<vmem>> -> memref<1x8x128xf32, #tpu.memory_space<vmem>>
      %dma_start3A_1059 = tpu.memref_squeeze %dma_start3A_1058 : memref<1x8x128xf32, #tpu.memory_space<vmem>> -> memref<8x128xf32, #tpu.memory_space<vmem>>
      tpu.enqueue_dma source(%dma_start3A_1059 : memref<8x128xf32, #tpu.memory_space<vmem>>) target(%dma_start3A_1055 : memref<8x128xf32, #tpu.memory_space<hbm>>) target_semaphore(%arg12 : memref<!tpu.dma_semaphore, #tpu.memory_space<semaphore_mem>>)
      %mul3A_1060 = arith.constant 4 : i32
      %mul3A_1061 = arith.muli %add3A, %mul3A_1060 : i32
      %add3A_1062 = arith.constant 3 : i32
      %add3A_1063 = arith.addi %mul3A_1061, %add3A_1062 : i32
      %dma_start3A_1064 = arith.constant 0 : i32
      %dma_start3A_1065 = arith.constant 2 : i32
      %dma_start3A_1066 = arith.constant 16 : i32
      %dma_start3A_1067 = arith.constant 384 : i32
      %dma_start3A_1068 = tpu.memref_slice %arg7[%dma_start3A_1064, %dma_start3A_1066, %dma_start3A_1067] : memref<2x32x513xf32, #tpu.memory_space<vmem>> -> memref<1x8x128xf32, #tpu.memory_space<vmem>>
      %dma_start3A_1069 = tpu.memref_squeeze %dma_start3A_1068 : memref<1x8x128xf32, #tpu.memory_space<vmem>> -> memref<8x128xf32, #tpu.memory_space<vmem>>
      %dma_start3A_1070 = arith.constant 0 : i32
      %dma_start3A_1071 = arith.constant 0 : i32
      %dma_start3A_1072 = tpu.memref_slice %arg4[%add3A_797, %dma_start3A_1065, %add3A_1063, %dma_start3A_1070, %dma_start3A_1071] : memref<100x4x128x8x128xf32, #tpu.memory_space<hbm>> -> memref<1x1x1x8x128xf32, #tpu.memory_space<hbm>>
      %dma_start3A_1073 = tpu.memref_squeeze %dma_start3A_1072 : memref<1x1x1x8x128xf32, #tpu.memory_space<hbm>> -> memref<8x128xf32, #tpu.memory_space<hbm>>
      %dma_start3A_1074 = arith.constant 0 : i32
      %dma_start3A_1075 = arith.constant 0 : i32
      %dma_start3A_1076 = tpu.memref_slice %arg4[%add3A_797, %dma_start3A_1065, %add3A_1063, %dma_start3A_1074, %dma_start3A_1075] : memref<100x4x128x8x128xf32, #tpu.memory_space<hbm>> -> memref<1x1x1x8x128xf32, #tpu.memory_space<hbm>>
      %dma_start3A_1077 = tpu.memref_squeeze %dma_start3A_1076 : memref<1x1x1x8x128xf32, #tpu.memory_space<hbm>> -> memref<8x128xf32, #tpu.memory_space<hbm>>
      %dma_start3A_1078 = arith.constant 16 : i32
      %dma_start3A_1079 = arith.constant 384 : i32
      %dma_start3A_1080 = tpu.memref_slice %arg7[%dma_start3A_1064, %dma_start3A_1078, %dma_start3A_1079] : memref<2x32x513xf32, #tpu.memory_space<vmem>> -> memref<1x8x128xf32, #tpu.memory_space<vmem>>
      %dma_start3A_1081 = tpu.memref_squeeze %dma_start3A_1080 : memref<1x8x128xf32, #tpu.memory_space<vmem>> -> memref<8x128xf32, #tpu.memory_space<vmem>>
      tpu.enqueue_dma source(%dma_start3A_1081 : memref<8x128xf32, #tpu.memory_space<vmem>>) target(%dma_start3A_1077 : memref<8x128xf32, #tpu.memory_space<hbm>>) target_semaphore(%arg12 : memref<!tpu.dma_semaphore, #tpu.memory_space<semaphore_mem>>)
      %mul3A_1082 = arith.constant 4 : i32
      %mul3A_1083 = arith.muli %add3A, %mul3A_1082 : i32
      %add3A_1084 = arith.constant 0 : i32
      %add3A_1085 = arith.addi %mul3A_1083, %add3A_1084 : i32
      %dma_start3A_1086 = arith.constant 0 : i32
      %dma_start3A_1087 = arith.constant 3 : i32
      %dma_start3A_1088 = arith.constant 24 : i32
      %dma_start3A_1089 = arith.constant 0 : i32
      %dma_start3A_1090 = tpu.memref_slice %arg7[%dma_start3A_1086, %dma_start3A_1088, %dma_start3A_1089] : memref<2x32x513xf32, #tpu.memory_space<vmem>> -> memref<1x8x128xf32, #tpu.memory_space<vmem>>
      %dma_start3A_1091 = tpu.memref_squeeze %dma_start3A_1090 : memref<1x8x128xf32, #tpu.memory_space<vmem>> -> memref<8x128xf32, #tpu.memory_space<vmem>>
      %dma_start3A_1092 = arith.constant 0 : i32
      %dma_start3A_1093 = arith.constant 0 : i32
      %dma_start3A_1094 = tpu.memref_slice %arg4[%add3A_797, %dma_start3A_1087, %add3A_1085, %dma_start3A_1092, %dma_start3A_1093] : memref<100x4x128x8x128xf32, #tpu.memory_space<hbm>> -> memref<1x1x1x8x128xf32, #tpu.memory_space<hbm>>
      %dma_start3A_1095 = tpu.memref_squeeze %dma_start3A_1094 : memref<1x1x1x8x128xf32, #tpu.memory_space<hbm>> -> memref<8x128xf32, #tpu.memory_space<hbm>>
      %dma_start3A_1096 = arith.constant 0 : i32
      %dma_start3A_1097 = arith.constant 0 : i32
      %dma_start3A_1098 = tpu.memref_slice %arg4[%add3A_797, %dma_start3A_1087, %add3A_1085, %dma_start3A_1096, %dma_start3A_1097] : memref<100x4x128x8x128xf32, #tpu.memory_space<hbm>> -> memref<1x1x1x8x128xf32, #tpu.memory_space<hbm>>
      %dma_start3A_1099 = tpu.memref_squeeze %dma_start3A_1098 : memref<1x1x1x8x128xf32, #tpu.memory_space<hbm>> -> memref<8x128xf32, #tpu.memory_space<hbm>>
      %dma_start3A_1100 = arith.constant 24 : i32
      %dma_start3A_1101 = arith.constant 0 : i32
      %dma_start3A_1102 = tpu.memref_slice %arg7[%dma_start3A_1086, %dma_start3A_1100, %dma_start3A_1101] : memref<2x32x513xf32, #tpu.memory_space<vmem>> -> memref<1x8x128xf32, #tpu.memory_space<vmem>>
      %dma_start3A_1103 = tpu.memref_squeeze %dma_start3A_1102 : memref<1x8x128xf32, #tpu.memory_space<vmem>> -> memref<8x128xf32, #tpu.memory_space<vmem>>
      tpu.enqueue_dma source(%dma_start3A_1103 : memref<8x128xf32, #tpu.memory_space<vmem>>) target(%dma_start3A_1099 : memref<8x128xf32, #tpu.memory_space<hbm>>) target_semaphore(%arg12 : memref<!tpu.dma_semaphore, #tpu.memory_space<semaphore_mem>>)
      %mul3A_1104 = arith.constant 4 : i32
      %mul3A_1105 = arith.muli %add3A, %mul3A_1104 : i32
      %add3A_1106 = arith.constant 1 : i32
      %add3A_1107 = arith.addi %mul3A_1105, %add3A_1106 : i32
      %dma_start3A_1108 = arith.constant 0 : i32
      %dma_start3A_1109 = arith.constant 3 : i32
      %dma_start3A_1110 = arith.constant 24 : i32
      %dma_start3A_1111 = arith.constant 128 : i32
      %dma_start3A_1112 = tpu.memref_slice %arg7[%dma_start3A_1108, %dma_start3A_1110, %dma_start3A_1111] : memref<2x32x513xf32, #tpu.memory_space<vmem>> -> memref<1x8x128xf32, #tpu.memory_space<vmem>>
      %dma_start3A_1113 = tpu.memref_squeeze %dma_start3A_1112 : memref<1x8x128xf32, #tpu.memory_space<vmem>> -> memref<8x128xf32, #tpu.memory_space<vmem>>
      %dma_start3A_1114 = arith.constant 0 : i32
      %dma_start3A_1115 = arith.constant 0 : i32
      %dma_start3A_1116 = tpu.memref_slice %arg4[%add3A_797, %dma_start3A_1109, %add3A_1107, %dma_start3A_1114, %dma_start3A_1115] : memref<100x4x128x8x128xf32, #tpu.memory_space<hbm>> -> memref<1x1x1x8x128xf32, #tpu.memory_space<hbm>>
      %dma_start3A_1117 = tpu.memref_squeeze %dma_start3A_1116 : memref<1x1x1x8x128xf32, #tpu.memory_space<hbm>> -> memref<8x128xf32, #tpu.memory_space<hbm>>
      %dma_start3A_1118 = arith.constant 0 : i32
      %dma_start3A_1119 = arith.constant 0 : i32
      %dma_start3A_1120 = tpu.memref_slice %arg4[%add3A_797, %dma_start3A_1109, %add3A_1107, %dma_start3A_1118, %dma_start3A_1119] : memref<100x4x128x8x128xf32, #tpu.memory_space<hbm>> -> memref<1x1x1x8x128xf32, #tpu.memory_space<hbm>>
      %dma_start3A_1121 = tpu.memref_squeeze %dma_start3A_1120 : memref<1x1x1x8x128xf32, #tpu.memory_space<hbm>> -> memref<8x128xf32, #tpu.memory_space<hbm>>
      %dma_start3A_1122 = arith.constant 24 : i32
      %dma_start3A_1123 = arith.constant 128 : i32
      %dma_start3A_1124 = tpu.memref_slice %arg7[%dma_start3A_1108, %dma_start3A_1122, %dma_start3A_1123] : memref<2x32x513xf32, #tpu.memory_space<vmem>> -> memref<1x8x128xf32, #tpu.memory_space<vmem>>
      %dma_start3A_1125 = tpu.memref_squeeze %dma_start3A_1124 : memref<1x8x128xf32, #tpu.memory_space<vmem>> -> memref<8x128xf32, #tpu.memory_space<vmem>>
      tpu.enqueue_dma source(%dma_start3A_1125 : memref<8x128xf32, #tpu.memory_space<vmem>>) target(%dma_start3A_1121 : memref<8x128xf32, #tpu.memory_space<hbm>>) target_semaphore(%arg12 : memref<!tpu.dma_semaphore, #tpu.memory_space<semaphore_mem>>)
      %mul3A_1126 = arith.constant 4 : i32
      %mul3A_1127 = arith.muli %add3A, %mul3A_1126 : i32
      %add3A_1128 = arith.constant 2 : i32
      %add3A_1129 = arith.addi %mul3A_1127, %add3A_1128 : i32
      %dma_start3A_1130 = arith.constant 0 : i32
      %dma_start3A_1131 = arith.constant 3 : i32
      %dma_start3A_1132 = arith.constant 24 : i32
      %dma_start3A_1133 = arith.constant 256 : i32
      %dma_start3A_1134 = tpu.memref_slice %arg7[%dma_start3A_1130, %dma_start3A_1132, %dma_start3A_1133] : memref<2x32x513xf32, #tpu.memory_space<vmem>> -> memref<1x8x128xf32, #tpu.memory_space<vmem>>
      %dma_start3A_1135 = tpu.memref_squeeze %dma_start3A_1134 : memref<1x8x128xf32, #tpu.memory_space<vmem>> -> memref<8x128xf32, #tpu.memory_space<vmem>>
      %dma_start3A_1136 = arith.constant 0 : i32
      %dma_start3A_1137 = arith.constant 0 : i32
      %dma_start3A_1138 = tpu.memref_slice %arg4[%add3A_797, %dma_start3A_1131, %add3A_1129, %dma_start3A_1136, %dma_start3A_1137] : memref<100x4x128x8x128xf32, #tpu.memory_space<hbm>> -> memref<1x1x1x8x128xf32, #tpu.memory_space<hbm>>
      %dma_start3A_1139 = tpu.memref_squeeze %dma_start3A_1138 : memref<1x1x1x8x128xf32, #tpu.memory_space<hbm>> -> memref<8x128xf32, #tpu.memory_space<hbm>>
      %dma_start3A_1140 = arith.constant 0 : i32
      %dma_start3A_1141 = arith.constant 0 : i32
      %dma_start3A_1142 = tpu.memref_slice %arg4[%add3A_797, %dma_start3A_1131, %add3A_1129, %dma_start3A_1140, %dma_start3A_1141] : memref<100x4x128x8x128xf32, #tpu.memory_space<hbm>> -> memref<1x1x1x8x128xf32, #tpu.memory_space<hbm>>
      %dma_start3A_1143 = tpu.memref_squeeze %dma_start3A_1142 : memref<1x1x1x8x128xf32, #tpu.memory_space<hbm>> -> memref<8x128xf32, #tpu.memory_space<hbm>>
      %dma_start3A_1144 = arith.constant 24 : i32
      %dma_start3A_1145 = arith.constant 256 : i32
      %dma_start3A_1146 = tpu.memref_slice %arg7[%dma_start3A_1130, %dma_start3A_1144, %dma_start3A_1145] : memref<2x32x513xf32, #tpu.memory_space<vmem>> -> memref<1x8x128xf32, #tpu.memory_space<vmem>>
      %dma_start3A_1147 = tpu.memref_squeeze %dma_start3A_1146 : memref<1x8x128xf32, #tpu.memory_space<vmem>> -> memref<8x128xf32, #tpu.memory_space<vmem>>
      tpu.enqueue_dma source(%dma_start3A_1147 : memref<8x128xf32, #tpu.memory_space<vmem>>) target(%dma_start3A_1143 : memref<8x128xf32, #tpu.memory_space<hbm>>) target_semaphore(%arg12 : memref<!tpu.dma_semaphore, #tpu.memory_space<semaphore_mem>>)
      %mul3A_1148 = arith.constant 4 : i32
      %mul3A_1149 = arith.muli %add3A, %mul3A_1148 : i32
      %add3A_1150 = arith.constant 3 : i32
      %add3A_1151 = arith.addi %mul3A_1149, %add3A_1150 : i32
      %dma_start3A_1152 = arith.constant 0 : i32
      %dma_start3A_1153 = arith.constant 3 : i32
      %dma_start3A_1154 = arith.constant 24 : i32
      %dma_start3A_1155 = arith.constant 384 : i32
      %dma_start3A_1156 = tpu.memref_slice %arg7[%dma_start3A_1152, %dma_start3A_1154, %dma_start3A_1155] : memref<2x32x513xf32, #tpu.memory_space<vmem>> -> memref<1x8x128xf32, #tpu.memory_space<vmem>>
      %dma_start3A_1157 = tpu.memref_squeeze %dma_start3A_1156 : memref<1x8x128xf32, #tpu.memory_space<vmem>> -> memref<8x128xf32, #tpu.memory_space<vmem>>
      %dma_start3A_1158 = arith.constant 0 : i32
      %dma_start3A_1159 = arith.constant 0 : i32
      %dma_start3A_1160 = tpu.memref_slice %arg4[%add3A_797, %dma_start3A_1153, %add3A_1151, %dma_start3A_1158, %dma_start3A_1159] : memref<100x4x128x8x128xf32, #tpu.memory_space<hbm>> -> memref<1x1x1x8x128xf32, #tpu.memory_space<hbm>>
      %dma_start3A_1161 = tpu.memref_squeeze %dma_start3A_1160 : memref<1x1x1x8x128xf32, #tpu.memory_space<hbm>> -> memref<8x128xf32, #tpu.memory_space<hbm>>
      %dma_start3A_1162 = arith.constant 0 : i32
      %dma_start3A_1163 = arith.constant 0 : i32
      %dma_start3A_1164 = tpu.memref_slice %arg4[%add3A_797, %dma_start3A_1153, %add3A_1151, %dma_start3A_1162, %dma_start3A_1163] : memref<100x4x128x8x128xf32, #tpu.memory_space<hbm>> -> memref<1x1x1x8x128xf32, #tpu.memory_space<hbm>>
      %dma_start3A_1165 = tpu.memref_squeeze %dma_start3A_1164 : memref<1x1x1x8x128xf32, #tpu.memory_space<hbm>> -> memref<8x128xf32, #tpu.memory_space<hbm>>
      %dma_start3A_1166 = arith.constant 24 : i32
      %dma_start3A_1167 = arith.constant 384 : i32
      %dma_start3A_1168 = tpu.memref_slice %arg7[%dma_start3A_1152, %dma_start3A_1166, %dma_start3A_1167] : memref<2x32x513xf32, #tpu.memory_space<vmem>> -> memref<1x8x128xf32, #tpu.memory_space<vmem>>
      %dma_start3A_1169 = tpu.memref_squeeze %dma_start3A_1168 : memref<1x8x128xf32, #tpu.memory_space<vmem>> -> memref<8x128xf32, #tpu.memory_space<vmem>>
      tpu.enqueue_dma source(%dma_start3A_1169 : memref<8x128xf32, #tpu.memory_space<vmem>>) target(%dma_start3A_1165 : memref<8x128xf32, #tpu.memory_space<hbm>>) target_semaphore(%arg12 : memref<!tpu.dma_semaphore, #tpu.memory_space<semaphore_mem>>)
      %lt3A_1170 = arith.constant 98 : i32
      %lt3A_1171 = arith.cmpi slt, %add3A_797, %lt3A_1170 : i32
      %convert_element_type3A_1172 = arith.extui %lt3A_1171 : i1 to i32
      %cond3A_1173 = arith.constant 0 : i32
      %cond3A_1174 = arith.cmpi ne, %convert_element_type3A_1172, %cond3A_1173 : i32
      scf.if %cond3A_1174 {
        %add3A_1561 = arith.constant 2 : i32
        %add3A_1562 = arith.addi %add3A_797, %add3A_1561 : i32
        %dma_start3A_1563 = arith.constant 0 : i32
        %dma_start3A_1564 = arith.constant 0 : i32
        %dma_start3A_1565 = tpu.memref_slice %arg5[%dma_start3A_1563, %dma_start3A_1564] : memref<2x512xi32, #tpu.memory_space<vmem>> -> memref<1x512xi32, #tpu.memory_space<vmem>>
        %dma_start3A_1566 = tpu.memref_squeeze %dma_start3A_1565 : memref<1x512xi32, #tpu.memory_space<vmem>> -> memref<512xi32, #tpu.memory_space<vmem>>
        %dma_start3A_1567 = tpu.memref_slice %arg3[%add3A_1562, %mul3A_2] : memref<100x16384xi32, #tpu.memory_space<hbm>> -> memref<1x512xi32, #tpu.memory_space<hbm>>
        %dma_start3A_1568 = tpu.memref_squeeze %dma_start3A_1567 : memref<1x512xi32, #tpu.memory_space<hbm>> -> memref<512xi32, #tpu.memory_space<hbm>>
        %dma_start3A_1569 = arith.constant 0 : i32
        %dma_start3A_1570 = tpu.memref_slice %arg5[%dma_start3A_1563, %dma_start3A_1569] : memref<2x512xi32, #tpu.memory_space<vmem>> -> memref<1x512xi32, #tpu.memory_space<vmem>>
        %dma_start3A_1571 = tpu.memref_squeeze %dma_start3A_1570 : memref<1x512xi32, #tpu.memory_space<vmem>> -> memref<512xi32, #tpu.memory_space<vmem>>
        %dma_start3A_1572 = tpu.memref_slice %arg3[%add3A_1562, %mul3A_2] : memref<100x16384xi32, #tpu.memory_space<hbm>> -> memref<1x512xi32, #tpu.memory_space<hbm>>
        %dma_start3A_1573 = tpu.memref_squeeze %dma_start3A_1572 : memref<1x512xi32, #tpu.memory_space<hbm>> -> memref<512xi32, #tpu.memory_space<hbm>>
        tpu.enqueue_dma source(%dma_start3A_1573 : memref<512xi32, #tpu.memory_space<hbm>>) target(%dma_start3A_1571 : memref<512xi32, #tpu.memory_space<vmem>>) target_semaphore(%arg8 : memref<!tpu.dma_semaphore, #tpu.memory_space<semaphore_mem>>)
      } else {
      }
      %mul3A_1175 = arith.constant 2 : i32
      %mul3A_1176 = arith.muli %mul3A_1175, %add3A_793 : i32
      %add3A_1177 = arith.constant 1 : i32
      %add3A_1178 = arith.addi %mul3A_1176, %add3A_1177 : i32
      %lt3A_1179 = arith.constant 99 : i32
      %lt3A_1180 = arith.cmpi slt, %add3A_1178, %lt3A_1179 : i32
      %convert_element_type3A_1181 = arith.extui %lt3A_1180 : i1 to i32
      %cond3A_1182 = arith.constant 0 : i32
      %cond3A_1183 = arith.cmpi ne, %convert_element_type3A_1181, %cond3A_1182 : i32
      scf.if %cond3A_1183 {
        %dma_wait3A_1561 = arith.constant 0 : i32
        %dma_wait3A_1562 = arith.constant 0 : i32
        %dma_wait3A_1563 = arith.constant 0 : i32
        %dma_wait3A_1564 = tpu.memref_slice %arg5[%dma_wait3A_1562, %dma_wait3A_1563] : memref<2x512xi32, #tpu.memory_space<vmem>> -> memref<1x512xi32, #tpu.memory_space<vmem>>
        %dma_wait3A_1565 = tpu.memref_squeeze %dma_wait3A_1564 : memref<1x512xi32, #tpu.memory_space<vmem>> -> memref<512xi32, #tpu.memory_space<vmem>>
        %dma_wait3A_1566 = tpu.memref_slice %arg3[%dma_wait3A_1561, %mul3A_2] : memref<100x16384xi32, #tpu.memory_space<hbm>> -> memref<1x512xi32, #tpu.memory_space<hbm>>
        %dma_wait3A_1567 = tpu.memref_squeeze %dma_wait3A_1566 : memref<1x512xi32, #tpu.memory_space<hbm>> -> memref<512xi32, #tpu.memory_space<hbm>>
        %dma_wait3A_1568 = arith.constant 0 : i32
        %dma_wait3A_1569 = tpu.memref_slice %arg5[%dma_wait3A_1562, %dma_wait3A_1568] : memref<2x512xi32, #tpu.memory_space<vmem>> -> memref<1x512xi32, #tpu.memory_space<vmem>>
        %dma_wait3A_1570 = tpu.memref_squeeze %dma_wait3A_1569 : memref<1x512xi32, #tpu.memory_space<vmem>> -> memref<512xi32, #tpu.memory_space<vmem>>
        %dma_wait3A_1571 = tpu.memref_slice %arg3[%dma_wait3A_1561, %mul3A_2] : memref<100x16384xi32, #tpu.memory_space<hbm>> -> memref<1x512xi32, #tpu.memory_space<hbm>>
        %dma_wait3A_1572 = tpu.memref_squeeze %dma_wait3A_1571 : memref<1x512xi32, #tpu.memory_space<hbm>> -> memref<512xi32, #tpu.memory_space<hbm>>
        tpu.wait_dma2 semaphore(%arg8 : memref<!tpu.dma_semaphore, #tpu.memory_space<semaphore_mem>>) src(%dma_wait3A_1572 : memref<512xi32, #tpu.memory_space<hbm>>) dst(%dma_wait3A_1570 : memref<512xi32, #tpu.memory_space<vmem>>)
        %dma_start3A_1573 = arith.constant 0 : i32
        %dma_start3A_1574 = arith.constant 0 : i32
        %dma_start3A_1575 = arith.constant 0 : i32
        %dma_start3A_1576 = arith.constant 0 : i32
        %dma_start3A_1577 = tpu.memref_slice %arg6[%dma_start3A_1574, %dma_start3A_1575, %dma_start3A_1576] : memref<2x512x32xf32, #tpu.memory_space<vmem>> -> memref<1x512x32xf32, #tpu.memory_space<vmem>>
        %dma_start3A_1578 = tpu.memref_squeeze %dma_start3A_1577 : memref<1x512x32xf32, #tpu.memory_space<vmem>> -> memref<512x32xf32, #tpu.memory_space<vmem>>
        %dma_start3A_1579 = arith.constant 0 : i32
        %dma_start3A_1580 = tpu.memref_slice %arg5[%dma_start3A_1573, %dma_start3A_1579] : memref<2x512xi32, #tpu.memory_space<vmem>> -> memref<1x512xi32, #tpu.memory_space<vmem>>
        %dma_start3A_1581 = tpu.memref_squeeze %dma_start3A_1580 : memref<1x512xi32, #tpu.memory_space<vmem>> -> memref<512xi32, #tpu.memory_space<vmem>>
        %dma_start3A_1582 = arith.constant 0 : i32
        %dma_start3A_1583 = arith.constant 0 : i32
        %dma_start3A_1584 = tpu.memref_slice %arg2[%dma_start3A_1582, %dma_start3A_1583] : memref<1000000x32xf32, #tpu.memory_space<hbm>> -> memref<1000000x32xf32, #tpu.memory_space<hbm>>
        tpu.enqueue_indirect_dma source(%dma_start3A_1584 : memref<1000000x32xf32, #tpu.memory_space<hbm>>) target(%dma_start3A_1578 : memref<512x32xf32, #tpu.memory_space<vmem>>) offsets(%dma_start3A_1581 : memref<512xi32, #tpu.memory_space<vmem>>) semaphore(%arg10 : memref<!tpu.dma_semaphore, #tpu.memory_space<semaphore_mem>>)
      } else {
      }
      %dma_wait3A_1184 = arith.constant 1 : i32
      %dma_wait3A_1185 = arith.constant 1 : i32
      %dma_wait3A_1186 = arith.constant 0 : i32
      %dma_wait3A_1187 = arith.constant 0 : i32
      %dma_wait3A_1188 = tpu.memref_slice %arg6[%dma_wait3A_1185, %dma_wait3A_1186, %dma_wait3A_1187] : memref<2x512x32xf32, #tpu.memory_space<vmem>> -> memref<1x512x32xf32, #tpu.memory_space<vmem>>
      %dma_wait3A_1189 = tpu.memref_squeeze %dma_wait3A_1188 : memref<1x512x32xf32, #tpu.memory_space<vmem>> -> memref<512x32xf32, #tpu.memory_space<vmem>>
      %dma_wait3A_1190 = arith.constant 0 : i32
      %dma_wait3A_1191 = tpu.memref_slice %arg5[%dma_wait3A_1184, %dma_wait3A_1190] : memref<2x512xi32, #tpu.memory_space<vmem>> -> memref<1x512xi32, #tpu.memory_space<vmem>>
      %dma_wait3A_1192 = tpu.memref_squeeze %dma_wait3A_1191 : memref<1x512xi32, #tpu.memory_space<vmem>> -> memref<512xi32, #tpu.memory_space<vmem>>
      %dma_wait3A_1193 = arith.constant 0 : i32
      %dma_wait3A_1194 = arith.constant 0 : i32
      %dma_wait3A_1195 = tpu.memref_slice %arg2[%dma_wait3A_1193, %dma_wait3A_1194] : memref<1000000x32xf32, #tpu.memory_space<hbm>> -> memref<1000000x32xf32, #tpu.memory_space<hbm>>
      tpu.wait_indirect_dma semaphore(%arg11 : memref<!tpu.dma_semaphore, #tpu.memory_space<semaphore_mem>>) src(%dma_wait3A_1195 : memref<1000000x32xf32, #tpu.memory_space<hbm>>) dst(%dma_wait3A_1189 : memref<512x32xf32, #tpu.memory_space<vmem>>)
      %ge3A_1196 = arith.constant 2 : i32
      %ge3A_1197 = arith.cmpi sge, %add3A_1178, %ge3A_1196 : i32
      %convert_element_type3A_1198 = arith.extui %ge3A_1197 : i1 to i32
      %cond3A_1199 = arith.constant 0 : i32
      %cond3A_1200 = arith.cmpi ne, %convert_element_type3A_1198, %cond3A_1199 : i32
      scf.if %cond3A_1200 {
        %mul3A_1561 = arith.constant 4 : i32
        %mul3A_1562 = arith.muli %add3A, %mul3A_1561 : i32
        %add3A_1563 = arith.constant 0 : i32
        %add3A_1564 = arith.addi %mul3A_1562, %add3A_1563 : i32
        %dma_wait3A_1565 = arith.constant 1 : i32
        %dma_wait3A_1566 = arith.constant 0 : i32
        %dma_wait3A_1567 = arith.constant 0 : i32
        %dma_wait3A_1568 = arith.constant 0 : i32
        %dma_wait3A_1569 = arith.constant 0 : i32
        %dma_wait3A_1570 = tpu.memref_slice %arg7[%dma_wait3A_1565, %dma_wait3A_1568, %dma_wait3A_1569] : memref<2x32x513xf32, #tpu.memory_space<vmem>> -> memref<1x8x128xf32, #tpu.memory_space<vmem>>
        %dma_wait3A_1571 = tpu.memref_squeeze %dma_wait3A_1570 : memref<1x8x128xf32, #tpu.memory_space<vmem>> -> memref<8x128xf32, #tpu.memory_space<vmem>>
        %dma_wait3A_1572 = arith.constant 0 : i32
        %dma_wait3A_1573 = arith.constant 0 : i32
        %dma_wait3A_1574 = tpu.memref_slice %arg4[%dma_wait3A_1566, %dma_wait3A_1567, %add3A_1564, %dma_wait3A_1572, %dma_wait3A_1573] : memref<100x4x128x8x128xf32, #tpu.memory_space<hbm>> -> memref<1x1x1x8x128xf32, #tpu.memory_space<hbm>>
        %dma_wait3A_1575 = tpu.memref_squeeze %dma_wait3A_1574 : memref<1x1x1x8x128xf32, #tpu.memory_space<hbm>> -> memref<8x128xf32, #tpu.memory_space<hbm>>
        %dma_wait3A_1576 = arith.constant 0 : i32
        %dma_wait3A_1577 = arith.constant 0 : i32
        %dma_wait3A_1578 = tpu.memref_slice %arg4[%dma_wait3A_1566, %dma_wait3A_1567, %add3A_1564, %dma_wait3A_1576, %dma_wait3A_1577] : memref<100x4x128x8x128xf32, #tpu.memory_space<hbm>> -> memref<1x1x1x8x128xf32, #tpu.memory_space<hbm>>
        %dma_wait3A_1579 = tpu.memref_squeeze %dma_wait3A_1578 : memref<1x1x1x8x128xf32, #tpu.memory_space<hbm>> -> memref<8x128xf32, #tpu.memory_space<hbm>>
        %dma_wait3A_1580 = arith.constant 0 : i32
        %dma_wait3A_1581 = arith.constant 0 : i32
        %dma_wait3A_1582 = tpu.memref_slice %arg7[%dma_wait3A_1565, %dma_wait3A_1580, %dma_wait3A_1581] : memref<2x32x513xf32, #tpu.memory_space<vmem>> -> memref<1x8x128xf32, #tpu.memory_space<vmem>>
        %dma_wait3A_1583 = tpu.memref_squeeze %dma_wait3A_1582 : memref<1x8x128xf32, #tpu.memory_space<vmem>> -> memref<8x128xf32, #tpu.memory_space<vmem>>
        tpu.wait_dma2 semaphore(%arg13 : memref<!tpu.dma_semaphore, #tpu.memory_space<semaphore_mem>>) src(%dma_wait3A_1583 : memref<8x128xf32, #tpu.memory_space<vmem>>) dst(%dma_wait3A_1579 : memref<8x128xf32, #tpu.memory_space<hbm>>)
        %mul3A_1584 = arith.constant 4 : i32
        %mul3A_1585 = arith.muli %add3A, %mul3A_1584 : i32
        %add3A_1586 = arith.constant 1 : i32
        %add3A_1587 = arith.addi %mul3A_1585, %add3A_1586 : i32
        %dma_wait3A_1588 = arith.constant 1 : i32
        %dma_wait3A_1589 = arith.constant 0 : i32
        %dma_wait3A_1590 = arith.constant 0 : i32
        %dma_wait3A_1591 = arith.constant 0 : i32
        %dma_wait3A_1592 = arith.constant 128 : i32
        %dma_wait3A_1593 = tpu.memref_slice %arg7[%dma_wait3A_1588, %dma_wait3A_1591, %dma_wait3A_1592] : memref<2x32x513xf32, #tpu.memory_space<vmem>> -> memref<1x8x128xf32, #tpu.memory_space<vmem>>
        %dma_wait3A_1594 = tpu.memref_squeeze %dma_wait3A_1593 : memref<1x8x128xf32, #tpu.memory_space<vmem>> -> memref<8x128xf32, #tpu.memory_space<vmem>>
        %dma_wait3A_1595 = arith.constant 0 : i32
        %dma_wait3A_1596 = arith.constant 0 : i32
        %dma_wait3A_1597 = tpu.memref_slice %arg4[%dma_wait3A_1589, %dma_wait3A_1590, %add3A_1587, %dma_wait3A_1595, %dma_wait3A_1596] : memref<100x4x128x8x128xf32, #tpu.memory_space<hbm>> -> memref<1x1x1x8x128xf32, #tpu.memory_space<hbm>>
        %dma_wait3A_1598 = tpu.memref_squeeze %dma_wait3A_1597 : memref<1x1x1x8x128xf32, #tpu.memory_space<hbm>> -> memref<8x128xf32, #tpu.memory_space<hbm>>
        %dma_wait3A_1599 = arith.constant 0 : i32
        %dma_wait3A_1600 = arith.constant 0 : i32
        %dma_wait3A_1601 = tpu.memref_slice %arg4[%dma_wait3A_1589, %dma_wait3A_1590, %add3A_1587, %dma_wait3A_1599, %dma_wait3A_1600] : memref<100x4x128x8x128xf32, #tpu.memory_space<hbm>> -> memref<1x1x1x8x128xf32, #tpu.memory_space<hbm>>
        %dma_wait3A_1602 = tpu.memref_squeeze %dma_wait3A_1601 : memref<1x1x1x8x128xf32, #tpu.memory_space<hbm>> -> memref<8x128xf32, #tpu.memory_space<hbm>>
        %dma_wait3A_1603 = arith.constant 0 : i32
        %dma_wait3A_1604 = arith.constant 128 : i32
        %dma_wait3A_1605 = tpu.memref_slice %arg7[%dma_wait3A_1588, %dma_wait3A_1603, %dma_wait3A_1604] : memref<2x32x513xf32, #tpu.memory_space<vmem>> -> memref<1x8x128xf32, #tpu.memory_space<vmem>>
        %dma_wait3A_1606 = tpu.memref_squeeze %dma_wait3A_1605 : memref<1x8x128xf32, #tpu.memory_space<vmem>> -> memref<8x128xf32, #tpu.memory_space<vmem>>
        tpu.wait_dma2 semaphore(%arg13 : memref<!tpu.dma_semaphore, #tpu.memory_space<semaphore_mem>>) src(%dma_wait3A_1606 : memref<8x128xf32, #tpu.memory_space<vmem>>) dst(%dma_wait3A_1602 : memref<8x128xf32, #tpu.memory_space<hbm>>)
        %mul3A_1607 = arith.constant 4 : i32
        %mul3A_1608 = arith.muli %add3A, %mul3A_1607 : i32
        %add3A_1609 = arith.constant 2 : i32
        %add3A_1610 = arith.addi %mul3A_1608, %add3A_1609 : i32
        %dma_wait3A_1611 = arith.constant 1 : i32
        %dma_wait3A_1612 = arith.constant 0 : i32
        %dma_wait3A_1613 = arith.constant 0 : i32
        %dma_wait3A_1614 = arith.constant 0 : i32
        %dma_wait3A_1615 = arith.constant 256 : i32
        %dma_wait3A_1616 = tpu.memref_slice %arg7[%dma_wait3A_1611, %dma_wait3A_1614, %dma_wait3A_1615] : memref<2x32x513xf32, #tpu.memory_space<vmem>> -> memref<1x8x128xf32, #tpu.memory_space<vmem>>
        %dma_wait3A_1617 = tpu.memref_squeeze %dma_wait3A_1616 : memref<1x8x128xf32, #tpu.memory_space<vmem>> -> memref<8x128xf32, #tpu.memory_space<vmem>>
        %dma_wait3A_1618 = arith.constant 0 : i32
        %dma_wait3A_1619 = arith.constant 0 : i32
        %dma_wait3A_1620 = tpu.memref_slice %arg4[%dma_wait3A_1612, %dma_wait3A_1613, %add3A_1610, %dma_wait3A_1618, %dma_wait3A_1619] : memref<100x4x128x8x128xf32, #tpu.memory_space<hbm>> -> memref<1x1x1x8x128xf32, #tpu.memory_space<hbm>>
        %dma_wait3A_1621 = tpu.memref_squeeze %dma_wait3A_1620 : memref<1x1x1x8x128xf32, #tpu.memory_space<hbm>> -> memref<8x128xf32, #tpu.memory_space<hbm>>
        %dma_wait3A_1622 = arith.constant 0 : i32
        %dma_wait3A_1623 = arith.constant 0 : i32
        %dma_wait3A_1624 = tpu.memref_slice %arg4[%dma_wait3A_1612, %dma_wait3A_1613, %add3A_1610, %dma_wait3A_1622, %dma_wait3A_1623] : memref<100x4x128x8x128xf32, #tpu.memory_space<hbm>> -> memref<1x1x1x8x128xf32, #tpu.memory_space<hbm>>
        %dma_wait3A_1625 = tpu.memref_squeeze %dma_wait3A_1624 : memref<1x1x1x8x128xf32, #tpu.memory_space<hbm>> -> memref<8x128xf32, #tpu.memory_space<hbm>>
        %dma_wait3A_1626 = arith.constant 0 : i32
        %dma_wait3A_1627 = arith.constant 256 : i32
        %dma_wait3A_1628 = tpu.memref_slice %arg7[%dma_wait3A_1611, %dma_wait3A_1626, %dma_wait3A_1627] : memref<2x32x513xf32, #tpu.memory_space<vmem>> -> memref<1x8x128xf32, #tpu.memory_space<vmem>>
        %dma_wait3A_1629 = tpu.memref_squeeze %dma_wait3A_1628 : memref<1x8x128xf32, #tpu.memory_space<vmem>> -> memref<8x128xf32, #tpu.memory_space<vmem>>
        tpu.wait_dma2 semaphore(%arg13 : memref<!tpu.dma_semaphore, #tpu.memory_space<semaphore_mem>>) src(%dma_wait3A_1629 : memref<8x128xf32, #tpu.memory_space<vmem>>) dst(%dma_wait3A_1625 : memref<8x128xf32, #tpu.memory_space<hbm>>)
        %mul3A_1630 = arith.constant 4 : i32
        %mul3A_1631 = arith.muli %add3A, %mul3A_1630 : i32
        %add3A_1632 = arith.constant 3 : i32
        %add3A_1633 = arith.addi %mul3A_1631, %add3A_1632 : i32
        %dma_wait3A_1634 = arith.constant 1 : i32
        %dma_wait3A_1635 = arith.constant 0 : i32
        %dma_wait3A_1636 = arith.constant 0 : i32
        %dma_wait3A_1637 = arith.constant 0 : i32
        %dma_wait3A_1638 = arith.constant 384 : i32
        %dma_wait3A_1639 = tpu.memref_slice %arg7[%dma_wait3A_1634, %dma_wait3A_1637, %dma_wait3A_1638] : memref<2x32x513xf32, #tpu.memory_space<vmem>> -> memref<1x8x128xf32, #tpu.memory_space<vmem>>
        %dma_wait3A_1640 = tpu.memref_squeeze %dma_wait3A_1639 : memref<1x8x128xf32, #tpu.memory_space<vmem>> -> memref<8x128xf32, #tpu.memory_space<vmem>>
        %dma_wait3A_1641 = arith.constant 0 : i32
        %dma_wait3A_1642 = arith.constant 0 : i32
        %dma_wait3A_1643 = tpu.memref_slice %arg4[%dma_wait3A_1635, %dma_wait3A_1636, %add3A_1633, %dma_wait3A_1641, %dma_wait3A_1642] : memref<100x4x128x8x128xf32, #tpu.memory_space<hbm>> -> memref<1x1x1x8x128xf32, #tpu.memory_space<hbm>>
        %dma_wait3A_1644 = tpu.memref_squeeze %dma_wait3A_1643 : memref<1x1x1x8x128xf32, #tpu.memory_space<hbm>> -> memref<8x128xf32, #tpu.memory_space<hbm>>
        %dma_wait3A_1645 = arith.constant 0 : i32
        %dma_wait3A_1646 = arith.constant 0 : i32
        %dma_wait3A_1647 = tpu.memref_slice %arg4[%dma_wait3A_1635, %dma_wait3A_1636, %add3A_1633, %dma_wait3A_1645, %dma_wait3A_1646] : memref<100x4x128x8x128xf32, #tpu.memory_space<hbm>> -> memref<1x1x1x8x128xf32, #tpu.memory_space<hbm>>
        %dma_wait3A_1648 = tpu.memref_squeeze %dma_wait3A_1647 : memref<1x1x1x8x128xf32, #tpu.memory_space<hbm>> -> memref<8x128xf32, #tpu.memory_space<hbm>>
        %dma_wait3A_1649 = arith.constant 0 : i32
        %dma_wait3A_1650 = arith.constant 384 : i32
        %dma_wait3A_1651 = tpu.memref_slice %arg7[%dma_wait3A_1634, %dma_wait3A_1649, %dma_wait3A_1650] : memref<2x32x513xf32, #tpu.memory_space<vmem>> -> memref<1x8x128xf32, #tpu.memory_space<vmem>>
        %dma_wait3A_1652 = tpu.memref_squeeze %dma_wait3A_1651 : memref<1x8x128xf32, #tpu.memory_space<vmem>> -> memref<8x128xf32, #tpu.memory_space<vmem>>
        tpu.wait_dma2 semaphore(%arg13 : memref<!tpu.dma_semaphore, #tpu.memory_space<semaphore_mem>>) src(%dma_wait3A_1652 : memref<8x128xf32, #tpu.memory_space<vmem>>) dst(%dma_wait3A_1648 : memref<8x128xf32, #tpu.memory_space<hbm>>)
        %mul3A_1653 = arith.constant 4 : i32
        %mul3A_1654 = arith.muli %add3A, %mul3A_1653 : i32
        %add3A_1655 = arith.constant 0 : i32
        %add3A_1656 = arith.addi %mul3A_1654, %add3A_1655 : i32
        %dma_wait3A_1657 = arith.constant 1 : i32
        %dma_wait3A_1658 = arith.constant 0 : i32
        %dma_wait3A_1659 = arith.constant 1 : i32
        %dma_wait3A_1660 = arith.constant 8 : i32
        %dma_wait3A_1661 = arith.constant 0 : i32
        %dma_wait3A_1662 = tpu.memref_slice %arg7[%dma_wait3A_1657, %dma_wait3A_1660, %dma_wait3A_1661] : memref<2x32x513xf32, #tpu.memory_space<vmem>> -> memref<1x8x128xf32, #tpu.memory_space<vmem>>
        %dma_wait3A_1663 = tpu.memref_squeeze %dma_wait3A_1662 : memref<1x8x128xf32, #tpu.memory_space<vmem>> -> memref<8x128xf32, #tpu.memory_space<vmem>>
        %dma_wait3A_1664 = arith.constant 0 : i32
        %dma_wait3A_1665 = arith.constant 0 : i32
        %dma_wait3A_1666 = tpu.memref_slice %arg4[%dma_wait3A_1658, %dma_wait3A_1659, %add3A_1656, %dma_wait3A_1664, %dma_wait3A_1665] : memref<100x4x128x8x128xf32, #tpu.memory_space<hbm>> -> memref<1x1x1x8x128xf32, #tpu.memory_space<hbm>>
        %dma_wait3A_1667 = tpu.memref_squeeze %dma_wait3A_1666 : memref<1x1x1x8x128xf32, #tpu.memory_space<hbm>> -> memref<8x128xf32, #tpu.memory_space<hbm>>
        %dma_wait3A_1668 = arith.constant 0 : i32
        %dma_wait3A_1669 = arith.constant 0 : i32
        %dma_wait3A_1670 = tpu.memref_slice %arg4[%dma_wait3A_1658, %dma_wait3A_1659, %add3A_1656, %dma_wait3A_1668, %dma_wait3A_1669] : memref<100x4x128x8x128xf32, #tpu.memory_space<hbm>> -> memref<1x1x1x8x128xf32, #tpu.memory_space<hbm>>
        %dma_wait3A_1671 = tpu.memref_squeeze %dma_wait3A_1670 : memref<1x1x1x8x128xf32, #tpu.memory_space<hbm>> -> memref<8x128xf32, #tpu.memory_space<hbm>>
        %dma_wait3A_1672 = arith.constant 8 : i32
        %dma_wait3A_1673 = arith.constant 0 : i32
        %dma_wait3A_1674 = tpu.memref_slice %arg7[%dma_wait3A_1657, %dma_wait3A_1672, %dma_wait3A_1673] : memref<2x32x513xf32, #tpu.memory_space<vmem>> -> memref<1x8x128xf32, #tpu.memory_space<vmem>>
        %dma_wait3A_1675 = tpu.memref_squeeze %dma_wait3A_1674 : memref<1x8x128xf32, #tpu.memory_space<vmem>> -> memref<8x128xf32, #tpu.memory_space<vmem>>
        tpu.wait_dma2 semaphore(%arg13 : memref<!tpu.dma_semaphore, #tpu.memory_space<semaphore_mem>>) src(%dma_wait3A_1675 : memref<8x128xf32, #tpu.memory_space<vmem>>) dst(%dma_wait3A_1671 : memref<8x128xf32, #tpu.memory_space<hbm>>)
        %mul3A_1676 = arith.constant 4 : i32
        %mul3A_1677 = arith.muli %add3A, %mul3A_1676 : i32
        %add3A_1678 = arith.constant 1 : i32
        %add3A_1679 = arith.addi %mul3A_1677, %add3A_1678 : i32
        %dma_wait3A_1680 = arith.constant 1 : i32
        %dma_wait3A_1681 = arith.constant 0 : i32
        %dma_wait3A_1682 = arith.constant 1 : i32
        %dma_wait3A_1683 = arith.constant 8 : i32
        %dma_wait3A_1684 = arith.constant 128 : i32
        %dma_wait3A_1685 = tpu.memref_slice %arg7[%dma_wait3A_1680, %dma_wait3A_1683, %dma_wait3A_1684] : memref<2x32x513xf32, #tpu.memory_space<vmem>> -> memref<1x8x128xf32, #tpu.memory_space<vmem>>
        %dma_wait3A_1686 = tpu.memref_squeeze %dma_wait3A_1685 : memref<1x8x128xf32, #tpu.memory_space<vmem>> -> memref<8x128xf32, #tpu.memory_space<vmem>>
        %dma_wait3A_1687 = arith.constant 0 : i32
        %dma_wait3A_1688 = arith.constant 0 : i32
        %dma_wait3A_1689 = tpu.memref_slice %arg4[%dma_wait3A_1681, %dma_wait3A_1682, %add3A_1679, %dma_wait3A_1687, %dma_wait3A_1688] : memref<100x4x128x8x128xf32, #tpu.memory_space<hbm>> -> memref<1x1x1x8x128xf32, #tpu.memory_space<hbm>>
        %dma_wait3A_1690 = tpu.memref_squeeze %dma_wait3A_1689 : memref<1x1x1x8x128xf32, #tpu.memory_space<hbm>> -> memref<8x128xf32, #tpu.memory_space<hbm>>
        %dma_wait3A_1691 = arith.constant 0 : i32
        %dma_wait3A_1692 = arith.constant 0 : i32
        %dma_wait3A_1693 = tpu.memref_slice %arg4[%dma_wait3A_1681, %dma_wait3A_1682, %add3A_1679, %dma_wait3A_1691, %dma_wait3A_1692] : memref<100x4x128x8x128xf32, #tpu.memory_space<hbm>> -> memref<1x1x1x8x128xf32, #tpu.memory_space<hbm>>
        %dma_wait3A_1694 = tpu.memref_squeeze %dma_wait3A_1693 : memref<1x1x1x8x128xf32, #tpu.memory_space<hbm>> -> memref<8x128xf32, #tpu.memory_space<hbm>>
        %dma_wait3A_1695 = arith.constant 8 : i32
        %dma_wait3A_1696 = arith.constant 128 : i32
        %dma_wait3A_1697 = tpu.memref_slice %arg7[%dma_wait3A_1680, %dma_wait3A_1695, %dma_wait3A_1696] : memref<2x32x513xf32, #tpu.memory_space<vmem>> -> memref<1x8x128xf32, #tpu.memory_space<vmem>>
        %dma_wait3A_1698 = tpu.memref_squeeze %dma_wait3A_1697 : memref<1x8x128xf32, #tpu.memory_space<vmem>> -> memref<8x128xf32, #tpu.memory_space<vmem>>
        tpu.wait_dma2 semaphore(%arg13 : memref<!tpu.dma_semaphore, #tpu.memory_space<semaphore_mem>>) src(%dma_wait3A_1698 : memref<8x128xf32, #tpu.memory_space<vmem>>) dst(%dma_wait3A_1694 : memref<8x128xf32, #tpu.memory_space<hbm>>)
        %mul3A_1699 = arith.constant 4 : i32
        %mul3A_1700 = arith.muli %add3A, %mul3A_1699 : i32
        %add3A_1701 = arith.constant 2 : i32
        %add3A_1702 = arith.addi %mul3A_1700, %add3A_1701 : i32
        %dma_wait3A_1703 = arith.constant 1 : i32
        %dma_wait3A_1704 = arith.constant 0 : i32
        %dma_wait3A_1705 = arith.constant 1 : i32
        %dma_wait3A_1706 = arith.constant 8 : i32
        %dma_wait3A_1707 = arith.constant 256 : i32
        %dma_wait3A_1708 = tpu.memref_slice %arg7[%dma_wait3A_1703, %dma_wait3A_1706, %dma_wait3A_1707] : memref<2x32x513xf32, #tpu.memory_space<vmem>> -> memref<1x8x128xf32, #tpu.memory_space<vmem>>
        %dma_wait3A_1709 = tpu.memref_squeeze %dma_wait3A_1708 : memref<1x8x128xf32, #tpu.memory_space<vmem>> -> memref<8x128xf32, #tpu.memory_space<vmem>>
        %dma_wait3A_1710 = arith.constant 0 : i32
        %dma_wait3A_1711 = arith.constant 0 : i32
        %dma_wait3A_1712 = tpu.memref_slice %arg4[%dma_wait3A_1704, %dma_wait3A_1705, %add3A_1702, %dma_wait3A_1710, %dma_wait3A_1711] : memref<100x4x128x8x128xf32, #tpu.memory_space<hbm>> -> memref<1x1x1x8x128xf32, #tpu.memory_space<hbm>>
        %dma_wait3A_1713 = tpu.memref_squeeze %dma_wait3A_1712 : memref<1x1x1x8x128xf32, #tpu.memory_space<hbm>> -> memref<8x128xf32, #tpu.memory_space<hbm>>
        %dma_wait3A_1714 = arith.constant 0 : i32
        %dma_wait3A_1715 = arith.constant 0 : i32
        %dma_wait3A_1716 = tpu.memref_slice %arg4[%dma_wait3A_1704, %dma_wait3A_1705, %add3A_1702, %dma_wait3A_1714, %dma_wait3A_1715] : memref<100x4x128x8x128xf32, #tpu.memory_space<hbm>> -> memref<1x1x1x8x128xf32, #tpu.memory_space<hbm>>
        %dma_wait3A_1717 = tpu.memref_squeeze %dma_wait3A_1716 : memref<1x1x1x8x128xf32, #tpu.memory_space<hbm>> -> memref<8x128xf32, #tpu.memory_space<hbm>>
        %dma_wait3A_1718 = arith.constant 8 : i32
        %dma_wait3A_1719 = arith.constant 256 : i32
        %dma_wait3A_1720 = tpu.memref_slice %arg7[%dma_wait3A_1703, %dma_wait3A_1718, %dma_wait3A_1719] : memref<2x32x513xf32, #tpu.memory_space<vmem>> -> memref<1x8x128xf32, #tpu.memory_space<vmem>>
        %dma_wait3A_1721 = tpu.memref_squeeze %dma_wait3A_1720 : memref<1x8x128xf32, #tpu.memory_space<vmem>> -> memref<8x128xf32, #tpu.memory_space<vmem>>
        tpu.wait_dma2 semaphore(%arg13 : memref<!tpu.dma_semaphore, #tpu.memory_space<semaphore_mem>>) src(%dma_wait3A_1721 : memref<8x128xf32, #tpu.memory_space<vmem>>) dst(%dma_wait3A_1717 : memref<8x128xf32, #tpu.memory_space<hbm>>)
        %mul3A_1722 = arith.constant 4 : i32
        %mul3A_1723 = arith.muli %add3A, %mul3A_1722 : i32
        %add3A_1724 = arith.constant 3 : i32
        %add3A_1725 = arith.addi %mul3A_1723, %add3A_1724 : i32
        %dma_wait3A_1726 = arith.constant 1 : i32
        %dma_wait3A_1727 = arith.constant 0 : i32
        %dma_wait3A_1728 = arith.constant 1 : i32
        %dma_wait3A_1729 = arith.constant 8 : i32
        %dma_wait3A_1730 = arith.constant 384 : i32
        %dma_wait3A_1731 = tpu.memref_slice %arg7[%dma_wait3A_1726, %dma_wait3A_1729, %dma_wait3A_1730] : memref<2x32x513xf32, #tpu.memory_space<vmem>> -> memref<1x8x128xf32, #tpu.memory_space<vmem>>
        %dma_wait3A_1732 = tpu.memref_squeeze %dma_wait3A_1731 : memref<1x8x128xf32, #tpu.memory_space<vmem>> -> memref<8x128xf32, #tpu.memory_space<vmem>>
        %dma_wait3A_1733 = arith.constant 0 : i32
        %dma_wait3A_1734 = arith.constant 0 : i32
        %dma_wait3A_1735 = tpu.memref_slice %arg4[%dma_wait3A_1727, %dma_wait3A_1728, %add3A_1725, %dma_wait3A_1733, %dma_wait3A_1734] : memref<100x4x128x8x128xf32, #tpu.memory_space<hbm>> -> memref<1x1x1x8x128xf32, #tpu.memory_space<hbm>>
        %dma_wait3A_1736 = tpu.memref_squeeze %dma_wait3A_1735 : memref<1x1x1x8x128xf32, #tpu.memory_space<hbm>> -> memref<8x128xf32, #tpu.memory_space<hbm>>
        %dma_wait3A_1737 = arith.constant 0 : i32
        %dma_wait3A_1738 = arith.constant 0 : i32
        %dma_wait3A_1739 = tpu.memref_slice %arg4[%dma_wait3A_1727, %dma_wait3A_1728, %add3A_1725, %dma_wait3A_1737, %dma_wait3A_1738] : memref<100x4x128x8x128xf32, #tpu.memory_space<hbm>> -> memref<1x1x1x8x128xf32, #tpu.memory_space<hbm>>
        %dma_wait3A_1740 = tpu.memref_squeeze %dma_wait3A_1739 : memref<1x1x1x8x128xf32, #tpu.memory_space<hbm>> -> memref<8x128xf32, #tpu.memory_space<hbm>>
        %dma_wait3A_1741 = arith.constant 8 : i32
        %dma_wait3A_1742 = arith.constant 384 : i32
        %dma_wait3A_1743 = tpu.memref_slice %arg7[%dma_wait3A_1726, %dma_wait3A_1741, %dma_wait3A_1742] : memref<2x32x513xf32, #tpu.memory_space<vmem>> -> memref<1x8x128xf32, #tpu.memory_space<vmem>>
        %dma_wait3A_1744 = tpu.memref_squeeze %dma_wait3A_1743 : memref<1x8x128xf32, #tpu.memory_space<vmem>> -> memref<8x128xf32, #tpu.memory_space<vmem>>
        tpu.wait_dma2 semaphore(%arg13 : memref<!tpu.dma_semaphore, #tpu.memory_space<semaphore_mem>>) src(%dma_wait3A_1744 : memref<8x128xf32, #tpu.memory_space<vmem>>) dst(%dma_wait3A_1740 : memref<8x128xf32, #tpu.memory_space<hbm>>)
        %mul3A_1745 = arith.constant 4 : i32
        %mul3A_1746 = arith.muli %add3A, %mul3A_1745 : i32
        %add3A_1747 = arith.constant 0 : i32
        %add3A_1748 = arith.addi %mul3A_1746, %add3A_1747 : i32
        %dma_wait3A_1749 = arith.constant 1 : i32
        %dma_wait3A_1750 = arith.constant 0 : i32
        %dma_wait3A_1751 = arith.constant 2 : i32
        %dma_wait3A_1752 = arith.constant 16 : i32
        %dma_wait3A_1753 = arith.constant 0 : i32
        %dma_wait3A_1754 = tpu.memref_slice %arg7[%dma_wait3A_1749, %dma_wait3A_1752, %dma_wait3A_1753] : memref<2x32x513xf32, #tpu.memory_space<vmem>> -> memref<1x8x128xf32, #tpu.memory_space<vmem>>
        %dma_wait3A_1755 = tpu.memref_squeeze %dma_wait3A_1754 : memref<1x8x128xf32, #tpu.memory_space<vmem>> -> memref<8x128xf32, #tpu.memory_space<vmem>>
        %dma_wait3A_1756 = arith.constant 0 : i32
        %dma_wait3A_1757 = arith.constant 0 : i32
        %dma_wait3A_1758 = tpu.memref_slice %arg4[%dma_wait3A_1750, %dma_wait3A_1751, %add3A_1748, %dma_wait3A_1756, %dma_wait3A_1757] : memref<100x4x128x8x128xf32, #tpu.memory_space<hbm>> -> memref<1x1x1x8x128xf32, #tpu.memory_space<hbm>>
        %dma_wait3A_1759 = tpu.memref_squeeze %dma_wait3A_1758 : memref<1x1x1x8x128xf32, #tpu.memory_space<hbm>> -> memref<8x128xf32, #tpu.memory_space<hbm>>
        %dma_wait3A_1760 = arith.constant 0 : i32
        %dma_wait3A_1761 = arith.constant 0 : i32
        %dma_wait3A_1762 = tpu.memref_slice %arg4[%dma_wait3A_1750, %dma_wait3A_1751, %add3A_1748, %dma_wait3A_1760, %dma_wait3A_1761] : memref<100x4x128x8x128xf32, #tpu.memory_space<hbm>> -> memref<1x1x1x8x128xf32, #tpu.memory_space<hbm>>
        %dma_wait3A_1763 = tpu.memref_squeeze %dma_wait3A_1762 : memref<1x1x1x8x128xf32, #tpu.memory_space<hbm>> -> memref<8x128xf32, #tpu.memory_space<hbm>>
        %dma_wait3A_1764 = arith.constant 16 : i32
        %dma_wait3A_1765 = arith.constant 0 : i32
        %dma_wait3A_1766 = tpu.memref_slice %arg7[%dma_wait3A_1749, %dma_wait3A_1764, %dma_wait3A_1765] : memref<2x32x513xf32, #tpu.memory_space<vmem>> -> memref<1x8x128xf32, #tpu.memory_space<vmem>>
        %dma_wait3A_1767 = tpu.memref_squeeze %dma_wait3A_1766 : memref<1x8x128xf32, #tpu.memory_space<vmem>> -> memref<8x128xf32, #tpu.memory_space<vmem>>
        tpu.wait_dma2 semaphore(%arg13 : memref<!tpu.dma_semaphore, #tpu.memory_space<semaphore_mem>>) src(%dma_wait3A_1767 : memref<8x128xf32, #tpu.memory_space<vmem>>) dst(%dma_wait3A_1763 : memref<8x128xf32, #tpu.memory_space<hbm>>)
        %mul3A_1768 = arith.constant 4 : i32
        %mul3A_1769 = arith.muli %add3A, %mul3A_1768 : i32
        %add3A_1770 = arith.constant 1 : i32
        %add3A_1771 = arith.addi %mul3A_1769, %add3A_1770 : i32
        %dma_wait3A_1772 = arith.constant 1 : i32
        %dma_wait3A_1773 = arith.constant 0 : i32
        %dma_wait3A_1774 = arith.constant 2 : i32
        %dma_wait3A_1775 = arith.constant 16 : i32
        %dma_wait3A_1776 = arith.constant 128 : i32
        %dma_wait3A_1777 = tpu.memref_slice %arg7[%dma_wait3A_1772, %dma_wait3A_1775, %dma_wait3A_1776] : memref<2x32x513xf32, #tpu.memory_space<vmem>> -> memref<1x8x128xf32, #tpu.memory_space<vmem>>
        %dma_wait3A_1778 = tpu.memref_squeeze %dma_wait3A_1777 : memref<1x8x128xf32, #tpu.memory_space<vmem>> -> memref<8x128xf32, #tpu.memory_space<vmem>>
        %dma_wait3A_1779 = arith.constant 0 : i32
        %dma_wait3A_1780 = arith.constant 0 : i32
        %dma_wait3A_1781 = tpu.memref_slice %arg4[%dma_wait3A_1773, %dma_wait3A_1774, %add3A_1771, %dma_wait3A_1779, %dma_wait3A_1780] : memref<100x4x128x8x128xf32, #tpu.memory_space<hbm>> -> memref<1x1x1x8x128xf32, #tpu.memory_space<hbm>>
        %dma_wait3A_1782 = tpu.memref_squeeze %dma_wait3A_1781 : memref<1x1x1x8x128xf32, #tpu.memory_space<hbm>> -> memref<8x128xf32, #tpu.memory_space<hbm>>
        %dma_wait3A_1783 = arith.constant 0 : i32
        %dma_wait3A_1784 = arith.constant 0 : i32
        %dma_wait3A_1785 = tpu.memref_slice %arg4[%dma_wait3A_1773, %dma_wait3A_1774, %add3A_1771, %dma_wait3A_1783, %dma_wait3A_1784] : memref<100x4x128x8x128xf32, #tpu.memory_space<hbm>> -> memref<1x1x1x8x128xf32, #tpu.memory_space<hbm>>
        %dma_wait3A_1786 = tpu.memref_squeeze %dma_wait3A_1785 : memref<1x1x1x8x128xf32, #tpu.memory_space<hbm>> -> memref<8x128xf32, #tpu.memory_space<hbm>>
        %dma_wait3A_1787 = arith.constant 16 : i32
        %dma_wait3A_1788 = arith.constant 128 : i32
        %dma_wait3A_1789 = tpu.memref_slice %arg7[%dma_wait3A_1772, %dma_wait3A_1787, %dma_wait3A_1788] : memref<2x32x513xf32, #tpu.memory_space<vmem>> -> memref<1x8x128xf32, #tpu.memory_space<vmem>>
        %dma_wait3A_1790 = tpu.memref_squeeze %dma_wait3A_1789 : memref<1x8x128xf32, #tpu.memory_space<vmem>> -> memref<8x128xf32, #tpu.memory_space<vmem>>
        tpu.wait_dma2 semaphore(%arg13 : memref<!tpu.dma_semaphore, #tpu.memory_space<semaphore_mem>>) src(%dma_wait3A_1790 : memref<8x128xf32, #tpu.memory_space<vmem>>) dst(%dma_wait3A_1786 : memref<8x128xf32, #tpu.memory_space<hbm>>)
        %mul3A_1791 = arith.constant 4 : i32
        %mul3A_1792 = arith.muli %add3A, %mul3A_1791 : i32
        %add3A_1793 = arith.constant 2 : i32
        %add3A_1794 = arith.addi %mul3A_1792, %add3A_1793 : i32
        %dma_wait3A_1795 = arith.constant 1 : i32
        %dma_wait3A_1796 = arith.constant 0 : i32
        %dma_wait3A_1797 = arith.constant 2 : i32
        %dma_wait3A_1798 = arith.constant 16 : i32
        %dma_wait3A_1799 = arith.constant 256 : i32
        %dma_wait3A_1800 = tpu.memref_slice %arg7[%dma_wait3A_1795, %dma_wait3A_1798, %dma_wait3A_1799] : memref<2x32x513xf32, #tpu.memory_space<vmem>> -> memref<1x8x128xf32, #tpu.memory_space<vmem>>
        %dma_wait3A_1801 = tpu.memref_squeeze %dma_wait3A_1800 : memref<1x8x128xf32, #tpu.memory_space<vmem>> -> memref<8x128xf32, #tpu.memory_space<vmem>>
        %dma_wait3A_1802 = arith.constant 0 : i32
        %dma_wait3A_1803 = arith.constant 0 : i32
        %dma_wait3A_1804 = tpu.memref_slice %arg4[%dma_wait3A_1796, %dma_wait3A_1797, %add3A_1794, %dma_wait3A_1802, %dma_wait3A_1803] : memref<100x4x128x8x128xf32, #tpu.memory_space<hbm>> -> memref<1x1x1x8x128xf32, #tpu.memory_space<hbm>>
        %dma_wait3A_1805 = tpu.memref_squeeze %dma_wait3A_1804 : memref<1x1x1x8x128xf32, #tpu.memory_space<hbm>> -> memref<8x128xf32, #tpu.memory_space<hbm>>
        %dma_wait3A_1806 = arith.constant 0 : i32
        %dma_wait3A_1807 = arith.constant 0 : i32
        %dma_wait3A_1808 = tpu.memref_slice %arg4[%dma_wait3A_1796, %dma_wait3A_1797, %add3A_1794, %dma_wait3A_1806, %dma_wait3A_1807] : memref<100x4x128x8x128xf32, #tpu.memory_space<hbm>> -> memref<1x1x1x8x128xf32, #tpu.memory_space<hbm>>
        %dma_wait3A_1809 = tpu.memref_squeeze %dma_wait3A_1808 : memref<1x1x1x8x128xf32, #tpu.memory_space<hbm>> -> memref<8x128xf32, #tpu.memory_space<hbm>>
        %dma_wait3A_1810 = arith.constant 16 : i32
        %dma_wait3A_1811 = arith.constant 256 : i32
        %dma_wait3A_1812 = tpu.memref_slice %arg7[%dma_wait3A_1795, %dma_wait3A_1810, %dma_wait3A_1811] : memref<2x32x513xf32, #tpu.memory_space<vmem>> -> memref<1x8x128xf32, #tpu.memory_space<vmem>>
        %dma_wait3A_1813 = tpu.memref_squeeze %dma_wait3A_1812 : memref<1x8x128xf32, #tpu.memory_space<vmem>> -> memref<8x128xf32, #tpu.memory_space<vmem>>
        tpu.wait_dma2 semaphore(%arg13 : memref<!tpu.dma_semaphore, #tpu.memory_space<semaphore_mem>>) src(%dma_wait3A_1813 : memref<8x128xf32, #tpu.memory_space<vmem>>) dst(%dma_wait3A_1809 : memref<8x128xf32, #tpu.memory_space<hbm>>)
        %mul3A_1814 = arith.constant 4 : i32
        %mul3A_1815 = arith.muli %add3A, %mul3A_1814 : i32
        %add3A_1816 = arith.constant 3 : i32
        %add3A_1817 = arith.addi %mul3A_1815, %add3A_1816 : i32
        %dma_wait3A_1818 = arith.constant 1 : i32
        %dma_wait3A_1819 = arith.constant 0 : i32
        %dma_wait3A_1820 = arith.constant 2 : i32
        %dma_wait3A_1821 = arith.constant 16 : i32
        %dma_wait3A_1822 = arith.constant 384 : i32
        %dma_wait3A_1823 = tpu.memref_slice %arg7[%dma_wait3A_1818, %dma_wait3A_1821, %dma_wait3A_1822] : memref<2x32x513xf32, #tpu.memory_space<vmem>> -> memref<1x8x128xf32, #tpu.memory_space<vmem>>
        %dma_wait3A_1824 = tpu.memref_squeeze %dma_wait3A_1823 : memref<1x8x128xf32, #tpu.memory_space<vmem>> -> memref<8x128xf32, #tpu.memory_space<vmem>>
        %dma_wait3A_1825 = arith.constant 0 : i32
        %dma_wait3A_1826 = arith.constant 0 : i32
        %dma_wait3A_1827 = tpu.memref_slice %arg4[%dma_wait3A_1819, %dma_wait3A_1820, %add3A_1817, %dma_wait3A_1825, %dma_wait3A_1826] : memref<100x4x128x8x128xf32, #tpu.memory_space<hbm>> -> memref<1x1x1x8x128xf32, #tpu.memory_space<hbm>>
        %dma_wait3A_1828 = tpu.memref_squeeze %dma_wait3A_1827 : memref<1x1x1x8x128xf32, #tpu.memory_space<hbm>> -> memref<8x128xf32, #tpu.memory_space<hbm>>
        %dma_wait3A_1829 = arith.constant 0 : i32
        %dma_wait3A_1830 = arith.constant 0 : i32
        %dma_wait3A_1831 = tpu.memref_slice %arg4[%dma_wait3A_1819, %dma_wait3A_1820, %add3A_1817, %dma_wait3A_1829, %dma_wait3A_1830] : memref<100x4x128x8x128xf32, #tpu.memory_space<hbm>> -> memref<1x1x1x8x128xf32, #tpu.memory_space<hbm>>
        %dma_wait3A_1832 = tpu.memref_squeeze %dma_wait3A_1831 : memref<1x1x1x8x128xf32, #tpu.memory_space<hbm>> -> memref<8x128xf32, #tpu.memory_space<hbm>>
        %dma_wait3A_1833 = arith.constant 16 : i32
        %dma_wait3A_1834 = arith.constant 384 : i32
        %dma_wait3A_1835 = tpu.memref_slice %arg7[%dma_wait3A_1818, %dma_wait3A_1833, %dma_wait3A_1834] : memref<2x32x513xf32, #tpu.memory_space<vmem>> -> memref<1x8x128xf32, #tpu.memory_space<vmem>>
        %dma_wait3A_1836 = tpu.memref_squeeze %dma_wait3A_1835 : memref<1x8x128xf32, #tpu.memory_space<vmem>> -> memref<8x128xf32, #tpu.memory_space<vmem>>
        tpu.wait_dma2 semaphore(%arg13 : memref<!tpu.dma_semaphore, #tpu.memory_space<semaphore_mem>>) src(%dma_wait3A_1836 : memref<8x128xf32, #tpu.memory_space<vmem>>) dst(%dma_wait3A_1832 : memref<8x128xf32, #tpu.memory_space<hbm>>)
        %mul3A_1837 = arith.constant 4 : i32
        %mul3A_1838 = arith.muli %add3A, %mul3A_1837 : i32
        %add3A_1839 = arith.constant 0 : i32
        %add3A_1840 = arith.addi %mul3A_1838, %add3A_1839 : i32
        %dma_wait3A_1841 = arith.constant 1 : i32
        %dma_wait3A_1842 = arith.constant 0 : i32
        %dma_wait3A_1843 = arith.constant 3 : i32
        %dma_wait3A_1844 = arith.constant 24 : i32
        %dma_wait3A_1845 = arith.constant 0 : i32
        %dma_wait3A_1846 = tpu.memref_slice %arg7[%dma_wait3A_1841, %dma_wait3A_1844, %dma_wait3A_1845] : memref<2x32x513xf32, #tpu.memory_space<vmem>> -> memref<1x8x128xf32, #tpu.memory_space<vmem>>
        %dma_wait3A_1847 = tpu.memref_squeeze %dma_wait3A_1846 : memref<1x8x128xf32, #tpu.memory_space<vmem>> -> memref<8x128xf32, #tpu.memory_space<vmem>>
        %dma_wait3A_1848 = arith.constant 0 : i32
        %dma_wait3A_1849 = arith.constant 0 : i32
        %dma_wait3A_1850 = tpu.memref_slice %arg4[%dma_wait3A_1842, %dma_wait3A_1843, %add3A_1840, %dma_wait3A_1848, %dma_wait3A_1849] : memref<100x4x128x8x128xf32, #tpu.memory_space<hbm>> -> memref<1x1x1x8x128xf32, #tpu.memory_space<hbm>>
        %dma_wait3A_1851 = tpu.memref_squeeze %dma_wait3A_1850 : memref<1x1x1x8x128xf32, #tpu.memory_space<hbm>> -> memref<8x128xf32, #tpu.memory_space<hbm>>
        %dma_wait3A_1852 = arith.constant 0 : i32
        %dma_wait3A_1853 = arith.constant 0 : i32
        %dma_wait3A_1854 = tpu.memref_slice %arg4[%dma_wait3A_1842, %dma_wait3A_1843, %add3A_1840, %dma_wait3A_1852, %dma_wait3A_1853] : memref<100x4x128x8x128xf32, #tpu.memory_space<hbm>> -> memref<1x1x1x8x128xf32, #tpu.memory_space<hbm>>
        %dma_wait3A_1855 = tpu.memref_squeeze %dma_wait3A_1854 : memref<1x1x1x8x128xf32, #tpu.memory_space<hbm>> -> memref<8x128xf32, #tpu.memory_space<hbm>>
        %dma_wait3A_1856 = arith.constant 24 : i32
        %dma_wait3A_1857 = arith.constant 0 : i32
        %dma_wait3A_1858 = tpu.memref_slice %arg7[%dma_wait3A_1841, %dma_wait3A_1856, %dma_wait3A_1857] : memref<2x32x513xf32, #tpu.memory_space<vmem>> -> memref<1x8x128xf32, #tpu.memory_space<vmem>>
        %dma_wait3A_1859 = tpu.memref_squeeze %dma_wait3A_1858 : memref<1x8x128xf32, #tpu.memory_space<vmem>> -> memref<8x128xf32, #tpu.memory_space<vmem>>
        tpu.wait_dma2 semaphore(%arg13 : memref<!tpu.dma_semaphore, #tpu.memory_space<semaphore_mem>>) src(%dma_wait3A_1859 : memref<8x128xf32, #tpu.memory_space<vmem>>) dst(%dma_wait3A_1855 : memref<8x128xf32, #tpu.memory_space<hbm>>)
        %mul3A_1860 = arith.constant 4 : i32
        %mul3A_1861 = arith.muli %add3A, %mul3A_1860 : i32
        %add3A_1862 = arith.constant 1 : i32
        %add3A_1863 = arith.addi %mul3A_1861, %add3A_1862 : i32
        %dma_wait3A_1864 = arith.constant 1 : i32
        %dma_wait3A_1865 = arith.constant 0 : i32
        %dma_wait3A_1866 = arith.constant 3 : i32
        %dma_wait3A_1867 = arith.constant 24 : i32
        %dma_wait3A_1868 = arith.constant 128 : i32
        %dma_wait3A_1869 = tpu.memref_slice %arg7[%dma_wait3A_1864, %dma_wait3A_1867, %dma_wait3A_1868] : memref<2x32x513xf32, #tpu.memory_space<vmem>> -> memref<1x8x128xf32, #tpu.memory_space<vmem>>
        %dma_wait3A_1870 = tpu.memref_squeeze %dma_wait3A_1869 : memref<1x8x128xf32, #tpu.memory_space<vmem>> -> memref<8x128xf32, #tpu.memory_space<vmem>>
        %dma_wait3A_1871 = arith.constant 0 : i32
        %dma_wait3A_1872 = arith.constant 0 : i32
        %dma_wait3A_1873 = tpu.memref_slice %arg4[%dma_wait3A_1865, %dma_wait3A_1866, %add3A_1863, %dma_wait3A_1871, %dma_wait3A_1872] : memref<100x4x128x8x128xf32, #tpu.memory_space<hbm>> -> memref<1x1x1x8x128xf32, #tpu.memory_space<hbm>>
        %dma_wait3A_1874 = tpu.memref_squeeze %dma_wait3A_1873 : memref<1x1x1x8x128xf32, #tpu.memory_space<hbm>> -> memref<8x128xf32, #tpu.memory_space<hbm>>
        %dma_wait3A_1875 = arith.constant 0 : i32
        %dma_wait3A_1876 = arith.constant 0 : i32
        %dma_wait3A_1877 = tpu.memref_slice %arg4[%dma_wait3A_1865, %dma_wait3A_1866, %add3A_1863, %dma_wait3A_1875, %dma_wait3A_1876] : memref<100x4x128x8x128xf32, #tpu.memory_space<hbm>> -> memref<1x1x1x8x128xf32, #tpu.memory_space<hbm>>
        %dma_wait3A_1878 = tpu.memref_squeeze %dma_wait3A_1877 : memref<1x1x1x8x128xf32, #tpu.memory_space<hbm>> -> memref<8x128xf32, #tpu.memory_space<hbm>>
        %dma_wait3A_1879 = arith.constant 24 : i32
        %dma_wait3A_1880 = arith.constant 128 : i32
        %dma_wait3A_1881 = tpu.memref_slice %arg7[%dma_wait3A_1864, %dma_wait3A_1879, %dma_wait3A_1880] : memref<2x32x513xf32, #tpu.memory_space<vmem>> -> memref<1x8x128xf32, #tpu.memory_space<vmem>>
        %dma_wait3A_1882 = tpu.memref_squeeze %dma_wait3A_1881 : memref<1x8x128xf32, #tpu.memory_space<vmem>> -> memref<8x128xf32, #tpu.memory_space<vmem>>
        tpu.wait_dma2 semaphore(%arg13 : memref<!tpu.dma_semaphore, #tpu.memory_space<semaphore_mem>>) src(%dma_wait3A_1882 : memref<8x128xf32, #tpu.memory_space<vmem>>) dst(%dma_wait3A_1878 : memref<8x128xf32, #tpu.memory_space<hbm>>)
        %mul3A_1883 = arith.constant 4 : i32
        %mul3A_1884 = arith.muli %add3A, %mul3A_1883 : i32
        %add3A_1885 = arith.constant 2 : i32
        %add3A_1886 = arith.addi %mul3A_1884, %add3A_1885 : i32
        %dma_wait3A_1887 = arith.constant 1 : i32
        %dma_wait3A_1888 = arith.constant 0 : i32
        %dma_wait3A_1889 = arith.constant 3 : i32
        %dma_wait3A_1890 = arith.constant 24 : i32
        %dma_wait3A_1891 = arith.constant 256 : i32
        %dma_wait3A_1892 = tpu.memref_slice %arg7[%dma_wait3A_1887, %dma_wait3A_1890, %dma_wait3A_1891] : memref<2x32x513xf32, #tpu.memory_space<vmem>> -> memref<1x8x128xf32, #tpu.memory_space<vmem>>
        %dma_wait3A_1893 = tpu.memref_squeeze %dma_wait3A_1892 : memref<1x8x128xf32, #tpu.memory_space<vmem>> -> memref<8x128xf32, #tpu.memory_space<vmem>>
        %dma_wait3A_1894 = arith.constant 0 : i32
        %dma_wait3A_1895 = arith.constant 0 : i32
        %dma_wait3A_1896 = tpu.memref_slice %arg4[%dma_wait3A_1888, %dma_wait3A_1889, %add3A_1886, %dma_wait3A_1894, %dma_wait3A_1895] : memref<100x4x128x8x128xf32, #tpu.memory_space<hbm>> -> memref<1x1x1x8x128xf32, #tpu.memory_space<hbm>>
        %dma_wait3A_1897 = tpu.memref_squeeze %dma_wait3A_1896 : memref<1x1x1x8x128xf32, #tpu.memory_space<hbm>> -> memref<8x128xf32, #tpu.memory_space<hbm>>
        %dma_wait3A_1898 = arith.constant 0 : i32
        %dma_wait3A_1899 = arith.constant 0 : i32
        %dma_wait3A_1900 = tpu.memref_slice %arg4[%dma_wait3A_1888, %dma_wait3A_1889, %add3A_1886, %dma_wait3A_1898, %dma_wait3A_1899] : memref<100x4x128x8x128xf32, #tpu.memory_space<hbm>> -> memref<1x1x1x8x128xf32, #tpu.memory_space<hbm>>
        %dma_wait3A_1901 = tpu.memref_squeeze %dma_wait3A_1900 : memref<1x1x1x8x128xf32, #tpu.memory_space<hbm>> -> memref<8x128xf32, #tpu.memory_space<hbm>>
        %dma_wait3A_1902 = arith.constant 24 : i32
        %dma_wait3A_1903 = arith.constant 256 : i32
        %dma_wait3A_1904 = tpu.memref_slice %arg7[%dma_wait3A_1887, %dma_wait3A_1902, %dma_wait3A_1903] : memref<2x32x513xf32, #tpu.memory_space<vmem>> -> memref<1x8x128xf32, #tpu.memory_space<vmem>>
        %dma_wait3A_1905 = tpu.memref_squeeze %dma_wait3A_1904 : memref<1x8x128xf32, #tpu.memory_space<vmem>> -> memref<8x128xf32, #tpu.memory_space<vmem>>
        tpu.wait_dma2 semaphore(%arg13 : memref<!tpu.dma_semaphore, #tpu.memory_space<semaphore_mem>>) src(%dma_wait3A_1905 : memref<8x128xf32, #tpu.memory_space<vmem>>) dst(%dma_wait3A_1901 : memref<8x128xf32, #tpu.memory_space<hbm>>)
        %mul3A_1906 = arith.constant 4 : i32
        %mul3A_1907 = arith.muli %add3A, %mul3A_1906 : i32
        %add3A_1908 = arith.constant 3 : i32
        %add3A_1909 = arith.addi %mul3A_1907, %add3A_1908 : i32
        %dma_wait3A_1910 = arith.constant 1 : i32
        %dma_wait3A_1911 = arith.constant 0 : i32
        %dma_wait3A_1912 = arith.constant 3 : i32
        %dma_wait3A_1913 = arith.constant 24 : i32
        %dma_wait3A_1914 = arith.constant 384 : i32
        %dma_wait3A_1915 = tpu.memref_slice %arg7[%dma_wait3A_1910, %dma_wait3A_1913, %dma_wait3A_1914] : memref<2x32x513xf32, #tpu.memory_space<vmem>> -> memref<1x8x128xf32, #tpu.memory_space<vmem>>
        %dma_wait3A_1916 = tpu.memref_squeeze %dma_wait3A_1915 : memref<1x8x128xf32, #tpu.memory_space<vmem>> -> memref<8x128xf32, #tpu.memory_space<vmem>>
        %dma_wait3A_1917 = arith.constant 0 : i32
        %dma_wait3A_1918 = arith.constant 0 : i32
        %dma_wait3A_1919 = tpu.memref_slice %arg4[%dma_wait3A_1911, %dma_wait3A_1912, %add3A_1909, %dma_wait3A_1917, %dma_wait3A_1918] : memref<100x4x128x8x128xf32, #tpu.memory_space<hbm>> -> memref<1x1x1x8x128xf32, #tpu.memory_space<hbm>>
        %dma_wait3A_1920 = tpu.memref_squeeze %dma_wait3A_1919 : memref<1x1x1x8x128xf32, #tpu.memory_space<hbm>> -> memref<8x128xf32, #tpu.memory_space<hbm>>
        %dma_wait3A_1921 = arith.constant 0 : i32
        %dma_wait3A_1922 = arith.constant 0 : i32
        %dma_wait3A_1923 = tpu.memref_slice %arg4[%dma_wait3A_1911, %dma_wait3A_1912, %add3A_1909, %dma_wait3A_1921, %dma_wait3A_1922] : memref<100x4x128x8x128xf32, #tpu.memory_space<hbm>> -> memref<1x1x1x8x128xf32, #tpu.memory_space<hbm>>
        %dma_wait3A_1924 = tpu.memref_squeeze %dma_wait3A_1923 : memref<1x1x1x8x128xf32, #tpu.memory_space<hbm>> -> memref<8x128xf32, #tpu.memory_space<hbm>>
        %dma_wait3A_1925 = arith.constant 24 : i32
        %dma_wait3A_1926 = arith.constant 384 : i32
        %dma_wait3A_1927 = tpu.memref_slice %arg7[%dma_wait3A_1910, %dma_wait3A_1925, %dma_wait3A_1926] : memref<2x32x513xf32, #tpu.memory_space<vmem>> -> memref<1x8x128xf32, #tpu.memory_space<vmem>>
        %dma_wait3A_1928 = tpu.memref_squeeze %dma_wait3A_1927 : memref<1x8x128xf32, #tpu.memory_space<vmem>> -> memref<8x128xf32, #tpu.memory_space<vmem>>
        tpu.wait_dma2 semaphore(%arg13 : memref<!tpu.dma_semaphore, #tpu.memory_space<semaphore_mem>>) src(%dma_wait3A_1928 : memref<8x128xf32, #tpu.memory_space<vmem>>) dst(%dma_wait3A_1924 : memref<8x128xf32, #tpu.memory_space<hbm>>)
      } else {
      }
      %parallel_loop3A_1201 = arith.constant 0 : i32
      %parallel_loop3A_1202 = arith.constant 512 : i32
      %parallel_loop3A_1203 = arith.constant 1 : i32
      scf.for %parallel_loop3A_1561 = %parallel_loop3A_1201 to %parallel_loop3A_1202 step %parallel_loop3A_1203  : i32 {
        %parallel_loop3A_1562 = arith.constant 0 : i32
        %parallel_loop3A_1563 = vector.broadcast %parallel_loop3A_1562 : i32 to vector<16xi32>
        %parallel_loop3A_1564 = vector.broadcast %parallel_loop3A_1561 : i32 to vector<16xi32>
        %parallel_loop3A_1565 = arith.addi %parallel_loop3A_1563, %parallel_loop3A_1564 : vector<16xi32>
        %parallel_loop3A_1566 = arith.constant 0 : i32
        %parallel_loop3A_1567 = vector.broadcast %parallel_loop3A_1566 : i32 to vector<16xi32>
        %parallel_loop3A_1568 = arith.addi %iota3A, %parallel_loop3A_1567 : vector<16xi32>
        %parallel_loop3A_1569 = arith.constant 1 : i32
        %parallel_loop3A_1570 = arith.index_cast %parallel_loop3A_1569 : i32 to index
        %parallel_loop3A_1571 = arith.index_cast %parallel_loop3A_1561 : i32 to index
        %parallel_loop3A_1572 = arith.constant 0 : index
        %parallel_loop3A_1573 = tpu.vector_load %arg6[%parallel_loop3A_1570, %parallel_loop3A_1571, %parallel_loop3A_1572] {strides = array<i32>} : memref<2x512x32xf32, #tpu.memory_space<vmem>>, vector<16xf32>,
        %parallel_loop3A_1574 = arith.constant 1 : i32
        %parallel_loop3A_1575 = arith.constant 0 : i32
        %parallel_loop3A_1576 = arith.constant 0 : i32
        %parallel_loop3A_1577 = tpu.memref_slice %arg7[%parallel_loop3A_1574, %parallel_loop3A_1575, %parallel_loop3A_1576] : memref<2x32x513xf32, #tpu.memory_space<vmem>> -> memref<1x32x513xf32, #tpu.memory_space<vmem>>
        %parallel_loop3A_1578 = tpu.memref_squeeze %parallel_loop3A_1577 : memref<1x32x513xf32, #tpu.memory_space<vmem>> -> memref<32x513xf32, #tpu.memory_space<vmem>>
        tpu.vector_store_idx %parallel_loop3A_1578[%parallel_loop3A_1568, %parallel_loop3A_1565], %parallel_loop3A_1573 : memref<32x513xf32, #tpu.memory_space<vmem>>[vector<16xi32>, vector<16xi32>], vector<16xf32>,
        %parallel_loop3A_1579 = arith.constant 16 : i32
        %parallel_loop3A_1580 = vector.broadcast %parallel_loop3A_1579 : i32 to vector<16xi32>
        %parallel_loop3A_1581 = arith.addi %iota3A, %parallel_loop3A_1580 : vector<16xi32>
        %parallel_loop3A_1582 = arith.constant 1 : i32
        %parallel_loop3A_1583 = arith.index_cast %parallel_loop3A_1582 : i32 to index
        %parallel_loop3A_1584 = arith.index_cast %parallel_loop3A_1561 : i32 to index
        %parallel_loop3A_1585 = arith.constant 16 : index
        %parallel_loop3A_1586 = tpu.vector_load %arg6[%parallel_loop3A_1583, %parallel_loop3A_1584, %parallel_loop3A_1585] {strides = array<i32>} : memref<2x512x32xf32, #tpu.memory_space<vmem>>, vector<16xf32>,
        %parallel_loop3A_1587 = arith.constant 1 : i32
        %parallel_loop3A_1588 = arith.constant 0 : i32
        %parallel_loop3A_1589 = arith.constant 0 : i32
        %parallel_loop3A_1590 = tpu.memref_slice %arg7[%parallel_loop3A_1587, %parallel_loop3A_1588, %parallel_loop3A_1589] : memref<2x32x513xf32, #tpu.memory_space<vmem>> -> memref<1x32x513xf32, #tpu.memory_space<vmem>>
        %parallel_loop3A_1591 = tpu.memref_squeeze %parallel_loop3A_1590 : memref<1x32x513xf32, #tpu.memory_space<vmem>> -> memref<32x513xf32, #tpu.memory_space<vmem>>
        tpu.vector_store_idx %parallel_loop3A_1591[%parallel_loop3A_1581, %parallel_loop3A_1565], %parallel_loop3A_1586 : memref<32x513xf32, #tpu.memory_space<vmem>>[vector<16xi32>, vector<16xi32>], vector<16xf32>,
      } {sc.loop_unroll_factor = 8 : i64, sc.parallel_access}
      %mul3A_1204 = arith.constant 4 : i32
      %mul3A_1205 = arith.muli %add3A, %mul3A_1204 : i32
      %add3A_1206 = arith.constant 0 : i32
      %add3A_1207 = arith.addi %mul3A_1205, %add3A_1206 : i32
      %dma_start3A_1208 = arith.constant 1 : i32
      %dma_start3A_1209 = arith.constant 0 : i32
      %dma_start3A_1210 = arith.constant 0 : i32
      %dma_start3A_1211 = arith.constant 0 : i32
      %dma_start3A_1212 = tpu.memref_slice %arg7[%dma_start3A_1208, %dma_start3A_1210, %dma_start3A_1211] : memref<2x32x513xf32, #tpu.memory_space<vmem>> -> memref<1x8x128xf32, #tpu.memory_space<vmem>>
      %dma_start3A_1213 = tpu.memref_squeeze %dma_start3A_1212 : memref<1x8x128xf32, #tpu.memory_space<vmem>> -> memref<8x128xf32, #tpu.memory_space<vmem>>
      %dma_start3A_1214 = arith.constant 0 : i32
      %dma_start3A_1215 = arith.constant 0 : i32
      %dma_start3A_1216 = tpu.memref_slice %arg4[%add3A_1178, %dma_start3A_1209, %add3A_1207, %dma_start3A_1214, %dma_start3A_1215] : memref<100x4x128x8x128xf32, #tpu.memory_space<hbm>> -> memref<1x1x1x8x128xf32, #tpu.memory_space<hbm>>
      %dma_start3A_1217 = tpu.memref_squeeze %dma_start3A_1216 : memref<1x1x1x8x128xf32, #tpu.memory_space<hbm>> -> memref<8x128xf32, #tpu.memory_space<hbm>>
      %dma_start3A_1218 = arith.constant 0 : i32
      %dma_start3A_1219 = arith.constant 0 : i32
      %dma_start3A_1220 = tpu.memref_slice %arg4[%add3A_1178, %dma_start3A_1209, %add3A_1207, %dma_start3A_1218, %dma_start3A_1219] : memref<100x4x128x8x128xf32, #tpu.memory_space<hbm>> -> memref<1x1x1x8x128xf32, #tpu.memory_space<hbm>>
      %dma_start3A_1221 = tpu.memref_squeeze %dma_start3A_1220 : memref<1x1x1x8x128xf32, #tpu.memory_space<hbm>> -> memref<8x128xf32, #tpu.memory_space<hbm>>
      %dma_start3A_1222 = arith.constant 0 : i32
      %dma_start3A_1223 = arith.constant 0 : i32
      %dma_start3A_1224 = tpu.memref_slice %arg7[%dma_start3A_1208, %dma_start3A_1222, %dma_start3A_1223] : memref<2x32x513xf32, #tpu.memory_space<vmem>> -> memref<1x8x128xf32, #tpu.memory_space<vmem>>
      %dma_start3A_1225 = tpu.memref_squeeze %dma_start3A_1224 : memref<1x8x128xf32, #tpu.memory_space<vmem>> -> memref<8x128xf32, #tpu.memory_space<vmem>>
      tpu.enqueue_dma source(%dma_start3A_1225 : memref<8x128xf32, #tpu.memory_space<vmem>>) target(%dma_start3A_1221 : memref<8x128xf32, #tpu.memory_space<hbm>>) target_semaphore(%arg13 : memref<!tpu.dma_semaphore, #tpu.memory_space<semaphore_mem>>)
      %mul3A_1226 = arith.constant 4 : i32
      %mul3A_1227 = arith.muli %add3A, %mul3A_1226 : i32
      %add3A_1228 = arith.constant 1 : i32
      %add3A_1229 = arith.addi %mul3A_1227, %add3A_1228 : i32
      %dma_start3A_1230 = arith.constant 1 : i32
      %dma_start3A_1231 = arith.constant 0 : i32
      %dma_start3A_1232 = arith.constant 0 : i32
      %dma_start3A_1233 = arith.constant 128 : i32
      %dma_start3A_1234 = tpu.memref_slice %arg7[%dma_start3A_1230, %dma_start3A_1232, %dma_start3A_1233] : memref<2x32x513xf32, #tpu.memory_space<vmem>> -> memref<1x8x128xf32, #tpu.memory_space<vmem>>
      %dma_start3A_1235 = tpu.memref_squeeze %dma_start3A_1234 : memref<1x8x128xf32, #tpu.memory_space<vmem>> -> memref<8x128xf32, #tpu.memory_space<vmem>>
      %dma_start3A_1236 = arith.constant 0 : i32
      %dma_start3A_1237 = arith.constant 0 : i32
      %dma_start3A_1238 = tpu.memref_slice %arg4[%add3A_1178, %dma_start3A_1231, %add3A_1229, %dma_start3A_1236, %dma_start3A_1237] : memref<100x4x128x8x128xf32, #tpu.memory_space<hbm>> -> memref<1x1x1x8x128xf32, #tpu.memory_space<hbm>>
      %dma_start3A_1239 = tpu.memref_squeeze %dma_start3A_1238 : memref<1x1x1x8x128xf32, #tpu.memory_space<hbm>> -> memref<8x128xf32, #tpu.memory_space<hbm>>
      %dma_start3A_1240 = arith.constant 0 : i32
      %dma_start3A_1241 = arith.constant 0 : i32
      %dma_start3A_1242 = tpu.memref_slice %arg4[%add3A_1178, %dma_start3A_1231, %add3A_1229, %dma_start3A_1240, %dma_start3A_1241] : memref<100x4x128x8x128xf32, #tpu.memory_space<hbm>> -> memref<1x1x1x8x128xf32, #tpu.memory_space<hbm>>
      %dma_start3A_1243 = tpu.memref_squeeze %dma_start3A_1242 : memref<1x1x1x8x128xf32, #tpu.memory_space<hbm>> -> memref<8x128xf32, #tpu.memory_space<hbm>>
      %dma_start3A_1244 = arith.constant 0 : i32
      %dma_start3A_1245 = arith.constant 128 : i32
      %dma_start3A_1246 = tpu.memref_slice %arg7[%dma_start3A_1230, %dma_start3A_1244, %dma_start3A_1245] : memref<2x32x513xf32, #tpu.memory_space<vmem>> -> memref<1x8x128xf32, #tpu.memory_space<vmem>>
      %dma_start3A_1247 = tpu.memref_squeeze %dma_start3A_1246 : memref<1x8x128xf32, #tpu.memory_space<vmem>> -> memref<8x128xf32, #tpu.memory_space<vmem>>
      tpu.enqueue_dma source(%dma_start3A_1247 : memref<8x128xf32, #tpu.memory_space<vmem>>) target(%dma_start3A_1243 : memref<8x128xf32, #tpu.memory_space<hbm>>) target_semaphore(%arg13 : memref<!tpu.dma_semaphore, #tpu.memory_space<semaphore_mem>>)
      %mul3A_1248 = arith.constant 4 : i32
      %mul3A_1249 = arith.muli %add3A, %mul3A_1248 : i32
      %add3A_1250 = arith.constant 2 : i32
      %add3A_1251 = arith.addi %mul3A_1249, %add3A_1250 : i32
      %dma_start3A_1252 = arith.constant 1 : i32
      %dma_start3A_1253 = arith.constant 0 : i32
      %dma_start3A_1254 = arith.constant 0 : i32
      %dma_start3A_1255 = arith.constant 256 : i32
      %dma_start3A_1256 = tpu.memref_slice %arg7[%dma_start3A_1252, %dma_start3A_1254, %dma_start3A_1255] : memref<2x32x513xf32, #tpu.memory_space<vmem>> -> memref<1x8x128xf32, #tpu.memory_space<vmem>>
      %dma_start3A_1257 = tpu.memref_squeeze %dma_start3A_1256 : memref<1x8x128xf32, #tpu.memory_space<vmem>> -> memref<8x128xf32, #tpu.memory_space<vmem>>
      %dma_start3A_1258 = arith.constant 0 : i32
      %dma_start3A_1259 = arith.constant 0 : i32
      %dma_start3A_1260 = tpu.memref_slice %arg4[%add3A_1178, %dma_start3A_1253, %add3A_1251, %dma_start3A_1258, %dma_start3A_1259] : memref<100x4x128x8x128xf32, #tpu.memory_space<hbm>> -> memref<1x1x1x8x128xf32, #tpu.memory_space<hbm>>
      %dma_start3A_1261 = tpu.memref_squeeze %dma_start3A_1260 : memref<1x1x1x8x128xf32, #tpu.memory_space<hbm>> -> memref<8x128xf32, #tpu.memory_space<hbm>>
      %dma_start3A_1262 = arith.constant 0 : i32
      %dma_start3A_1263 = arith.constant 0 : i32
      %dma_start3A_1264 = tpu.memref_slice %arg4[%add3A_1178, %dma_start3A_1253, %add3A_1251, %dma_start3A_1262, %dma_start3A_1263] : memref<100x4x128x8x128xf32, #tpu.memory_space<hbm>> -> memref<1x1x1x8x128xf32, #tpu.memory_space<hbm>>
      %dma_start3A_1265 = tpu.memref_squeeze %dma_start3A_1264 : memref<1x1x1x8x128xf32, #tpu.memory_space<hbm>> -> memref<8x128xf32, #tpu.memory_space<hbm>>
      %dma_start3A_1266 = arith.constant 0 : i32
      %dma_start3A_1267 = arith.constant 256 : i32
      %dma_start3A_1268 = tpu.memref_slice %arg7[%dma_start3A_1252, %dma_start3A_1266, %dma_start3A_1267] : memref<2x32x513xf32, #tpu.memory_space<vmem>> -> memref<1x8x128xf32, #tpu.memory_space<vmem>>
      %dma_start3A_1269 = tpu.memref_squeeze %dma_start3A_1268 : memref<1x8x128xf32, #tpu.memory_space<vmem>> -> memref<8x128xf32, #tpu.memory_space<vmem>>
      tpu.enqueue_dma source(%dma_start3A_1269 : memref<8x128xf32, #tpu.memory_space<vmem>>) target(%dma_start3A_1265 : memref<8x128xf32, #tpu.memory_space<hbm>>) target_semaphore(%arg13 : memref<!tpu.dma_semaphore, #tpu.memory_space<semaphore_mem>>)
      %mul3A_1270 = arith.constant 4 : i32
      %mul3A_1271 = arith.muli %add3A, %mul3A_1270 : i32
      %add3A_1272 = arith.constant 3 : i32
      %add3A_1273 = arith.addi %mul3A_1271, %add3A_1272 : i32
      %dma_start3A_1274 = arith.constant 1 : i32
      %dma_start3A_1275 = arith.constant 0 : i32
      %dma_start3A_1276 = arith.constant 0 : i32
      %dma_start3A_1277 = arith.constant 384 : i32
      %dma_start3A_1278 = tpu.memref_slice %arg7[%dma_start3A_1274, %dma_start3A_1276, %dma_start3A_1277] : memref<2x32x513xf32, #tpu.memory_space<vmem>> -> memref<1x8x128xf32, #tpu.memory_space<vmem>>
      %dma_start3A_1279 = tpu.memref_squeeze %dma_start3A_1278 : memref<1x8x128xf32, #tpu.memory_space<vmem>> -> memref<8x128xf32, #tpu.memory_space<vmem>>
      %dma_start3A_1280 = arith.constant 0 : i32
      %dma_start3A_1281 = arith.constant 0 : i32
      %dma_start3A_1282 = tpu.memref_slice %arg4[%add3A_1178, %dma_start3A_1275, %add3A_1273, %dma_start3A_1280, %dma_start3A_1281] : memref<100x4x128x8x128xf32, #tpu.memory_space<hbm>> -> memref<1x1x1x8x128xf32, #tpu.memory_space<hbm>>
      %dma_start3A_1283 = tpu.memref_squeeze %dma_start3A_1282 : memref<1x1x1x8x128xf32, #tpu.memory_space<hbm>> -> memref<8x128xf32, #tpu.memory_space<hbm>>
      %dma_start3A_1284 = arith.constant 0 : i32
      %dma_start3A_1285 = arith.constant 0 : i32
      %dma_start3A_1286 = tpu.memref_slice %arg4[%add3A_1178, %dma_start3A_1275, %add3A_1273, %dma_start3A_1284, %dma_start3A_1285] : memref<100x4x128x8x128xf32, #tpu.memory_space<hbm>> -> memref<1x1x1x8x128xf32, #tpu.memory_space<hbm>>
      %dma_start3A_1287 = tpu.memref_squeeze %dma_start3A_1286 : memref<1x1x1x8x128xf32, #tpu.memory_space<hbm>> -> memref<8x128xf32, #tpu.memory_space<hbm>>
      %dma_start3A_1288 = arith.constant 0 : i32
      %dma_start3A_1289 = arith.constant 384 : i32
      %dma_start3A_1290 = tpu.memref_slice %arg7[%dma_start3A_1274, %dma_start3A_1288, %dma_start3A_1289] : memref<2x32x513xf32, #tpu.memory_space<vmem>> -> memref<1x8x128xf32, #tpu.memory_space<vmem>>
      %dma_start3A_1291 = tpu.memref_squeeze %dma_start3A_1290 : memref<1x8x128xf32, #tpu.memory_space<vmem>> -> memref<8x128xf32, #tpu.memory_space<vmem>>
      tpu.enqueue_dma source(%dma_start3A_1291 : memref<8x128xf32, #tpu.memory_space<vmem>>) target(%dma_start3A_1287 : memref<8x128xf32, #tpu.memory_space<hbm>>) target_semaphore(%arg13 : memref<!tpu.dma_semaphore, #tpu.memory_space<semaphore_mem>>)
      %mul3A_1292 = arith.constant 4 : i32
      %mul3A_1293 = arith.muli %add3A, %mul3A_1292 : i32
      %add3A_1294 = arith.constant 0 : i32
      %add3A_1295 = arith.addi %mul3A_1293, %add3A_1294 : i32
      %dma_start3A_1296 = arith.constant 1 : i32
      %dma_start3A_1297 = arith.constant 1 : i32
      %dma_start3A_1298 = arith.constant 8 : i32
      %dma_start3A_1299 = arith.constant 0 : i32
      %dma_start3A_1300 = tpu.memref_slice %arg7[%dma_start3A_1296, %dma_start3A_1298, %dma_start3A_1299] : memref<2x32x513xf32, #tpu.memory_space<vmem>> -> memref<1x8x128xf32, #tpu.memory_space<vmem>>
      %dma_start3A_1301 = tpu.memref_squeeze %dma_start3A_1300 : memref<1x8x128xf32, #tpu.memory_space<vmem>> -> memref<8x128xf32, #tpu.memory_space<vmem>>
      %dma_start3A_1302 = arith.constant 0 : i32
      %dma_start3A_1303 = arith.constant 0 : i32
      %dma_start3A_1304 = tpu.memref_slice %arg4[%add3A_1178, %dma_start3A_1297, %add3A_1295, %dma_start3A_1302, %dma_start3A_1303] : memref<100x4x128x8x128xf32, #tpu.memory_space<hbm>> -> memref<1x1x1x8x128xf32, #tpu.memory_space<hbm>>
      %dma_start3A_1305 = tpu.memref_squeeze %dma_start3A_1304 : memref<1x1x1x8x128xf32, #tpu.memory_space<hbm>> -> memref<8x128xf32, #tpu.memory_space<hbm>>
      %dma_start3A_1306 = arith.constant 0 : i32
      %dma_start3A_1307 = arith.constant 0 : i32
      %dma_start3A_1308 = tpu.memref_slice %arg4[%add3A_1178, %dma_start3A_1297, %add3A_1295, %dma_start3A_1306, %dma_start3A_1307] : memref<100x4x128x8x128xf32, #tpu.memory_space<hbm>> -> memref<1x1x1x8x128xf32, #tpu.memory_space<hbm>>
      %dma_start3A_1309 = tpu.memref_squeeze %dma_start3A_1308 : memref<1x1x1x8x128xf32, #tpu.memory_space<hbm>> -> memref<8x128xf32, #tpu.memory_space<hbm>>
      %dma_start3A_1310 = arith.constant 8 : i32
      %dma_start3A_1311 = arith.constant 0 : i32
      %dma_start3A_1312 = tpu.memref_slice %arg7[%dma_start3A_1296, %dma_start3A_1310, %dma_start3A_1311] : memref<2x32x513xf32, #tpu.memory_space<vmem>> -> memref<1x8x128xf32, #tpu.memory_space<vmem>>
      %dma_start3A_1313 = tpu.memref_squeeze %dma_start3A_1312 : memref<1x8x128xf32, #tpu.memory_space<vmem>> -> memref<8x128xf32, #tpu.memory_space<vmem>>
      tpu.enqueue_dma source(%dma_start3A_1313 : memref<8x128xf32, #tpu.memory_space<vmem>>) target(%dma_start3A_1309 : memref<8x128xf32, #tpu.memory_space<hbm>>) target_semaphore(%arg13 : memref<!tpu.dma_semaphore, #tpu.memory_space<semaphore_mem>>)
      %mul3A_1314 = arith.constant 4 : i32
      %mul3A_1315 = arith.muli %add3A, %mul3A_1314 : i32
      %add3A_1316 = arith.constant 1 : i32
      %add3A_1317 = arith.addi %mul3A_1315, %add3A_1316 : i32
      %dma_start3A_1318 = arith.constant 1 : i32
      %dma_start3A_1319 = arith.constant 1 : i32
      %dma_start3A_1320 = arith.constant 8 : i32
      %dma_start3A_1321 = arith.constant 128 : i32
      %dma_start3A_1322 = tpu.memref_slice %arg7[%dma_start3A_1318, %dma_start3A_1320, %dma_start3A_1321] : memref<2x32x513xf32, #tpu.memory_space<vmem>> -> memref<1x8x128xf32, #tpu.memory_space<vmem>>
      %dma_start3A_1323 = tpu.memref_squeeze %dma_start3A_1322 : memref<1x8x128xf32, #tpu.memory_space<vmem>> -> memref<8x128xf32, #tpu.memory_space<vmem>>
      %dma_start3A_1324 = arith.constant 0 : i32
      %dma_start3A_1325 = arith.constant 0 : i32
      %dma_start3A_1326 = tpu.memref_slice %arg4[%add3A_1178, %dma_start3A_1319, %add3A_1317, %dma_start3A_1324, %dma_start3A_1325] : memref<100x4x128x8x128xf32, #tpu.memory_space<hbm>> -> memref<1x1x1x8x128xf32, #tpu.memory_space<hbm>>
      %dma_start3A_1327 = tpu.memref_squeeze %dma_start3A_1326 : memref<1x1x1x8x128xf32, #tpu.memory_space<hbm>> -> memref<8x128xf32, #tpu.memory_space<hbm>>
      %dma_start3A_1328 = arith.constant 0 : i32
      %dma_start3A_1329 = arith.constant 0 : i32
      %dma_start3A_1330 = tpu.memref_slice %arg4[%add3A_1178, %dma_start3A_1319, %add3A_1317, %dma_start3A_1328, %dma_start3A_1329] : memref<100x4x128x8x128xf32, #tpu.memory_space<hbm>> -> memref<1x1x1x8x128xf32, #tpu.memory_space<hbm>>
      %dma_start3A_1331 = tpu.memref_squeeze %dma_start3A_1330 : memref<1x1x1x8x128xf32, #tpu.memory_space<hbm>> -> memref<8x128xf32, #tpu.memory_space<hbm>>
      %dma_start3A_1332 = arith.constant 8 : i32
      %dma_start3A_1333 = arith.constant 128 : i32
      %dma_start3A_1334 = tpu.memref_slice %arg7[%dma_start3A_1318, %dma_start3A_1332, %dma_start3A_1333] : memref<2x32x513xf32, #tpu.memory_space<vmem>> -> memref<1x8x128xf32, #tpu.memory_space<vmem>>
      %dma_start3A_1335 = tpu.memref_squeeze %dma_start3A_1334 : memref<1x8x128xf32, #tpu.memory_space<vmem>> -> memref<8x128xf32, #tpu.memory_space<vmem>>
      tpu.enqueue_dma source(%dma_start3A_1335 : memref<8x128xf32, #tpu.memory_space<vmem>>) target(%dma_start3A_1331 : memref<8x128xf32, #tpu.memory_space<hbm>>) target_semaphore(%arg13 : memref<!tpu.dma_semaphore, #tpu.memory_space<semaphore_mem>>)
      %mul3A_1336 = arith.constant 4 : i32
      %mul3A_1337 = arith.muli %add3A, %mul3A_1336 : i32
      %add3A_1338 = arith.constant 2 : i32
      %add3A_1339 = arith.addi %mul3A_1337, %add3A_1338 : i32
      %dma_start3A_1340 = arith.constant 1 : i32
      %dma_start3A_1341 = arith.constant 1 : i32
      %dma_start3A_1342 = arith.constant 8 : i32
      %dma_start3A_1343 = arith.constant 256 : i32
      %dma_start3A_1344 = tpu.memref_slice %arg7[%dma_start3A_1340, %dma_start3A_1342, %dma_start3A_1343] : memref<2x32x513xf32, #tpu.memory_space<vmem>> -> memref<1x8x128xf32, #tpu.memory_space<vmem>>
      %dma_start3A_1345 = tpu.memref_squeeze %dma_start3A_1344 : memref<1x8x128xf32, #tpu.memory_space<vmem>> -> memref<8x128xf32, #tpu.memory_space<vmem>>
      %dma_start3A_1346 = arith.constant 0 : i32
      %dma_start3A_1347 = arith.constant 0 : i32
      %dma_start3A_1348 = tpu.memref_slice %arg4[%add3A_1178, %dma_start3A_1341, %add3A_1339, %dma_start3A_1346, %dma_start3A_1347] : memref<100x4x128x8x128xf32, #tpu.memory_space<hbm>> -> memref<1x1x1x8x128xf32, #tpu.memory_space<hbm>>
      %dma_start3A_1349 = tpu.memref_squeeze %dma_start3A_1348 : memref<1x1x1x8x128xf32, #tpu.memory_space<hbm>> -> memref<8x128xf32, #tpu.memory_space<hbm>>
      %dma_start3A_1350 = arith.constant 0 : i32
      %dma_start3A_1351 = arith.constant 0 : i32
      %dma_start3A_1352 = tpu.memref_slice %arg4[%add3A_1178, %dma_start3A_1341, %add3A_1339, %dma_start3A_1350, %dma_start3A_1351] : memref<100x4x128x8x128xf32, #tpu.memory_space<hbm>> -> memref<1x1x1x8x128xf32, #tpu.memory_space<hbm>>
      %dma_start3A_1353 = tpu.memref_squeeze %dma_start3A_1352 : memref<1x1x1x8x128xf32, #tpu.memory_space<hbm>> -> memref<8x128xf32, #tpu.memory_space<hbm>>
      %dma_start3A_1354 = arith.constant 8 : i32
      %dma_start3A_1355 = arith.constant 256 : i32
      %dma_start3A_1356 = tpu.memref_slice %arg7[%dma_start3A_1340, %dma_start3A_1354, %dma_start3A_1355] : memref<2x32x513xf32, #tpu.memory_space<vmem>> -> memref<1x8x128xf32, #tpu.memory_space<vmem>>
      %dma_start3A_1357 = tpu.memref_squeeze %dma_start3A_1356 : memref<1x8x128xf32, #tpu.memory_space<vmem>> -> memref<8x128xf32, #tpu.memory_space<vmem>>
      tpu.enqueue_dma source(%dma_start3A_1357 : memref<8x128xf32, #tpu.memory_space<vmem>>) target(%dma_start3A_1353 : memref<8x128xf32, #tpu.memory_space<hbm>>) target_semaphore(%arg13 : memref<!tpu.dma_semaphore, #tpu.memory_space<semaphore_mem>>)
      %mul3A_1358 = arith.constant 4 : i32
      %mul3A_1359 = arith.muli %add3A, %mul3A_1358 : i32
      %add3A_1360 = arith.constant 3 : i32
      %add3A_1361 = arith.addi %mul3A_1359, %add3A_1360 : i32
      %dma_start3A_1362 = arith.constant 1 : i32
      %dma_start3A_1363 = arith.constant 1 : i32
      %dma_start3A_1364 = arith.constant 8 : i32
      %dma_start3A_1365 = arith.constant 384 : i32
      %dma_start3A_1366 = tpu.memref_slice %arg7[%dma_start3A_1362, %dma_start3A_1364, %dma_start3A_1365] : memref<2x32x513xf32, #tpu.memory_space<vmem>> -> memref<1x8x128xf32, #tpu.memory_space<vmem>>
      %dma_start3A_1367 = tpu.memref_squeeze %dma_start3A_1366 : memref<1x8x128xf32, #tpu.memory_space<vmem>> -> memref<8x128xf32, #tpu.memory_space<vmem>>
      %dma_start3A_1368 = arith.constant 0 : i32
      %dma_start3A_1369 = arith.constant 0 : i32
      %dma_start3A_1370 = tpu.memref_slice %arg4[%add3A_1178, %dma_start3A_1363, %add3A_1361, %dma_start3A_1368, %dma_start3A_1369] : memref<100x4x128x8x128xf32, #tpu.memory_space<hbm>> -> memref<1x1x1x8x128xf32, #tpu.memory_space<hbm>>
      %dma_start3A_1371 = tpu.memref_squeeze %dma_start3A_1370 : memref<1x1x1x8x128xf32, #tpu.memory_space<hbm>> -> memref<8x128xf32, #tpu.memory_space<hbm>>
      %dma_start3A_1372 = arith.constant 0 : i32
      %dma_start3A_1373 = arith.constant 0 : i32
      %dma_start3A_1374 = tpu.memref_slice %arg4[%add3A_1178, %dma_start3A_1363, %add3A_1361, %dma_start3A_1372, %dma_start3A_1373] : memref<100x4x128x8x128xf32, #tpu.memory_space<hbm>> -> memref<1x1x1x8x128xf32, #tpu.memory_space<hbm>>
      %dma_start3A_1375 = tpu.memref_squeeze %dma_start3A_1374 : memref<1x1x1x8x128xf32, #tpu.memory_space<hbm>> -> memref<8x128xf32, #tpu.memory_space<hbm>>
      %dma_start3A_1376 = arith.constant 8 : i32
      %dma_start3A_1377 = arith.constant 384 : i32
      %dma_start3A_1378 = tpu.memref_slice %arg7[%dma_start3A_1362, %dma_start3A_1376, %dma_start3A_1377] : memref<2x32x513xf32, #tpu.memory_space<vmem>> -> memref<1x8x128xf32, #tpu.memory_space<vmem>>
      %dma_start3A_1379 = tpu.memref_squeeze %dma_start3A_1378 : memref<1x8x128xf32, #tpu.memory_space<vmem>> -> memref<8x128xf32, #tpu.memory_space<vmem>>
      tpu.enqueue_dma source(%dma_start3A_1379 : memref<8x128xf32, #tpu.memory_space<vmem>>) target(%dma_start3A_1375 : memref<8x128xf32, #tpu.memory_space<hbm>>) target_semaphore(%arg13 : memref<!tpu.dma_semaphore, #tpu.memory_space<semaphore_mem>>)
      %mul3A_1380 = arith.constant 4 : i32
      %mul3A_1381 = arith.muli %add3A, %mul3A_1380 : i32
      %add3A_1382 = arith.constant 0 : i32
      %add3A_1383 = arith.addi %mul3A_1381, %add3A_1382 : i32
      %dma_start3A_1384 = arith.constant 1 : i32
      %dma_start3A_1385 = arith.constant 2 : i32
      %dma_start3A_1386 = arith.constant 16 : i32
      %dma_start3A_1387 = arith.constant 0 : i32
      %dma_start3A_1388 = tpu.memref_slice %arg7[%dma_start3A_1384, %dma_start3A_1386, %dma_start3A_1387] : memref<2x32x513xf32, #tpu.memory_space<vmem>> -> memref<1x8x128xf32, #tpu.memory_space<vmem>>
      %dma_start3A_1389 = tpu.memref_squeeze %dma_start3A_1388 : memref<1x8x128xf32, #tpu.memory_space<vmem>> -> memref<8x128xf32, #tpu.memory_space<vmem>>
      %dma_start3A_1390 = arith.constant 0 : i32
      %dma_start3A_1391 = arith.constant 0 : i32
      %dma_start3A_1392 = tpu.memref_slice %arg4[%add3A_1178, %dma_start3A_1385, %add3A_1383, %dma_start3A_1390, %dma_start3A_1391] : memref<100x4x128x8x128xf32, #tpu.memory_space<hbm>> -> memref<1x1x1x8x128xf32, #tpu.memory_space<hbm>>
      %dma_start3A_1393 = tpu.memref_squeeze %dma_start3A_1392 : memref<1x1x1x8x128xf32, #tpu.memory_space<hbm>> -> memref<8x128xf32, #tpu.memory_space<hbm>>
      %dma_start3A_1394 = arith.constant 0 : i32
      %dma_start3A_1395 = arith.constant 0 : i32
      %dma_start3A_1396 = tpu.memref_slice %arg4[%add3A_1178, %dma_start3A_1385, %add3A_1383, %dma_start3A_1394, %dma_start3A_1395] : memref<100x4x128x8x128xf32, #tpu.memory_space<hbm>> -> memref<1x1x1x8x128xf32, #tpu.memory_space<hbm>>
      %dma_start3A_1397 = tpu.memref_squeeze %dma_start3A_1396 : memref<1x1x1x8x128xf32, #tpu.memory_space<hbm>> -> memref<8x128xf32, #tpu.memory_space<hbm>>
      %dma_start3A_1398 = arith.constant 16 : i32
      %dma_start3A_1399 = arith.constant 0 : i32
      %dma_start3A_1400 = tpu.memref_slice %arg7[%dma_start3A_1384, %dma_start3A_1398, %dma_start3A_1399] : memref<2x32x513xf32, #tpu.memory_space<vmem>> -> memref<1x8x128xf32, #tpu.memory_space<vmem>>
      %dma_start3A_1401 = tpu.memref_squeeze %dma_start3A_1400 : memref<1x8x128xf32, #tpu.memory_space<vmem>> -> memref<8x128xf32, #tpu.memory_space<vmem>>
      tpu.enqueue_dma source(%dma_start3A_1401 : memref<8x128xf32, #tpu.memory_space<vmem>>) target(%dma_start3A_1397 : memref<8x128xf32, #tpu.memory_space<hbm>>) target_semaphore(%arg13 : memref<!tpu.dma_semaphore, #tpu.memory_space<semaphore_mem>>)
      %mul3A_1402 = arith.constant 4 : i32
      %mul3A_1403 = arith.muli %add3A, %mul3A_1402 : i32
      %add3A_1404 = arith.constant 1 : i32
      %add3A_1405 = arith.addi %mul3A_1403, %add3A_1404 : i32
      %dma_start3A_1406 = arith.constant 1 : i32
      %dma_start3A_1407 = arith.constant 2 : i32
      %dma_start3A_1408 = arith.constant 16 : i32
      %dma_start3A_1409 = arith.constant 128 : i32
      %dma_start3A_1410 = tpu.memref_slice %arg7[%dma_start3A_1406, %dma_start3A_1408, %dma_start3A_1409] : memref<2x32x513xf32, #tpu.memory_space<vmem>> -> memref<1x8x128xf32, #tpu.memory_space<vmem>>
      %dma_start3A_1411 = tpu.memref_squeeze %dma_start3A_1410 : memref<1x8x128xf32, #tpu.memory_space<vmem>> -> memref<8x128xf32, #tpu.memory_space<vmem>>
      %dma_start3A_1412 = arith.constant 0 : i32
      %dma_start3A_1413 = arith.constant 0 : i32
      %dma_start3A_1414 = tpu.memref_slice %arg4[%add3A_1178, %dma_start3A_1407, %add3A_1405, %dma_start3A_1412, %dma_start3A_1413] : memref<100x4x128x8x128xf32, #tpu.memory_space<hbm>> -> memref<1x1x1x8x128xf32, #tpu.memory_space<hbm>>
      %dma_start3A_1415 = tpu.memref_squeeze %dma_start3A_1414 : memref<1x1x1x8x128xf32, #tpu.memory_space<hbm>> -> memref<8x128xf32, #tpu.memory_space<hbm>>
      %dma_start3A_1416 = arith.constant 0 : i32
      %dma_start3A_1417 = arith.constant 0 : i32
      %dma_start3A_1418 = tpu.memref_slice %arg4[%add3A_1178, %dma_start3A_1407, %add3A_1405, %dma_start3A_1416, %dma_start3A_1417] : memref<100x4x128x8x128xf32, #tpu.memory_space<hbm>> -> memref<1x1x1x8x128xf32, #tpu.memory_space<hbm>>
      %dma_start3A_1419 = tpu.memref_squeeze %dma_start3A_1418 : memref<1x1x1x8x128xf32, #tpu.memory_space<hbm>> -> memref<8x128xf32, #tpu.memory_space<hbm>>
      %dma_start3A_1420 = arith.constant 16 : i32
      %dma_start3A_1421 = arith.constant 128 : i32
      %dma_start3A_1422 = tpu.memref_slice %arg7[%dma_start3A_1406, %dma_start3A_1420, %dma_start3A_1421] : memref<2x32x513xf32, #tpu.memory_space<vmem>> -> memref<1x8x128xf32, #tpu.memory_space<vmem>>
      %dma_start3A_1423 = tpu.memref_squeeze %dma_start3A_1422 : memref<1x8x128xf32, #tpu.memory_space<vmem>> -> memref<8x128xf32, #tpu.memory_space<vmem>>
      tpu.enqueue_dma source(%dma_start3A_1423 : memref<8x128xf32, #tpu.memory_space<vmem>>) target(%dma_start3A_1419 : memref<8x128xf32, #tpu.memory_space<hbm>>) target_semaphore(%arg13 : memref<!tpu.dma_semaphore, #tpu.memory_space<semaphore_mem>>)
      %mul3A_1424 = arith.constant 4 : i32
      %mul3A_1425 = arith.muli %add3A, %mul3A_1424 : i32
      %add3A_1426 = arith.constant 2 : i32
      %add3A_1427 = arith.addi %mul3A_1425, %add3A_1426 : i32
      %dma_start3A_1428 = arith.constant 1 : i32
      %dma_start3A_1429 = arith.constant 2 : i32
      %dma_start3A_1430 = arith.constant 16 : i32
      %dma_start3A_1431 = arith.constant 256 : i32
      %dma_start3A_1432 = tpu.memref_slice %arg7[%dma_start3A_1428, %dma_start3A_1430, %dma_start3A_1431] : memref<2x32x513xf32, #tpu.memory_space<vmem>> -> memref<1x8x128xf32, #tpu.memory_space<vmem>>
      %dma_start3A_1433 = tpu.memref_squeeze %dma_start3A_1432 : memref<1x8x128xf32, #tpu.memory_space<vmem>> -> memref<8x128xf32, #tpu.memory_space<vmem>>
      %dma_start3A_1434 = arith.constant 0 : i32
      %dma_start3A_1435 = arith.constant 0 : i32
      %dma_start3A_1436 = tpu.memref_slice %arg4[%add3A_1178, %dma_start3A_1429, %add3A_1427, %dma_start3A_1434, %dma_start3A_1435] : memref<100x4x128x8x128xf32, #tpu.memory_space<hbm>> -> memref<1x1x1x8x128xf32, #tpu.memory_space<hbm>>
      %dma_start3A_1437 = tpu.memref_squeeze %dma_start3A_1436 : memref<1x1x1x8x128xf32, #tpu.memory_space<hbm>> -> memref<8x128xf32, #tpu.memory_space<hbm>>
      %dma_start3A_1438 = arith.constant 0 : i32
      %dma_start3A_1439 = arith.constant 0 : i32
      %dma_start3A_1440 = tpu.memref_slice %arg4[%add3A_1178, %dma_start3A_1429, %add3A_1427, %dma_start3A_1438, %dma_start3A_1439] : memref<100x4x128x8x128xf32, #tpu.memory_space<hbm>> -> memref<1x1x1x8x128xf32, #tpu.memory_space<hbm>>
      %dma_start3A_1441 = tpu.memref_squeeze %dma_start3A_1440 : memref<1x1x1x8x128xf32, #tpu.memory_space<hbm>> -> memref<8x128xf32, #tpu.memory_space<hbm>>
      %dma_start3A_1442 = arith.constant 16 : i32
      %dma_start3A_1443 = arith.constant 256 : i32
      %dma_start3A_1444 = tpu.memref_slice %arg7[%dma_start3A_1428, %dma_start3A_1442, %dma_start3A_1443] : memref<2x32x513xf32, #tpu.memory_space<vmem>> -> memref<1x8x128xf32, #tpu.memory_space<vmem>>
      %dma_start3A_1445 = tpu.memref_squeeze %dma_start3A_1444 : memref<1x8x128xf32, #tpu.memory_space<vmem>> -> memref<8x128xf32, #tpu.memory_space<vmem>>
      tpu.enqueue_dma source(%dma_start3A_1445 : memref<8x128xf32, #tpu.memory_space<vmem>>) target(%dma_start3A_1441 : memref<8x128xf32, #tpu.memory_space<hbm>>) target_semaphore(%arg13 : memref<!tpu.dma_semaphore, #tpu.memory_space<semaphore_mem>>)
      %mul3A_1446 = arith.constant 4 : i32
      %mul3A_1447 = arith.muli %add3A, %mul3A_1446 : i32
      %add3A_1448 = arith.constant 3 : i32
      %add3A_1449 = arith.addi %mul3A_1447, %add3A_1448 : i32
      %dma_start3A_1450 = arith.constant 1 : i32
      %dma_start3A_1451 = arith.constant 2 : i32
      %dma_start3A_1452 = arith.constant 16 : i32
      %dma_start3A_1453 = arith.constant 384 : i32
      %dma_start3A_1454 = tpu.memref_slice %arg7[%dma_start3A_1450, %dma_start3A_1452, %dma_start3A_1453] : memref<2x32x513xf32, #tpu.memory_space<vmem>> -> memref<1x8x128xf32, #tpu.memory_space<vmem>>
      %dma_start3A_1455 = tpu.memref_squeeze %dma_start3A_1454 : memref<1x8x128xf32, #tpu.memory_space<vmem>> -> memref<8x128xf32, #tpu.memory_space<vmem>>
      %dma_start3A_1456 = arith.constant 0 : i32
      %dma_start3A_1457 = arith.constant 0 : i32
      %dma_start3A_1458 = tpu.memref_slice %arg4[%add3A_1178, %dma_start3A_1451, %add3A_1449, %dma_start3A_1456, %dma_start3A_1457] : memref<100x4x128x8x128xf32, #tpu.memory_space<hbm>> -> memref<1x1x1x8x128xf32, #tpu.memory_space<hbm>>
      %dma_start3A_1459 = tpu.memref_squeeze %dma_start3A_1458 : memref<1x1x1x8x128xf32, #tpu.memory_space<hbm>> -> memref<8x128xf32, #tpu.memory_space<hbm>>
      %dma_start3A_1460 = arith.constant 0 : i32
      %dma_start3A_1461 = arith.constant 0 : i32
      %dma_start3A_1462 = tpu.memref_slice %arg4[%add3A_1178, %dma_start3A_1451, %add3A_1449, %dma_start3A_1460, %dma_start3A_1461] : memref<100x4x128x8x128xf32, #tpu.memory_space<hbm>> -> memref<1x1x1x8x128xf32, #tpu.memory_space<hbm>>
      %dma_start3A_1463 = tpu.memref_squeeze %dma_start3A_1462 : memref<1x1x1x8x128xf32, #tpu.memory_space<hbm>> -> memref<8x128xf32, #tpu.memory_space<hbm>>
      %dma_start3A_1464 = arith.constant 16 : i32
      %dma_start3A_1465 = arith.constant 384 : i32
      %dma_start3A_1466 = tpu.memref_slice %arg7[%dma_start3A_1450, %dma_start3A_1464, %dma_start3A_1465] : memref<2x32x513xf32, #tpu.memory_space<vmem>> -> memref<1x8x128xf32, #tpu.memory_space<vmem>>
      %dma_start3A_1467 = tpu.memref_squeeze %dma_start3A_1466 : memref<1x8x128xf32, #tpu.memory_space<vmem>> -> memref<8x128xf32, #tpu.memory_space<vmem>>
      tpu.enqueue_dma source(%dma_start3A_1467 : memref<8x128xf32, #tpu.memory_space<vmem>>) target(%dma_start3A_1463 : memref<8x128xf32, #tpu.memory_space<hbm>>) target_semaphore(%arg13 : memref<!tpu.dma_semaphore, #tpu.memory_space<semaphore_mem>>)
      %mul3A_1468 = arith.constant 4 : i32
      %mul3A_1469 = arith.muli %add3A, %mul3A_1468 : i32
      %add3A_1470 = arith.constant 0 : i32
      %add3A_1471 = arith.addi %mul3A_1469, %add3A_1470 : i32
      %dma_start3A_1472 = arith.constant 1 : i32
      %dma_start3A_1473 = arith.constant 3 : i32
      %dma_start3A_1474 = arith.constant 24 : i32
      %dma_start3A_1475 = arith.constant 0 : i32
      %dma_start3A_1476 = tpu.memref_slice %arg7[%dma_start3A_1472, %dma_start3A_1474, %dma_start3A_1475] : memref<2x32x513xf32, #tpu.memory_space<vmem>> -> memref<1x8x128xf32, #tpu.memory_space<vmem>>
      %dma_start3A_1477 = tpu.memref_squeeze %dma_start3A_1476 : memref<1x8x128xf32, #tpu.memory_space<vmem>> -> memref<8x128xf32, #tpu.memory_space<vmem>>
      %dma_start3A_1478 = arith.constant 0 : i32
      %dma_start3A_1479 = arith.constant 0 : i32
      %dma_start3A_1480 = tpu.memref_slice %arg4[%add3A_1178, %dma_start3A_1473, %add3A_1471, %dma_start3A_1478, %dma_start3A_1479] : memref<100x4x128x8x128xf32, #tpu.memory_space<hbm>> -> memref<1x1x1x8x128xf32, #tpu.memory_space<hbm>>
      %dma_start3A_1481 = tpu.memref_squeeze %dma_start3A_1480 : memref<1x1x1x8x128xf32, #tpu.memory_space<hbm>> -> memref<8x128xf32, #tpu.memory_space<hbm>>
      %dma_start3A_1482 = arith.constant 0 : i32
      %dma_start3A_1483 = arith.constant 0 : i32
      %dma_start3A_1484 = tpu.memref_slice %arg4[%add3A_1178, %dma_start3A_1473, %add3A_1471, %dma_start3A_1482, %dma_start3A_1483] : memref<100x4x128x8x128xf32, #tpu.memory_space<hbm>> -> memref<1x1x1x8x128xf32, #tpu.memory_space<hbm>>
      %dma_start3A_1485 = tpu.memref_squeeze %dma_start3A_1484 : memref<1x1x1x8x128xf32, #tpu.memory_space<hbm>> -> memref<8x128xf32, #tpu.memory_space<hbm>>
      %dma_start3A_1486 = arith.constant 24 : i32
      %dma_start3A_1487 = arith.constant 0 : i32
      %dma_start3A_1488 = tpu.memref_slice %arg7[%dma_start3A_1472, %dma_start3A_1486, %dma_start3A_1487] : memref<2x32x513xf32, #tpu.memory_space<vmem>> -> memref<1x8x128xf32, #tpu.memory_space<vmem>>
      %dma_start3A_1489 = tpu.memref_squeeze %dma_start3A_1488 : memref<1x8x128xf32, #tpu.memory_space<vmem>> -> memref<8x128xf32, #tpu.memory_space<vmem>>
      tpu.enqueue_dma source(%dma_start3A_1489 : memref<8x128xf32, #tpu.memory_space<vmem>>) target(%dma_start3A_1485 : memref<8x128xf32, #tpu.memory_space<hbm>>) target_semaphore(%arg13 : memref<!tpu.dma_semaphore, #tpu.memory_space<semaphore_mem>>)
      %mul3A_1490 = arith.constant 4 : i32
      %mul3A_1491 = arith.muli %add3A, %mul3A_1490 : i32
      %add3A_1492 = arith.constant 1 : i32
      %add3A_1493 = arith.addi %mul3A_1491, %add3A_1492 : i32
      %dma_start3A_1494 = arith.constant 1 : i32
      %dma_start3A_1495 = arith.constant 3 : i32
      %dma_start3A_1496 = arith.constant 24 : i32
      %dma_start3A_1497 = arith.constant 128 : i32
      %dma_start3A_1498 = tpu.memref_slice %arg7[%dma_start3A_1494, %dma_start3A_1496, %dma_start3A_1497] : memref<2x32x513xf32, #tpu.memory_space<vmem>> -> memref<1x8x128xf32, #tpu.memory_space<vmem>>
      %dma_start3A_1499 = tpu.memref_squeeze %dma_start3A_1498 : memref<1x8x128xf32, #tpu.memory_space<vmem>> -> memref<8x128xf32, #tpu.memory_space<vmem>>
      %dma_start3A_1500 = arith.constant 0 : i32
      %dma_start3A_1501 = arith.constant 0 : i32
      %dma_start3A_1502 = tpu.memref_slice %arg4[%add3A_1178, %dma_start3A_1495, %add3A_1493, %dma_start3A_1500, %dma_start3A_1501] : memref<100x4x128x8x128xf32, #tpu.memory_space<hbm>> -> memref<1x1x1x8x128xf32, #tpu.memory_space<hbm>>
      %dma_start3A_1503 = tpu.memref_squeeze %dma_start3A_1502 : memref<1x1x1x8x128xf32, #tpu.memory_space<hbm>> -> memref<8x128xf32, #tpu.memory_space<hbm>>
      %dma_start3A_1504 = arith.constant 0 : i32
      %dma_start3A_1505 = arith.constant 0 : i32
      %dma_start3A_1506 = tpu.memref_slice %arg4[%add3A_1178, %dma_start3A_1495, %add3A_1493, %dma_start3A_1504, %dma_start3A_1505] : memref<100x4x128x8x128xf32, #tpu.memory_space<hbm>> -> memref<1x1x1x8x128xf32, #tpu.memory_space<hbm>>
      %dma_start3A_1507 = tpu.memref_squeeze %dma_start3A_1506 : memref<1x1x1x8x128xf32, #tpu.memory_space<hbm>> -> memref<8x128xf32, #tpu.memory_space<hbm>>
      %dma_start3A_1508 = arith.constant 24 : i32
      %dma_start3A_1509 = arith.constant 128 : i32
      %dma_start3A_1510 = tpu.memref_slice %arg7[%dma_start3A_1494, %dma_start3A_1508, %dma_start3A_1509] : memref<2x32x513xf32, #tpu.memory_space<vmem>> -> memref<1x8x128xf32, #tpu.memory_space<vmem>>
      %dma_start3A_1511 = tpu.memref_squeeze %dma_start3A_1510 : memref<1x8x128xf32, #tpu.memory_space<vmem>> -> memref<8x128xf32, #tpu.memory_space<vmem>>
      tpu.enqueue_dma source(%dma_start3A_1511 : memref<8x128xf32, #tpu.memory_space<vmem>>) target(%dma_start3A_1507 : memref<8x128xf32, #tpu.memory_space<hbm>>) target_semaphore(%arg13 : memref<!tpu.dma_semaphore, #tpu.memory_space<semaphore_mem>>)
      %mul3A_1512 = arith.constant 4 : i32
      %mul3A_1513 = arith.muli %add3A, %mul3A_1512 : i32
      %add3A_1514 = arith.constant 2 : i32
      %add3A_1515 = arith.addi %mul3A_1513, %add3A_1514 : i32
      %dma_start3A_1516 = arith.constant 1 : i32
      %dma_start3A_1517 = arith.constant 3 : i32
      %dma_start3A_1518 = arith.constant 24 : i32
      %dma_start3A_1519 = arith.constant 256 : i32
      %dma_start3A_1520 = tpu.memref_slice %arg7[%dma_start3A_1516, %dma_start3A_1518, %dma_start3A_1519] : memref<2x32x513xf32, #tpu.memory_space<vmem>> -> memref<1x8x128xf32, #tpu.memory_space<vmem>>
      %dma_start3A_1521 = tpu.memref_squeeze %dma_start3A_1520 : memref<1x8x128xf32, #tpu.memory_space<vmem>> -> memref<8x128xf32, #tpu.memory_space<vmem>>
      %dma_start3A_1522 = arith.constant 0 : i32
      %dma_start3A_1523 = arith.constant 0 : i32
      %dma_start3A_1524 = tpu.memref_slice %arg4[%add3A_1178, %dma_start3A_1517, %add3A_1515, %dma_start3A_1522, %dma_start3A_1523] : memref<100x4x128x8x128xf32, #tpu.memory_space<hbm>> -> memref<1x1x1x8x128xf32, #tpu.memory_space<hbm>>
      %dma_start3A_1525 = tpu.memref_squeeze %dma_start3A_1524 : memref<1x1x1x8x128xf32, #tpu.memory_space<hbm>> -> memref<8x128xf32, #tpu.memory_space<hbm>>
      %dma_start3A_1526 = arith.constant 0 : i32
      %dma_start3A_1527 = arith.constant 0 : i32
      %dma_start3A_1528 = tpu.memref_slice %arg4[%add3A_1178, %dma_start3A_1517, %add3A_1515, %dma_start3A_1526, %dma_start3A_1527] : memref<100x4x128x8x128xf32, #tpu.memory_space<hbm>> -> memref<1x1x1x8x128xf32, #tpu.memory_space<hbm>>
      %dma_start3A_1529 = tpu.memref_squeeze %dma_start3A_1528 : memref<1x1x1x8x128xf32, #tpu.memory_space<hbm>> -> memref<8x128xf32, #tpu.memory_space<hbm>>
      %dma_start3A_1530 = arith.constant 24 : i32
      %dma_start3A_1531 = arith.constant 256 : i32
      %dma_start3A_1532 = tpu.memref_slice %arg7[%dma_start3A_1516, %dma_start3A_1530, %dma_start3A_1531] : memref<2x32x513xf32, #tpu.memory_space<vmem>> -> memref<1x8x128xf32, #tpu.memory_space<vmem>>
      %dma_start3A_1533 = tpu.memref_squeeze %dma_start3A_1532 : memref<1x8x128xf32, #tpu.memory_space<vmem>> -> memref<8x128xf32, #tpu.memory_space<vmem>>
      tpu.enqueue_dma source(%dma_start3A_1533 : memref<8x128xf32, #tpu.memory_space<vmem>>) target(%dma_start3A_1529 : memref<8x128xf32, #tpu.memory_space<hbm>>) target_semaphore(%arg13 : memref<!tpu.dma_semaphore, #tpu.memory_space<semaphore_mem>>)
      %mul3A_1534 = arith.constant 4 : i32
      %mul3A_1535 = arith.muli %add3A, %mul3A_1534 : i32
      %add3A_1536 = arith.constant 3 : i32
      %add3A_1537 = arith.addi %mul3A_1535, %add3A_1536 : i32
      %dma_start3A_1538 = arith.constant 1 : i32
      %dma_start3A_1539 = arith.constant 3 : i32
      %dma_start3A_1540 = arith.constant 24 : i32
      %dma_start3A_1541 = arith.constant 384 : i32
      %dma_start3A_1542 = tpu.memref_slice %arg7[%dma_start3A_1538, %dma_start3A_1540, %dma_start3A_1541] : memref<2x32x513xf32, #tpu.memory_space<vmem>> -> memref<1x8x128xf32, #tpu.memory_space<vmem>>
      %dma_start3A_1543 = tpu.memref_squeeze %dma_start3A_1542 : memref<1x8x128xf32, #tpu.memory_space<vmem>> -> memref<8x128xf32, #tpu.memory_space<vmem>>
      %dma_start3A_1544 = arith.constant 0 : i32
      %dma_start3A_1545 = arith.constant 0 : i32
      %dma_start3A_1546 = tpu.memref_slice %arg4[%add3A_1178, %dma_start3A_1539, %add3A_1537, %dma_start3A_1544, %dma_start3A_1545] : memref<100x4x128x8x128xf32, #tpu.memory_space<hbm>> -> memref<1x1x1x8x128xf32, #tpu.memory_space<hbm>>
      %dma_start3A_1547 = tpu.memref_squeeze %dma_start3A_1546 : memref<1x1x1x8x128xf32, #tpu.memory_space<hbm>> -> memref<8x128xf32, #tpu.memory_space<hbm>>
      %dma_start3A_1548 = arith.constant 0 : i32
      %dma_start3A_1549 = arith.constant 0 : i32
      %dma_start3A_1550 = tpu.memref_slice %arg4[%add3A_1178, %dma_start3A_1539, %add3A_1537, %dma_start3A_1548, %dma_start3A_1549] : memref<100x4x128x8x128xf32, #tpu.memory_space<hbm>> -> memref<1x1x1x8x128xf32, #tpu.memory_space<hbm>>
      %dma_start3A_1551 = tpu.memref_squeeze %dma_start3A_1550 : memref<1x1x1x8x128xf32, #tpu.memory_space<hbm>> -> memref<8x128xf32, #tpu.memory_space<hbm>>
      %dma_start3A_1552 = arith.constant 24 : i32
      %dma_start3A_1553 = arith.constant 384 : i32
      %dma_start3A_1554 = tpu.memref_slice %arg7[%dma_start3A_1538, %dma_start3A_1552, %dma_start3A_1553] : memref<2x32x513xf32, #tpu.memory_space<vmem>> -> memref<1x8x128xf32, #tpu.memory_space<vmem>>
      %dma_start3A_1555 = tpu.memref_squeeze %dma_start3A_1554 : memref<1x8x128xf32, #tpu.memory_space<vmem>> -> memref<8x128xf32, #tpu.memory_space<vmem>>
      tpu.enqueue_dma source(%dma_start3A_1555 : memref<8x128xf32, #tpu.memory_space<vmem>>) target(%dma_start3A_1551 : memref<8x128xf32, #tpu.memory_space<hbm>>) target_semaphore(%arg13 : memref<!tpu.dma_semaphore, #tpu.memory_space<semaphore_mem>>)
      %lt3A_1556 = arith.constant 98 : i32
      %lt3A_1557 = arith.cmpi slt, %add3A_1178, %lt3A_1556 : i32
      %convert_element_type3A_1558 = arith.extui %lt3A_1557 : i1 to i32
      %cond3A_1559 = arith.constant 0 : i32
      %cond3A_1560 = arith.cmpi ne, %convert_element_type3A_1558, %cond3A_1559 : i32
      scf.if %cond3A_1560 {
        %add3A_1561 = arith.constant 2 : i32
        %add3A_1562 = arith.addi %add3A_1178, %add3A_1561 : i32
        %dma_start3A_1563 = arith.constant 1 : i32
        %dma_start3A_1564 = arith.constant 0 : i32
        %dma_start3A_1565 = tpu.memref_slice %arg5[%dma_start3A_1563, %dma_start3A_1564] : memref<2x512xi32, #tpu.memory_space<vmem>> -> memref<1x512xi32, #tpu.memory_space<vmem>>
        %dma_start3A_1566 = tpu.memref_squeeze %dma_start3A_1565 : memref<1x512xi32, #tpu.memory_space<vmem>> -> memref<512xi32, #tpu.memory_space<vmem>>
        %dma_start3A_1567 = tpu.memref_slice %arg3[%add3A_1562, %mul3A_2] : memref<100x16384xi32, #tpu.memory_space<hbm>> -> memref<1x512xi32, #tpu.memory_space<hbm>>
        %dma_start3A_1568 = tpu.memref_squeeze %dma_start3A_1567 : memref<1x512xi32, #tpu.memory_space<hbm>> -> memref<512xi32, #tpu.memory_space<hbm>>
        %dma_start3A_1569 = arith.constant 0 : i32
        %dma_start3A_1570 = tpu.memref_slice %arg5[%dma_start3A_1563, %dma_start3A_1569] : memref<2x512xi32, #tpu.memory_space<vmem>> -> memref<1x512xi32, #tpu.memory_space<vmem>>
        %dma_start3A_1571 = tpu.memref_squeeze %dma_start3A_1570 : memref<1x512xi32, #tpu.memory_space<vmem>> -> memref<512xi32, #tpu.memory_space<vmem>>
        %dma_start3A_1572 = tpu.memref_slice %arg3[%add3A_1562, %mul3A_2] : memref<100x16384xi32, #tpu.memory_space<hbm>> -> memref<1x512xi32, #tpu.memory_space<hbm>>
        %dma_start3A_1573 = tpu.memref_squeeze %dma_start3A_1572 : memref<1x512xi32, #tpu.memory_space<hbm>> -> memref<512xi32, #tpu.memory_space<hbm>>
        tpu.enqueue_dma source(%dma_start3A_1573 : memref<512xi32, #tpu.memory_space<hbm>>) target(%dma_start3A_1571 : memref<512xi32, #tpu.memory_space<vmem>>) target_semaphore(%arg9 : memref<!tpu.dma_semaphore, #tpu.memory_space<semaphore_mem>>)
      } else {
      }
    }
    %scan3A_52 = arith.constant 50 : i32
    %mul3A_53 = arith.constant 4 : i32
    %mul3A_54 = arith.muli %add3A, %mul3A_53 : i32
    %add3A_55 = arith.constant 0 : i32
    %add3A_56 = arith.addi %mul3A_54, %add3A_55 : i32
    %dma_wait3A_57 = arith.constant 0 : i32
    %dma_wait3A_58 = arith.constant 0 : i32
    %dma_wait3A_59 = arith.constant 0 : i32
    %dma_wait3A_60 = arith.constant 0 : i32
    %dma_wait3A_61 = arith.constant 0 : i32
    %dma_wait3A_62 = tpu.memref_slice %arg7[%dma_wait3A_57, %dma_wait3A_60, %dma_wait3A_61] : memref<2x32x513xf32, #tpu.memory_space<vmem>> -> memref<1x8x128xf32, #tpu.memory_space<vmem>>
    %dma_wait3A_63 = tpu.memref_squeeze %dma_wait3A_62 : memref<1x8x128xf32, #tpu.memory_space<vmem>> -> memref<8x128xf32, #tpu.memory_space<vmem>>
    %dma_wait3A_64 = arith.constant 0 : i32
    %dma_wait3A_65 = arith.constant 0 : i32
    %dma_wait3A_66 = tpu.memref_slice %arg4[%dma_wait3A_58, %dma_wait3A_59, %add3A_56, %dma_wait3A_64, %dma_wait3A_65] : memref<100x4x128x8x128xf32, #tpu.memory_space<hbm>> -> memref<1x1x1x8x128xf32, #tpu.memory_space<hbm>>
    %dma_wait3A_67 = tpu.memref_squeeze %dma_wait3A_66 : memref<1x1x1x8x128xf32, #tpu.memory_space<hbm>> -> memref<8x128xf32, #tpu.memory_space<hbm>>
    %dma_wait3A_68 = arith.constant 0 : i32
    %dma_wait3A_69 = arith.constant 0 : i32
    %dma_wait3A_70 = tpu.memref_slice %arg4[%dma_wait3A_58, %dma_wait3A_59, %add3A_56, %dma_wait3A_68, %dma_wait3A_69] : memref<100x4x128x8x128xf32, #tpu.memory_space<hbm>> -> memref<1x1x1x8x128xf32, #tpu.memory_space<hbm>>
    %dma_wait3A_71 = tpu.memref_squeeze %dma_wait3A_70 : memref<1x1x1x8x128xf32, #tpu.memory_space<hbm>> -> memref<8x128xf32, #tpu.memory_space<hbm>>
    %dma_wait3A_72 = arith.constant 0 : i32
    %dma_wait3A_73 = arith.constant 0 : i32
    %dma_wait3A_74 = tpu.memref_slice %arg7[%dma_wait3A_57, %dma_wait3A_72, %dma_wait3A_73] : memref<2x32x513xf32, #tpu.memory_space<vmem>> -> memref<1x8x128xf32, #tpu.memory_space<vmem>>
    %dma_wait3A_75 = tpu.memref_squeeze %dma_wait3A_74 : memref<1x8x128xf32, #tpu.memory_space<vmem>> -> memref<8x128xf32, #tpu.memory_space<vmem>>
    tpu.wait_dma2 semaphore(%arg12 : memref<!tpu.dma_semaphore, #tpu.memory_space<semaphore_mem>>) src(%dma_wait3A_75 : memref<8x128xf32, #tpu.memory_space<vmem>>) dst(%dma_wait3A_71 : memref<8x128xf32, #tpu.memory_space<hbm>>)
    %mul3A_76 = arith.constant 4 : i32
    %mul3A_77 = arith.muli %add3A, %mul3A_76 : i32
    %add3A_78 = arith.constant 1 : i32
    %add3A_79 = arith.addi %mul3A_77, %add3A_78 : i32
    %dma_wait3A_80 = arith.constant 0 : i32
    %dma_wait3A_81 = arith.constant 0 : i32
    %dma_wait3A_82 = arith.constant 0 : i32
    %dma_wait3A_83 = arith.constant 0 : i32
    %dma_wait3A_84 = arith.constant 128 : i32
    %dma_wait3A_85 = tpu.memref_slice %arg7[%dma_wait3A_80, %dma_wait3A_83, %dma_wait3A_84] : memref<2x32x513xf32, #tpu.memory_space<vmem>> -> memref<1x8x128xf32, #tpu.memory_space<vmem>>
    %dma_wait3A_86 = tpu.memref_squeeze %dma_wait3A_85 : memref<1x8x128xf32, #tpu.memory_space<vmem>> -> memref<8x128xf32, #tpu.memory_space<vmem>>
    %dma_wait3A_87 = arith.constant 0 : i32
    %dma_wait3A_88 = arith.constant 0 : i32
    %dma_wait3A_89 = tpu.memref_slice %arg4[%dma_wait3A_81, %dma_wait3A_82, %add3A_79, %dma_wait3A_87, %dma_wait3A_88] : memref<100x4x128x8x128xf32, #tpu.memory_space<hbm>> -> memref<1x1x1x8x128xf32, #tpu.memory_space<hbm>>
    %dma_wait3A_90 = tpu.memref_squeeze %dma_wait3A_89 : memref<1x1x1x8x128xf32, #tpu.memory_space<hbm>> -> memref<8x128xf32, #tpu.memory_space<hbm>>
    %dma_wait3A_91 = arith.constant 0 : i32
    %dma_wait3A_92 = arith.constant 0 : i32
    %dma_wait3A_93 = tpu.memref_slice %arg4[%dma_wait3A_81, %dma_wait3A_82, %add3A_79, %dma_wait3A_91, %dma_wait3A_92] : memref<100x4x128x8x128xf32, #tpu.memory_space<hbm>> -> memref<1x1x1x8x128xf32, #tpu.memory_space<hbm>>
    %dma_wait3A_94 = tpu.memref_squeeze %dma_wait3A_93 : memref<1x1x1x8x128xf32, #tpu.memory_space<hbm>> -> memref<8x128xf32, #tpu.memory_space<hbm>>
    %dma_wait3A_95 = arith.constant 0 : i32
    %dma_wait3A_96 = arith.constant 128 : i32
    %dma_wait3A_97 = tpu.memref_slice %arg7[%dma_wait3A_80, %dma_wait3A_95, %dma_wait3A_96] : memref<2x32x513xf32, #tpu.memory_space<vmem>> -> memref<1x8x128xf32, #tpu.memory_space<vmem>>
    %dma_wait3A_98 = tpu.memref_squeeze %dma_wait3A_97 : memref<1x8x128xf32, #tpu.memory_space<vmem>> -> memref<8x128xf32, #tpu.memory_space<vmem>>
    tpu.wait_dma2 semaphore(%arg12 : memref<!tpu.dma_semaphore, #tpu.memory_space<semaphore_mem>>) src(%dma_wait3A_98 : memref<8x128xf32, #tpu.memory_space<vmem>>) dst(%dma_wait3A_94 : memref<8x128xf32, #tpu.memory_space<hbm>>)
    %mul3A_99 = arith.constant 4 : i32
    %mul3A_100 = arith.muli %add3A, %mul3A_99 : i32
    %add3A_101 = arith.constant 2 : i32
    %add3A_102 = arith.addi %mul3A_100, %add3A_101 : i32
    %dma_wait3A_103 = arith.constant 0 : i32
    %dma_wait3A_104 = arith.constant 0 : i32
    %dma_wait3A_105 = arith.constant 0 : i32
    %dma_wait3A_106 = arith.constant 0 : i32
    %dma_wait3A_107 = arith.constant 256 : i32
    %dma_wait3A_108 = tpu.memref_slice %arg7[%dma_wait3A_103, %dma_wait3A_106, %dma_wait3A_107] : memref<2x32x513xf32, #tpu.memory_space<vmem>> -> memref<1x8x128xf32, #tpu.memory_space<vmem>>
    %dma_wait3A_109 = tpu.memref_squeeze %dma_wait3A_108 : memref<1x8x128xf32, #tpu.memory_space<vmem>> -> memref<8x128xf32, #tpu.memory_space<vmem>>
    %dma_wait3A_110 = arith.constant 0 : i32
    %dma_wait3A_111 = arith.constant 0 : i32
    %dma_wait3A_112 = tpu.memref_slice %arg4[%dma_wait3A_104, %dma_wait3A_105, %add3A_102, %dma_wait3A_110, %dma_wait3A_111] : memref<100x4x128x8x128xf32, #tpu.memory_space<hbm>> -> memref<1x1x1x8x128xf32, #tpu.memory_space<hbm>>
    %dma_wait3A_113 = tpu.memref_squeeze %dma_wait3A_112 : memref<1x1x1x8x128xf32, #tpu.memory_space<hbm>> -> memref<8x128xf32, #tpu.memory_space<hbm>>
    %dma_wait3A_114 = arith.constant 0 : i32
    %dma_wait3A_115 = arith.constant 0 : i32
    %dma_wait3A_116 = tpu.memref_slice %arg4[%dma_wait3A_104, %dma_wait3A_105, %add3A_102, %dma_wait3A_114, %dma_wait3A_115] : memref<100x4x128x8x128xf32, #tpu.memory_space<hbm>> -> memref<1x1x1x8x128xf32, #tpu.memory_space<hbm>>
    %dma_wait3A_117 = tpu.memref_squeeze %dma_wait3A_116 : memref<1x1x1x8x128xf32, #tpu.memory_space<hbm>> -> memref<8x128xf32, #tpu.memory_space<hbm>>
    %dma_wait3A_118 = arith.constant 0 : i32
    %dma_wait3A_119 = arith.constant 256 : i32
    %dma_wait3A_120 = tpu.memref_slice %arg7[%dma_wait3A_103, %dma_wait3A_118, %dma_wait3A_119] : memref<2x32x513xf32, #tpu.memory_space<vmem>> -> memref<1x8x128xf32, #tpu.memory_space<vmem>>
    %dma_wait3A_121 = tpu.memref_squeeze %dma_wait3A_120 : memref<1x8x128xf32, #tpu.memory_space<vmem>> -> memref<8x128xf32, #tpu.memory_space<vmem>>
    tpu.wait_dma2 semaphore(%arg12 : memref<!tpu.dma_semaphore, #tpu.memory_space<semaphore_mem>>) src(%dma_wait3A_121 : memref<8x128xf32, #tpu.memory_space<vmem>>) dst(%dma_wait3A_117 : memref<8x128xf32, #tpu.memory_space<hbm>>)
    %mul3A_122 = arith.constant 4 : i32
    %mul3A_123 = arith.muli %add3A, %mul3A_122 : i32
    %add3A_124 = arith.constant 3 : i32
    %add3A_125 = arith.addi %mul3A_123, %add3A_124 : i32
    %dma_wait3A_126 = arith.constant 0 : i32
    %dma_wait3A_127 = arith.constant 0 : i32
    %dma_wait3A_128 = arith.constant 0 : i32
    %dma_wait3A_129 = arith.constant 0 : i32
    %dma_wait3A_130 = arith.constant 384 : i32
    %dma_wait3A_131 = tpu.memref_slice %arg7[%dma_wait3A_126, %dma_wait3A_129, %dma_wait3A_130] : memref<2x32x513xf32, #tpu.memory_space<vmem>> -> memref<1x8x128xf32, #tpu.memory_space<vmem>>
    %dma_wait3A_132 = tpu.memref_squeeze %dma_wait3A_131 : memref<1x8x128xf32, #tpu.memory_space<vmem>> -> memref<8x128xf32, #tpu.memory_space<vmem>>
    %dma_wait3A_133 = arith.constant 0 : i32
    %dma_wait3A_134 = arith.constant 0 : i32
    %dma_wait3A_135 = tpu.memref_slice %arg4[%dma_wait3A_127, %dma_wait3A_128, %add3A_125, %dma_wait3A_133, %dma_wait3A_134] : memref<100x4x128x8x128xf32, #tpu.memory_space<hbm>> -> memref<1x1x1x8x128xf32, #tpu.memory_space<hbm>>
    %dma_wait3A_136 = tpu.memref_squeeze %dma_wait3A_135 : memref<1x1x1x8x128xf32, #tpu.memory_space<hbm>> -> memref<8x128xf32, #tpu.memory_space<hbm>>
    %dma_wait3A_137 = arith.constant 0 : i32
    %dma_wait3A_138 = arith.constant 0 : i32
    %dma_wait3A_139 = tpu.memref_slice %arg4[%dma_wait3A_127, %dma_wait3A_128, %add3A_125, %dma_wait3A_137, %dma_wait3A_138] : memref<100x4x128x8x128xf32, #tpu.memory_space<hbm>> -> memref<1x1x1x8x128xf32, #tpu.memory_space<hbm>>
    %dma_wait3A_140 = tpu.memref_squeeze %dma_wait3A_139 : memref<1x1x1x8x128xf32, #tpu.memory_space<hbm>> -> memref<8x128xf32, #tpu.memory_space<hbm>>
    %dma_wait3A_141 = arith.constant 0 : i32
    %dma_wait3A_142 = arith.constant 384 : i32
    %dma_wait3A_143 = tpu.memref_slice %arg7[%dma_wait3A_126, %dma_wait3A_141, %dma_wait3A_142] : memref<2x32x513xf32, #tpu.memory_space<vmem>> -> memref<1x8x128xf32, #tpu.memory_space<vmem>>
    %dma_wait3A_144 = tpu.memref_squeeze %dma_wait3A_143 : memref<1x8x128xf32, #tpu.memory_space<vmem>> -> memref<8x128xf32, #tpu.memory_space<vmem>>
    tpu.wait_dma2 semaphore(%arg12 : memref<!tpu.dma_semaphore, #tpu.memory_space<semaphore_mem>>) src(%dma_wait3A_144 : memref<8x128xf32, #tpu.memory_space<vmem>>) dst(%dma_wait3A_140 : memref<8x128xf32, #tpu.memory_space<hbm>>)
    %mul3A_145 = arith.constant 4 : i32
    %mul3A_146 = arith.muli %add3A, %mul3A_145 : i32
    %add3A_147 = arith.constant 0 : i32
    %add3A_148 = arith.addi %mul3A_146, %add3A_147 : i32
    %dma_wait3A_149 = arith.constant 0 : i32
    %dma_wait3A_150 = arith.constant 0 : i32
    %dma_wait3A_151 = arith.constant 1 : i32
    %dma_wait3A_152 = arith.constant 8 : i32
    %dma_wait3A_153 = arith.constant 0 : i32
    %dma_wait3A_154 = tpu.memref_slice %arg7[%dma_wait3A_149, %dma_wait3A_152, %dma_wait3A_153] : memref<2x32x513xf32, #tpu.memory_space<vmem>> -> memref<1x8x128xf32, #tpu.memory_space<vmem>>
    %dma_wait3A_155 = tpu.memref_squeeze %dma_wait3A_154 : memref<1x8x128xf32, #tpu.memory_space<vmem>> -> memref<8x128xf32, #tpu.memory_space<vmem>>
    %dma_wait3A_156 = arith.constant 0 : i32
    %dma_wait3A_157 = arith.constant 0 : i32
    %dma_wait3A_158 = tpu.memref_slice %arg4[%dma_wait3A_150, %dma_wait3A_151, %add3A_148, %dma_wait3A_156, %dma_wait3A_157] : memref<100x4x128x8x128xf32, #tpu.memory_space<hbm>> -> memref<1x1x1x8x128xf32, #tpu.memory_space<hbm>>
    %dma_wait3A_159 = tpu.memref_squeeze %dma_wait3A_158 : memref<1x1x1x8x128xf32, #tpu.memory_space<hbm>> -> memref<8x128xf32, #tpu.memory_space<hbm>>
    %dma_wait3A_160 = arith.constant 0 : i32
    %dma_wait3A_161 = arith.constant 0 : i32
    %dma_wait3A_162 = tpu.memref_slice %arg4[%dma_wait3A_150, %dma_wait3A_151, %add3A_148, %dma_wait3A_160, %dma_wait3A_161] : memref<100x4x128x8x128xf32, #tpu.memory_space<hbm>> -> memref<1x1x1x8x128xf32, #tpu.memory_space<hbm>>
    %dma_wait3A_163 = tpu.memref_squeeze %dma_wait3A_162 : memref<1x1x1x8x128xf32, #tpu.memory_space<hbm>> -> memref<8x128xf32, #tpu.memory_space<hbm>>
    %dma_wait3A_164 = arith.constant 8 : i32
    %dma_wait3A_165 = arith.constant 0 : i32
    %dma_wait3A_166 = tpu.memref_slice %arg7[%dma_wait3A_149, %dma_wait3A_164, %dma_wait3A_165] : memref<2x32x513xf32, #tpu.memory_space<vmem>> -> memref<1x8x128xf32, #tpu.memory_space<vmem>>
    %dma_wait3A_167 = tpu.memref_squeeze %dma_wait3A_166 : memref<1x8x128xf32, #tpu.memory_space<vmem>> -> memref<8x128xf32, #tpu.memory_space<vmem>>
    tpu.wait_dma2 semaphore(%arg12 : memref<!tpu.dma_semaphore, #tpu.memory_space<semaphore_mem>>) src(%dma_wait3A_167 : memref<8x128xf32, #tpu.memory_space<vmem>>) dst(%dma_wait3A_163 : memref<8x128xf32, #tpu.memory_space<hbm>>)
    %mul3A_168 = arith.constant 4 : i32
    %mul3A_169 = arith.muli %add3A, %mul3A_168 : i32
    %add3A_170 = arith.constant 1 : i32
    %add3A_171 = arith.addi %mul3A_169, %add3A_170 : i32
    %dma_wait3A_172 = arith.constant 0 : i32
    %dma_wait3A_173 = arith.constant 0 : i32
    %dma_wait3A_174 = arith.constant 1 : i32
    %dma_wait3A_175 = arith.constant 8 : i32
    %dma_wait3A_176 = arith.constant 128 : i32
    %dma_wait3A_177 = tpu.memref_slice %arg7[%dma_wait3A_172, %dma_wait3A_175, %dma_wait3A_176] : memref<2x32x513xf32, #tpu.memory_space<vmem>> -> memref<1x8x128xf32, #tpu.memory_space<vmem>>
    %dma_wait3A_178 = tpu.memref_squeeze %dma_wait3A_177 : memref<1x8x128xf32, #tpu.memory_space<vmem>> -> memref<8x128xf32, #tpu.memory_space<vmem>>
    %dma_wait3A_179 = arith.constant 0 : i32
    %dma_wait3A_180 = arith.constant 0 : i32
    %dma_wait3A_181 = tpu.memref_slice %arg4[%dma_wait3A_173, %dma_wait3A_174, %add3A_171, %dma_wait3A_179, %dma_wait3A_180] : memref<100x4x128x8x128xf32, #tpu.memory_space<hbm>> -> memref<1x1x1x8x128xf32, #tpu.memory_space<hbm>>
    %dma_wait3A_182 = tpu.memref_squeeze %dma_wait3A_181 : memref<1x1x1x8x128xf32, #tpu.memory_space<hbm>> -> memref<8x128xf32, #tpu.memory_space<hbm>>
    %dma_wait3A_183 = arith.constant 0 : i32
    %dma_wait3A_184 = arith.constant 0 : i32
    %dma_wait3A_185 = tpu.memref_slice %arg4[%dma_wait3A_173, %dma_wait3A_174, %add3A_171, %dma_wait3A_183, %dma_wait3A_184] : memref<100x4x128x8x128xf32, #tpu.memory_space<hbm>> -> memref<1x1x1x8x128xf32, #tpu.memory_space<hbm>>
    %dma_wait3A_186 = tpu.memref_squeeze %dma_wait3A_185 : memref<1x1x1x8x128xf32, #tpu.memory_space<hbm>> -> memref<8x128xf32, #tpu.memory_space<hbm>>
    %dma_wait3A_187 = arith.constant 8 : i32
    %dma_wait3A_188 = arith.constant 128 : i32
    %dma_wait3A_189 = tpu.memref_slice %arg7[%dma_wait3A_172, %dma_wait3A_187, %dma_wait3A_188] : memref<2x32x513xf32, #tpu.memory_space<vmem>> -> memref<1x8x128xf32, #tpu.memory_space<vmem>>
    %dma_wait3A_190 = tpu.memref_squeeze %dma_wait3A_189 : memref<1x8x128xf32, #tpu.memory_space<vmem>> -> memref<8x128xf32, #tpu.memory_space<vmem>>
    tpu.wait_dma2 semaphore(%arg12 : memref<!tpu.dma_semaphore, #tpu.memory_space<semaphore_mem>>) src(%dma_wait3A_190 : memref<8x128xf32, #tpu.memory_space<vmem>>) dst(%dma_wait3A_186 : memref<8x128xf32, #tpu.memory_space<hbm>>)
    %mul3A_191 = arith.constant 4 : i32
    %mul3A_192 = arith.muli %add3A, %mul3A_191 : i32
    %add3A_193 = arith.constant 2 : i32
    %add3A_194 = arith.addi %mul3A_192, %add3A_193 : i32
    %dma_wait3A_195 = arith.constant 0 : i32
    %dma_wait3A_196 = arith.constant 0 : i32
    %dma_wait3A_197 = arith.constant 1 : i32
    %dma_wait3A_198 = arith.constant 8 : i32
    %dma_wait3A_199 = arith.constant 256 : i32
    %dma_wait3A_200 = tpu.memref_slice %arg7[%dma_wait3A_195, %dma_wait3A_198, %dma_wait3A_199] : memref<2x32x513xf32, #tpu.memory_space<vmem>> -> memref<1x8x128xf32, #tpu.memory_space<vmem>>
    %dma_wait3A_201 = tpu.memref_squeeze %dma_wait3A_200 : memref<1x8x128xf32, #tpu.memory_space<vmem>> -> memref<8x128xf32, #tpu.memory_space<vmem>>
    %dma_wait3A_202 = arith.constant 0 : i32
    %dma_wait3A_203 = arith.constant 0 : i32
    %dma_wait3A_204 = tpu.memref_slice %arg4[%dma_wait3A_196, %dma_wait3A_197, %add3A_194, %dma_wait3A_202, %dma_wait3A_203] : memref<100x4x128x8x128xf32, #tpu.memory_space<hbm>> -> memref<1x1x1x8x128xf32, #tpu.memory_space<hbm>>
    %dma_wait3A_205 = tpu.memref_squeeze %dma_wait3A_204 : memref<1x1x1x8x128xf32, #tpu.memory_space<hbm>> -> memref<8x128xf32, #tpu.memory_space<hbm>>
    %dma_wait3A_206 = arith.constant 0 : i32
    %dma_wait3A_207 = arith.constant 0 : i32
    %dma_wait3A_208 = tpu.memref_slice %arg4[%dma_wait3A_196, %dma_wait3A_197, %add3A_194, %dma_wait3A_206, %dma_wait3A_207] : memref<100x4x128x8x128xf32, #tpu.memory_space<hbm>> -> memref<1x1x1x8x128xf32, #tpu.memory_space<hbm>>
    %dma_wait3A_209 = tpu.memref_squeeze %dma_wait3A_208 : memref<1x1x1x8x128xf32, #tpu.memory_space<hbm>> -> memref<8x128xf32, #tpu.memory_space<hbm>>
    %dma_wait3A_210 = arith.constant 8 : i32
    %dma_wait3A_211 = arith.constant 256 : i32
    %dma_wait3A_212 = tpu.memref_slice %arg7[%dma_wait3A_195, %dma_wait3A_210, %dma_wait3A_211] : memref<2x32x513xf32, #tpu.memory_space<vmem>> -> memref<1x8x128xf32, #tpu.memory_space<vmem>>
    %dma_wait3A_213 = tpu.memref_squeeze %dma_wait3A_212 : memref<1x8x128xf32, #tpu.memory_space<vmem>> -> memref<8x128xf32, #tpu.memory_space<vmem>>
    tpu.wait_dma2 semaphore(%arg12 : memref<!tpu.dma_semaphore, #tpu.memory_space<semaphore_mem>>) src(%dma_wait3A_213 : memref<8x128xf32, #tpu.memory_space<vmem>>) dst(%dma_wait3A_209 : memref<8x128xf32, #tpu.memory_space<hbm>>)
    %mul3A_214 = arith.constant 4 : i32
    %mul3A_215 = arith.muli %add3A, %mul3A_214 : i32
    %add3A_216 = arith.constant 3 : i32
    %add3A_217 = arith.addi %mul3A_215, %add3A_216 : i32
    %dma_wait3A_218 = arith.constant 0 : i32
    %dma_wait3A_219 = arith.constant 0 : i32
    %dma_wait3A_220 = arith.constant 1 : i32
    %dma_wait3A_221 = arith.constant 8 : i32
    %dma_wait3A_222 = arith.constant 384 : i32
    %dma_wait3A_223 = tpu.memref_slice %arg7[%dma_wait3A_218, %dma_wait3A_221, %dma_wait3A_222] : memref<2x32x513xf32, #tpu.memory_space<vmem>> -> memref<1x8x128xf32, #tpu.memory_space<vmem>>
    %dma_wait3A_224 = tpu.memref_squeeze %dma_wait3A_223 : memref<1x8x128xf32, #tpu.memory_space<vmem>> -> memref<8x128xf32, #tpu.memory_space<vmem>>
    %dma_wait3A_225 = arith.constant 0 : i32
    %dma_wait3A_226 = arith.constant 0 : i32
    %dma_wait3A_227 = tpu.memref_slice %arg4[%dma_wait3A_219, %dma_wait3A_220, %add3A_217, %dma_wait3A_225, %dma_wait3A_226] : memref<100x4x128x8x128xf32, #tpu.memory_space<hbm>> -> memref<1x1x1x8x128xf32, #tpu.memory_space<hbm>>
    %dma_wait3A_228 = tpu.memref_squeeze %dma_wait3A_227 : memref<1x1x1x8x128xf32, #tpu.memory_space<hbm>> -> memref<8x128xf32, #tpu.memory_space<hbm>>
    %dma_wait3A_229 = arith.constant 0 : i32
    %dma_wait3A_230 = arith.constant 0 : i32
    %dma_wait3A_231 = tpu.memref_slice %arg4[%dma_wait3A_219, %dma_wait3A_220, %add3A_217, %dma_wait3A_229, %dma_wait3A_230] : memref<100x4x128x8x128xf32, #tpu.memory_space<hbm>> -> memref<1x1x1x8x128xf32, #tpu.memory_space<hbm>>
    %dma_wait3A_232 = tpu.memref_squeeze %dma_wait3A_231 : memref<1x1x1x8x128xf32, #tpu.memory_space<hbm>> -> memref<8x128xf32, #tpu.memory_space<hbm>>
    %dma_wait3A_233 = arith.constant 8 : i32
    %dma_wait3A_234 = arith.constant 384 : i32
    %dma_wait3A_235 = tpu.memref_slice %arg7[%dma_wait3A_218, %dma_wait3A_233, %dma_wait3A_234] : memref<2x32x513xf32, #tpu.memory_space<vmem>> -> memref<1x8x128xf32, #tpu.memory_space<vmem>>
    %dma_wait3A_236 = tpu.memref_squeeze %dma_wait3A_235 : memref<1x8x128xf32, #tpu.memory_space<vmem>> -> memref<8x128xf32, #tpu.memory_space<vmem>>
    tpu.wait_dma2 semaphore(%arg12 : memref<!tpu.dma_semaphore, #tpu.memory_space<semaphore_mem>>) src(%dma_wait3A_236 : memref<8x128xf32, #tpu.memory_space<vmem>>) dst(%dma_wait3A_232 : memref<8x128xf32, #tpu.memory_space<hbm>>)
    %mul3A_237 = arith.constant 4 : i32
    %mul3A_238 = arith.muli %add3A, %mul3A_237 : i32
    %add3A_239 = arith.constant 0 : i32
    %add3A_240 = arith.addi %mul3A_238, %add3A_239 : i32
    %dma_wait3A_241 = arith.constant 0 : i32
    %dma_wait3A_242 = arith.constant 0 : i32
    %dma_wait3A_243 = arith.constant 2 : i32
    %dma_wait3A_244 = arith.constant 16 : i32
    %dma_wait3A_245 = arith.constant 0 : i32
    %dma_wait3A_246 = tpu.memref_slice %arg7[%dma_wait3A_241, %dma_wait3A_244, %dma_wait3A_245] : memref<2x32x513xf32, #tpu.memory_space<vmem>> -> memref<1x8x128xf32, #tpu.memory_space<vmem>>
    %dma_wait3A_247 = tpu.memref_squeeze %dma_wait3A_246 : memref<1x8x128xf32, #tpu.memory_space<vmem>> -> memref<8x128xf32, #tpu.memory_space<vmem>>
    %dma_wait3A_248 = arith.constant 0 : i32
    %dma_wait3A_249 = arith.constant 0 : i32
    %dma_wait3A_250 = tpu.memref_slice %arg4[%dma_wait3A_242, %dma_wait3A_243, %add3A_240, %dma_wait3A_248, %dma_wait3A_249] : memref<100x4x128x8x128xf32, #tpu.memory_space<hbm>> -> memref<1x1x1x8x128xf32, #tpu.memory_space<hbm>>
    %dma_wait3A_251 = tpu.memref_squeeze %dma_wait3A_250 : memref<1x1x1x8x128xf32, #tpu.memory_space<hbm>> -> memref<8x128xf32, #tpu.memory_space<hbm>>
    %dma_wait3A_252 = arith.constant 0 : i32
    %dma_wait3A_253 = arith.constant 0 : i32
    %dma_wait3A_254 = tpu.memref_slice %arg4[%dma_wait3A_242, %dma_wait3A_243, %add3A_240, %dma_wait3A_252, %dma_wait3A_253] : memref<100x4x128x8x128xf32, #tpu.memory_space<hbm>> -> memref<1x1x1x8x128xf32, #tpu.memory_space<hbm>>
    %dma_wait3A_255 = tpu.memref_squeeze %dma_wait3A_254 : memref<1x1x1x8x128xf32, #tpu.memory_space<hbm>> -> memref<8x128xf32, #tpu.memory_space<hbm>>
    %dma_wait3A_256 = arith.constant 16 : i32
    %dma_wait3A_257 = arith.constant 0 : i32
    %dma_wait3A_258 = tpu.memref_slice %arg7[%dma_wait3A_241, %dma_wait3A_256, %dma_wait3A_257] : memref<2x32x513xf32, #tpu.memory_space<vmem>> -> memref<1x8x128xf32, #tpu.memory_space<vmem>>
    %dma_wait3A_259 = tpu.memref_squeeze %dma_wait3A_258 : memref<1x8x128xf32, #tpu.memory_space<vmem>> -> memref<8x128xf32, #tpu.memory_space<vmem>>
    tpu.wait_dma2 semaphore(%arg12 : memref<!tpu.dma_semaphore, #tpu.memory_space<semaphore_mem>>) src(%dma_wait3A_259 : memref<8x128xf32, #tpu.memory_space<vmem>>) dst(%dma_wait3A_255 : memref<8x128xf32, #tpu.memory_space<hbm>>)
    %mul3A_260 = arith.constant 4 : i32
    %mul3A_261 = arith.muli %add3A, %mul3A_260 : i32
    %add3A_262 = arith.constant 1 : i32
    %add3A_263 = arith.addi %mul3A_261, %add3A_262 : i32
    %dma_wait3A_264 = arith.constant 0 : i32
    %dma_wait3A_265 = arith.constant 0 : i32
    %dma_wait3A_266 = arith.constant 2 : i32
    %dma_wait3A_267 = arith.constant 16 : i32
    %dma_wait3A_268 = arith.constant 128 : i32
    %dma_wait3A_269 = tpu.memref_slice %arg7[%dma_wait3A_264, %dma_wait3A_267, %dma_wait3A_268] : memref<2x32x513xf32, #tpu.memory_space<vmem>> -> memref<1x8x128xf32, #tpu.memory_space<vmem>>
    %dma_wait3A_270 = tpu.memref_squeeze %dma_wait3A_269 : memref<1x8x128xf32, #tpu.memory_space<vmem>> -> memref<8x128xf32, #tpu.memory_space<vmem>>
    %dma_wait3A_271 = arith.constant 0 : i32
    %dma_wait3A_272 = arith.constant 0 : i32
    %dma_wait3A_273 = tpu.memref_slice %arg4[%dma_wait3A_265, %dma_wait3A_266, %add3A_263, %dma_wait3A_271, %dma_wait3A_272] : memref<100x4x128x8x128xf32, #tpu.memory_space<hbm>> -> memref<1x1x1x8x128xf32, #tpu.memory_space<hbm>>
    %dma_wait3A_274 = tpu.memref_squeeze %dma_wait3A_273 : memref<1x1x1x8x128xf32, #tpu.memory_space<hbm>> -> memref<8x128xf32, #tpu.memory_space<hbm>>
    %dma_wait3A_275 = arith.constant 0 : i32
    %dma_wait3A_276 = arith.constant 0 : i32
    %dma_wait3A_277 = tpu.memref_slice %arg4[%dma_wait3A_265, %dma_wait3A_266, %add3A_263, %dma_wait3A_275, %dma_wait3A_276] : memref<100x4x128x8x128xf32, #tpu.memory_space<hbm>> -> memref<1x1x1x8x128xf32, #tpu.memory_space<hbm>>
    %dma_wait3A_278 = tpu.memref_squeeze %dma_wait3A_277 : memref<1x1x1x8x128xf32, #tpu.memory_space<hbm>> -> memref<8x128xf32, #tpu.memory_space<hbm>>
    %dma_wait3A_279 = arith.constant 16 : i32
    %dma_wait3A_280 = arith.constant 128 : i32
    %dma_wait3A_281 = tpu.memref_slice %arg7[%dma_wait3A_264, %dma_wait3A_279, %dma_wait3A_280] : memref<2x32x513xf32, #tpu.memory_space<vmem>> -> memref<1x8x128xf32, #tpu.memory_space<vmem>>
    %dma_wait3A_282 = tpu.memref_squeeze %dma_wait3A_281 : memref<1x8x128xf32, #tpu.memory_space<vmem>> -> memref<8x128xf32, #tpu.memory_space<vmem>>
    tpu.wait_dma2 semaphore(%arg12 : memref<!tpu.dma_semaphore, #tpu.memory_space<semaphore_mem>>) src(%dma_wait3A_282 : memref<8x128xf32, #tpu.memory_space<vmem>>) dst(%dma_wait3A_278 : memref<8x128xf32, #tpu.memory_space<hbm>>)
    %mul3A_283 = arith.constant 4 : i32
    %mul3A_284 = arith.muli %add3A, %mul3A_283 : i32
    %add3A_285 = arith.constant 2 : i32
    %add3A_286 = arith.addi %mul3A_284, %add3A_285 : i32
    %dma_wait3A_287 = arith.constant 0 : i32
    %dma_wait3A_288 = arith.constant 0 : i32
    %dma_wait3A_289 = arith.constant 2 : i32
    %dma_wait3A_290 = arith.constant 16 : i32
    %dma_wait3A_291 = arith.constant 256 : i32
    %dma_wait3A_292 = tpu.memref_slice %arg7[%dma_wait3A_287, %dma_wait3A_290, %dma_wait3A_291] : memref<2x32x513xf32, #tpu.memory_space<vmem>> -> memref<1x8x128xf32, #tpu.memory_space<vmem>>
    %dma_wait3A_293 = tpu.memref_squeeze %dma_wait3A_292 : memref<1x8x128xf32, #tpu.memory_space<vmem>> -> memref<8x128xf32, #tpu.memory_space<vmem>>
    %dma_wait3A_294 = arith.constant 0 : i32
    %dma_wait3A_295 = arith.constant 0 : i32
    %dma_wait3A_296 = tpu.memref_slice %arg4[%dma_wait3A_288, %dma_wait3A_289, %add3A_286, %dma_wait3A_294, %dma_wait3A_295] : memref<100x4x128x8x128xf32, #tpu.memory_space<hbm>> -> memref<1x1x1x8x128xf32, #tpu.memory_space<hbm>>
    %dma_wait3A_297 = tpu.memref_squeeze %dma_wait3A_296 : memref<1x1x1x8x128xf32, #tpu.memory_space<hbm>> -> memref<8x128xf32, #tpu.memory_space<hbm>>
    %dma_wait3A_298 = arith.constant 0 : i32
    %dma_wait3A_299 = arith.constant 0 : i32
    %dma_wait3A_300 = tpu.memref_slice %arg4[%dma_wait3A_288, %dma_wait3A_289, %add3A_286, %dma_wait3A_298, %dma_wait3A_299] : memref<100x4x128x8x128xf32, #tpu.memory_space<hbm>> -> memref<1x1x1x8x128xf32, #tpu.memory_space<hbm>>
    %dma_wait3A_301 = tpu.memref_squeeze %dma_wait3A_300 : memref<1x1x1x8x128xf32, #tpu.memory_space<hbm>> -> memref<8x128xf32, #tpu.memory_space<hbm>>
    %dma_wait3A_302 = arith.constant 16 : i32
    %dma_wait3A_303 = arith.constant 256 : i32
    %dma_wait3A_304 = tpu.memref_slice %arg7[%dma_wait3A_287, %dma_wait3A_302, %dma_wait3A_303] : memref<2x32x513xf32, #tpu.memory_space<vmem>> -> memref<1x8x128xf32, #tpu.memory_space<vmem>>
    %dma_wait3A_305 = tpu.memref_squeeze %dma_wait3A_304 : memref<1x8x128xf32, #tpu.memory_space<vmem>> -> memref<8x128xf32, #tpu.memory_space<vmem>>
    tpu.wait_dma2 semaphore(%arg12 : memref<!tpu.dma_semaphore, #tpu.memory_space<semaphore_mem>>) src(%dma_wait3A_305 : memref<8x128xf32, #tpu.memory_space<vmem>>) dst(%dma_wait3A_301 : memref<8x128xf32, #tpu.memory_space<hbm>>)
    %mul3A_306 = arith.constant 4 : i32
    %mul3A_307 = arith.muli %add3A, %mul3A_306 : i32
    %add3A_308 = arith.constant 3 : i32
    %add3A_309 = arith.addi %mul3A_307, %add3A_308 : i32
    %dma_wait3A_310 = arith.constant 0 : i32
    %dma_wait3A_311 = arith.constant 0 : i32
    %dma_wait3A_312 = arith.constant 2 : i32
    %dma_wait3A_313 = arith.constant 16 : i32
    %dma_wait3A_314 = arith.constant 384 : i32
    %dma_wait3A_315 = tpu.memref_slice %arg7[%dma_wait3A_310, %dma_wait3A_313, %dma_wait3A_314] : memref<2x32x513xf32, #tpu.memory_space<vmem>> -> memref<1x8x128xf32, #tpu.memory_space<vmem>>
    %dma_wait3A_316 = tpu.memref_squeeze %dma_wait3A_315 : memref<1x8x128xf32, #tpu.memory_space<vmem>> -> memref<8x128xf32, #tpu.memory_space<vmem>>
    %dma_wait3A_317 = arith.constant 0 : i32
    %dma_wait3A_318 = arith.constant 0 : i32
    %dma_wait3A_319 = tpu.memref_slice %arg4[%dma_wait3A_311, %dma_wait3A_312, %add3A_309, %dma_wait3A_317, %dma_wait3A_318] : memref<100x4x128x8x128xf32, #tpu.memory_space<hbm>> -> memref<1x1x1x8x128xf32, #tpu.memory_space<hbm>>
    %dma_wait3A_320 = tpu.memref_squeeze %dma_wait3A_319 : memref<1x1x1x8x128xf32, #tpu.memory_space<hbm>> -> memref<8x128xf32, #tpu.memory_space<hbm>>
    %dma_wait3A_321 = arith.constant 0 : i32
    %dma_wait3A_322 = arith.constant 0 : i32
    %dma_wait3A_323 = tpu.memref_slice %arg4[%dma_wait3A_311, %dma_wait3A_312, %add3A_309, %dma_wait3A_321, %dma_wait3A_322] : memref<100x4x128x8x128xf32, #tpu.memory_space<hbm>> -> memref<1x1x1x8x128xf32, #tpu.memory_space<hbm>>
    %dma_wait3A_324 = tpu.memref_squeeze %dma_wait3A_323 : memref<1x1x1x8x128xf32, #tpu.memory_space<hbm>> -> memref<8x128xf32, #tpu.memory_space<hbm>>
    %dma_wait3A_325 = arith.constant 16 : i32
    %dma_wait3A_326 = arith.constant 384 : i32
    %dma_wait3A_327 = tpu.memref_slice %arg7[%dma_wait3A_310, %dma_wait3A_325, %dma_wait3A_326] : memref<2x32x513xf32, #tpu.memory_space<vmem>> -> memref<1x8x128xf32, #tpu.memory_space<vmem>>
    %dma_wait3A_328 = tpu.memref_squeeze %dma_wait3A_327 : memref<1x8x128xf32, #tpu.memory_space<vmem>> -> memref<8x128xf32, #tpu.memory_space<vmem>>
    tpu.wait_dma2 semaphore(%arg12 : memref<!tpu.dma_semaphore, #tpu.memory_space<semaphore_mem>>) src(%dma_wait3A_328 : memref<8x128xf32, #tpu.memory_space<vmem>>) dst(%dma_wait3A_324 : memref<8x128xf32, #tpu.memory_space<hbm>>)
    %mul3A_329 = arith.constant 4 : i32
    %mul3A_330 = arith.muli %add3A, %mul3A_329 : i32
    %add3A_331 = arith.constant 0 : i32
    %add3A_332 = arith.addi %mul3A_330, %add3A_331 : i32
    %dma_wait3A_333 = arith.constant 0 : i32
    %dma_wait3A_334 = arith.constant 0 : i32
    %dma_wait3A_335 = arith.constant 3 : i32
    %dma_wait3A_336 = arith.constant 24 : i32
    %dma_wait3A_337 = arith.constant 0 : i32
    %dma_wait3A_338 = tpu.memref_slice %arg7[%dma_wait3A_333, %dma_wait3A_336, %dma_wait3A_337] : memref<2x32x513xf32, #tpu.memory_space<vmem>> -> memref<1x8x128xf32, #tpu.memory_space<vmem>>
    %dma_wait3A_339 = tpu.memref_squeeze %dma_wait3A_338 : memref<1x8x128xf32, #tpu.memory_space<vmem>> -> memref<8x128xf32, #tpu.memory_space<vmem>>
    %dma_wait3A_340 = arith.constant 0 : i32
    %dma_wait3A_341 = arith.constant 0 : i32
    %dma_wait3A_342 = tpu.memref_slice %arg4[%dma_wait3A_334, %dma_wait3A_335, %add3A_332, %dma_wait3A_340, %dma_wait3A_341] : memref<100x4x128x8x128xf32, #tpu.memory_space<hbm>> -> memref<1x1x1x8x128xf32, #tpu.memory_space<hbm>>
    %dma_wait3A_343 = tpu.memref_squeeze %dma_wait3A_342 : memref<1x1x1x8x128xf32, #tpu.memory_space<hbm>> -> memref<8x128xf32, #tpu.memory_space<hbm>>
    %dma_wait3A_344 = arith.constant 0 : i32
    %dma_wait3A_345 = arith.constant 0 : i32
    %dma_wait3A_346 = tpu.memref_slice %arg4[%dma_wait3A_334, %dma_wait3A_335, %add3A_332, %dma_wait3A_344, %dma_wait3A_345] : memref<100x4x128x8x128xf32, #tpu.memory_space<hbm>> -> memref<1x1x1x8x128xf32, #tpu.memory_space<hbm>>
    %dma_wait3A_347 = tpu.memref_squeeze %dma_wait3A_346 : memref<1x1x1x8x128xf32, #tpu.memory_space<hbm>> -> memref<8x128xf32, #tpu.memory_space<hbm>>
    %dma_wait3A_348 = arith.constant 24 : i32
    %dma_wait3A_349 = arith.constant 0 : i32
    %dma_wait3A_350 = tpu.memref_slice %arg7[%dma_wait3A_333, %dma_wait3A_348, %dma_wait3A_349] : memref<2x32x513xf32, #tpu.memory_space<vmem>> -> memref<1x8x128xf32, #tpu.memory_space<vmem>>
    %dma_wait3A_351 = tpu.memref_squeeze %dma_wait3A_350 : memref<1x8x128xf32, #tpu.memory_space<vmem>> -> memref<8x128xf32, #tpu.memory_space<vmem>>
    tpu.wait_dma2 semaphore(%arg12 : memref<!tpu.dma_semaphore, #tpu.memory_space<semaphore_mem>>) src(%dma_wait3A_351 : memref<8x128xf32, #tpu.memory_space<vmem>>) dst(%dma_wait3A_347 : memref<8x128xf32, #tpu.memory_space<hbm>>)
    %mul3A_352 = arith.constant 4 : i32
    %mul3A_353 = arith.muli %add3A, %mul3A_352 : i32
    %add3A_354 = arith.constant 1 : i32
    %add3A_355 = arith.addi %mul3A_353, %add3A_354 : i32
    %dma_wait3A_356 = arith.constant 0 : i32
    %dma_wait3A_357 = arith.constant 0 : i32
    %dma_wait3A_358 = arith.constant 3 : i32
    %dma_wait3A_359 = arith.constant 24 : i32
    %dma_wait3A_360 = arith.constant 128 : i32
    %dma_wait3A_361 = tpu.memref_slice %arg7[%dma_wait3A_356, %dma_wait3A_359, %dma_wait3A_360] : memref<2x32x513xf32, #tpu.memory_space<vmem>> -> memref<1x8x128xf32, #tpu.memory_space<vmem>>
    %dma_wait3A_362 = tpu.memref_squeeze %dma_wait3A_361 : memref<1x8x128xf32, #tpu.memory_space<vmem>> -> memref<8x128xf32, #tpu.memory_space<vmem>>
    %dma_wait3A_363 = arith.constant 0 : i32
    %dma_wait3A_364 = arith.constant 0 : i32
    %dma_wait3A_365 = tpu.memref_slice %arg4[%dma_wait3A_357, %dma_wait3A_358, %add3A_355, %dma_wait3A_363, %dma_wait3A_364] : memref<100x4x128x8x128xf32, #tpu.memory_space<hbm>> -> memref<1x1x1x8x128xf32, #tpu.memory_space<hbm>>
    %dma_wait3A_366 = tpu.memref_squeeze %dma_wait3A_365 : memref<1x1x1x8x128xf32, #tpu.memory_space<hbm>> -> memref<8x128xf32, #tpu.memory_space<hbm>>
    %dma_wait3A_367 = arith.constant 0 : i32
    %dma_wait3A_368 = arith.constant 0 : i32
    %dma_wait3A_369 = tpu.memref_slice %arg4[%dma_wait3A_357, %dma_wait3A_358, %add3A_355, %dma_wait3A_367, %dma_wait3A_368] : memref<100x4x128x8x128xf32, #tpu.memory_space<hbm>> -> memref<1x1x1x8x128xf32, #tpu.memory_space<hbm>>
    %dma_wait3A_370 = tpu.memref_squeeze %dma_wait3A_369 : memref<1x1x1x8x128xf32, #tpu.memory_space<hbm>> -> memref<8x128xf32, #tpu.memory_space<hbm>>
    %dma_wait3A_371 = arith.constant 24 : i32
    %dma_wait3A_372 = arith.constant 128 : i32
    %dma_wait3A_373 = tpu.memref_slice %arg7[%dma_wait3A_356, %dma_wait3A_371, %dma_wait3A_372] : memref<2x32x513xf32, #tpu.memory_space<vmem>> -> memref<1x8x128xf32, #tpu.memory_space<vmem>>
    %dma_wait3A_374 = tpu.memref_squeeze %dma_wait3A_373 : memref<1x8x128xf32, #tpu.memory_space<vmem>> -> memref<8x128xf32, #tpu.memory_space<vmem>>
    tpu.wait_dma2 semaphore(%arg12 : memref<!tpu.dma_semaphore, #tpu.memory_space<semaphore_mem>>) src(%dma_wait3A_374 : memref<8x128xf32, #tpu.memory_space<vmem>>) dst(%dma_wait3A_370 : memref<8x128xf32, #tpu.memory_space<hbm>>)
    %mul3A_375 = arith.constant 4 : i32
    %mul3A_376 = arith.muli %add3A, %mul3A_375 : i32
    %add3A_377 = arith.constant 2 : i32
    %add3A_378 = arith.addi %mul3A_376, %add3A_377 : i32
    %dma_wait3A_379 = arith.constant 0 : i32
    %dma_wait3A_380 = arith.constant 0 : i32
    %dma_wait3A_381 = arith.constant 3 : i32
    %dma_wait3A_382 = arith.constant 24 : i32
    %dma_wait3A_383 = arith.constant 256 : i32
    %dma_wait3A_384 = tpu.memref_slice %arg7[%dma_wait3A_379, %dma_wait3A_382, %dma_wait3A_383] : memref<2x32x513xf32, #tpu.memory_space<vmem>> -> memref<1x8x128xf32, #tpu.memory_space<vmem>>
    %dma_wait3A_385 = tpu.memref_squeeze %dma_wait3A_384 : memref<1x8x128xf32, #tpu.memory_space<vmem>> -> memref<8x128xf32, #tpu.memory_space<vmem>>
    %dma_wait3A_386 = arith.constant 0 : i32
    %dma_wait3A_387 = arith.constant 0 : i32
    %dma_wait3A_388 = tpu.memref_slice %arg4[%dma_wait3A_380, %dma_wait3A_381, %add3A_378, %dma_wait3A_386, %dma_wait3A_387] : memref<100x4x128x8x128xf32, #tpu.memory_space<hbm>> -> memref<1x1x1x8x128xf32, #tpu.memory_space<hbm>>
    %dma_wait3A_389 = tpu.memref_squeeze %dma_wait3A_388 : memref<1x1x1x8x128xf32, #tpu.memory_space<hbm>> -> memref<8x128xf32, #tpu.memory_space<hbm>>
    %dma_wait3A_390 = arith.constant 0 : i32
    %dma_wait3A_391 = arith.constant 0 : i32
    %dma_wait3A_392 = tpu.memref_slice %arg4[%dma_wait3A_380, %dma_wait3A_381, %add3A_378, %dma_wait3A_390, %dma_wait3A_391] : memref<100x4x128x8x128xf32, #tpu.memory_space<hbm>> -> memref<1x1x1x8x128xf32, #tpu.memory_space<hbm>>
    %dma_wait3A_393 = tpu.memref_squeeze %dma_wait3A_392 : memref<1x1x1x8x128xf32, #tpu.memory_space<hbm>> -> memref<8x128xf32, #tpu.memory_space<hbm>>
    %dma_wait3A_394 = arith.constant 24 : i32
    %dma_wait3A_395 = arith.constant 256 : i32
    %dma_wait3A_396 = tpu.memref_slice %arg7[%dma_wait3A_379, %dma_wait3A_394, %dma_wait3A_395] : memref<2x32x513xf32, #tpu.memory_space<vmem>> -> memref<1x8x128xf32, #tpu.memory_space<vmem>>
    %dma_wait3A_397 = tpu.memref_squeeze %dma_wait3A_396 : memref<1x8x128xf32, #tpu.memory_space<vmem>> -> memref<8x128xf32, #tpu.memory_space<vmem>>
    tpu.wait_dma2 semaphore(%arg12 : memref<!tpu.dma_semaphore, #tpu.memory_space<semaphore_mem>>) src(%dma_wait3A_397 : memref<8x128xf32, #tpu.memory_space<vmem>>) dst(%dma_wait3A_393 : memref<8x128xf32, #tpu.memory_space<hbm>>)
    %mul3A_398 = arith.constant 4 : i32
    %mul3A_399 = arith.muli %add3A, %mul3A_398 : i32
    %add3A_400 = arith.constant 3 : i32
    %add3A_401 = arith.addi %mul3A_399, %add3A_400 : i32
    %dma_wait3A_402 = arith.constant 0 : i32
    %dma_wait3A_403 = arith.constant 0 : i32
    %dma_wait3A_404 = arith.constant 3 : i32
    %dma_wait3A_405 = arith.constant 24 : i32
    %dma_wait3A_406 = arith.constant 384 : i32
    %dma_wait3A_407 = tpu.memref_slice %arg7[%dma_wait3A_402, %dma_wait3A_405, %dma_wait3A_406] : memref<2x32x513xf32, #tpu.memory_space<vmem>> -> memref<1x8x128xf32, #tpu.memory_space<vmem>>
    %dma_wait3A_408 = tpu.memref_squeeze %dma_wait3A_407 : memref<1x8x128xf32, #tpu.memory_space<vmem>> -> memref<8x128xf32, #tpu.memory_space<vmem>>
    %dma_wait3A_409 = arith.constant 0 : i32
    %dma_wait3A_410 = arith.constant 0 : i32
    %dma_wait3A_411 = tpu.memref_slice %arg4[%dma_wait3A_403, %dma_wait3A_404, %add3A_401, %dma_wait3A_409, %dma_wait3A_410] : memref<100x4x128x8x128xf32, #tpu.memory_space<hbm>> -> memref<1x1x1x8x128xf32, #tpu.memory_space<hbm>>
    %dma_wait3A_412 = tpu.memref_squeeze %dma_wait3A_411 : memref<1x1x1x8x128xf32, #tpu.memory_space<hbm>> -> memref<8x128xf32, #tpu.memory_space<hbm>>
    %dma_wait3A_413 = arith.constant 0 : i32
    %dma_wait3A_414 = arith.constant 0 : i32
    %dma_wait3A_415 = tpu.memref_slice %arg4[%dma_wait3A_403, %dma_wait3A_404, %add3A_401, %dma_wait3A_413, %dma_wait3A_414] : memref<100x4x128x8x128xf32, #tpu.memory_space<hbm>> -> memref<1x1x1x8x128xf32, #tpu.memory_space<hbm>>
    %dma_wait3A_416 = tpu.memref_squeeze %dma_wait3A_415 : memref<1x1x1x8x128xf32, #tpu.memory_space<hbm>> -> memref<8x128xf32, #tpu.memory_space<hbm>>
    %dma_wait3A_417 = arith.constant 24 : i32
    %dma_wait3A_418 = arith.constant 384 : i32
    %dma_wait3A_419 = tpu.memref_slice %arg7[%dma_wait3A_402, %dma_wait3A_417, %dma_wait3A_418] : memref<2x32x513xf32, #tpu.memory_space<vmem>> -> memref<1x8x128xf32, #tpu.memory_space<vmem>>
    %dma_wait3A_420 = tpu.memref_squeeze %dma_wait3A_419 : memref<1x8x128xf32, #tpu.memory_space<vmem>> -> memref<8x128xf32, #tpu.memory_space<vmem>>
    tpu.wait_dma2 semaphore(%arg12 : memref<!tpu.dma_semaphore, #tpu.memory_space<semaphore_mem>>) src(%dma_wait3A_420 : memref<8x128xf32, #tpu.memory_space<vmem>>) dst(%dma_wait3A_416 : memref<8x128xf32, #tpu.memory_space<hbm>>)
    %mul3A_421 = arith.constant 4 : i32
    %mul3A_422 = arith.muli %add3A, %mul3A_421 : i32
    %add3A_423 = arith.constant 0 : i32
    %add3A_424 = arith.addi %mul3A_422, %add3A_423 : i32
    %dma_wait3A_425 = arith.constant 1 : i32
    %dma_wait3A_426 = arith.constant 0 : i32
    %dma_wait3A_427 = arith.constant 0 : i32
    %dma_wait3A_428 = arith.constant 0 : i32
    %dma_wait3A_429 = arith.constant 0 : i32
    %dma_wait3A_430 = tpu.memref_slice %arg7[%dma_wait3A_425, %dma_wait3A_428, %dma_wait3A_429] : memref<2x32x513xf32, #tpu.memory_space<vmem>> -> memref<1x8x128xf32, #tpu.memory_space<vmem>>
    %dma_wait3A_431 = tpu.memref_squeeze %dma_wait3A_430 : memref<1x8x128xf32, #tpu.memory_space<vmem>> -> memref<8x128xf32, #tpu.memory_space<vmem>>
    %dma_wait3A_432 = arith.constant 0 : i32
    %dma_wait3A_433 = arith.constant 0 : i32
    %dma_wait3A_434 = tpu.memref_slice %arg4[%dma_wait3A_426, %dma_wait3A_427, %add3A_424, %dma_wait3A_432, %dma_wait3A_433] : memref<100x4x128x8x128xf32, #tpu.memory_space<hbm>> -> memref<1x1x1x8x128xf32, #tpu.memory_space<hbm>>
    %dma_wait3A_435 = tpu.memref_squeeze %dma_wait3A_434 : memref<1x1x1x8x128xf32, #tpu.memory_space<hbm>> -> memref<8x128xf32, #tpu.memory_space<hbm>>
    %dma_wait3A_436 = arith.constant 0 : i32
    %dma_wait3A_437 = arith.constant 0 : i32
    %dma_wait3A_438 = tpu.memref_slice %arg4[%dma_wait3A_426, %dma_wait3A_427, %add3A_424, %dma_wait3A_436, %dma_wait3A_437] : memref<100x4x128x8x128xf32, #tpu.memory_space<hbm>> -> memref<1x1x1x8x128xf32, #tpu.memory_space<hbm>>
    %dma_wait3A_439 = tpu.memref_squeeze %dma_wait3A_438 : memref<1x1x1x8x128xf32, #tpu.memory_space<hbm>> -> memref<8x128xf32, #tpu.memory_space<hbm>>
    %dma_wait3A_440 = arith.constant 0 : i32
    %dma_wait3A_441 = arith.constant 0 : i32
    %dma_wait3A_442 = tpu.memref_slice %arg7[%dma_wait3A_425, %dma_wait3A_440, %dma_wait3A_441] : memref<2x32x513xf32, #tpu.memory_space<vmem>> -> memref<1x8x128xf32, #tpu.memory_space<vmem>>
    %dma_wait3A_443 = tpu.memref_squeeze %dma_wait3A_442 : memref<1x8x128xf32, #tpu.memory_space<vmem>> -> memref<8x128xf32, #tpu.memory_space<vmem>>
    tpu.wait_dma2 semaphore(%arg13 : memref<!tpu.dma_semaphore, #tpu.memory_space<semaphore_mem>>) src(%dma_wait3A_443 : memref<8x128xf32, #tpu.memory_space<vmem>>) dst(%dma_wait3A_439 : memref<8x128xf32, #tpu.memory_space<hbm>>)
    %mul3A_444 = arith.constant 4 : i32
    %mul3A_445 = arith.muli %add3A, %mul3A_444 : i32
    %add3A_446 = arith.constant 1 : i32
    %add3A_447 = arith.addi %mul3A_445, %add3A_446 : i32
    %dma_wait3A_448 = arith.constant 1 : i32
    %dma_wait3A_449 = arith.constant 0 : i32
    %dma_wait3A_450 = arith.constant 0 : i32
    %dma_wait3A_451 = arith.constant 0 : i32
    %dma_wait3A_452 = arith.constant 128 : i32
    %dma_wait3A_453 = tpu.memref_slice %arg7[%dma_wait3A_448, %dma_wait3A_451, %dma_wait3A_452] : memref<2x32x513xf32, #tpu.memory_space<vmem>> -> memref<1x8x128xf32, #tpu.memory_space<vmem>>
    %dma_wait3A_454 = tpu.memref_squeeze %dma_wait3A_453 : memref<1x8x128xf32, #tpu.memory_space<vmem>> -> memref<8x128xf32, #tpu.memory_space<vmem>>
    %dma_wait3A_455 = arith.constant 0 : i32
    %dma_wait3A_456 = arith.constant 0 : i32
    %dma_wait3A_457 = tpu.memref_slice %arg4[%dma_wait3A_449, %dma_wait3A_450, %add3A_447, %dma_wait3A_455, %dma_wait3A_456] : memref<100x4x128x8x128xf32, #tpu.memory_space<hbm>> -> memref<1x1x1x8x128xf32, #tpu.memory_space<hbm>>
    %dma_wait3A_458 = tpu.memref_squeeze %dma_wait3A_457 : memref<1x1x1x8x128xf32, #tpu.memory_space<hbm>> -> memref<8x128xf32, #tpu.memory_space<hbm>>
    %dma_wait3A_459 = arith.constant 0 : i32
    %dma_wait3A_460 = arith.constant 0 : i32
    %dma_wait3A_461 = tpu.memref_slice %arg4[%dma_wait3A_449, %dma_wait3A_450, %add3A_447, %dma_wait3A_459, %dma_wait3A_460] : memref<100x4x128x8x128xf32, #tpu.memory_space<hbm>> -> memref<1x1x1x8x128xf32, #tpu.memory_space<hbm>>
    %dma_wait3A_462 = tpu.memref_squeeze %dma_wait3A_461 : memref<1x1x1x8x128xf32, #tpu.memory_space<hbm>> -> memref<8x128xf32, #tpu.memory_space<hbm>>
    %dma_wait3A_463 = arith.constant 0 : i32
    %dma_wait3A_464 = arith.constant 128 : i32
    %dma_wait3A_465 = tpu.memref_slice %arg7[%dma_wait3A_448, %dma_wait3A_463, %dma_wait3A_464] : memref<2x32x513xf32, #tpu.memory_space<vmem>> -> memref<1x8x128xf32, #tpu.memory_space<vmem>>
    %dma_wait3A_466 = tpu.memref_squeeze %dma_wait3A_465 : memref<1x8x128xf32, #tpu.memory_space<vmem>> -> memref<8x128xf32, #tpu.memory_space<vmem>>
    tpu.wait_dma2 semaphore(%arg13 : memref<!tpu.dma_semaphore, #tpu.memory_space<semaphore_mem>>) src(%dma_wait3A_466 : memref<8x128xf32, #tpu.memory_space<vmem>>) dst(%dma_wait3A_462 : memref<8x128xf32, #tpu.memory_space<hbm>>)
    %mul3A_467 = arith.constant 4 : i32
    %mul3A_468 = arith.muli %add3A, %mul3A_467 : i32
    %add3A_469 = arith.constant 2 : i32
    %add3A_470 = arith.addi %mul3A_468, %add3A_469 : i32
    %dma_wait3A_471 = arith.constant 1 : i32
    %dma_wait3A_472 = arith.constant 0 : i32
    %dma_wait3A_473 = arith.constant 0 : i32
    %dma_wait3A_474 = arith.constant 0 : i32
    %dma_wait3A_475 = arith.constant 256 : i32
    %dma_wait3A_476 = tpu.memref_slice %arg7[%dma_wait3A_471, %dma_wait3A_474, %dma_wait3A_475] : memref<2x32x513xf32, #tpu.memory_space<vmem>> -> memref<1x8x128xf32, #tpu.memory_space<vmem>>
    %dma_wait3A_477 = tpu.memref_squeeze %dma_wait3A_476 : memref<1x8x128xf32, #tpu.memory_space<vmem>> -> memref<8x128xf32, #tpu.memory_space<vmem>>
    %dma_wait3A_478 = arith.constant 0 : i32
    %dma_wait3A_479 = arith.constant 0 : i32
    %dma_wait3A_480 = tpu.memref_slice %arg4[%dma_wait3A_472, %dma_wait3A_473, %add3A_470, %dma_wait3A_478, %dma_wait3A_479] : memref<100x4x128x8x128xf32, #tpu.memory_space<hbm>> -> memref<1x1x1x8x128xf32, #tpu.memory_space<hbm>>
    %dma_wait3A_481 = tpu.memref_squeeze %dma_wait3A_480 : memref<1x1x1x8x128xf32, #tpu.memory_space<hbm>> -> memref<8x128xf32, #tpu.memory_space<hbm>>
    %dma_wait3A_482 = arith.constant 0 : i32
    %dma_wait3A_483 = arith.constant 0 : i32
    %dma_wait3A_484 = tpu.memref_slice %arg4[%dma_wait3A_472, %dma_wait3A_473, %add3A_470, %dma_wait3A_482, %dma_wait3A_483] : memref<100x4x128x8x128xf32, #tpu.memory_space<hbm>> -> memref<1x1x1x8x128xf32, #tpu.memory_space<hbm>>
    %dma_wait3A_485 = tpu.memref_squeeze %dma_wait3A_484 : memref<1x1x1x8x128xf32, #tpu.memory_space<hbm>> -> memref<8x128xf32, #tpu.memory_space<hbm>>
    %dma_wait3A_486 = arith.constant 0 : i32
    %dma_wait3A_487 = arith.constant 256 : i32
    %dma_wait3A_488 = tpu.memref_slice %arg7[%dma_wait3A_471, %dma_wait3A_486, %dma_wait3A_487] : memref<2x32x513xf32, #tpu.memory_space<vmem>> -> memref<1x8x128xf32, #tpu.memory_space<vmem>>
    %dma_wait3A_489 = tpu.memref_squeeze %dma_wait3A_488 : memref<1x8x128xf32, #tpu.memory_space<vmem>> -> memref<8x128xf32, #tpu.memory_space<vmem>>
    tpu.wait_dma2 semaphore(%arg13 : memref<!tpu.dma_semaphore, #tpu.memory_space<semaphore_mem>>) src(%dma_wait3A_489 : memref<8x128xf32, #tpu.memory_space<vmem>>) dst(%dma_wait3A_485 : memref<8x128xf32, #tpu.memory_space<hbm>>)
    %mul3A_490 = arith.constant 4 : i32
    %mul3A_491 = arith.muli %add3A, %mul3A_490 : i32
    %add3A_492 = arith.constant 3 : i32
    %add3A_493 = arith.addi %mul3A_491, %add3A_492 : i32
    %dma_wait3A_494 = arith.constant 1 : i32
    %dma_wait3A_495 = arith.constant 0 : i32
    %dma_wait3A_496 = arith.constant 0 : i32
    %dma_wait3A_497 = arith.constant 0 : i32
    %dma_wait3A_498 = arith.constant 384 : i32
    %dma_wait3A_499 = tpu.memref_slice %arg7[%dma_wait3A_494, %dma_wait3A_497, %dma_wait3A_498] : memref<2x32x513xf32, #tpu.memory_space<vmem>> -> memref<1x8x128xf32, #tpu.memory_space<vmem>>
    %dma_wait3A_500 = tpu.memref_squeeze %dma_wait3A_499 : memref<1x8x128xf32, #tpu.memory_space<vmem>> -> memref<8x128xf32, #tpu.memory_space<vmem>>
    %dma_wait3A_501 = arith.constant 0 : i32
    %dma_wait3A_502 = arith.constant 0 : i32
    %dma_wait3A_503 = tpu.memref_slice %arg4[%dma_wait3A_495, %dma_wait3A_496, %add3A_493, %dma_wait3A_501, %dma_wait3A_502] : memref<100x4x128x8x128xf32, #tpu.memory_space<hbm>> -> memref<1x1x1x8x128xf32, #tpu.memory_space<hbm>>
    %dma_wait3A_504 = tpu.memref_squeeze %dma_wait3A_503 : memref<1x1x1x8x128xf32, #tpu.memory_space<hbm>> -> memref<8x128xf32, #tpu.memory_space<hbm>>
    %dma_wait3A_505 = arith.constant 0 : i32
    %dma_wait3A_506 = arith.constant 0 : i32
    %dma_wait3A_507 = tpu.memref_slice %arg4[%dma_wait3A_495, %dma_wait3A_496, %add3A_493, %dma_wait3A_505, %dma_wait3A_506] : memref<100x4x128x8x128xf32, #tpu.memory_space<hbm>> -> memref<1x1x1x8x128xf32, #tpu.memory_space<hbm>>
    %dma_wait3A_508 = tpu.memref_squeeze %dma_wait3A_507 : memref<1x1x1x8x128xf32, #tpu.memory_space<hbm>> -> memref<8x128xf32, #tpu.memory_space<hbm>>
    %dma_wait3A_509 = arith.constant 0 : i32
    %dma_wait3A_510 = arith.constant 384 : i32
    %dma_wait3A_511 = tpu.memref_slice %arg7[%dma_wait3A_494, %dma_wait3A_509, %dma_wait3A_510] : memref<2x32x513xf32, #tpu.memory_space<vmem>> -> memref<1x8x128xf32, #tpu.memory_space<vmem>>
    %dma_wait3A_512 = tpu.memref_squeeze %dma_wait3A_511 : memref<1x8x128xf32, #tpu.memory_space<vmem>> -> memref<8x128xf32, #tpu.memory_space<vmem>>
    tpu.wait_dma2 semaphore(%arg13 : memref<!tpu.dma_semaphore, #tpu.memory_space<semaphore_mem>>) src(%dma_wait3A_512 : memref<8x128xf32, #tpu.memory_space<vmem>>) dst(%dma_wait3A_508 : memref<8x128xf32, #tpu.memory_space<hbm>>)
    %mul3A_513 = arith.constant 4 : i32
    %mul3A_514 = arith.muli %add3A, %mul3A_513 : i32
    %add3A_515 = arith.constant 0 : i32
    %add3A_516 = arith.addi %mul3A_514, %add3A_515 : i32
    %dma_wait3A_517 = arith.constant 1 : i32
    %dma_wait3A_518 = arith.constant 0 : i32
    %dma_wait3A_519 = arith.constant 1 : i32
    %dma_wait3A_520 = arith.constant 8 : i32
    %dma_wait3A_521 = arith.constant 0 : i32
    %dma_wait3A_522 = tpu.memref_slice %arg7[%dma_wait3A_517, %dma_wait3A_520, %dma_wait3A_521] : memref<2x32x513xf32, #tpu.memory_space<vmem>> -> memref<1x8x128xf32, #tpu.memory_space<vmem>>
    %dma_wait3A_523 = tpu.memref_squeeze %dma_wait3A_522 : memref<1x8x128xf32, #tpu.memory_space<vmem>> -> memref<8x128xf32, #tpu.memory_space<vmem>>
    %dma_wait3A_524 = arith.constant 0 : i32
    %dma_wait3A_525 = arith.constant 0 : i32
    %dma_wait3A_526 = tpu.memref_slice %arg4[%dma_wait3A_518, %dma_wait3A_519, %add3A_516, %dma_wait3A_524, %dma_wait3A_525] : memref<100x4x128x8x128xf32, #tpu.memory_space<hbm>> -> memref<1x1x1x8x128xf32, #tpu.memory_space<hbm>>
    %dma_wait3A_527 = tpu.memref_squeeze %dma_wait3A_526 : memref<1x1x1x8x128xf32, #tpu.memory_space<hbm>> -> memref<8x128xf32, #tpu.memory_space<hbm>>
    %dma_wait3A_528 = arith.constant 0 : i32
    %dma_wait3A_529 = arith.constant 0 : i32
    %dma_wait3A_530 = tpu.memref_slice %arg4[%dma_wait3A_518, %dma_wait3A_519, %add3A_516, %dma_wait3A_528, %dma_wait3A_529] : memref<100x4x128x8x128xf32, #tpu.memory_space<hbm>> -> memref<1x1x1x8x128xf32, #tpu.memory_space<hbm>>
    %dma_wait3A_531 = tpu.memref_squeeze %dma_wait3A_530 : memref<1x1x1x8x128xf32, #tpu.memory_space<hbm>> -> memref<8x128xf32, #tpu.memory_space<hbm>>
    %dma_wait3A_532 = arith.constant 8 : i32
    %dma_wait3A_533 = arith.constant 0 : i32
    %dma_wait3A_534 = tpu.memref_slice %arg7[%dma_wait3A_517, %dma_wait3A_532, %dma_wait3A_533] : memref<2x32x513xf32, #tpu.memory_space<vmem>> -> memref<1x8x128xf32, #tpu.memory_space<vmem>>
    %dma_wait3A_535 = tpu.memref_squeeze %dma_wait3A_534 : memref<1x8x128xf32, #tpu.memory_space<vmem>> -> memref<8x128xf32, #tpu.memory_space<vmem>>
    tpu.wait_dma2 semaphore(%arg13 : memref<!tpu.dma_semaphore, #tpu.memory_space<semaphore_mem>>) src(%dma_wait3A_535 : memref<8x128xf32, #tpu.memory_space<vmem>>) dst(%dma_wait3A_531 : memref<8x128xf32, #tpu.memory_space<hbm>>)
    %mul3A_536 = arith.constant 4 : i32
    %mul3A_537 = arith.muli %add3A, %mul3A_536 : i32
    %add3A_538 = arith.constant 1 : i32
    %add3A_539 = arith.addi %mul3A_537, %add3A_538 : i32
    %dma_wait3A_540 = arith.constant 1 : i32
    %dma_wait3A_541 = arith.constant 0 : i32
    %dma_wait3A_542 = arith.constant 1 : i32
    %dma_wait3A_543 = arith.constant 8 : i32
    %dma_wait3A_544 = arith.constant 128 : i32
    %dma_wait3A_545 = tpu.memref_slice %arg7[%dma_wait3A_540, %dma_wait3A_543, %dma_wait3A_544] : memref<2x32x513xf32, #tpu.memory_space<vmem>> -> memref<1x8x128xf32, #tpu.memory_space<vmem>>
    %dma_wait3A_546 = tpu.memref_squeeze %dma_wait3A_545 : memref<1x8x128xf32, #tpu.memory_space<vmem>> -> memref<8x128xf32, #tpu.memory_space<vmem>>
    %dma_wait3A_547 = arith.constant 0 : i32
    %dma_wait3A_548 = arith.constant 0 : i32
    %dma_wait3A_549 = tpu.memref_slice %arg4[%dma_wait3A_541, %dma_wait3A_542, %add3A_539, %dma_wait3A_547, %dma_wait3A_548] : memref<100x4x128x8x128xf32, #tpu.memory_space<hbm>> -> memref<1x1x1x8x128xf32, #tpu.memory_space<hbm>>
    %dma_wait3A_550 = tpu.memref_squeeze %dma_wait3A_549 : memref<1x1x1x8x128xf32, #tpu.memory_space<hbm>> -> memref<8x128xf32, #tpu.memory_space<hbm>>
    %dma_wait3A_551 = arith.constant 0 : i32
    %dma_wait3A_552 = arith.constant 0 : i32
    %dma_wait3A_553 = tpu.memref_slice %arg4[%dma_wait3A_541, %dma_wait3A_542, %add3A_539, %dma_wait3A_551, %dma_wait3A_552] : memref<100x4x128x8x128xf32, #tpu.memory_space<hbm>> -> memref<1x1x1x8x128xf32, #tpu.memory_space<hbm>>
    %dma_wait3A_554 = tpu.memref_squeeze %dma_wait3A_553 : memref<1x1x1x8x128xf32, #tpu.memory_space<hbm>> -> memref<8x128xf32, #tpu.memory_space<hbm>>
    %dma_wait3A_555 = arith.constant 8 : i32
    %dma_wait3A_556 = arith.constant 128 : i32
    %dma_wait3A_557 = tpu.memref_slice %arg7[%dma_wait3A_540, %dma_wait3A_555, %dma_wait3A_556] : memref<2x32x513xf32, #tpu.memory_space<vmem>> -> memref<1x8x128xf32, #tpu.memory_space<vmem>>
    %dma_wait3A_558 = tpu.memref_squeeze %dma_wait3A_557 : memref<1x8x128xf32, #tpu.memory_space<vmem>> -> memref<8x128xf32, #tpu.memory_space<vmem>>
    tpu.wait_dma2 semaphore(%arg13 : memref<!tpu.dma_semaphore, #tpu.memory_space<semaphore_mem>>) src(%dma_wait3A_558 : memref<8x128xf32, #tpu.memory_space<vmem>>) dst(%dma_wait3A_554 : memref<8x128xf32, #tpu.memory_space<hbm>>)
    %mul3A_559 = arith.constant 4 : i32
    %mul3A_560 = arith.muli %add3A, %mul3A_559 : i32
    %add3A_561 = arith.constant 2 : i32
    %add3A_562 = arith.addi %mul3A_560, %add3A_561 : i32
    %dma_wait3A_563 = arith.constant 1 : i32
    %dma_wait3A_564 = arith.constant 0 : i32
    %dma_wait3A_565 = arith.constant 1 : i32
    %dma_wait3A_566 = arith.constant 8 : i32
    %dma_wait3A_567 = arith.constant 256 : i32
    %dma_wait3A_568 = tpu.memref_slice %arg7[%dma_wait3A_563, %dma_wait3A_566, %dma_wait3A_567] : memref<2x32x513xf32, #tpu.memory_space<vmem>> -> memref<1x8x128xf32, #tpu.memory_space<vmem>>
    %dma_wait3A_569 = tpu.memref_squeeze %dma_wait3A_568 : memref<1x8x128xf32, #tpu.memory_space<vmem>> -> memref<8x128xf32, #tpu.memory_space<vmem>>
    %dma_wait3A_570 = arith.constant 0 : i32
    %dma_wait3A_571 = arith.constant 0 : i32
    %dma_wait3A_572 = tpu.memref_slice %arg4[%dma_wait3A_564, %dma_wait3A_565, %add3A_562, %dma_wait3A_570, %dma_wait3A_571] : memref<100x4x128x8x128xf32, #tpu.memory_space<hbm>> -> memref<1x1x1x8x128xf32, #tpu.memory_space<hbm>>
    %dma_wait3A_573 = tpu.memref_squeeze %dma_wait3A_572 : memref<1x1x1x8x128xf32, #tpu.memory_space<hbm>> -> memref<8x128xf32, #tpu.memory_space<hbm>>
    %dma_wait3A_574 = arith.constant 0 : i32
    %dma_wait3A_575 = arith.constant 0 : i32
    %dma_wait3A_576 = tpu.memref_slice %arg4[%dma_wait3A_564, %dma_wait3A_565, %add3A_562, %dma_wait3A_574, %dma_wait3A_575] : memref<100x4x128x8x128xf32, #tpu.memory_space<hbm>> -> memref<1x1x1x8x128xf32, #tpu.memory_space<hbm>>
    %dma_wait3A_577 = tpu.memref_squeeze %dma_wait3A_576 : memref<1x1x1x8x128xf32, #tpu.memory_space<hbm>> -> memref<8x128xf32, #tpu.memory_space<hbm>>
    %dma_wait3A_578 = arith.constant 8 : i32
    %dma_wait3A_579 = arith.constant 256 : i32
    %dma_wait3A_580 = tpu.memref_slice %arg7[%dma_wait3A_563, %dma_wait3A_578, %dma_wait3A_579] : memref<2x32x513xf32, #tpu.memory_space<vmem>> -> memref<1x8x128xf32, #tpu.memory_space<vmem>>
    %dma_wait3A_581 = tpu.memref_squeeze %dma_wait3A_580 : memref<1x8x128xf32, #tpu.memory_space<vmem>> -> memref<8x128xf32, #tpu.memory_space<vmem>>
    tpu.wait_dma2 semaphore(%arg13 : memref<!tpu.dma_semaphore, #tpu.memory_space<semaphore_mem>>) src(%dma_wait3A_581 : memref<8x128xf32, #tpu.memory_space<vmem>>) dst(%dma_wait3A_577 : memref<8x128xf32, #tpu.memory_space<hbm>>)
    %mul3A_582 = arith.constant 4 : i32
    %mul3A_583 = arith.muli %add3A, %mul3A_582 : i32
    %add3A_584 = arith.constant 3 : i32
    %add3A_585 = arith.addi %mul3A_583, %add3A_584 : i32
    %dma_wait3A_586 = arith.constant 1 : i32
    %dma_wait3A_587 = arith.constant 0 : i32
    %dma_wait3A_588 = arith.constant 1 : i32
    %dma_wait3A_589 = arith.constant 8 : i32
    %dma_wait3A_590 = arith.constant 384 : i32
    %dma_wait3A_591 = tpu.memref_slice %arg7[%dma_wait3A_586, %dma_wait3A_589, %dma_wait3A_590] : memref<2x32x513xf32, #tpu.memory_space<vmem>> -> memref<1x8x128xf32, #tpu.memory_space<vmem>>
    %dma_wait3A_592 = tpu.memref_squeeze %dma_wait3A_591 : memref<1x8x128xf32, #tpu.memory_space<vmem>> -> memref<8x128xf32, #tpu.memory_space<vmem>>
    %dma_wait3A_593 = arith.constant 0 : i32
    %dma_wait3A_594 = arith.constant 0 : i32
    %dma_wait3A_595 = tpu.memref_slice %arg4[%dma_wait3A_587, %dma_wait3A_588, %add3A_585, %dma_wait3A_593, %dma_wait3A_594] : memref<100x4x128x8x128xf32, #tpu.memory_space<hbm>> -> memref<1x1x1x8x128xf32, #tpu.memory_space<hbm>>
    %dma_wait3A_596 = tpu.memref_squeeze %dma_wait3A_595 : memref<1x1x1x8x128xf32, #tpu.memory_space<hbm>> -> memref<8x128xf32, #tpu.memory_space<hbm>>
    %dma_wait3A_597 = arith.constant 0 : i32
    %dma_wait3A_598 = arith.constant 0 : i32
    %dma_wait3A_599 = tpu.memref_slice %arg4[%dma_wait3A_587, %dma_wait3A_588, %add3A_585, %dma_wait3A_597, %dma_wait3A_598] : memref<100x4x128x8x128xf32, #tpu.memory_space<hbm>> -> memref<1x1x1x8x128xf32, #tpu.memory_space<hbm>>
    %dma_wait3A_600 = tpu.memref_squeeze %dma_wait3A_599 : memref<1x1x1x8x128xf32, #tpu.memory_space<hbm>> -> memref<8x128xf32, #tpu.memory_space<hbm>>
    %dma_wait3A_601 = arith.constant 8 : i32
    %dma_wait3A_602 = arith.constant 384 : i32
    %dma_wait3A_603 = tpu.memref_slice %arg7[%dma_wait3A_586, %dma_wait3A_601, %dma_wait3A_602] : memref<2x32x513xf32, #tpu.memory_space<vmem>> -> memref<1x8x128xf32, #tpu.memory_space<vmem>>
    %dma_wait3A_604 = tpu.memref_squeeze %dma_wait3A_603 : memref<1x8x128xf32, #tpu.memory_space<vmem>> -> memref<8x128xf32, #tpu.memory_space<vmem>>
    tpu.wait_dma2 semaphore(%arg13 : memref<!tpu.dma_semaphore, #tpu.memory_space<semaphore_mem>>) src(%dma_wait3A_604 : memref<8x128xf32, #tpu.memory_space<vmem>>) dst(%dma_wait3A_600 : memref<8x128xf32, #tpu.memory_space<hbm>>)
    %mul3A_605 = arith.constant 4 : i32
    %mul3A_606 = arith.muli %add3A, %mul3A_605 : i32
    %add3A_607 = arith.constant 0 : i32
    %add3A_608 = arith.addi %mul3A_606, %add3A_607 : i32
    %dma_wait3A_609 = arith.constant 1 : i32
    %dma_wait3A_610 = arith.constant 0 : i32
    %dma_wait3A_611 = arith.constant 2 : i32
    %dma_wait3A_612 = arith.constant 16 : i32
    %dma_wait3A_613 = arith.constant 0 : i32
    %dma_wait3A_614 = tpu.memref_slice %arg7[%dma_wait3A_609, %dma_wait3A_612, %dma_wait3A_613] : memref<2x32x513xf32, #tpu.memory_space<vmem>> -> memref<1x8x128xf32, #tpu.memory_space<vmem>>
    %dma_wait3A_615 = tpu.memref_squeeze %dma_wait3A_614 : memref<1x8x128xf32, #tpu.memory_space<vmem>> -> memref<8x128xf32, #tpu.memory_space<vmem>>
    %dma_wait3A_616 = arith.constant 0 : i32
    %dma_wait3A_617 = arith.constant 0 : i32
    %dma_wait3A_618 = tpu.memref_slice %arg4[%dma_wait3A_610, %dma_wait3A_611, %add3A_608, %dma_wait3A_616, %dma_wait3A_617] : memref<100x4x128x8x128xf32, #tpu.memory_space<hbm>> -> memref<1x1x1x8x128xf32, #tpu.memory_space<hbm>>
    %dma_wait3A_619 = tpu.memref_squeeze %dma_wait3A_618 : memref<1x1x1x8x128xf32, #tpu.memory_space<hbm>> -> memref<8x128xf32, #tpu.memory_space<hbm>>
    %dma_wait3A_620 = arith.constant 0 : i32
    %dma_wait3A_621 = arith.constant 0 : i32
    %dma_wait3A_622 = tpu.memref_slice %arg4[%dma_wait3A_610, %dma_wait3A_611, %add3A_608, %dma_wait3A_620, %dma_wait3A_621] : memref<100x4x128x8x128xf32, #tpu.memory_space<hbm>> -> memref<1x1x1x8x128xf32, #tpu.memory_space<hbm>>
    %dma_wait3A_623 = tpu.memref_squeeze %dma_wait3A_622 : memref<1x1x1x8x128xf32, #tpu.memory_space<hbm>> -> memref<8x128xf32, #tpu.memory_space<hbm>>
    %dma_wait3A_624 = arith.constant 16 : i32
    %dma_wait3A_625 = arith.constant 0 : i32
    %dma_wait3A_626 = tpu.memref_slice %arg7[%dma_wait3A_609, %dma_wait3A_624, %dma_wait3A_625] : memref<2x32x513xf32, #tpu.memory_space<vmem>> -> memref<1x8x128xf32, #tpu.memory_space<vmem>>
    %dma_wait3A_627 = tpu.memref_squeeze %dma_wait3A_626 : memref<1x8x128xf32, #tpu.memory_space<vmem>> -> memref<8x128xf32, #tpu.memory_space<vmem>>
    tpu.wait_dma2 semaphore(%arg13 : memref<!tpu.dma_semaphore, #tpu.memory_space<semaphore_mem>>) src(%dma_wait3A_627 : memref<8x128xf32, #tpu.memory_space<vmem>>) dst(%dma_wait3A_623 : memref<8x128xf32, #tpu.memory_space<hbm>>)
    %mul3A_628 = arith.constant 4 : i32
    %mul3A_629 = arith.muli %add3A, %mul3A_628 : i32
    %add3A_630 = arith.constant 1 : i32
    %add3A_631 = arith.addi %mul3A_629, %add3A_630 : i32
    %dma_wait3A_632 = arith.constant 1 : i32
    %dma_wait3A_633 = arith.constant 0 : i32
    %dma_wait3A_634 = arith.constant 2 : i32
    %dma_wait3A_635 = arith.constant 16 : i32
    %dma_wait3A_636 = arith.constant 128 : i32
    %dma_wait3A_637 = tpu.memref_slice %arg7[%dma_wait3A_632, %dma_wait3A_635, %dma_wait3A_636] : memref<2x32x513xf32, #tpu.memory_space<vmem>> -> memref<1x8x128xf32, #tpu.memory_space<vmem>>
    %dma_wait3A_638 = tpu.memref_squeeze %dma_wait3A_637 : memref<1x8x128xf32, #tpu.memory_space<vmem>> -> memref<8x128xf32, #tpu.memory_space<vmem>>
    %dma_wait3A_639 = arith.constant 0 : i32
    %dma_wait3A_640 = arith.constant 0 : i32
    %dma_wait3A_641 = tpu.memref_slice %arg4[%dma_wait3A_633, %dma_wait3A_634, %add3A_631, %dma_wait3A_639, %dma_wait3A_640] : memref<100x4x128x8x128xf32, #tpu.memory_space<hbm>> -> memref<1x1x1x8x128xf32, #tpu.memory_space<hbm>>
    %dma_wait3A_642 = tpu.memref_squeeze %dma_wait3A_641 : memref<1x1x1x8x128xf32, #tpu.memory_space<hbm>> -> memref<8x128xf32, #tpu.memory_space<hbm>>
    %dma_wait3A_643 = arith.constant 0 : i32
    %dma_wait3A_644 = arith.constant 0 : i32
    %dma_wait3A_645 = tpu.memref_slice %arg4[%dma_wait3A_633, %dma_wait3A_634, %add3A_631, %dma_wait3A_643, %dma_wait3A_644] : memref<100x4x128x8x128xf32, #tpu.memory_space<hbm>> -> memref<1x1x1x8x128xf32, #tpu.memory_space<hbm>>
    %dma_wait3A_646 = tpu.memref_squeeze %dma_wait3A_645 : memref<1x1x1x8x128xf32, #tpu.memory_space<hbm>> -> memref<8x128xf32, #tpu.memory_space<hbm>>
    %dma_wait3A_647 = arith.constant 16 : i32
    %dma_wait3A_648 = arith.constant 128 : i32
    %dma_wait3A_649 = tpu.memref_slice %arg7[%dma_wait3A_632, %dma_wait3A_647, %dma_wait3A_648] : memref<2x32x513xf32, #tpu.memory_space<vmem>> -> memref<1x8x128xf32, #tpu.memory_space<vmem>>
    %dma_wait3A_650 = tpu.memref_squeeze %dma_wait3A_649 : memref<1x8x128xf32, #tpu.memory_space<vmem>> -> memref<8x128xf32, #tpu.memory_space<vmem>>
    tpu.wait_dma2 semaphore(%arg13 : memref<!tpu.dma_semaphore, #tpu.memory_space<semaphore_mem>>) src(%dma_wait3A_650 : memref<8x128xf32, #tpu.memory_space<vmem>>) dst(%dma_wait3A_646 : memref<8x128xf32, #tpu.memory_space<hbm>>)
    %mul3A_651 = arith.constant 4 : i32
    %mul3A_652 = arith.muli %add3A, %mul3A_651 : i32
    %add3A_653 = arith.constant 2 : i32
    %add3A_654 = arith.addi %mul3A_652, %add3A_653 : i32
    %dma_wait3A_655 = arith.constant 1 : i32
    %dma_wait3A_656 = arith.constant 0 : i32
    %dma_wait3A_657 = arith.constant 2 : i32
    %dma_wait3A_658 = arith.constant 16 : i32
    %dma_wait3A_659 = arith.constant 256 : i32
    %dma_wait3A_660 = tpu.memref_slice %arg7[%dma_wait3A_655, %dma_wait3A_658, %dma_wait3A_659] : memref<2x32x513xf32, #tpu.memory_space<vmem>> -> memref<1x8x128xf32, #tpu.memory_space<vmem>>
    %dma_wait3A_661 = tpu.memref_squeeze %dma_wait3A_660 : memref<1x8x128xf32, #tpu.memory_space<vmem>> -> memref<8x128xf32, #tpu.memory_space<vmem>>
    %dma_wait3A_662 = arith.constant 0 : i32
    %dma_wait3A_663 = arith.constant 0 : i32
    %dma_wait3A_664 = tpu.memref_slice %arg4[%dma_wait3A_656, %dma_wait3A_657, %add3A_654, %dma_wait3A_662, %dma_wait3A_663] : memref<100x4x128x8x128xf32, #tpu.memory_space<hbm>> -> memref<1x1x1x8x128xf32, #tpu.memory_space<hbm>>
    %dma_wait3A_665 = tpu.memref_squeeze %dma_wait3A_664 : memref<1x1x1x8x128xf32, #tpu.memory_space<hbm>> -> memref<8x128xf32, #tpu.memory_space<hbm>>
    %dma_wait3A_666 = arith.constant 0 : i32
    %dma_wait3A_667 = arith.constant 0 : i32
    %dma_wait3A_668 = tpu.memref_slice %arg4[%dma_wait3A_656, %dma_wait3A_657, %add3A_654, %dma_wait3A_666, %dma_wait3A_667] : memref<100x4x128x8x128xf32, #tpu.memory_space<hbm>> -> memref<1x1x1x8x128xf32, #tpu.memory_space<hbm>>
    %dma_wait3A_669 = tpu.memref_squeeze %dma_wait3A_668 : memref<1x1x1x8x128xf32, #tpu.memory_space<hbm>> -> memref<8x128xf32, #tpu.memory_space<hbm>>
    %dma_wait3A_670 = arith.constant 16 : i32
    %dma_wait3A_671 = arith.constant 256 : i32
    %dma_wait3A_672 = tpu.memref_slice %arg7[%dma_wait3A_655, %dma_wait3A_670, %dma_wait3A_671] : memref<2x32x513xf32, #tpu.memory_space<vmem>> -> memref<1x8x128xf32, #tpu.memory_space<vmem>>
    %dma_wait3A_673 = tpu.memref_squeeze %dma_wait3A_672 : memref<1x8x128xf32, #tpu.memory_space<vmem>> -> memref<8x128xf32, #tpu.memory_space<vmem>>
    tpu.wait_dma2 semaphore(%arg13 : memref<!tpu.dma_semaphore, #tpu.memory_space<semaphore_mem>>) src(%dma_wait3A_673 : memref<8x128xf32, #tpu.memory_space<vmem>>) dst(%dma_wait3A_669 : memref<8x128xf32, #tpu.memory_space<hbm>>)
    %mul3A_674 = arith.constant 4 : i32
    %mul3A_675 = arith.muli %add3A, %mul3A_674 : i32
    %add3A_676 = arith.constant 3 : i32
    %add3A_677 = arith.addi %mul3A_675, %add3A_676 : i32
    %dma_wait3A_678 = arith.constant 1 : i32
    %dma_wait3A_679 = arith.constant 0 : i32
    %dma_wait3A_680 = arith.constant 2 : i32
    %dma_wait3A_681 = arith.constant 16 : i32
    %dma_wait3A_682 = arith.constant 384 : i32
    %dma_wait3A_683 = tpu.memref_slice %arg7[%dma_wait3A_678, %dma_wait3A_681, %dma_wait3A_682] : memref<2x32x513xf32, #tpu.memory_space<vmem>> -> memref<1x8x128xf32, #tpu.memory_space<vmem>>
    %dma_wait3A_684 = tpu.memref_squeeze %dma_wait3A_683 : memref<1x8x128xf32, #tpu.memory_space<vmem>> -> memref<8x128xf32, #tpu.memory_space<vmem>>
    %dma_wait3A_685 = arith.constant 0 : i32
    %dma_wait3A_686 = arith.constant 0 : i32
    %dma_wait3A_687 = tpu.memref_slice %arg4[%dma_wait3A_679, %dma_wait3A_680, %add3A_677, %dma_wait3A_685, %dma_wait3A_686] : memref<100x4x128x8x128xf32, #tpu.memory_space<hbm>> -> memref<1x1x1x8x128xf32, #tpu.memory_space<hbm>>
    %dma_wait3A_688 = tpu.memref_squeeze %dma_wait3A_687 : memref<1x1x1x8x128xf32, #tpu.memory_space<hbm>> -> memref<8x128xf32, #tpu.memory_space<hbm>>
    %dma_wait3A_689 = arith.constant 0 : i32
    %dma_wait3A_690 = arith.constant 0 : i32
    %dma_wait3A_691 = tpu.memref_slice %arg4[%dma_wait3A_679, %dma_wait3A_680, %add3A_677, %dma_wait3A_689, %dma_wait3A_690] : memref<100x4x128x8x128xf32, #tpu.memory_space<hbm>> -> memref<1x1x1x8x128xf32, #tpu.memory_space<hbm>>
    %dma_wait3A_692 = tpu.memref_squeeze %dma_wait3A_691 : memref<1x1x1x8x128xf32, #tpu.memory_space<hbm>> -> memref<8x128xf32, #tpu.memory_space<hbm>>
    %dma_wait3A_693 = arith.constant 16 : i32
    %dma_wait3A_694 = arith.constant 384 : i32
    %dma_wait3A_695 = tpu.memref_slice %arg7[%dma_wait3A_678, %dma_wait3A_693, %dma_wait3A_694] : memref<2x32x513xf32, #tpu.memory_space<vmem>> -> memref<1x8x128xf32, #tpu.memory_space<vmem>>
    %dma_wait3A_696 = tpu.memref_squeeze %dma_wait3A_695 : memref<1x8x128xf32, #tpu.memory_space<vmem>> -> memref<8x128xf32, #tpu.memory_space<vmem>>
    tpu.wait_dma2 semaphore(%arg13 : memref<!tpu.dma_semaphore, #tpu.memory_space<semaphore_mem>>) src(%dma_wait3A_696 : memref<8x128xf32, #tpu.memory_space<vmem>>) dst(%dma_wait3A_692 : memref<8x128xf32, #tpu.memory_space<hbm>>)
    %mul3A_697 = arith.constant 4 : i32
    %mul3A_698 = arith.muli %add3A, %mul3A_697 : i32
    %add3A_699 = arith.constant 0 : i32
    %add3A_700 = arith.addi %mul3A_698, %add3A_699 : i32
    %dma_wait3A_701 = arith.constant 1 : i32
    %dma_wait3A_702 = arith.constant 0 : i32
    %dma_wait3A_703 = arith.constant 3 : i32
    %dma_wait3A_704 = arith.constant 24 : i32
    %dma_wait3A_705 = arith.constant 0 : i32
    %dma_wait3A_706 = tpu.memref_slice %arg7[%dma_wait3A_701, %dma_wait3A_704, %dma_wait3A_705] : memref<2x32x513xf32, #tpu.memory_space<vmem>> -> memref<1x8x128xf32, #tpu.memory_space<vmem>>
    %dma_wait3A_707 = tpu.memref_squeeze %dma_wait3A_706 : memref<1x8x128xf32, #tpu.memory_space<vmem>> -> memref<8x128xf32, #tpu.memory_space<vmem>>
    %dma_wait3A_708 = arith.constant 0 : i32
    %dma_wait3A_709 = arith.constant 0 : i32
    %dma_wait3A_710 = tpu.memref_slice %arg4[%dma_wait3A_702, %dma_wait3A_703, %add3A_700, %dma_wait3A_708, %dma_wait3A_709] : memref<100x4x128x8x128xf32, #tpu.memory_space<hbm>> -> memref<1x1x1x8x128xf32, #tpu.memory_space<hbm>>
    %dma_wait3A_711 = tpu.memref_squeeze %dma_wait3A_710 : memref<1x1x1x8x128xf32, #tpu.memory_space<hbm>> -> memref<8x128xf32, #tpu.memory_space<hbm>>
    %dma_wait3A_712 = arith.constant 0 : i32
    %dma_wait3A_713 = arith.constant 0 : i32
    %dma_wait3A_714 = tpu.memref_slice %arg4[%dma_wait3A_702, %dma_wait3A_703, %add3A_700, %dma_wait3A_712, %dma_wait3A_713] : memref<100x4x128x8x128xf32, #tpu.memory_space<hbm>> -> memref<1x1x1x8x128xf32, #tpu.memory_space<hbm>>
    %dma_wait3A_715 = tpu.memref_squeeze %dma_wait3A_714 : memref<1x1x1x8x128xf32, #tpu.memory_space<hbm>> -> memref<8x128xf32, #tpu.memory_space<hbm>>
    %dma_wait3A_716 = arith.constant 24 : i32
    %dma_wait3A_717 = arith.constant 0 : i32
    %dma_wait3A_718 = tpu.memref_slice %arg7[%dma_wait3A_701, %dma_wait3A_716, %dma_wait3A_717] : memref<2x32x513xf32, #tpu.memory_space<vmem>> -> memref<1x8x128xf32, #tpu.memory_space<vmem>>
    %dma_wait3A_719 = tpu.memref_squeeze %dma_wait3A_718 : memref<1x8x128xf32, #tpu.memory_space<vmem>> -> memref<8x128xf32, #tpu.memory_space<vmem>>
    tpu.wait_dma2 semaphore(%arg13 : memref<!tpu.dma_semaphore, #tpu.memory_space<semaphore_mem>>) src(%dma_wait3A_719 : memref<8x128xf32, #tpu.memory_space<vmem>>) dst(%dma_wait3A_715 : memref<8x128xf32, #tpu.memory_space<hbm>>)
    %mul3A_720 = arith.constant 4 : i32
    %mul3A_721 = arith.muli %add3A, %mul3A_720 : i32
    %add3A_722 = arith.constant 1 : i32
    %add3A_723 = arith.addi %mul3A_721, %add3A_722 : i32
    %dma_wait3A_724 = arith.constant 1 : i32
    %dma_wait3A_725 = arith.constant 0 : i32
    %dma_wait3A_726 = arith.constant 3 : i32
    %dma_wait3A_727 = arith.constant 24 : i32
    %dma_wait3A_728 = arith.constant 128 : i32
    %dma_wait3A_729 = tpu.memref_slice %arg7[%dma_wait3A_724, %dma_wait3A_727, %dma_wait3A_728] : memref<2x32x513xf32, #tpu.memory_space<vmem>> -> memref<1x8x128xf32, #tpu.memory_space<vmem>>
    %dma_wait3A_730 = tpu.memref_squeeze %dma_wait3A_729 : memref<1x8x128xf32, #tpu.memory_space<vmem>> -> memref<8x128xf32, #tpu.memory_space<vmem>>
    %dma_wait3A_731 = arith.constant 0 : i32
    %dma_wait3A_732 = arith.constant 0 : i32
    %dma_wait3A_733 = tpu.memref_slice %arg4[%dma_wait3A_725, %dma_wait3A_726, %add3A_723, %dma_wait3A_731, %dma_wait3A_732] : memref<100x4x128x8x128xf32, #tpu.memory_space<hbm>> -> memref<1x1x1x8x128xf32, #tpu.memory_space<hbm>>
    %dma_wait3A_734 = tpu.memref_squeeze %dma_wait3A_733 : memref<1x1x1x8x128xf32, #tpu.memory_space<hbm>> -> memref<8x128xf32, #tpu.memory_space<hbm>>
    %dma_wait3A_735 = arith.constant 0 : i32
    %dma_wait3A_736 = arith.constant 0 : i32
    %dma_wait3A_737 = tpu.memref_slice %arg4[%dma_wait3A_725, %dma_wait3A_726, %add3A_723, %dma_wait3A_735, %dma_wait3A_736] : memref<100x4x128x8x128xf32, #tpu.memory_space<hbm>> -> memref<1x1x1x8x128xf32, #tpu.memory_space<hbm>>
    %dma_wait3A_738 = tpu.memref_squeeze %dma_wait3A_737 : memref<1x1x1x8x128xf32, #tpu.memory_space<hbm>> -> memref<8x128xf32, #tpu.memory_space<hbm>>
    %dma_wait3A_739 = arith.constant 24 : i32
    %dma_wait3A_740 = arith.constant 128 : i32
    %dma_wait3A_741 = tpu.memref_slice %arg7[%dma_wait3A_724, %dma_wait3A_739, %dma_wait3A_740] : memref<2x32x513xf32, #tpu.memory_space<vmem>> -> memref<1x8x128xf32, #tpu.memory_space<vmem>>
    %dma_wait3A_742 = tpu.memref_squeeze %dma_wait3A_741 : memref<1x8x128xf32, #tpu.memory_space<vmem>> -> memref<8x128xf32, #tpu.memory_space<vmem>>
    tpu.wait_dma2 semaphore(%arg13 : memref<!tpu.dma_semaphore, #tpu.memory_space<semaphore_mem>>) src(%dma_wait3A_742 : memref<8x128xf32, #tpu.memory_space<vmem>>) dst(%dma_wait3A_738 : memref<8x128xf32, #tpu.memory_space<hbm>>)
    %mul3A_743 = arith.constant 4 : i32
    %mul3A_744 = arith.muli %add3A, %mul3A_743 : i32
    %add3A_745 = arith.constant 2 : i32
    %add3A_746 = arith.addi %mul3A_744, %add3A_745 : i32
    %dma_wait3A_747 = arith.constant 1 : i32
    %dma_wait3A_748 = arith.constant 0 : i32
    %dma_wait3A_749 = arith.constant 3 : i32
    %dma_wait3A_750 = arith.constant 24 : i32
    %dma_wait3A_751 = arith.constant 256 : i32
    %dma_wait3A_752 = tpu.memref_slice %arg7[%dma_wait3A_747, %dma_wait3A_750, %dma_wait3A_751] : memref<2x32x513xf32, #tpu.memory_space<vmem>> -> memref<1x8x128xf32, #tpu.memory_space<vmem>>
    %dma_wait3A_753 = tpu.memref_squeeze %dma_wait3A_752 : memref<1x8x128xf32, #tpu.memory_space<vmem>> -> memref<8x128xf32, #tpu.memory_space<vmem>>
    %dma_wait3A_754 = arith.constant 0 : i32
    %dma_wait3A_755 = arith.constant 0 : i32
    %dma_wait3A_756 = tpu.memref_slice %arg4[%dma_wait3A_748, %dma_wait3A_749, %add3A_746, %dma_wait3A_754, %dma_wait3A_755] : memref<100x4x128x8x128xf32, #tpu.memory_space<hbm>> -> memref<1x1x1x8x128xf32, #tpu.memory_space<hbm>>
    %dma_wait3A_757 = tpu.memref_squeeze %dma_wait3A_756 : memref<1x1x1x8x128xf32, #tpu.memory_space<hbm>> -> memref<8x128xf32, #tpu.memory_space<hbm>>
    %dma_wait3A_758 = arith.constant 0 : i32
    %dma_wait3A_759 = arith.constant 0 : i32
    %dma_wait3A_760 = tpu.memref_slice %arg4[%dma_wait3A_748, %dma_wait3A_749, %add3A_746, %dma_wait3A_758, %dma_wait3A_759] : memref<100x4x128x8x128xf32, #tpu.memory_space<hbm>> -> memref<1x1x1x8x128xf32, #tpu.memory_space<hbm>>
    %dma_wait3A_761 = tpu.memref_squeeze %dma_wait3A_760 : memref<1x1x1x8x128xf32, #tpu.memory_space<hbm>> -> memref<8x128xf32, #tpu.memory_space<hbm>>
    %dma_wait3A_762 = arith.constant 24 : i32
    %dma_wait3A_763 = arith.constant 256 : i32
    %dma_wait3A_764 = tpu.memref_slice %arg7[%dma_wait3A_747, %dma_wait3A_762, %dma_wait3A_763] : memref<2x32x513xf32, #tpu.memory_space<vmem>> -> memref<1x8x128xf32, #tpu.memory_space<vmem>>
    %dma_wait3A_765 = tpu.memref_squeeze %dma_wait3A_764 : memref<1x8x128xf32, #tpu.memory_space<vmem>> -> memref<8x128xf32, #tpu.memory_space<vmem>>
    tpu.wait_dma2 semaphore(%arg13 : memref<!tpu.dma_semaphore, #tpu.memory_space<semaphore_mem>>) src(%dma_wait3A_765 : memref<8x128xf32, #tpu.memory_space<vmem>>) dst(%dma_wait3A_761 : memref<8x128xf32, #tpu.memory_space<hbm>>)
    %mul3A_766 = arith.constant 4 : i32
    %mul3A_767 = arith.muli %add3A, %mul3A_766 : i32
    %add3A_768 = arith.constant 3 : i32
    %add3A_769 = arith.addi %mul3A_767, %add3A_768 : i32
    %dma_wait3A_770 = arith.constant 1 : i32
    %dma_wait3A_771 = arith.constant 0 : i32
    %dma_wait3A_772 = arith.constant 3 : i32
    %dma_wait3A_773 = arith.constant 24 : i32
    %dma_wait3A_774 = arith.constant 384 : i32
    %dma_wait3A_775 = tpu.memref_slice %arg7[%dma_wait3A_770, %dma_wait3A_773, %dma_wait3A_774] : memref<2x32x513xf32, #tpu.memory_space<vmem>> -> memref<1x8x128xf32, #tpu.memory_space<vmem>>
    %dma_wait3A_776 = tpu.memref_squeeze %dma_wait3A_775 : memref<1x8x128xf32, #tpu.memory_space<vmem>> -> memref<8x128xf32, #tpu.memory_space<vmem>>
    %dma_wait3A_777 = arith.constant 0 : i32
    %dma_wait3A_778 = arith.constant 0 : i32
    %dma_wait3A_779 = tpu.memref_slice %arg4[%dma_wait3A_771, %dma_wait3A_772, %add3A_769, %dma_wait3A_777, %dma_wait3A_778] : memref<100x4x128x8x128xf32, #tpu.memory_space<hbm>> -> memref<1x1x1x8x128xf32, #tpu.memory_space<hbm>>
    %dma_wait3A_780 = tpu.memref_squeeze %dma_wait3A_779 : memref<1x1x1x8x128xf32, #tpu.memory_space<hbm>> -> memref<8x128xf32, #tpu.memory_space<hbm>>
    %dma_wait3A_781 = arith.constant 0 : i32
    %dma_wait3A_782 = arith.constant 0 : i32
    %dma_wait3A_783 = tpu.memref_slice %arg4[%dma_wait3A_771, %dma_wait3A_772, %add3A_769, %dma_wait3A_781, %dma_wait3A_782] : memref<100x4x128x8x128xf32, #tpu.memory_space<hbm>> -> memref<1x1x1x8x128xf32, #tpu.memory_space<hbm>>
    %dma_wait3A_784 = tpu.memref_squeeze %dma_wait3A_783 : memref<1x1x1x8x128xf32, #tpu.memory_space<hbm>> -> memref<8x128xf32, #tpu.memory_space<hbm>>
    %dma_wait3A_785 = arith.constant 24 : i32
    %dma_wait3A_786 = arith.constant 384 : i32
    %dma_wait3A_787 = tpu.memref_slice %arg7[%dma_wait3A_770, %dma_wait3A_785, %dma_wait3A_786] : memref<2x32x513xf32, #tpu.memory_space<vmem>> -> memref<1x8x128xf32, #tpu.memory_space<vmem>>
    %dma_wait3A_788 = tpu.memref_squeeze %dma_wait3A_787 : memref<1x8x128xf32, #tpu.memory_space<vmem>> -> memref<8x128xf32, #tpu.memory_space<vmem>>
    tpu.wait_dma2 semaphore(%arg13 : memref<!tpu.dma_semaphore, #tpu.memory_space<semaphore_mem>>) src(%dma_wait3A_788 : memref<8x128xf32, #tpu.memory_space<vmem>>) dst(%dma_wait3A_784 : memref<8x128xf32, #tpu.memory_space<hbm>>)
    return
  }
}

</mosaic_0001>

<sc_bundles>
// kernel: kernel.3.cloned.1.call-start
scs
__scs_entry_jumppad:
0x0: {  	(pc) =	sbr.rel $0x88, $3  }
0x1: {  	(tag) =	ssettag $0x0;
	lr =	simm.s32 $0x1  }
0x2: {  	[smem:$0x3F9F] =	sst lr;
	_ =	strace $0xD0000000  }
0x3: {  	_ = 	snop  }
0x4: {  	_ = 	snop  }
0x5: {  	_ = 	snop  }
0x6: {  	_ = 	snop  }
0x7: {  	_ = 	snop  }
__scs_overlays_trampoline_lowered:
0x8: {  	[smem:$0x3FAE] =	sst s0  }
0x9: {  	[smem:$0x3FAF] =	sst s1  }
0xa: {  	[smem:$0x3FB0] =	sst s2  }
0xb: {  	[smem:$0x3FB1] =	sst s3  }
0xc: {  	[smem:$0x3FB2] =	sst s4  }
0xd: {  	[smem:$0x3FB3] =	sst s5  }
0xe: {  	[smem:$0x3FB4] =	sst s6  }
0xf: {  	[smem:$0x3FB5] =	sst s7  }
0x10: {  	[smem:$0x3FB6] =	sst s8  }
0x11: {  	[smem:$0x3FB7] =	sst s9;
	s0 =	simm.s32 @!p0 $0x0  }
0x12: {  	s1 =	sld [smem:$0x3F9D];
	s0 =	simm.s32 @p0 $0x1  }
0x13: {  	[smem:$0x3FB8] =	sst s0;
	s0 =	simm.s32 @!p1 $0x0  }
0x14: {  	s2 =	sld [smem:$0x3F9C];
	s0 =	simm.s32 @p1 $0x1  }
0x15: {  	[smem:$0x3FB9] =	sst s0;
	s0 =	simm.s32 @!p2 $0x0  }
0x16: {  	s3 =	sld [smem:$0x3FDB];
	s0 =	simm.s32 @p2 $0x1  }
0x17: {  	s4 =	simm.s32 $0x1BF5;
	[smem:$0x3FBB] =	sst s0  }
0x18: {  	s0 =	sld [smem:$0x3F9E];
	_ =	swait.ge [sflag:s4], $0x0  }
0x19: {  	s7 =	sld [smem:$0x3F9F]  }
0x1a: {  	s8 =	sadd.s32 $0xFFFFE003, lr  }
0x1b: {  	s9 =	sadd.s32 $0xFFFFFEF7, lr;
	s5 =	simm.s32 $0xFFFFFFFF;
	p2 =	slt.u32 s8, $0xFFFFF086  }
0x1c: {  	p1 =	slt.u32 s9, $0xF7A;
	s5 =	simm.s32 @!p2 $0x0  }
0x1d: {  	s5 =	simm.s32 @p1 $0x1;
	p0 =	seq.s32 s7, s2  }
0x1e: {  	s7 =	smul.u32 @!p0 $0xF7A, s2;
	p2 =	seq.s32 @!p0 s5, $0x0  }
0x1f: {  	s9 =	smul.u32 $0xF7A, s1;
	s8 =	simm.s32 @!p0 $0x1BF5;
	p2 =	por !p2, p0  }
0x20: {  	[sflag:s8] =	ssyncset.s32 @!p0 $0xFFFFF086;
	s6 =	sadd.s32 @!p0 s3, s7;
	s7 =	simm.s32 @!p0 $0x108  }
0x21: {  	s3 =	sadd.s32 s3, s9;
	s6 =	sadd.s32 @!p0 $0x88, s6;
	s7 =	simm.s32 @p2 $0x1082  }
0x22: {  	[simem:s7], [sflag:s8] =	dma.local @!p0 [hbm:s6], $0xF7A  }
0x23: {  	s9 =	sor.u32 $0xD0000000, s2;
	s6 =	simm.s32 $0x108;
	_ =	swait.ge @!p0 [sflag:s8], $0x0  }
0x24: {  	s3 =	sadd.s32 $0x88, s3;
	s6 =	simm.s32 @!p1 $0x1082;
	[sflag:s4] =	ssyncset.s32 $0xFFFFF086  }
0x25: {  	[simem:s6], [sflag:s4] =	dma.local [hbm:s3], $0xF7A  }
0x26: {  	[smem:$0x3F9F] =	sst s1;
	(tag) =	ssettag s2;
	_ =	strace s9  }
0x27: {  	s1 =	sld [smem:$0x3FAF]  }
0x28: {  	s2 =	sld [smem:$0x3FB0]  }
0x29: {  	s4 =	sld [smem:$0x3FB2]  }
0x2a: {  	p0 =	seq.s32 s5, $0x0;
	s5 =	sld [smem:$0x3FB3]  }
0x2b: {  	s6 =	sld [smem:$0x3FB4]  }
0x2c: {  	s7 =	sld [smem:$0x3FB5]  }
0x2d: {  	s3 =	simm.s32 $0x108;
	s8 =	sld [smem:$0x3FB6]  }
0x2e: {  	s3 =	simm.s32 @!p0 $0x1082;
	s9 =	sld [smem:$0x3FB7]  }
0x2f: {  	lr =	sadd.s32 s0, s3;
	s0 =	sld [smem:$0x3FAE]  }
0x30: {  	s3 =	sld [smem:$0x3FB1]  }
0x31: {  	[smem:$0x3FBA] =	sst s10  }
0x32: {  	s10 =	sld [smem:$0x3FB8];
	_ =	sdelay $0x3  }
0x33: {  	p0 =	seq.s32 s10, $0x1;
	s10 =	sld [smem:$0x3FBA];
	_ =	sdelay $0x3  }
0x34: {  	[smem:$0x3FBA] =	sst s10  }
0x35: {  	s10 =	sld [smem:$0x3FB9];
	_ =	sdelay $0x3  }
0x36: {  	p1 =	seq.s32 s10, $0x1;
	s10 =	sld [smem:$0x3FBA];
	_ =	sdelay $0x3  }
0x37: {  	[smem:$0x3FBA] =	sst s10  }
0x38: {  	s10 =	sld [smem:$0x3FBB]  }
0x39: {  	_ = 	snop;
	(pc) =	sbr.ind lr, $3  }
0x3a: {  	_ = 	snop  }
0x3b: {  	_ = 	snop  }
0x3c: {  	p2 =	seq.s32 s10, $0x1;
	s10 =	sld [smem:$0x3FBA]  }
0x3d: {  	_ =	shalt  }
0x3e: {  	_ =	shalt  }
0x3f: {  	_ =	shalt  }
0x40: {  	_ =	shalt  }
0x41: {  	_ =	shalt  }
0x42: {  	_ =	shalt  }
0x43: {  	_ =	shalt  }
0x44: {  	_ =	shalt  }
0x45: {  	_ =	shalt  }
0x46: {  	_ =	shalt  }
0x47: {  	_ =	shalt  }
0x48: {  	_ =	shalt  }
0x49: {  	_ =	shalt  }
0x4a: {  	_ =	shalt  }
0x4b: {  	_ =	shalt  }
0x4c: {  	_ =	shalt  }
0x4d: {  	_ =	shalt  }
0x4e: {  	_ =	shalt  }
0x4f: {  	_ =	shalt  }
0x50: {  	_ =	shalt  }
0x51: {  	_ =	shalt  }
0x52: {  	_ =	shalt  }
0x53: {  	_ =	shalt  }
0x54: {  	_ =	shalt  }
0x55: {  	_ =	shalt  }
0x56: {  	_ =	shalt  }
0x57: {  	_ =	shalt  }
0x58: {  	_ =	shalt  }
0x59: {  	_ =	shalt  }
0x5a: {  	_ =	shalt  }
0x5b: {  	_ =	shalt  }
0x5c: {  	_ =	shalt  }
0x5d: {  	_ =	shalt  }
0x5e: {  	_ =	shalt  }
0x5f: {  	_ =	shalt  }
0x60: {  	_ =	shalt  }
0x61: {  	_ =	shalt  }
0x62: {  	_ =	shalt  }
0x63: {  	_ =	shalt  }
0x64: {  	_ =	shalt  }
0x65: {  	_ =	shalt  }
0x66: {  	_ =	shalt  }
0x67: {  	_ =	shalt  }
0x68: {  	_ =	shalt  }
0x69: {  	_ =	shalt  }
0x6a: {  	_ =	shalt  }
0x6b: {  	_ =	shalt  }
0x6c: {  	_ =	shalt  }
0x6d: {  	_ =	shalt  }
0x6e: {  	_ =	shalt  }
0x6f: {  	_ =	shalt  }
0x70: {  	_ =	shalt  }
0x71: {  	_ =	shalt  }
0x72: {  	_ =	shalt  }
0x73: {  	_ =	shalt  }
0x74: {  	_ =	shalt  }
0x75: {  	_ =	shalt  }
0x76: {  	_ =	shalt  }
0x77: {  	_ =	shalt  }
0x78: {  	_ =	shalt  }
0x79: {  	_ =	shalt  }
0x7a: {  	_ =	shalt  }
0x7b: {  	_ =	shalt  }
0x7c: {  	_ =	shalt  }
0x7d: {  	_ =	shalt  }
0x7e: {  	_ =	shalt  }
0x7f: {  	_ =	shalt  }
0x80: {  	_ =	shalt  }
0x81: {  	_ =	shalt  }
0x82: {  	_ =	shalt  }
0x83: {  	_ =	shalt  }
0x84: {  	_ =	shalt  }
0x85: {  	_ =	shalt  }
0x86: {  	_ =	shalt  }
0x87: {  	_ =	shalt  }
.Lfunc_end0:
.L_simem_size_0:
called_computation_lowered:
.L_overlay_start_0:
0x88: {  	s2 =	sld [smem:$0x3FD9]  }
0x89: {  	s3 =	sld [smem:$0x3FFE];
	_ =	sdelay $0x1  }
0x8a: {  	s1 =	srdreg.scid  }
0x8b: {  	s0 =	sand.u32 $0x1, s1  }
0x8c: {  	s17 =	sshll.u32 s0, $0xA;
	s2 =	sadd.s32 s3, s2  }
0x8d: {  	s2 =	sadd.s32 s2, s17  }
0x8e: {  	[smem:$0x3FC6] =	sst s2  }
0x8f: {  	_ = 	snop  }
0x90: {  	s2 =	sld [smem:$0x3FD0];
	(tm) =	ssettm $0x1  }
0x91: {  	s18 =	sld [smem:$0x3FFB];
	_ =	sdelay $0x3  }
0x92: {  	_ =	strace s18  }
0x93: {  	s3 =	sld [smem:$0x3FFC];
	_ =	sdelay $0x3  }
0x94: {  	_ =	strace s3  }
0x95: {  	s3 =	sld [smem:$0x3FFD];
	_ =	sdelay $0x3  }
0x96: {  	_ =	strace s3  }
0x97: {  	_ =	strace $0x8FFFFFFF  }
0x98: {  	s19 =	sld [smem:$0x3FDB];
	_ =	sdelay $0x1  }
0x99: {  	s4 =	simm.s32 $_scs_section_size  }
0x9a: {  	s5 =	simm.s32 $_size__tile_overlayer_lowered;
	s6 =	simm.s32 $_tile_overlayer_lowered  }
0x9b: {  	s22 =	simm.s32 $0x1BFF;
	s21 =	sshll.u32 s6, $0x1;
	s3 =	sadd.s32 s4, s19  }
0x9c: {  	s7 =	simm.s32 $0x0;
	s20 =	sshll.u32 s5, $0x1;
	s5 =	sadd.s32 s21, s3  }
0x9d: {  	[timem:s7], [sflag:s22] =	dma.local [hbm:s5], s20  }
0x9e: {  	_ =	swait.ge [sflag:s22], s20  }
0x9f: {  	s4 =	ssub.s32 $0x0, s20;
	[sflag:s22] =	ssyncset.done $0x0  }
0xa0: {  	[sflag:s22] =	ssyncadd.s32 s4;
	_ =	sdelay $0x1  }
0xa1: {  	s23 =	simm.s32 $0x1B8B  }
0xa2: {  	_ =	swait.ge [sflag:s23], $0x1  }
0xa3: {  	[sflag:s23] =	ssyncset.done $0x0  }
0xa4: {  	s25 =	simm.s32 $0x1B8E;
	s24 =	sld [smem:$0x3FFE];
	[sflag:s23] =	ssyncadd.s32 $0xFFFFFFFF  }
0xa5: {  	s26 =	simm.s32 $execute0_lowered;
	[smem:$0x3FD2] =	sst s25  }
0xa6: {  	s5 =	sshll.u32 s26, $0x1;
	_ =	strace $0x80000046;
	[dreg:$0x1] =	wrdreg $0xFFFFFFFF  }
0xa7: {  	s28 =	simm.s32 $_size_execute0_lowered;
	s3 =	sadd.s32 s3, s5;
	[dreg:$0x0] =	wrdreg $0x0  }
0xa8: {  	s5 =	sshll.u32 s28, $0x1;
	[dreg:$0x2] =	wrdreg s3  }
0xa9: {  	[dreg:$0x3] =	wrdreg s5  }
0xaa: {  	[dreg:$0x4] =	wrdreg $0xC0  }
0xab: {  	_ =	task [dreg:s7], $0x5FFFF  }
0xac: {  	[dreg:$0x1] =	wrdreg $0xFFFFFFFF  }
0xad: {  	[dreg:$0x0] =	wrdreg $0x60  }
0xae: {  	[dreg:$0x2] =	wrdreg s24  }
0xaf: {  	[dreg:$0x3] =	wrdreg s2  }
0xb0: {  	[dreg:$0x4] =	wrdreg $0x9  }
0xb1: {  	_ =	task.clear_ibuf [dreg:s7], $0x5FFFF;
	_ =	strace $0x90000046  }
0xb2: {  	s29 =	simm.s32 $0x9;
	_ =	strace $0x80000048  }
0xb3: {  	_ =	swait.ge [sflag:s29], $0x1  }
0xb4: {  	[sflag:s29] =	ssyncadd.s32 $0xFFFFFFFF  }
0xb5: {  	_ =	strace $0x90000048  }
0xb6: {  	_ =	sfence  }
0xb7: {  	s30 =	sld [smem:$0x0];
	_ =	sdelay $0x2  }
0xb8: {  	s31 =	sshll.u32 s1, $0xD;
	s1 =	sshrl.u32 s1, $0x2  }
0xb9: {  	s3 =	sand.u32 $0x4000, s31;
	s1 =	sadd.s32 s1, s30  }
0xba: {  	s0 =	sor.u32 s3, s0;
	s1 =	sshll.u32 s1, $0x11  }
0xbb: {  	s0 =	sor.u32 s1, s0  }
0xbc: {  	s0 =	sadd.s32 $0x8F2B, s0  }
0xbd: {  	[sflag:s0] =	ssyncadd.remote.s32 $0x1  }
0xbe: {  	_ =	sfence.sel $0xFFFF  }
0xbf: {  	[dreg:$0x0] =	wrdreg $0xFFFFFFFF;
	(pc) =	sbr.abs _section_cstart, $3  }
0xc0: {  	[dreg:$0x1] =	wrdreg $0xFFFFFFFF  }
0xc1: {  	_ =	task.clear_ibuf [dreg:s7], $0x2FFFF;
	_ =	strace $0x9FFFFFFF  }
0xc2: {  	(tm) =	ssettm $0x7FFFFFFF  }
0xc3: {  	_ =	shalt  }
tec
execute0_lowered:
.L_overlay_start_1:
0x0: {  	(tag) =	ssettag $0x1  }
0x1: {  	s0 =	rddreg [dreg:$0x0]  }
0x2: {  	s2 =	rddreg [dreg:$0x1];
	s3 =	simm.s32 $0x0  }
0x3: {  	s1 =	srdreg.scid;
	s4 =	stileid.u32;
	s18 =	simm.s32 $0x200  }
0x4: {  	s21 =	simm.s32 $0x2;
	s23 =	simm.s32 $0x3;
	s24 =	simm.s32 $0x8400  }
0x5: {  	s20 =	simm.s32 $0x6;
	s25 =	simm.s32 $0xF6C0;
	s26 =	simm.s32 $0x10578  }
0x6: {  	s28 =	simm.s32 $0x5;
	[smem:$0x7FF] =	sst s3;
	s1 =	sand.u32 $0x1, s1  }
0x7: {  	s4 =	sshll.u32 s4, $0x1;
	s5 =	sadd.s32 $0xF42A00, s0;
	s14 =	sadd.s32 $0x4000, s2  }
0x8: {  	s15 =	sadd.s32 $0x8000, s2;
	s16 =	sadd.s32 $0xC000, s2;
	_ =	strace $0x80000047  }
0x9: {  	v0 =	vlaneseq.u32;
	s6 =	sor.u32 s1, s4;
	s4 =	sadd.s32 $0x600, s0;
	s1 =	ssub.s32 $0x2, s1  }
0xa: {  	v1 =	vimm.s32 $0x0;
	vm0 =	vcmask $0x300;
	v0 =	vmul.u32 $0x208, v0;
	s7 =	sshll.u32 s6, $0x6;
	s29 =	sshrl.u32 s1, $0x1;
	s30 =	sshll.u32 s6, $0x9  }
0xb: {  	v1 =	vsel vm0, $0x3, v1;
	s10 =	sshll.u32 s6, $0xC;
	s6 =	simm.s32 $0x0;
	s7 =	sadd.s32 s4, s7  }
.Ltmp0:
0xc: {  	v2 =	vadd.s32 $0x2080, v0;
	v3 =	vor.u32 $0x1, v0;
	v4 =	vadd.s32 $0x2081, v0;
	s0 =	ssub.s32 s1, s29;
	s31 =	sor.u32 $0x8000, s30;
	(pc) =	sbr.rel .LBB2_1-.Ltmp0, $4  }
0xd: {  	v5 =	vor.u32 $0x2, v0;
	v6 =	vadd.s32 $0x2082, v0;
	v7 =	vor.u32 $0x3, v0;
	s9 =	sor.u32 $0xC000, s30;
	s11 =	sor.u32 $0x400, s10;
	[dreg:$0x3] =	wrdreg s7  }
0xe: {  	v8 =	vadd.s32 $0x2083, v0;
	v9 =	vor.u32 $0x4, v0;
	v10 =	vadd.s32 $0x2084, v0;
	s12 =	sor.u32 $0x800, s10;
	s7 =	sadd.s32 $0x800, s7;
	[dreg:$0x5] =	wrdreg s31  }
0xf: {  	v11 =	vor.u32 $0x5, v0;
	v12 =	vadd.s32 $0x2085, v0;
	v13 =	vor.u32 $0x6, v0;
	s13 =	sor.u32 $0xC00, s10;
	s0 =	smax.u32 s0, $0x1;
	[dreg:$0x4] =	wrdreg s7  }
0x10: {  	v14 =	vadd.s32 $0x2086, v0;
	v15 =	vor.u32 $0x7, v0;
	v16 =	vadd.s32 $0x2087, v0;
	s1 =	simm.s32 $0x4;
	[dreg:$0x6] =	wrdreg s0;
	s7 =	simm.s32 $0xC500  }
.LBB2_12:
0x11: {  	_ =	swait.ge [sflag:s28], $0x400  }
0x12: {  	[sflag:s28] =	ssyncset.done $0x0  }
0x13: {  	[sflag:s28] =	ssyncadd.s32 $0xFFFFFC00  }
0x14: {  	_ =	swait.ge [sflag:s28], $0x400  }
0x15: {  	[sflag:s28] =	ssyncset.done $0x0  }
0x16: {  	[sflag:s28] =	ssyncadd.s32 $0xFFFFFC00  }
0x17: {  	_ =	swait.ge [sflag:s28], $0x400  }
0x18: {  	[sflag:s28] =	ssyncset.done $0x0  }
0x19: {  	[sflag:s28] =	ssyncadd.s32 $0xFFFFFC00  }
0x1a: {  	_ =	swait.ge [sflag:s28], $0x400  }
0x1b: {  	[sflag:s28] =	ssyncset.done $0x0  }
0x1c: {  	[sflag:s28] =	ssyncadd.s32 $0xFFFFFC00  }
0x1d: {  	_ =	swait.ge [sflag:s28], $0x400  }
0x1e: {  	[sflag:s28] =	ssyncset.done $0x0  }
0x1f: {  	[sflag:s28] =	ssyncadd.s32 $0xFFFFFC00  }
0x20: {  	_ =	swait.ge [sflag:s28], $0x400  }
0x21: {  	[sflag:s28] =	ssyncset.done $0x0  }
0x22: {  	[sflag:s28] =	ssyncadd.s32 $0xFFFFFC00  }
0x23: {  	_ =	swait.ge [sflag:s28], $0x400  }
0x24: {  	[sflag:s28] =	ssyncset.done $0x0  }
0x25: {  	[sflag:s28] =	ssyncadd.s32 $0xFFFFFC00  }
0x26: {  	_ =	swait.ge [sflag:s28], $0x400  }
0x27: {  	[sflag:s28] =	ssyncset.done $0x0  }
0x28: {  	[sflag:s28] =	ssyncadd.s32 $0xFFFFFC00  }
0x29: {  	_ =	swait.ge [sflag:s28], $0x400  }
0x2a: {  	[sflag:s28] =	ssyncset.done $0x0  }
0x2b: {  	[sflag:s28] =	ssyncadd.s32 $0xFFFFFC00  }
0x2c: {  	_ =	swait.ge [sflag:s28], $0x400  }
0x2d: {  	[sflag:s28] =	ssyncset.done $0x0  }
0x2e: {  	[sflag:s28] =	ssyncadd.s32 $0xFFFFFC00  }
0x2f: {  	_ =	swait.ge [sflag:s28], $0x400  }
0x30: {  	[sflag:s28] =	ssyncset.done $0x0  }
0x31: {  	[sflag:s28] =	ssyncadd.s32 $0xFFFFFC00  }
0x32: {  	_ =	swait.ge [sflag:s28], $0x400  }
0x33: {  	[sflag:s28] =	ssyncset.done $0x0  }
0x34: {  	[sflag:s28] =	ssyncadd.s32 $0xFFFFFC00  }
0x35: {  	_ =	swait.ge [sflag:s28], $0x400  }
0x36: {  	[sflag:s28] =	ssyncset.done $0x0  }
0x37: {  	[sflag:s28] =	ssyncadd.s32 $0xFFFFFC00  }
0x38: {  	_ =	swait.ge [sflag:s28], $0x400  }
0x39: {  	[sflag:s28] =	ssyncset.done $0x0  }
0x3a: {  	[sflag:s28] =	ssyncadd.s32 $0xFFFFFC00  }
0x3b: {  	_ =	swait.ge [sflag:s28], $0x400  }
0x3c: {  	[sflag:s28] =	ssyncset.done $0x0  }
0x3d: {  	[sflag:s28] =	ssyncadd.s32 $0xFFFFFC00  }
0x3e: {  	_ =	swait.ge [sflag:s28], $0x400  }
0x3f: {  	[sflag:s28] =	ssyncset.done $0x0  }
0x40: {  	[sflag:s28] =	ssyncadd.s32 $0xFFFFFC00  }
0x41: {  	_ =	swait.ge [sflag:s20], $0x400  }
0x42: {  	[sflag:s20] =	ssyncset.done $0x0  }
0x43: {  	[sflag:s20] =	ssyncadd.s32 $0xFFFFFC00  }
0x44: {  	_ =	swait.ge [sflag:s20], $0x400  }
0x45: {  	[sflag:s20] =	ssyncset.done $0x0  }
0x46: {  	[sflag:s20] =	ssyncadd.s32 $0xFFFFFC00  }
0x47: {  	_ =	swait.ge [sflag:s20], $0x400  }
0x48: {  	[sflag:s20] =	ssyncset.done $0x0  }
0x49: {  	[sflag:s20] =	ssyncadd.s32 $0xFFFFFC00  }
0x4a: {  	_ =	swait.ge [sflag:s20], $0x400  }
0x4b: {  	[sflag:s20] =	ssyncset.done $0x0  }
0x4c: {  	[sflag:s20] =	ssyncadd.s32 $0xFFFFFC00  }
0x4d: {  	_ =	swait.ge [sflag:s20], $0x400  }
0x4e: {  	[sflag:s20] =	ssyncset.done $0x0  }
0x4f: {  	[sflag:s20] =	ssyncadd.s32 $0xFFFFFC00  }
0x50: {  	_ =	swait.ge [sflag:s20], $0x400  }
0x51: {  	[sflag:s20] =	ssyncset.done $0x0  }
0x52: {  	[sflag:s20] =	ssyncadd.s32 $0xFFFFFC00  }
0x53: {  	_ =	swait.ge [sflag:s20], $0x400  }
0x54: {  	[sflag:s20] =	ssyncset.done $0x0  }
0x55: {  	[sflag:s20] =	ssyncadd.s32 $0xFFFFFC00  }
0x56: {  	_ =	swait.ge [sflag:s20], $0x400  }
0x57: {  	[sflag:s20] =	ssyncset.done $0x0  }
0x58: {  	[sflag:s20] =	ssyncadd.s32 $0xFFFFFC00  }
0x59: {  	_ =	swait.ge [sflag:s20], $0x400  }
0x5a: {  	[sflag:s20] =	ssyncset.done $0x0  }
0x5b: {  	[sflag:s20] =	ssyncadd.s32 $0xFFFFFC00  }
0x5c: {  	_ =	swait.ge [sflag:s20], $0x400  }
0x5d: {  	[sflag:s20] =	ssyncset.done $0x0  }
0x5e: {  	[sflag:s20] =	ssyncadd.s32 $0xFFFFFC00  }
0x5f: {  	_ =	swait.ge [sflag:s20], $0x400  }
0x60: {  	[sflag:s20] =	ssyncset.done $0x0  }
0x61: {  	[sflag:s20] =	ssyncadd.s32 $0xFFFFFC00  }
0x62: {  	_ =	swait.ge [sflag:s20], $0x400  }
0x63: {  	[sflag:s20] =	ssyncset.done $0x0  }
0x64: {  	[sflag:s20] =	ssyncadd.s32 $0xFFFFFC00  }
0x65: {  	_ =	swait.ge [sflag:s20], $0x400  }
0x66: {  	[sflag:s20] =	ssyncset.done $0x0  }
0x67: {  	[sflag:s20] =	ssyncadd.s32 $0xFFFFFC00  }
0x68: {  	_ =	swait.ge [sflag:s20], $0x400  }
0x69: {  	[sflag:s20] =	ssyncset.done $0x0  }
0x6a: {  	[sflag:s20] =	ssyncadd.s32 $0xFFFFFC00  }
0x6b: {  	_ =	swait.ge [sflag:s20], $0x400  }
0x6c: {  	[sflag:s20] =	ssyncset.done $0x0  }
0x6d: {  	[sflag:s20] =	ssyncadd.s32 $0xFFFFFC00  }
0x6e: {  	_ =	swait.ge [sflag:s20], $0x400  }
0x6f: {  	s6 =	rddreg [dreg:$0x7]  }
0x70: {  	s0 =	rddreg [dreg:$0x6];
	s6 =	sadd.s32 $0x1, s6  }
0x71: {  	p0 =	sne.s32 s6, s0  }
.Ltmp1:
0x72: {  	_ = 	snop;
	(pc) =	sbr.rel @!p0 .LBB2_13-.Ltmp1, $3  }
0x73: {  	_ =	sdelay $0x1  }
0x74: {  	[sflag:s20] =	ssyncset.done $0x0  }
0x75: {  	[sflag:s20] =	ssyncadd.s32 $0xFFFFFC00  }
.LBB2_1:
0x76: {  	[dreg:$0x7] =	wrdreg s6  }
0x77: {  	s0 =	rddreg [dreg:$0x3]  }
0x78: {  	[tilespmem:s3], [sflag:$0x1] =	stream.linear.gather [hbm4b:s0+s3], $0x200, $0x38;
	[tilespmem:$0x10600] =	vst v63  }
0x79: {  	s22 =	rddreg [dreg:$0x4];
	s30 =	simm.s32 $0x1  }
0x7a: {  	[tilespmem:s18], [sflag:$0x2] =	stream.linear.gather [hbm4b:s22+s3], $0x200, $0x38;
	[tilespmem:$0x10600] =	vst v63  }
0x7b: {  	_ =	swait.ge [sflag:s30], $0x200  }
0x7c: {  	[sflag:s30] =	ssyncset.done $0x0  }
0x7d: {  	s31 =	simm.s32 $0x400;
	s29 =	simm.s32 $0x0;
	[sflag:s30] =	ssyncadd.s32 $0xFFFFFE00  }
0x7e: {  	[tilespmem:s31], [sflag:$0x3] =	stream.indirect.gather [hbm4b:s5+s18], $0x20, s3, s18, $0xb8;
	[tilespmem:$0x10600] =	vst v63  }
.LBB2_2:
0x7f: {  	_ =	swait.ge [sflag:s21], $0x200  }
0x80: {  	[sflag:s21] =	ssyncset.done $0x0  }
0x81: {  	s0 =	simm.s32 $0x4400;
	[sflag:s21] =	ssyncadd.s32 $0xFFFFFE00  }
0x82: {  	[tilespmem:s0], [sflag:$0x4] =	stream.indirect.gather [hbm4b:s5+s18], $0x20, s18, s18, $0xb8;
	[tilespmem:$0x10600] =	vst v63  }
0x83: {  	_ =	swait.ge [sflag:s23], $0x4000  }
0x84: {  	p0 =	seq.s32 s29, $0x0;
	[sflag:s23] =	ssyncset.done $0x0  }
0x85: {  	s0 =	simm.s32 @!p0 $0x5;
	[sflag:s23] =	ssyncadd.s32 $0xFFFFC000  }
0x86: {  	_ =	swait.ge @!p0 [sflag:s0], $0x400  }
0x87: {  	[sflag:s0] =	ssyncset.done @!p0 $0x0  }
0x88: {  	[sflag:s0] =	ssyncadd.s32 @!p0 $0xFFFFFC00  }
0x89: {  	_ =	swait.ge @!p0 [sflag:s0], $0x400  }
0x8a: {  	[sflag:s0] =	ssyncset.done @!p0 $0x0  }
0x8b: {  	[sflag:s0] =	ssyncadd.s32 @!p0 $0xFFFFFC00  }
0x8c: {  	_ =	swait.ge @!p0 [sflag:s0], $0x400  }
0x8d: {  	[sflag:s0] =	ssyncset.done @!p0 $0x0  }
0x8e: {  	[sflag:s0] =	ssyncadd.s32 @!p0 $0xFFFFFC00  }
0x8f: {  	_ =	swait.ge @!p0 [sflag:s0], $0x400  }
0x90: {  	[sflag:s0] =	ssyncset.done @!p0 $0x0  }
0x91: {  	[sflag:s0] =	ssyncadd.s32 @!p0 $0xFFFFFC00  }
0x92: {  	_ =	swait.ge @!p0 [sflag:s0], $0x400  }
0x93: {  	[sflag:s0] =	ssyncset.done @!p0 $0x0  }
0x94: {  	[sflag:s0] =	ssyncadd.s32 @!p0 $0xFFFFFC00  }
0x95: {  	_ =	swait.ge @!p0 [sflag:s0], $0x400  }
0x96: {  	[sflag:s0] =	ssyncset.done @!p0 $0x0  }
0x97: {  	[sflag:s0] =	ssyncadd.s32 @!p0 $0xFFFFFC00  }
0x98: {  	_ =	swait.ge @!p0 [sflag:s0], $0x400  }
0x99: {  	[sflag:s0] =	ssyncset.done @!p0 $0x0  }
0x9a: {  	[sflag:s0] =	ssyncadd.s32 @!p0 $0xFFFFFC00  }
0x9b: {  	_ =	swait.ge @!p0 [sflag:s0], $0x400  }
0x9c: {  	[sflag:s0] =	ssyncset.done @!p0 $0x0  }
0x9d: {  	[sflag:s0] =	ssyncadd.s32 @!p0 $0xFFFFFC00  }
0x9e: {  	_ =	swait.ge @!p0 [sflag:s0], $0x400  }
0x9f: {  	[sflag:s0] =	ssyncset.done @!p0 $0x0  }
0xa0: {  	[sflag:s0] =	ssyncadd.s32 @!p0 $0xFFFFFC00  }
0xa1: {  	_ =	swait.ge @!p0 [sflag:s0], $0x400  }
0xa2: {  	[sflag:s0] =	ssyncset.done @!p0 $0x0  }
0xa3: {  	[sflag:s0] =	ssyncadd.s32 @!p0 $0xFFFFFC00  }
0xa4: {  	_ =	swait.ge @!p0 [sflag:s0], $0x400  }
0xa5: {  	[sflag:s0] =	ssyncset.done @!p0 $0x0  }
0xa6: {  	[sflag:s0] =	ssyncadd.s32 @!p0 $0xFFFFFC00  }
0xa7: {  	_ =	swait.ge @!p0 [sflag:s0], $0x400  }
0xa8: {  	[sflag:s0] =	ssyncset.done @!p0 $0x0  }
0xa9: {  	[sflag:s0] =	ssyncadd.s32 @!p0 $0xFFFFFC00  }
0xaa: {  	_ =	swait.ge @!p0 [sflag:s0], $0x400  }
0xab: {  	[sflag:s0] =	ssyncset.done @!p0 $0x0  }
0xac: {  	[sflag:s0] =	ssyncadd.s32 @!p0 $0xFFFFFC00  }
0xad: {  	s6 =	simm.s32 $0x0;
	_ =	swait.ge @!p0 [sflag:s0], $0x400  }
0xae: {  	s19 =	simm.s32 $0x1;
	s17 =	simm.s32 $0x2;
	[sflag:s0] =	ssyncset.done @!p0 $0x0  }
0xaf: {  	s22 =	simm.s32 $0x3;
	s31 =	simm.s32 $0x4;
	v17 =	vmov s6;
	[sflag:s0] =	ssyncadd.s32 @!p0 $0xFFFFFC00  }
0xb0: {  	s30 =	simm.s32 $0x7;
	s8 =	simm.s32 $0x5;
	v18 =	vmov s19;
	v19 =	vmov s17;
	v20 =	vmov s22;
	_ =	swait.ge @!p0 [sflag:s0], $0x400  }
0xb1: {  	v21 =	vmov s31;
	v22 =	vmov s30;
	v23 =	vmov s8;
	s17 =	simm.s32 $0x6;
	[sflag:s0] =	ssyncset.done @!p0 $0x0  }
0xb2: {  	v17 =	vshrl.u32 v17, $0x3;
	v22 =	vshrl.u32 v22, $0x3;
	v24 =	vmov s17;
	[sflag:s0] =	ssyncadd.s32 @!p0 $0xFFFFFC00  }
0xb3: {  	v18 =	vshrl.u32 v18, $0x3;
	v19 =	vshrl.u32 v19, $0x3;
	v22 =	vshll.u32 v22, v1;
	_ =	swait.ge @!p0 [sflag:s0], $0x400  }
0xb4: {  	v20 =	vshrl.u32 v20, $0x3;
	v17 =	vshll.u32 v17, v1;
	v25 =	vbroadcast v22, $0x0;
	[sflag:s0] =	ssyncset.done @!p0 $0x0  }
0xb5: {  	v18 =	vshll.u32 v18, v1;
	v22 =	vshrl.u32 v21, $0x3;
	v17 =	vbroadcast v17, $0x0;
	[sflag:s0] =	ssyncadd.s32 @!p0 $0xFFFFFC00;
	s0 =	simm.s32 $0x480  }
0xb6: {  	v32 =	vbroadcast v18, $0x0;
	v18 =	vshll.u32 v19, v1;
	v26 =	vadd.s32 v15, v25;
	v19 =	vld [tilespmem:s0+$0x60]  }
0xb7: {  	v37 =	vbroadcast v18, $0x0;
	v18 =	vshll.u32 v20, v1;
	v28 =	vadd.s32 v0, v17;
	v27 =	vld [tilespmem:s0+$0xFFFFFF80]  }
0xb8: {  	v30 =	vadd.s32 v3, v32;
	v21 =	vbroadcast v18, $0x0;
	v18 =	vshll.u32 v22, v1;
	v29 =	vld [tilespmem:s0+$0xFFFFFFA0]  }
0xb9: {  	v33 =	vadd.s32 v5, v37;
	v20 =	vbroadcast v18, $0x0;
	v18 =	vshrl.u32 v23, $0x3;
	v31 =	vld [tilespmem:s0+$0xFFFFFFC0]  }
0xba: {  	v23 =	vshrl.u32 v24, $0x3;
	v39 =	vadd.s32 v7, v21;
	v18 =	vshll.u32 v18, v1;
	v34 =	vld [tilespmem:s0+$0xFFFFFFE0]  }
0xbb: {  	s22 =	simm.s32 $0x9;
	v41 =	vadd.s32 v9, v20;
	v22 =	vbroadcast v18, $0x0;
	v18 =	vshll.u32 v23, v1;
	v40 =	vld [tilespmem:s0+$0x0];
	[tilespmem:v26+s24+$0x0] =	vst.idx.msk $0xffff, v19  }
0xbc: {  	s31 =	simm.s32 $0xA;
	v36 =	vmov s22;
	v25 =	vadd.s32 v16, v25;
	v23 =	vbroadcast v18, $0x0;
	[tilespmem:v28+s24+$0x0] =	vst.idx.msk $0xffff, v27;
	v24 =	vld [tilespmem:s0+$0x70]  }
0xbd: {  	s19 =	simm.s32 $0x8;
	v38 =	vmov s31;
	v35 =	vadd.s32 v4, v32;
	[tilespmem:v30+s24+$0x0] =	vst.idx.msk $0xffff, v29;
	v26 =	vld [tilespmem:s0+$0x20];
	v27 =	vadd.s32 v11, v22  }
0xbe: {  	s8 =	simm.s32 $0xB;
	s22 =	simm.s32 $0xD;
	v37 =	vadd.s32 v6, v37;
	v19 =	vmov s19;
	[tilespmem:v33+s24+$0x0] =	vst.idx.msk $0xffff, v31;
	v29 =	vld [tilespmem:s0+$0x40];
	v30 =	vadd.s32 v13, v23  }
0xbf: {  	s31 =	simm.s32 $0xE;
	v18 =	vmov s22;
	v28 =	vmov s8;
	s19 =	simm.s32 $0xC;
	[tilespmem:v39+s24+$0x0] =	vst.idx.msk $0xffff, v34;
	v19 =	vshrl.u32 v19, $0x3;
	v33 =	vld [tilespmem:s0+$0xFFFFFFB0]  }
0xc0: {  	s30 =	sshll.u32 s29, $0x1;
	s6 =	simm.s32 $0x10;
	s17 =	simm.s32 $0xF;
	[tilespmem:v41+s24+$0x0] =	vst.idx.msk $0xffff, v40;
	v31 =	vmov s19;
	v34 =	vld [tilespmem:s0+$0xFFFFFFD0];
	v32 =	vshll.u32 v19, v1;
	v19 =	vmov s31  }
.LBB2_3:
0xc1: {  	p1 =	slt.u32 s6, $0x1F8;
	v36 =	vshrl.u32 v36, $0x3;
	v39 =	vmov s17;
	v40 =	vld [tilespmem:s0+$0xFFFFFFF0];
	v21 =	vadd.s32 v8, v21;
	[tilespmem:v25+s24+$0x0] =	vst.idx.msk $0xffff, v24  }
0xc2: {  	v24 =	vshrl.u32 v38, $0x3;
	v20 =	vadd.s32 v10, v20;
	v25 =	vshrl.u32 v39, $0x3;
	v38 =	vld [tilespmem:s0+$0x10];
	[tilespmem:v27+s24+$0x0] =	vst.idx.msk $0xffff, v26  }
0xc3: {  	v22 =	vadd.s32 v12, v22;
	v26 =	vshrl.u32 v28, $0x3;
	v25 =	vshll.u32 v25, v1;
	v27 =	vld [tilespmem:s0+$0x30];
	[tilespmem:v30+s24+$0x0] =	vst.idx.msk $0xffff, v29  }
0xc4: {  	v23 =	vadd.s32 v14, v23;
	v28 =	vshrl.u32 v31, $0x3;
	v25 =	vbroadcast v25, $0x0;
	[tilespmem:v35+s24+$0x0] =	vst.idx.msk $0xffff, v33;
	v29 =	vld [tilespmem:s0+$0x50]  }
0xc5: {  	v30 =	vshll.u32 v36, v1;
	v33 =	vadd.s32 v2, v17;
	v17 =	vbroadcast v32, $0x0;
	v31 =	vld [tilespmem:s0+$0xFFFFFF90];
	[tilespmem:v37+s24+$0x0] =	vst.idx.msk $0xffff, v34;
	s0 =	sadd.s32 $0x100, s0  }
0xc6: {  	v24 =	vshll.u32 v24, v1;
	v32 =	vbroadcast v30, $0x0;
	v30 =	vld [tilespmem:s0+$0x60];
	v34 =	vadd.s32 v15, v25;
	[tilespmem:v21+s24+$0x0] =	vst.idx.msk $0xffff, v40  }
0xc7: {  	v37 =	vbroadcast v24, $0x0;
	v36 =	vadd.s32 v0, v17;
	v21 =	vshll.u32 v26, v1;
	v35 =	vld [tilespmem:s0+$0xFFFFFF80];
	[tilespmem:v20+s24+$0x0] =	vst.idx.msk $0xffff, v38  }
0xc8: {  	v38 =	vadd.s32 v3, v32;
	v21 =	vbroadcast v21, $0x0;
	v20 =	vshll.u32 v28, v1;
	v26 =	vld [tilespmem:s0+$0xFFFFFFA0];
	[tilespmem:v22+s24+$0x0] =	vst.idx.msk $0xffff, v27  }
0xc9: {  	v18 =	vshrl.u32 v18, $0x3;
	v40 =	vadd.s32 v5, v37;
	v20 =	vbroadcast v20, $0x0;
	v39 =	vld [tilespmem:s0+$0xFFFFFFC0];
	[tilespmem:v23+s24+$0x0] =	vst.idx.msk $0xffff, v29  }
0xca: {  	v19 =	vshrl.u32 v19, $0x3;
	v18 =	vshll.u32 v18, v1;
	v42 =	vadd.s32 v7, v21;
	v41 =	vld [tilespmem:s0+$0xFFFFFFE0];
	[tilespmem:v33+s24+$0x0] =	vst.idx.msk $0xffff, v31  }
0xcb: {  	v22 =	vbroadcast v18, $0x0;
	v18 =	vshll.u32 v19, v1;
	v44 =	vadd.s32 v9, v20;
	v43 =	vld [tilespmem:s0+$0x0];
	[tilespmem:v34+s24+$0x0] =	vst.idx.msk $0xffff, v30  }
.Ltmp2:
0xcc: {  	s17 =	sadd.s32 $0x1, s6;
	v25 =	vadd.s32 v16, v25;
	v19 =	vmov s6;
	v23 =	vbroadcast v18, $0x0;
	[tilespmem:v36+s24+$0x0] =	vst.idx.msk $0xffff, v35;
	v24 =	vld [tilespmem:s0+$0x70];
	(pc) =	sbr.rel @p1 .LBB2_3-.Ltmp2, $4  }
0xcd: {  	s31 =	sadd.s32 $0x3, s6;
	v19 =	vshrl.u32 v19, $0x3;
	v27 =	vadd.s32 v11, v22;
	v36 =	vmov s17;
	s17 =	sadd.s32 $0x2, s6;
	[tilespmem:v38+s24+$0x0] =	vst.idx.msk $0xffff, v26;
	v26 =	vld [tilespmem:s0+$0x20]  }
0xce: {  	v28 =	vmov s31;
	s31 =	sadd.s32 $0x5, s6;
	v30 =	vadd.s32 v13, v23;
	v38 =	vmov s17;
	s17 =	sadd.s32 $0x4, s6;
	[tilespmem:v40+s24+$0x0] =	vst.idx.msk $0xffff, v39;
	v29 =	vld [tilespmem:s0+$0x40]  }
0xcf: {  	v18 =	vmov s31;
	v35 =	vadd.s32 v4, v32;
	v31 =	vmov s17;
	s17 =	sadd.s32 $0x6, s6;
	v33 =	vld [tilespmem:s0+$0xFFFFFFB0];
	[tilespmem:v42+s24+$0x0] =	vst.idx.msk $0xffff, v41  }
0xd0: {  	v37 =	vadd.s32 v6, v37;
	v32 =	vshll.u32 v19, v1;
	v19 =	vmov s17;
	s17 =	sadd.s32 $0x7, s6;
	s6 =	sadd.s32 $0x8, s6;
	v34 =	vld [tilespmem:s0+$0xFFFFFFD0];
	[tilespmem:v44+s24+$0x0] =	vst.idx.msk $0xffff, v43  }
0xd1: {  	_ =	sdelay $0x2  }
0xd2: {  	v36 =	vshrl.u32 v36, $0x3;
	v39 =	vmov s17  }
0xd3: {  	v40 =	vld [tilespmem:s0+$0xFFFFFFF0];
	v21 =	vadd.s32 v8, v21;
	[tilespmem:v25+s24+$0x0] =	vst.idx.msk $0xffff, v24;
	v58 =	vshrl.u32 v38, $0x3;
	v20 =	vadd.s32 v10, v20  }
0xd4: {  	v60 =	vld [tilespmem:s0+$0x10];
	v61 =	vshrl.u32 v28, $0x3;
	v22 =	vadd.s32 v12, v22;
	v62 =	vshrl.u32 v31, $0x3;
	[tilespmem:v27+s24+$0x0] =	vst.idx.msk $0xffff, v26  }
0xd5: {  	v23 =	vadd.s32 v14, v23;
	v63 =	vbroadcast v32, $0x0;
	v41 =	vld [tilespmem:s0+$0xFFFFFF90];
	v17 =	vadd.s32 v2, v17;
	[tilespmem:v30+s24+$0x0] =	vst.idx.msk $0xffff, v29  }
0xd6: {  	s6 =	sadd.s32 $0x100, s0;
	v18 =	vshrl.u32 v18, $0x3;
	v59 =	vshrl.u32 v39, $0x3;
	v39 =	vshll.u32 v36, v1;
	v27 =	vld [tilespmem:s0+$0x30];
	[tilespmem:v35+s24+$0x0] =	vst.idx.msk $0xffff, v33  }
0xd7: {  	v24 =	vshll.u32 v58, v1;
	v44 =	vld [tilespmem:s6+$0xFFFFFF80];
	v31 =	vbroadcast v39, $0x0;
	v45 =	vadd.s32 v0, v63;
	[tilespmem:v37+s24+$0x0] =	vst.idx.msk $0xffff, v34  }
0xd8: {  	v19 =	vshrl.u32 v19, $0x3;
	v26 =	vshll.u32 v61, v1;
	v24 =	vbroadcast v24, $0x0;
	v29 =	vld [tilespmem:s0+$0x50];
	[tilespmem:v21+s24+$0x0] =	vst.idx.msk $0xffff, v40  }
0xd9: {  	v46 =	vld [tilespmem:s6+$0xFFFFFFA0];
	v18 =	vshll.u32 v18, v1;
	v26 =	vbroadcast v26, $0x0;
	v47 =	vadd.s32 v3, v31;
	[tilespmem:v20+s24+$0x0] =	vst.idx.msk $0xffff, v60  }
0xda: {  	v48 =	vld [tilespmem:s6+$0xFFFFFFC0];
	v19 =	vshll.u32 v19, v1;
	v18 =	vbroadcast v18, $0x0;
	v49 =	vadd.s32 v5, v24;
	[tilespmem:v17+s24+$0x0] =	vst.idx.msk $0xffff, v41  }
0xdb: {  	v28 =	vshll.u32 v62, v1;
	v50 =	vld [tilespmem:s6+$0xFFFFFFE0];
	v19 =	vbroadcast v19, $0x0;
	v51 =	vadd.s32 v7, v26;
	[tilespmem:v22+s24+$0x0] =	vst.idx.msk $0xffff, v27  }
0xdc: {  	v54 =	vld [tilespmem:s6+$0x20];
	v25 =	vshll.u32 v59, v1;
	v28 =	vbroadcast v28, $0x0;
	v55 =	vadd.s32 v11, v18;
	[tilespmem:v45+s24+$0x0] =	vst.idx.msk $0xffff, v44  }
0xdd: {  	v56 =	vld [tilespmem:s6+$0x40];
	v25 =	vbroadcast v25, $0x0;
	v57 =	vadd.s32 v13, v19;
	[tilespmem:v23+s24+$0x0] =	vst.idx.msk $0xffff, v29  }
0xde: {  	v52 =	vadd.s32 v9, v28;
	v17 =	vld [tilespmem:s6+$0x0];
	[tilespmem:v47+s24+$0x0] =	vst.idx.msk $0xffff, v46  }
0xdf: {  	v42 =	vld [tilespmem:s6+$0x60];
	v43 =	vadd.s32 v15, v25;
	[tilespmem:v49+s24+$0x0] =	vst.idx.msk $0xffff, v48  }
0xe0: {  	v63 =	vadd.s32 v2, v63;
	v62 =	vld [tilespmem:s6+$0xFFFFFF90];
	[tilespmem:v51+s24+$0x0] =	vst.idx.msk $0xffff, v50  }
0xe1: {  	v31 =	vadd.s32 v4, v31;
	[tilespmem:v55+s24+$0x0] =	vst.idx.msk $0xffff, v54;
	v58 =	vld [tilespmem:s6+$0xFFFFFFB0]  }
0xe2: {  	v24 =	vadd.s32 v6, v24;
	[tilespmem:v57+s24+$0x0] =	vst.idx.msk $0xffff, v56;
	v59 =	vld [tilespmem:s6+$0xFFFFFFD0]  }
0xe3: {  	v26 =	vadd.s32 v8, v26;
	[tilespmem:v52+s24+$0x0] =	vst.idx.msk $0xffff, v17;
	v17 =	vld [tilespmem:s6+$0xFFFFFFF0]  }
0xe4: {  	v18 =	vadd.s32 v12, v18;
	[tilespmem:v43+s24+$0x0] =	vst.idx.msk $0xffff, v42;
	v20 =	vld [tilespmem:s6+$0x30]  }
0xe5: {  	v19 =	vadd.s32 v14, v19;
	v22 =	vld [tilespmem:s6+$0x50];
	[tilespmem:v63+s24+$0x0] =	vst.idx.msk $0xffff, v62  }
0xe6: {  	v25 =	vadd.s32 v16, v25;
	v53 =	vld [tilespmem:s6+$0x70];
	[tilespmem:v31+s24+$0x0] =	vst.idx.msk $0xffff, v58  }
0xe7: {  	v61 =	vadd.s32 v10, v28;
	v60 =	vld [tilespmem:s6+$0x10];
	[tilespmem:v24+s24+$0x0] =	vst.idx.msk $0xffff, v59  }
0xe8: {  	[tilespmem:v26+s24+$0x0] =	vst.idx.msk $0xffff, v17  }
0xe9: {  	s17 =	sshll.u32 s29, $0x14;
	[tilespmem:v18+s24+$0x0] =	vst.idx.msk $0xffff, v20  }
0xea: {  	s8 =	sor.u32 s10, s17;
	[tilespmem:v19+s24+$0x0] =	vst.idx.msk $0xffff, v22  }
0xeb: {  	s6 =	sshrl.u32 s8, $0x3;
	[tilespmem:v25+s24+$0x0] =	vst.idx.msk $0xffff, v53  }
0xec: {  	s0 =	sadd.s32 s2, s6;
	[tilespmem:v61+s24+$0x0] =	vst.idx.msk $0xffff, v60  }
0xed: {  	[hbm4b:s0+s3] =	stream.linear.scatter [tilespmem:s24], [sflag:$0x5], $0x80, $0x38;
	[tilespmem:$0x10600] =	vst v63  }
0xee: {  	s8 =	simm.s32 $0x8608;
	s31 =	sadd.s32 $0x10, s0  }
0xef: {  	[hbm4b:s31+s3] =	stream.linear.scatter [tilespmem:s8], [sflag:$0x5], $0x80, $0x38;
	[tilespmem:$0x10600] =	vst v63  }
0xf0: {  	s22 =	simm.s32 $0x8810;
	s19 =	sadd.s32 $0x20, s0  }
0xf1: {  	[hbm4b:s19+s3] =	stream.linear.scatter [tilespmem:s22], [sflag:$0x5], $0x80, $0x38;
	[tilespmem:$0x10600] =	vst v63  }
0xf2: {  	s19 =	sadd.s32 $0x30, s0;
	s22 =	simm.s32 $0x8A18  }
0xf3: {  	[hbm4b:s19+s3] =	stream.linear.scatter [tilespmem:s22], [sflag:$0x5], $0x80, $0x38;
	[tilespmem:$0x10600] =	vst v63  }
0xf4: {  	s19 =	sadd.s32 $0x40, s0;
	s22 =	simm.s32 $0x8C20  }
0xf5: {  	[hbm4b:s19+s3] =	stream.linear.scatter [tilespmem:s22], [sflag:$0x5], $0x80, $0x38;
	[tilespmem:$0x10600] =	vst v63  }
0xf6: {  	s19 =	sadd.s32 $0x50, s0;
	s22 =	simm.s32 $0x8E28  }
0xf7: {  	[hbm4b:s19+s3] =	stream.linear.scatter [tilespmem:s22], [sflag:$0x5], $0x80, $0x38;
	[tilespmem:$0x10600] =	vst v63  }
0xf8: {  	s8 =	sadd.s32 $0x60, s0;
	s19 =	simm.s32 $0x9030  }
0xf9: {  	[hbm4b:s8+s3] =	stream.linear.scatter [tilespmem:s19], [sflag:$0x5], $0x80, $0x38;
	[tilespmem:$0x10600] =	vst v63  }
0xfa: {  	s31 =	sor.u32 s11, s17;
	s0 =	sadd.s32 $0x70, s0;
	s22 =	simm.s32 $0x9238  }
0xfb: {  	[hbm4b:s0+s3] =	stream.linear.scatter [tilespmem:s22], [sflag:$0x5], $0x80, $0x38;
	[tilespmem:$0x10600] =	vst v63  }
0xfc: {  	s0 =	sshrl.u32 s31, $0x3  }
0xfd: {  	s8 =	simm.s32 $0x8480;
	s31 =	sadd.s32 s2, s0  }
0xfe: {  	[hbm4b:s31+s3] =	stream.linear.scatter [tilespmem:s8], [sflag:$0x5], $0x80, $0x38;
	[tilespmem:$0x10600] =	vst v63  }
0xff: {  	s22 =	simm.s32 $0x8688;
	s19 =	sadd.s32 $0x10, s31  }
0x100: {  	[hbm4b:s19+s3] =	stream.linear.scatter [tilespmem:s22], [sflag:$0x5], $0x80, $0x38;
	[tilespmem:$0x10600] =	vst v63  }
0x101: {  	s19 =	sadd.s32 $0x20, s31;
	s22 =	simm.s32 $0x8890  }
0x102: {  	[hbm4b:s19+s3] =	stream.linear.scatter [tilespmem:s22], [sflag:$0x5], $0x80, $0x38;
	[tilespmem:$0x10600] =	vst v63  }
0x103: {  	s19 =	sadd.s32 $0x30, s31;
	s22 =	simm.s32 $0x8A98  }
0x104: {  	[hbm4b:s19+s3] =	stream.linear.scatter [tilespmem:s22], [sflag:$0x5], $0x80, $0x38;
	[tilespmem:$0x10600] =	vst v63  }
0x105: {  	s19 =	sadd.s32 $0x40, s31;
	s22 =	simm.s32 $0x8CA0  }
0x106: {  	[hbm4b:s19+s3] =	stream.linear.scatter [tilespmem:s22], [sflag:$0x5], $0x80, $0x38;
	[tilespmem:$0x10600] =	vst v63  }
0x107: {  	s19 =	sadd.s32 $0x50, s31;
	s22 =	simm.s32 $0x8EA8  }
0x108: {  	[hbm4b:s19+s3] =	stream.linear.scatter [tilespmem:s22], [sflag:$0x5], $0x80, $0x38;
	[tilespmem:$0x10600] =	vst v63  }
0x109: {  	s8 =	sor.u32 s12, s17;
	s19 =	sadd.s32 $0x60, s31;
	s22 =	simm.s32 $0x90B0  }
0x10a: {  	[hbm4b:s19+s3] =	stream.linear.scatter [tilespmem:s22], [sflag:$0x5], $0x80, $0x38;
	[tilespmem:$0x10600] =	vst v63  }
0x10b: {  	s0 =	sshrl.u32 s8, $0x3;
	s19 =	sadd.s32 $0x70, s31;
	s22 =	simm.s32 $0x92B8  }
0x10c: {  	[hbm4b:s19+s3] =	stream.linear.scatter [tilespmem:s22], [sflag:$0x5], $0x80, $0x38;
	[tilespmem:$0x10600] =	vst v63  }
0x10d: {  	s0 =	sadd.s32 s2, s0;
	s19 =	simm.s32 $0x8500  }
0x10e: {  	[hbm4b:s0+s3] =	stream.linear.scatter [tilespmem:s19], [sflag:$0x5], $0x80, $0x38;
	[tilespmem:$0x10600] =	vst v63  }
0x10f: {  	s22 =	simm.s32 $0x8708;
	s19 =	sadd.s32 $0x10, s0  }
0x110: {  	[hbm4b:s19+s3] =	stream.linear.scatter [tilespmem:s22], [sflag:$0x5], $0x80, $0x38;
	[tilespmem:$0x10600] =	vst v63  }
0x111: {  	s8 =	sadd.s32 $0x20, s0;
	s22 =	simm.s32 $0x8910  }
0x112: {  	[hbm4b:s8+s3] =	stream.linear.scatter [tilespmem:s22], [sflag:$0x5], $0x80, $0x38;
	[tilespmem:$0x10600] =	vst v63  }
0x113: {  	s8 =	sadd.s32 $0x30, s0;
	s22 =	simm.s32 $0x8B18  }
0x114: {  	[hbm4b:s8+s3] =	stream.linear.scatter [tilespmem:s22], [sflag:$0x5], $0x80, $0x38;
	[tilespmem:$0x10600] =	vst v63  }
0x115: {  	s8 =	sadd.s32 $0x40, s0;
	s22 =	simm.s32 $0x8D20  }
0x116: {  	[hbm4b:s8+s3] =	stream.linear.scatter [tilespmem:s22], [sflag:$0x5], $0x80, $0x38;
	[tilespmem:$0x10600] =	vst v63  }
0x117: {  	s8 =	sadd.s32 $0x50, s0;
	s22 =	simm.s32 $0x8F28  }
0x118: {  	[hbm4b:s8+s3] =	stream.linear.scatter [tilespmem:s22], [sflag:$0x5], $0x80, $0x38;
	[tilespmem:$0x10600] =	vst v63  }
0x119: {  	s17 =	sor.u32 s13, s17;
	s8 =	sadd.s32 $0x60, s0;
	s22 =	simm.s32 $0x9130  }
0x11a: {  	[hbm4b:s8+s3] =	stream.linear.scatter [tilespmem:s22], [sflag:$0x5], $0x80, $0x38;
	[tilespmem:$0x10600] =	vst v63  }
0x11b: {  	s17 =	sshrl.u32 s17, $0x3;
	s8 =	sadd.s32 $0x70, s0;
	s22 =	simm.s32 $0x9338  }
0x11c: {  	[hbm4b:s8+s3] =	stream.linear.scatter [tilespmem:s22], [sflag:$0x5], $0x80, $0x38;
	[tilespmem:$0x10600] =	vst v63  }
0x11d: {  	s17 =	sadd.s32 s2, s17;
	s22 =	simm.s32 $0x8580  }
0x11e: {  	[hbm4b:s17+s3] =	stream.linear.scatter [tilespmem:s22], [sflag:$0x5], $0x80, $0x38;
	[tilespmem:$0x10600] =	vst v63  }
0x11f: {  	s8 =	sadd.s32 $0x10, s17;
	s22 =	simm.s32 $0x8788  }
0x120: {  	[hbm4b:s8+s3] =	stream.linear.scatter [tilespmem:s22], [sflag:$0x5], $0x80, $0x38;
	[tilespmem:$0x10600] =	vst v63  }
0x121: {  	s8 =	sadd.s32 $0x20, s17;
	s22 =	simm.s32 $0x8990  }
0x122: {  	[hbm4b:s8+s3] =	stream.linear.scatter [tilespmem:s22], [sflag:$0x5], $0x80, $0x38;
	[tilespmem:$0x10600] =	vst v63  }
0x123: {  	s8 =	sadd.s32 $0x30, s17;
	s22 =	simm.s32 $0x8B98  }
0x124: {  	[hbm4b:s8+s3] =	stream.linear.scatter [tilespmem:s22], [sflag:$0x5], $0x80, $0x38;
	[tilespmem:$0x10600] =	vst v63  }
0x125: {  	s8 =	sadd.s32 $0x40, s17;
	s22 =	simm.s32 $0x8DA0  }
0x126: {  	[hbm4b:s8+s3] =	stream.linear.scatter [tilespmem:s22], [sflag:$0x5], $0x80, $0x38;
	[tilespmem:$0x10600] =	vst v63  }
0x127: {  	s8 =	sadd.s32 $0x50, s17;
	s22 =	simm.s32 $0x8FA8  }
0x128: {  	[hbm4b:s8+s3] =	stream.linear.scatter [tilespmem:s22], [sflag:$0x5], $0x80, $0x38;
	[tilespmem:$0x10600] =	vst v63  }
0x129: {  	s8 =	sadd.s32 $0x60, s17;
	s22 =	simm.s32 $0x91B0  }
0x12a: {  	[hbm4b:s8+s3] =	stream.linear.scatter [tilespmem:s22], [sflag:$0x5], $0x80, $0x38;
	[tilespmem:$0x10600] =	vst v63  }
0x12b: {  	s8 =	sadd.s32 $0x70, s17;
	s22 =	simm.s32 $0x93B8  }
0x12c: {  	[hbm4b:s8+s3] =	stream.linear.scatter [tilespmem:s22], [sflag:$0x5], $0x80, $0x38;
	[tilespmem:$0x10600] =	vst v63  }
0x12d: {  	s19 =	sadd.s32 s6, s14;
	s22 =	simm.s32 $0x9440  }
0x12e: {  	[hbm4b:s19+s3] =	stream.linear.scatter [tilespmem:s22], [sflag:$0x5], $0x80, $0x38;
	[tilespmem:$0x10600] =	vst v63  }
0x12f: {  	s8 =	sadd.s32 $0x10, s19;
	s22 =	simm.s32 $0x9648  }
0x130: {  	[hbm4b:s8+s3] =	stream.linear.scatter [tilespmem:s22], [sflag:$0x5], $0x80, $0x38;
	[tilespmem:$0x10600] =	vst v63  }
0x131: {  	s8 =	sadd.s32 $0x20, s19;
	s22 =	simm.s32 $0x9850  }
0x132: {  	[hbm4b:s8+s3] =	stream.linear.scatter [tilespmem:s22], [sflag:$0x5], $0x80, $0x38;
	[tilespmem:$0x10600] =	vst v63  }
0x133: {  	s8 =	sadd.s32 $0x30, s19;
	s22 =	simm.s32 $0x9A58  }
0x134: {  	[hbm4b:s8+s3] =	stream.linear.scatter [tilespmem:s22], [sflag:$0x5], $0x80, $0x38;
	[tilespmem:$0x10600] =	vst v63  }
0x135: {  	s8 =	sadd.s32 $0x40, s19;
	s22 =	simm.s32 $0x9C60  }
0x136: {  	[hbm4b:s8+s3] =	stream.linear.scatter [tilespmem:s22], [sflag:$0x5], $0x80, $0x38;
	[tilespmem:$0x10600] =	vst v63  }
0x137: {  	s8 =	sadd.s32 $0x50, s19;
	s22 =	simm.s32 $0x9E68  }
0x138: {  	[hbm4b:s8+s3] =	stream.linear.scatter [tilespmem:s22], [sflag:$0x5], $0x80, $0x38;
	[tilespmem:$0x10600] =	vst v63  }
0x139: {  	s8 =	sadd.s32 $0x60, s19;
	s22 =	simm.s32 $0xA070  }
0x13a: {  	[hbm4b:s8+s3] =	stream.linear.scatter [tilespmem:s22], [sflag:$0x5], $0x80, $0x38;
	[tilespmem:$0x10600] =	vst v63  }
0x13b: {  	s19 =	sadd.s32 $0x70, s19;
	s22 =	simm.s32 $0xA278  }
0x13c: {  	[hbm4b:s19+s3] =	stream.linear.scatter [tilespmem:s22], [sflag:$0x5], $0x80, $0x38;
	[tilespmem:$0x10600] =	vst v63  }
0x13d: {  	s19 =	sadd.s32 $0x4000, s31;
	s22 =	simm.s32 $0x94C0  }
0x13e: {  	[hbm4b:s19+s3] =	stream.linear.scatter [tilespmem:s22], [sflag:$0x5], $0x80, $0x38;
	[tilespmem:$0x10600] =	vst v63  }
0x13f: {  	s19 =	sadd.s32 $0x4010, s31;
	s22 =	simm.s32 $0x96C8  }
0x140: {  	[hbm4b:s19+s3] =	stream.linear.scatter [tilespmem:s22], [sflag:$0x5], $0x80, $0x38;
	[tilespmem:$0x10600] =	vst v63  }
0x141: {  	s19 =	sadd.s32 $0x4020, s31;
	s22 =	simm.s32 $0x98D0  }
0x142: {  	[hbm4b:s19+s3] =	stream.linear.scatter [tilespmem:s22], [sflag:$0x5], $0x80, $0x38;
	[tilespmem:$0x10600] =	vst v63  }
0x143: {  	s19 =	sadd.s32 $0x4030, s31;
	s22 =	simm.s32 $0x9AD8  }
0x144: {  	[hbm4b:s19+s3] =	stream.linear.scatter [tilespmem:s22], [sflag:$0x5], $0x80, $0x38;
	[tilespmem:$0x10600] =	vst v63  }
0x145: {  	s19 =	sadd.s32 $0x4040, s31;
	s22 =	simm.s32 $0x9CE0  }
0x146: {  	[hbm4b:s19+s3] =	stream.linear.scatter [tilespmem:s22], [sflag:$0x5], $0x80, $0x38;
	[tilespmem:$0x10600] =	vst v63  }
0x147: {  	s19 =	sadd.s32 $0x4050, s31;
	s22 =	simm.s32 $0x9EE8  }
0x148: {  	[hbm4b:s19+s3] =	stream.linear.scatter [tilespmem:s22], [sflag:$0x5], $0x80, $0x38;
	[tilespmem:$0x10600] =	vst v63  }
0x149: {  	s19 =	sadd.s32 $0x4060, s31;
	s22 =	simm.s32 $0xA0F0  }
0x14a: {  	[hbm4b:s19+s3] =	stream.linear.scatter [tilespmem:s22], [sflag:$0x5], $0x80, $0x38;
	[tilespmem:$0x10600] =	vst v63  }
0x14b: {  	s19 =	sadd.s32 $0x4070, s31;
	s22 =	simm.s32 $0xA2F8  }
0x14c: {  	[hbm4b:s19+s3] =	stream.linear.scatter [tilespmem:s22], [sflag:$0x5], $0x80, $0x38;
	[tilespmem:$0x10600] =	vst v63  }
0x14d: {  	s19 =	sadd.s32 $0x4000, s0;
	s22 =	simm.s32 $0x9540  }
0x14e: {  	[hbm4b:s19+s3] =	stream.linear.scatter [tilespmem:s22], [sflag:$0x5], $0x80, $0x38;
	[tilespmem:$0x10600] =	vst v63  }
0x14f: {  	s19 =	sadd.s32 $0x4010, s0;
	s22 =	simm.s32 $0x9748  }
0x150: {  	[hbm4b:s19+s3] =	stream.linear.scatter [tilespmem:s22], [sflag:$0x5], $0x80, $0x38;
	[tilespmem:$0x10600] =	vst v63  }
0x151: {  	s19 =	sadd.s32 $0x4020, s0;
	s22 =	simm.s32 $0x9950  }
0x152: {  	[hbm4b:s19+s3] =	stream.linear.scatter [tilespmem:s22], [sflag:$0x5], $0x80, $0x38;
	[tilespmem:$0x10600] =	vst v63  }
0x153: {  	s19 =	sadd.s32 $0x4030, s0;
	s22 =	simm.s32 $0x9B58  }
0x154: {  	[hbm4b:s19+s3] =	stream.linear.scatter [tilespmem:s22], [sflag:$0x5], $0x80, $0x38;
	[tilespmem:$0x10600] =	vst v63  }
0x155: {  	s19 =	sadd.s32 $0x4040, s0;
	s22 =	simm.s32 $0x9D60  }
0x156: {  	[hbm4b:s19+s3] =	stream.linear.scatter [tilespmem:s22], [sflag:$0x5], $0x80, $0x38;
	[tilespmem:$0x10600] =	vst v63  }
0x157: {  	s19 =	sadd.s32 $0x4050, s0;
	s22 =	simm.s32 $0x9F68  }
0x158: {  	[hbm4b:s19+s3] =	stream.linear.scatter [tilespmem:s22], [sflag:$0x5], $0x80, $0x38;
	[tilespmem:$0x10600] =	vst v63  }
0x159: {  	s19 =	sadd.s32 $0x4060, s0;
	s22 =	simm.s32 $0xA170  }
0x15a: {  	[hbm4b:s19+s3] =	stream.linear.scatter [tilespmem:s22], [sflag:$0x5], $0x80, $0x38;
	[tilespmem:$0x10600] =	vst v63  }
0x15b: {  	s19 =	sadd.s32 $0x4070, s0;
	s22 =	simm.s32 $0xA378  }
0x15c: {  	[hbm4b:s19+s3] =	stream.linear.scatter [tilespmem:s22], [sflag:$0x5], $0x80, $0x38;
	[tilespmem:$0x10600] =	vst v63  }
0x15d: {  	s19 =	sadd.s32 $0x4000, s17;
	s22 =	simm.s32 $0x95C0  }
0x15e: {  	[hbm4b:s19+s3] =	stream.linear.scatter [tilespmem:s22], [sflag:$0x5], $0x80, $0x38;
	[tilespmem:$0x10600] =	vst v63  }
0x15f: {  	s19 =	sadd.s32 $0x4010, s17;
	s22 =	simm.s32 $0x97C8  }
0x160: {  	[hbm4b:s19+s3] =	stream.linear.scatter [tilespmem:s22], [sflag:$0x5], $0x80, $0x38;
	[tilespmem:$0x10600] =	vst v63  }
0x161: {  	s19 =	sadd.s32 $0x4020, s17;
	s22 =	simm.s32 $0x99D0  }
0x162: {  	[hbm4b:s19+s3] =	stream.linear.scatter [tilespmem:s22], [sflag:$0x5], $0x80, $0x38;
	[tilespmem:$0x10600] =	vst v63  }
0x163: {  	s19 =	sadd.s32 $0x4030, s17;
	s22 =	simm.s32 $0x9BD8  }
0x164: {  	[hbm4b:s19+s3] =	stream.linear.scatter [tilespmem:s22], [sflag:$0x5], $0x80, $0x38;
	[tilespmem:$0x10600] =	vst v63  }
0x165: {  	s19 =	sadd.s32 $0x4040, s17;
	s22 =	simm.s32 $0x9DE0  }
0x166: {  	[hbm4b:s19+s3] =	stream.linear.scatter [tilespmem:s22], [sflag:$0x5], $0x80, $0x38;
	[tilespmem:$0x10600] =	vst v63  }
0x167: {  	s19 =	sadd.s32 $0x4050, s17;
	s22 =	simm.s32 $0x9FE8  }
0x168: {  	[hbm4b:s19+s3] =	stream.linear.scatter [tilespmem:s22], [sflag:$0x5], $0x80, $0x38;
	[tilespmem:$0x10600] =	vst v63  }
0x169: {  	s19 =	sadd.s32 $0x4060, s17;
	s22 =	simm.s32 $0xA1F0  }
0x16a: {  	[hbm4b:s19+s3] =	stream.linear.scatter [tilespmem:s22], [sflag:$0x5], $0x80, $0x38;
	[tilespmem:$0x10600] =	vst v63  }
0x16b: {  	s19 =	sadd.s32 $0x4070, s17;
	s22 =	simm.s32 $0xA3F8  }
0x16c: {  	[hbm4b:s19+s3] =	stream.linear.scatter [tilespmem:s22], [sflag:$0x5], $0x80, $0x38;
	[tilespmem:$0x10600] =	vst v63  }
0x16d: {  	s8 =	sadd.s32 s6, s15;
	s22 =	simm.s32 $0xA480  }
0x16e: {  	[hbm4b:s8+s3] =	stream.linear.scatter [tilespmem:s22], [sflag:$0x5], $0x80, $0x38;
	[tilespmem:$0x10600] =	vst v63  }
0x16f: {  	s19 =	sadd.s32 $0x10, s8;
	s22 =	simm.s32 $0xA688  }
0x170: {  	[hbm4b:s19+s3] =	stream.linear.scatter [tilespmem:s22], [sflag:$0x5], $0x80, $0x38;
	[tilespmem:$0x10600] =	vst v63  }
0x171: {  	s19 =	sadd.s32 $0x20, s8;
	s22 =	simm.s32 $0xA890  }
0x172: {  	[hbm4b:s19+s3] =	stream.linear.scatter [tilespmem:s22], [sflag:$0x5], $0x80, $0x38;
	[tilespmem:$0x10600] =	vst v63  }
0x173: {  	s19 =	sadd.s32 $0x30, s8;
	s22 =	simm.s32 $0xAA98  }
0x174: {  	[hbm4b:s19+s3] =	stream.linear.scatter [tilespmem:s22], [sflag:$0x5], $0x80, $0x38;
	[tilespmem:$0x10600] =	vst v63  }
0x175: {  	s19 =	sadd.s32 $0x40, s8;
	s22 =	simm.s32 $0xACA0  }
0x176: {  	[hbm4b:s19+s3] =	stream.linear.scatter [tilespmem:s22], [sflag:$0x5], $0x80, $0x38;
	[tilespmem:$0x10600] =	vst v63  }
0x177: {  	s19 =	sadd.s32 $0x50, s8;
	s22 =	simm.s32 $0xAEA8  }
0x178: {  	[hbm4b:s19+s3] =	stream.linear.scatter [tilespmem:s22], [sflag:$0x5], $0x80, $0x38;
	[tilespmem:$0x10600] =	vst v63  }
0x179: {  	s19 =	sadd.s32 $0x60, s8;
	s22 =	simm.s32 $0xB0B0  }
0x17a: {  	[hbm4b:s19+s3] =	stream.linear.scatter [tilespmem:s22], [sflag:$0x5], $0x80, $0x38;
	[tilespmem:$0x10600] =	vst v63  }
0x17b: {  	s8 =	sadd.s32 $0x70, s8;
	s22 =	simm.s32 $0xB2B8  }
0x17c: {  	[hbm4b:s8+s3] =	stream.linear.scatter [tilespmem:s22], [sflag:$0x5], $0x80, $0x38;
	[tilespmem:$0x10600] =	vst v63  }
0x17d: {  	s19 =	sadd.s32 $0x8000, s31;
	s22 =	simm.s32 $0xA500  }
0x17e: {  	[hbm4b:s19+s3] =	stream.linear.scatter [tilespmem:s22], [sflag:$0x5], $0x80, $0x38;
	[tilespmem:$0x10600] =	vst v63  }
0x17f: {  	s19 =	sadd.s32 $0x8010, s31;
	s22 =	simm.s32 $0xA708  }
0x180: {  	[hbm4b:s19+s3] =	stream.linear.scatter [tilespmem:s22], [sflag:$0x5], $0x80, $0x38;
	[tilespmem:$0x10600] =	vst v63  }
0x181: {  	s19 =	sadd.s32 $0x8020, s31;
	s22 =	simm.s32 $0xA910  }
0x182: {  	[hbm4b:s19+s3] =	stream.linear.scatter [tilespmem:s22], [sflag:$0x5], $0x80, $0x38;
	[tilespmem:$0x10600] =	vst v63  }
0x183: {  	s19 =	sadd.s32 $0x8030, s31;
	s22 =	simm.s32 $0xAB18  }
0x184: {  	[hbm4b:s19+s3] =	stream.linear.scatter [tilespmem:s22], [sflag:$0x5], $0x80, $0x38;
	[tilespmem:$0x10600] =	vst v63  }
0x185: {  	s19 =	sadd.s32 $0x8040, s31;
	s22 =	simm.s32 $0xAD20  }
0x186: {  	[hbm4b:s19+s3] =	stream.linear.scatter [tilespmem:s22], [sflag:$0x5], $0x80, $0x38;
	[tilespmem:$0x10600] =	vst v63  }
0x187: {  	s19 =	sadd.s32 $0x8050, s31;
	s22 =	simm.s32 $0xAF28  }
0x188: {  	[hbm4b:s19+s3] =	stream.linear.scatter [tilespmem:s22], [sflag:$0x5], $0x80, $0x38;
	[tilespmem:$0x10600] =	vst v63  }
0x189: {  	s19 =	sadd.s32 $0x8060, s31;
	s22 =	simm.s32 $0xB130  }
0x18a: {  	[hbm4b:s19+s3] =	stream.linear.scatter [tilespmem:s22], [sflag:$0x5], $0x80, $0x38;
	[tilespmem:$0x10600] =	vst v63  }
0x18b: {  	s19 =	sadd.s32 $0x8070, s31;
	s22 =	simm.s32 $0xB338  }
0x18c: {  	[hbm4b:s19+s3] =	stream.linear.scatter [tilespmem:s22], [sflag:$0x5], $0x80, $0x38;
	[tilespmem:$0x10600] =	vst v63  }
0x18d: {  	s19 =	sadd.s32 $0x8000, s0;
	s22 =	simm.s32 $0xA580  }
0x18e: {  	[hbm4b:s19+s3] =	stream.linear.scatter [tilespmem:s22], [sflag:$0x5], $0x80, $0x38;
	[tilespmem:$0x10600] =	vst v63  }
0x18f: {  	s19 =	sadd.s32 $0x8010, s0;
	s22 =	simm.s32 $0xA788  }
0x190: {  	[hbm4b:s19+s3] =	stream.linear.scatter [tilespmem:s22], [sflag:$0x5], $0x80, $0x38;
	[tilespmem:$0x10600] =	vst v63  }
0x191: {  	s19 =	sadd.s32 $0x8020, s0;
	s22 =	simm.s32 $0xA990  }
0x192: {  	[hbm4b:s19+s3] =	stream.linear.scatter [tilespmem:s22], [sflag:$0x5], $0x80, $0x38;
	[tilespmem:$0x10600] =	vst v63  }
0x193: {  	s19 =	sadd.s32 $0x8030, s0;
	s22 =	simm.s32 $0xAB98  }
0x194: {  	[hbm4b:s19+s3] =	stream.linear.scatter [tilespmem:s22], [sflag:$0x5], $0x80, $0x38;
	[tilespmem:$0x10600] =	vst v63  }
0x195: {  	s19 =	sadd.s32 $0x8040, s0;
	s22 =	simm.s32 $0xADA0  }
0x196: {  	[hbm4b:s19+s3] =	stream.linear.scatter [tilespmem:s22], [sflag:$0x5], $0x80, $0x38;
	[tilespmem:$0x10600] =	vst v63  }
0x197: {  	s19 =	sadd.s32 $0x8050, s0;
	s22 =	simm.s32 $0xAFA8  }
0x198: {  	[hbm4b:s19+s3] =	stream.linear.scatter [tilespmem:s22], [sflag:$0x5], $0x80, $0x38;
	[tilespmem:$0x10600] =	vst v63  }
0x199: {  	s19 =	sadd.s32 $0x8060, s0;
	s22 =	simm.s32 $0xB1B0  }
0x19a: {  	[hbm4b:s19+s3] =	stream.linear.scatter [tilespmem:s22], [sflag:$0x5], $0x80, $0x38;
	[tilespmem:$0x10600] =	vst v63  }
0x19b: {  	s19 =	sadd.s32 $0x8070, s0;
	s22 =	simm.s32 $0xB3B8  }
0x19c: {  	[hbm4b:s19+s3] =	stream.linear.scatter [tilespmem:s22], [sflag:$0x5], $0x80, $0x38;
	[tilespmem:$0x10600] =	vst v63  }
0x19d: {  	s19 =	sadd.s32 $0x8000, s17;
	s22 =	simm.s32 $0xA600  }
0x19e: {  	[hbm4b:s19+s3] =	stream.linear.scatter [tilespmem:s22], [sflag:$0x5], $0x80, $0x38;
	[tilespmem:$0x10600] =	vst v63  }
0x19f: {  	s19 =	sadd.s32 $0x8010, s17;
	s22 =	simm.s32 $0xA808  }
0x1a0: {  	[hbm4b:s19+s3] =	stream.linear.scatter [tilespmem:s22], [sflag:$0x5], $0x80, $0x38;
	[tilespmem:$0x10600] =	vst v63  }
0x1a1: {  	s19 =	sadd.s32 $0x8020, s17;
	s22 =	simm.s32 $0xAA10  }
0x1a2: {  	[hbm4b:s19+s3] =	stream.linear.scatter [tilespmem:s22], [sflag:$0x5], $0x80, $0x38;
	[tilespmem:$0x10600] =	vst v63  }
0x1a3: {  	s19 =	sadd.s32 $0x8030, s17;
	s22 =	simm.s32 $0xAC18  }
0x1a4: {  	[hbm4b:s19+s3] =	stream.linear.scatter [tilespmem:s22], [sflag:$0x5], $0x80, $0x38;
	[tilespmem:$0x10600] =	vst v63  }
0x1a5: {  	s19 =	sadd.s32 $0x8040, s17;
	s22 =	simm.s32 $0xAE20  }
0x1a6: {  	[hbm4b:s19+s3] =	stream.linear.scatter [tilespmem:s22], [sflag:$0x5], $0x80, $0x38;
	[tilespmem:$0x10600] =	vst v63  }
0x1a7: {  	s19 =	sadd.s32 $0x8050, s17;
	s22 =	simm.s32 $0xB028  }
0x1a8: {  	[hbm4b:s19+s3] =	stream.linear.scatter [tilespmem:s22], [sflag:$0x5], $0x80, $0x38;
	[tilespmem:$0x10600] =	vst v63  }
0x1a9: {  	s19 =	sadd.s32 $0x8060, s17;
	s22 =	simm.s32 $0xB230  }
0x1aa: {  	[hbm4b:s19+s3] =	stream.linear.scatter [tilespmem:s22], [sflag:$0x5], $0x80, $0x38;
	[tilespmem:$0x10600] =	vst v63  }
0x1ab: {  	s19 =	sadd.s32 $0x8070, s17;
	s22 =	simm.s32 $0xB438  }
0x1ac: {  	[hbm4b:s19+s3] =	stream.linear.scatter [tilespmem:s22], [sflag:$0x5], $0x80, $0x38;
	[tilespmem:$0x10600] =	vst v63  }
0x1ad: {  	s6 =	sadd.s32 s6, s16;
	s22 =	simm.s32 $0xB4C0  }
0x1ae: {  	[hbm4b:s6+s3] =	stream.linear.scatter [tilespmem:s22], [sflag:$0x5], $0x80, $0x38;
	[tilespmem:$0x10600] =	vst v63  }
0x1af: {  	s19 =	sadd.s32 $0x10, s6;
	s22 =	simm.s32 $0xB6C8  }
0x1b0: {  	[hbm4b:s19+s3] =	stream.linear.scatter [tilespmem:s22], [sflag:$0x5], $0x80, $0x38;
	[tilespmem:$0x10600] =	vst v63  }
0x1b1: {  	s19 =	sadd.s32 $0x20, s6;
	s22 =	simm.s32 $0xB8D0  }
0x1b2: {  	[hbm4b:s19+s3] =	stream.linear.scatter [tilespmem:s22], [sflag:$0x5], $0x80, $0x38;
	[tilespmem:$0x10600] =	vst v63  }
0x1b3: {  	s19 =	sadd.s32 $0x30, s6;
	s22 =	simm.s32 $0xBAD8  }
0x1b4: {  	[hbm4b:s19+s3] =	stream.linear.scatter [tilespmem:s22], [sflag:$0x5], $0x80, $0x38;
	[tilespmem:$0x10600] =	vst v63  }
0x1b5: {  	s19 =	sadd.s32 $0x40, s6;
	s22 =	simm.s32 $0xBCE0  }
0x1b6: {  	[hbm4b:s19+s3] =	stream.linear.scatter [tilespmem:s22], [sflag:$0x5], $0x80, $0x38;
	[tilespmem:$0x10600] =	vst v63  }
0x1b7: {  	s19 =	sadd.s32 $0x50, s6;
	s22 =	simm.s32 $0xBEE8  }
0x1b8: {  	[hbm4b:s19+s3] =	stream.linear.scatter [tilespmem:s22], [sflag:$0x5], $0x80, $0x38;
	[tilespmem:$0x10600] =	vst v63  }
0x1b9: {  	s19 =	sadd.s32 $0x60, s6;
	s22 =	simm.s32 $0xC0F0  }
0x1ba: {  	[hbm4b:s19+s3] =	stream.linear.scatter [tilespmem:s22], [sflag:$0x5], $0x80, $0x38;
	[tilespmem:$0x10600] =	vst v63  }
0x1bb: {  	s6 =	sadd.s32 $0x70, s6;
	s22 =	simm.s32 $0xC2F8  }
0x1bc: {  	[hbm4b:s6+s3] =	stream.linear.scatter [tilespmem:s22], [sflag:$0x5], $0x80, $0x38;
	[tilespmem:$0x10600] =	vst v63  }
0x1bd: {  	s19 =	sadd.s32 $0xC000, s31;
	s22 =	simm.s32 $0xB540  }
0x1be: {  	[hbm4b:s19+s3] =	stream.linear.scatter [tilespmem:s22], [sflag:$0x5], $0x80, $0x38;
	[tilespmem:$0x10600] =	vst v63  }
0x1bf: {  	s19 =	sadd.s32 $0xC010, s31;
	s22 =	simm.s32 $0xB748  }
0x1c0: {  	[hbm4b:s19+s3] =	stream.linear.scatter [tilespmem:s22], [sflag:$0x5], $0x80, $0x38;
	[tilespmem:$0x10600] =	vst v63  }
0x1c1: {  	s19 =	sadd.s32 $0xC020, s31;
	s22 =	simm.s32 $0xB950  }
0x1c2: {  	[hbm4b:s19+s3] =	stream.linear.scatter [tilespmem:s22], [sflag:$0x5], $0x80, $0x38;
	[tilespmem:$0x10600] =	vst v63  }
0x1c3: {  	s19 =	sadd.s32 $0xC030, s31;
	s22 =	simm.s32 $0xBB58  }
0x1c4: {  	[hbm4b:s19+s3] =	stream.linear.scatter [tilespmem:s22], [sflag:$0x5], $0x80, $0x38;
	[tilespmem:$0x10600] =	vst v63  }
0x1c5: {  	s19 =	sadd.s32 $0xC040, s31;
	s22 =	simm.s32 $0xBD60  }
0x1c6: {  	[hbm4b:s19+s3] =	stream.linear.scatter [tilespmem:s22], [sflag:$0x5], $0x80, $0x38;
	[tilespmem:$0x10600] =	vst v63  }
0x1c7: {  	s19 =	sadd.s32 $0xC050, s31;
	s22 =	simm.s32 $0xBF68  }
0x1c8: {  	[hbm4b:s19+s3] =	stream.linear.scatter [tilespmem:s22], [sflag:$0x5], $0x80, $0x38;
	[tilespmem:$0x10600] =	vst v63  }
0x1c9: {  	s8 =	sadd.s32 $0xC060, s31;
	s19 =	simm.s32 $0xC170  }
0x1ca: {  	[hbm4b:s8+s3] =	stream.linear.scatter [tilespmem:s19], [sflag:$0x5], $0x80, $0x38;
	[tilespmem:$0x10600] =	vst v63  }
0x1cb: {  	s22 =	sadd.s32 $0xC070, s31;
	s31 =	simm.s32 $0xC378  }
0x1cc: {  	[hbm4b:s22+s3] =	stream.linear.scatter [tilespmem:s31], [sflag:$0x5], $0x80, $0x38;
	[tilespmem:$0x10600] =	vst v63  }
0x1cd: {  	s8 =	sadd.s32 $0xC000, s0;
	s19 =	simm.s32 $0xB5C0  }
0x1ce: {  	[hbm4b:s8+s3] =	stream.linear.scatter [tilespmem:s19], [sflag:$0x5], $0x80, $0x38;
	[tilespmem:$0x10600] =	vst v63  }
0x1cf: {  	s22 =	sadd.s32 $0xC010, s0;
	s31 =	simm.s32 $0xB7C8  }
0x1d0: {  	[hbm4b:s22+s3] =	stream.linear.scatter [tilespmem:s31], [sflag:$0x5], $0x80, $0x38;
	[tilespmem:$0x10600] =	vst v63  }
0x1d1: {  	s8 =	sadd.s32 $0xC020, s0;
	s19 =	simm.s32 $0xB9D0  }
0x1d2: {  	[hbm4b:s8+s3] =	stream.linear.scatter [tilespmem:s19], [sflag:$0x5], $0x80, $0x38;
	[tilespmem:$0x10600] =	vst v63  }
0x1d3: {  	s22 =	sadd.s32 $0xC030, s0;
	s31 =	simm.s32 $0xBBD8  }
0x1d4: {  	[hbm4b:s22+s3] =	stream.linear.scatter [tilespmem:s31], [sflag:$0x5], $0x80, $0x38;
	[tilespmem:$0x10600] =	vst v63  }
0x1d5: {  	s8 =	sadd.s32 $0xC040, s0;
	s19 =	simm.s32 $0xBDE0  }
0x1d6: {  	[hbm4b:s8+s3] =	stream.linear.scatter [tilespmem:s19], [sflag:$0x5], $0x80, $0x38;
	[tilespmem:$0x10600] =	vst v63  }
0x1d7: {  	s22 =	sadd.s32 $0xC050, s0;
	s31 =	simm.s32 $0xBFE8  }
0x1d8: {  	[hbm4b:s22+s3] =	stream.linear.scatter [tilespmem:s31], [sflag:$0x5], $0x80, $0x38;
	[tilespmem:$0x10600] =	vst v63  }
0x1d9: {  	s19 =	sadd.s32 $0xC060, s0;
	s22 =	simm.s32 $0xC1F0  }
0x1da: {  	[hbm4b:s19+s3] =	stream.linear.scatter [tilespmem:s22], [sflag:$0x5], $0x80, $0x38;
	[tilespmem:$0x10600] =	vst v63  }
0x1db: {  	s0 =	sadd.s32 $0xC070, s0;
	s31 =	simm.s32 $0xC3F8  }
0x1dc: {  	[hbm4b:s0+s3] =	stream.linear.scatter [tilespmem:s31], [sflag:$0x5], $0x80, $0x38;
	[tilespmem:$0x10600] =	vst v63  }
0x1dd: {  	s8 =	sadd.s32 $0xC000, s17;
	s19 =	simm.s32 $0xB640  }
0x1de: {  	[hbm4b:s8+s3] =	stream.linear.scatter [tilespmem:s19], [sflag:$0x5], $0x80, $0x38;
	[tilespmem:$0x10600] =	vst v63  }
0x1df: {  	s22 =	sadd.s32 $0xC010, s17;
	s31 =	simm.s32 $0xB848  }
0x1e0: {  	[hbm4b:s22+s3] =	stream.linear.scatter [tilespmem:s31], [sflag:$0x5], $0x80, $0x38;
	[tilespmem:$0x10600] =	vst v63  }
0x1e1: {  	s8 =	sadd.s32 $0xC020, s17;
	s19 =	simm.s32 $0xBA50  }
0x1e2: {  	[hbm4b:s8+s3] =	stream.linear.scatter [tilespmem:s19], [sflag:$0x5], $0x80, $0x38;
	[tilespmem:$0x10600] =	vst v63  }
0x1e3: {  	s22 =	sadd.s32 $0xC030, s17;
	s31 =	simm.s32 $0xBC58  }
0x1e4: {  	[hbm4b:s22+s3] =	stream.linear.scatter [tilespmem:s31], [sflag:$0x5], $0x80, $0x38;
	[tilespmem:$0x10600] =	vst v63  }
0x1e5: {  	s8 =	sadd.s32 $0xC040, s17;
	s19 =	simm.s32 $0xBE60  }
0x1e6: {  	[hbm4b:s8+s3] =	stream.linear.scatter [tilespmem:s19], [sflag:$0x5], $0x80, $0x38;
	[tilespmem:$0x10600] =	vst v63  }
0x1e7: {  	p1 =	sne.s32 s29, $0x31;
	s22 =	sadd.s32 $0xC050, s17;
	s31 =	simm.s32 $0xC068  }
0x1e8: {  	[hbm4b:s22+s3] =	stream.linear.scatter [tilespmem:s31], [sflag:$0x5], $0x80, $0x38;
	[tilespmem:$0x10600] =	vst v63  }
.Ltmp3:
0x1e9: {  	_ = 	snop;
	(pc) =	sbr.rel @p1 .LBB2_6-.Ltmp3, $4  }
0x1ea: {  	s8 =	sadd.s32 $0xC060, s17;
	s19 =	simm.s32 $0xC270  }
0x1eb: {  	[hbm4b:s8+s3] =	stream.linear.scatter [tilespmem:s19], [sflag:$0x5], $0x80, $0x38;
	[tilespmem:$0x10600] =	vst v63  }
0x1ec: {  	s22 =	sadd.s32 $0xC070, s17;
	s31 =	simm.s32 $0xC478  }
0x1ed: {  	[hbm4b:s22+s3] =	stream.linear.scatter [tilespmem:s31], [sflag:$0x5], $0x80, $0x38;
	[tilespmem:$0x10600] =	vst v63  }
.Ltmp4:
0x1ee: {  	(pc) =	sbr.rel .LBB2_7-.Ltmp4, $4  }
0x1ef: {  	_ = 	snop  }
0x1f0: {  	_ =	swait.ge [sflag:s1], $0x4000  }
0x1f1: {  	[sflag:s1] =	ssyncset.done $0x0  }
0x1f2: {  	s30 =	simm.s32 $0x63;
	[sflag:s1] =	ssyncadd.s32 $0xFFFFC000  }
.LBB2_6:
0x1f3: {  	s0 =	sshll.u32 s29, $0xF;
	s6 =	rddreg [dreg:$0x5]  }
0x1f4: {  	s0 =	sadd.s32 s6, s0  }
0x1f5: {  	s30 =	sor.u32 $0x1, s30;
	s0 =	sshrl.u32 s0, $0x3  }
0x1f6: {  	p1 =	sgt.u32 s30, $0x62;
	s0 =	sadd.s32 s4, s0  }
0x1f7: {  	[tilespmem:s3], [sflag:$0x1] =	stream.linear.gather [hbm4b:s0+s3], $0x200, $0x38;
	[tilespmem:$0x10600] =	vst v63  }
0x1f8: {  	s0 =	simm.s32 @!p1 $0x1  }
0x1f9: {  	_ =	swait.ge @!p1 [sflag:s0], $0x200  }
0x1fa: {  	s6 =	simm.s32 @!p1 $0x0;
	s8 =	simm.s32 @!p1 $0x400;
	[sflag:s0] =	ssyncset.done @!p1 $0x0  }
.Ltmp5:
0x1fb: {  	[sflag:s0] =	ssyncadd.s32 @!p1 $0xFFFFFE00;
	s0 =	simm.s32 @!p1 $0x200;
	(pc) =	sbr.rel @p0 .LBB2_8-.Ltmp5, $4  }
0x1fc: {  	[tilespmem:s8], [sflag:$0x3] =	stream.indirect.gather @!p1 [hbm4b:s5+s0], $0x20, s6, s0, $0xb8;
	[tilespmem:$0x10600] =	vst v63  }
0x1fd: {  	_ =	swait.ge [sflag:s1], $0x4000  }
0x1fe: {  	[sflag:s1] =	ssyncset.done $0x0  }
0x1ff: {  	[sflag:s1] =	ssyncadd.s32 $0xFFFFC000  }
.LBB2_7:
0x200: {  	_ =	swait.ge [sflag:s20], $0x400  }
0x201: {  	[sflag:s20] =	ssyncset.done $0x0  }
0x202: {  	[sflag:s20] =	ssyncadd.s32 $0xFFFFFC00  }
0x203: {  	_ =	swait.ge [sflag:s20], $0x400  }
0x204: {  	[sflag:s20] =	ssyncset.done $0x0  }
0x205: {  	[sflag:s20] =	ssyncadd.s32 $0xFFFFFC00  }
0x206: {  	_ =	swait.ge [sflag:s20], $0x400  }
0x207: {  	[sflag:s20] =	ssyncset.done $0x0  }
0x208: {  	[sflag:s20] =	ssyncadd.s32 $0xFFFFFC00  }
0x209: {  	_ =	swait.ge [sflag:s20], $0x400  }
0x20a: {  	[sflag:s20] =	ssyncset.done $0x0  }
0x20b: {  	[sflag:s20] =	ssyncadd.s32 $0xFFFFFC00  }
0x20c: {  	_ =	swait.ge [sflag:s20], $0x400  }
0x20d: {  	[sflag:s20] =	ssyncset.done $0x0  }
0x20e: {  	[sflag:s20] =	ssyncadd.s32 $0xFFFFFC00  }
0x20f: {  	_ =	swait.ge [sflag:s20], $0x400  }
0x210: {  	[sflag:s20] =	ssyncset.done $0x0  }
0x211: {  	[sflag:s20] =	ssyncadd.s32 $0xFFFFFC00  }
0x212: {  	_ =	swait.ge [sflag:s20], $0x400  }
0x213: {  	[sflag:s20] =	ssyncset.done $0x0  }
0x214: {  	[sflag:s20] =	ssyncadd.s32 $0xFFFFFC00  }
0x215: {  	_ =	swait.ge [sflag:s20], $0x400  }
0x216: {  	[sflag:s20] =	ssyncset.done $0x0  }
0x217: {  	[sflag:s20] =	ssyncadd.s32 $0xFFFFFC00  }
0x218: {  	_ =	swait.ge [sflag:s20], $0x400  }
0x219: {  	[sflag:s20] =	ssyncset.done $0x0  }
0x21a: {  	[sflag:s20] =	ssyncadd.s32 $0xFFFFFC00  }
0x21b: {  	_ =	swait.ge [sflag:s20], $0x400  }
0x21c: {  	[sflag:s20] =	ssyncset.done $0x0  }
0x21d: {  	[sflag:s20] =	ssyncadd.s32 $0xFFFFFC00  }
0x21e: {  	_ =	swait.ge [sflag:s20], $0x400  }
0x21f: {  	[sflag:s20] =	ssyncset.done $0x0  }
0x220: {  	[sflag:s20] =	ssyncadd.s32 $0xFFFFFC00  }
0x221: {  	_ =	swait.ge [sflag:s20], $0x400  }
0x222: {  	[sflag:s20] =	ssyncset.done $0x0  }
0x223: {  	[sflag:s20] =	ssyncadd.s32 $0xFFFFFC00  }
0x224: {  	_ =	swait.ge [sflag:s20], $0x400  }
0x225: {  	[sflag:s20] =	ssyncset.done $0x0  }
0x226: {  	[sflag:s20] =	ssyncadd.s32 $0xFFFFFC00  }
0x227: {  	_ =	swait.ge [sflag:s20], $0x400  }
0x228: {  	[sflag:s20] =	ssyncset.done $0x0  }
0x229: {  	[sflag:s20] =	ssyncadd.s32 $0xFFFFFC00  }
0x22a: {  	_ =	swait.ge [sflag:s20], $0x400  }
0x22b: {  	[sflag:s20] =	ssyncset.done $0x0  }
0x22c: {  	[sflag:s20] =	ssyncadd.s32 $0xFFFFFC00  }
0x22d: {  	_ =	swait.ge [sflag:s20], $0x400  }
0x22e: {  	[sflag:s20] =	ssyncset.done $0x0  }
0x22f: {  	[sflag:s20] =	ssyncadd.s32 $0xFFFFFC00  }
.LBB2_8:
0x230: {  	s0 =	simm.s32 $0x0  }
0x231: {  	s19 =	simm.s32 $0x1;
	s6 =	simm.s32 $0x2;
	s22 =	simm.s32 $0x3;
	v17 =	vmov s0  }
0x232: {  	s31 =	simm.s32 $0x4;
	s8 =	simm.s32 $0x7;
	s17 =	simm.s32 $0x5;
	v18 =	vmov s19;
	v19 =	vmov s6;
	v20 =	vmov s22  }
0x233: {  	v21 =	vmov s31;
	v22 =	vmov s8;
	v23 =	vmov s17;
	s19 =	simm.s32 $0x6  }
0x234: {  	v17 =	vshrl.u32 v17, $0x3;
	v22 =	vshrl.u32 v22, $0x3;
	v24 =	vmov s19  }
0x235: {  	v18 =	vshrl.u32 v18, $0x3;
	v19 =	vshrl.u32 v19, $0x3;
	v22 =	vshll.u32 v22, v1  }
0x236: {  	v20 =	vshrl.u32 v20, $0x3;
	v17 =	vshll.u32 v17, v1;
	v25 =	vbroadcast v22, $0x0  }
0x237: {  	s0 =	simm.s32 $0x44F0;
	v18 =	vshll.u32 v18, v1;
	v22 =	vshrl.u32 v21, $0x3;
	v17 =	vbroadcast v17, $0x0  }
0x238: {  	v30 =	vbroadcast v18, $0x0;
	v18 =	vshll.u32 v19, v1;
	v19 =	vld [tilespmem:s0+$0xFFFFFFF0];
	v26 =	vadd.s32 v15, v25  }
0x239: {  	v27 =	vld [tilespmem:s0+$0xFFFFFF10];
	v36 =	vbroadcast v18, $0x0;
	v18 =	vshll.u32 v20, v1;
	v28 =	vadd.s32 v0, v17  }
0x23a: {  	v29 =	vld [tilespmem:s0+$0xFFFFFF30];
	v31 =	vadd.s32 v3, v30;
	v21 =	vbroadcast v18, $0x0;
	v18 =	vshll.u32 v22, v1  }
0x23b: {  	v32 =	vld [tilespmem:s0+$0xFFFFFF50];
	v33 =	vadd.s32 v5, v36;
	v20 =	vbroadcast v18, $0x0;
	v18 =	vshrl.u32 v23, $0x3  }
0x23c: {  	v34 =	vld [tilespmem:s0+$0xFFFFFF70];
	v23 =	vshrl.u32 v24, $0x3;
	v39 =	vadd.s32 v7, v21;
	v18 =	vshll.u32 v18, v1  }
0x23d: {  	s31 =	simm.s32 $0x9;
	v40 =	vld [tilespmem:s0+$0xFFFFFF90];
	v41 =	vadd.s32 v9, v20;
	v22 =	vbroadcast v18, $0x0;
	v18 =	vshll.u32 v23, v1;
	[tilespmem:v26+s7+$0x0] =	vst.idx.msk $0xffff, v19  }
0x23e: {  	s8 =	simm.s32 $0xA;
	v37 =	vmov s31;
	v25 =	vadd.s32 v16, v25;
	v23 =	vbroadcast v18, $0x0;
	[tilespmem:v28+s7+$0x0] =	vst.idx.msk $0xffff, v27;
	v24 =	vld [tilespmem:s0+$0x0]  }
0x23f: {  	s22 =	simm.s32 $0x8;
	v38 =	vmov s8;
	v35 =	vadd.s32 v4, v30;
	[tilespmem:v31+s7+$0x0] =	vst.idx.msk $0xffff, v29;
	v26 =	vld [tilespmem:s0+$0xFFFFFFB0];
	v27 =	vadd.s32 v11, v22  }
0x240: {  	s17 =	simm.s32 $0xB;
	s19 =	simm.s32 $0xC;
	v36 =	vadd.s32 v6, v36;
	v19 =	vmov s22;
	v29 =	vld [tilespmem:s0+$0xFFFFFFD0];
	[tilespmem:v33+s7+$0x0] =	vst.idx.msk $0xffff, v32;
	v31 =	vadd.s32 v13, v23  }
0x241: {  	s31 =	simm.s32 $0xE;
	v28 =	vmov s17;
	s22 =	simm.s32 $0xD;
	v19 =	vshrl.u32 v19, $0x3;
	v32 =	vmov s19;
	v33 =	vld [tilespmem:s0+$0xFFFFFF40];
	[tilespmem:v39+s7+$0x0] =	vst.idx.msk $0xffff, v34  }
0x242: {  	s6 =	simm.s32 $0x10;
	s17 =	simm.s32 $0xF;
	v18 =	vmov s22;
	v30 =	vshll.u32 v19, v1;
	v19 =	vmov s31;
	v34 =	vld [tilespmem:s0+$0xFFFFFF60];
	[tilespmem:v41+s7+$0x0] =	vst.idx.msk $0xffff, v40  }
.LBB2_9:
0x243: {  	p0 =	slt.u32 s6, $0x1F8;
	v37 =	vshrl.u32 v37, $0x3;
	v39 =	vmov s17;
	v40 =	vld [tilespmem:s0+$0xFFFFFF80];
	v21 =	vadd.s32 v8, v21;
	[tilespmem:v25+s7+$0x0] =	vst.idx.msk $0xffff, v24  }
0x244: {  	v24 =	vshrl.u32 v38, $0x3;
	v20 =	vadd.s32 v10, v20;
	v25 =	vshrl.u32 v39, $0x3;
	v38 =	vld [tilespmem:s0+$0xFFFFFFA0];
	[tilespmem:v27+s7+$0x0] =	vst.idx.msk $0xffff, v26  }
0x245: {  	v22 =	vadd.s32 v12, v22;
	v26 =	vshrl.u32 v28, $0x3;
	v25 =	vshll.u32 v25, v1;
	v27 =	vld [tilespmem:s0+$0xFFFFFFC0];
	[tilespmem:v31+s7+$0x0] =	vst.idx.msk $0xffff, v29  }
0x246: {  	v23 =	vadd.s32 v14, v23;
	v28 =	vshrl.u32 v32, $0x3;
	v25 =	vbroadcast v25, $0x0;
	[tilespmem:v35+s7+$0x0] =	vst.idx.msk $0xffff, v33;
	v29 =	vld [tilespmem:s0+$0xFFFFFFE0]  }
0x247: {  	v31 =	vshll.u32 v37, v1;
	v33 =	vadd.s32 v2, v17;
	v17 =	vbroadcast v30, $0x0;
	v32 =	vld [tilespmem:s0+$0xFFFFFF20];
	[tilespmem:v36+s7+$0x0] =	vst.idx.msk $0xffff, v34;
	s0 =	sadd.s32 $0x100, s0  }
0x248: {  	v24 =	vshll.u32 v24, v1;
	v30 =	vbroadcast v31, $0x0;
	v31 =	vld [tilespmem:s0+$0xFFFFFFF0];
	v34 =	vadd.s32 v15, v25;
	[tilespmem:v21+s7+$0x0] =	vst.idx.msk $0xffff, v40  }
0x249: {  	v39 =	vbroadcast v24, $0x0;
	v36 =	vadd.s32 v0, v17;
	v21 =	vshll.u32 v26, v1;
	v35 =	vld [tilespmem:s0+$0xFFFFFF10];
	[tilespmem:v20+s7+$0x0] =	vst.idx.msk $0xffff, v38  }
0x24a: {  	v38 =	vadd.s32 v3, v30;
	v21 =	vbroadcast v21, $0x0;
	v20 =	vshll.u32 v28, v1;
	v26 =	vld [tilespmem:s0+$0xFFFFFF30];
	[tilespmem:v22+s7+$0x0] =	vst.idx.msk $0xffff, v27  }
0x24b: {  	v18 =	vshrl.u32 v18, $0x3;
	v41 =	vadd.s32 v5, v39;
	v20 =	vbroadcast v20, $0x0;
	v40 =	vld [tilespmem:s0+$0xFFFFFF50];
	[tilespmem:v23+s7+$0x0] =	vst.idx.msk $0xffff, v29  }
0x24c: {  	v19 =	vshrl.u32 v19, $0x3;
	v18 =	vshll.u32 v18, v1;
	v43 =	vadd.s32 v7, v21;
	v42 =	vld [tilespmem:s0+$0xFFFFFF70];
	[tilespmem:v33+s7+$0x0] =	vst.idx.msk $0xffff, v32  }
0x24d: {  	v22 =	vbroadcast v18, $0x0;
	v18 =	vshll.u32 v19, v1;
	v45 =	vadd.s32 v9, v20;
	v44 =	vld [tilespmem:s0+$0xFFFFFF90];
	[tilespmem:v34+s7+$0x0] =	vst.idx.msk $0xffff, v31  }
.Ltmp6:
0x24e: {  	s8 =	sadd.s32 $0x1, s6;
	v25 =	vadd.s32 v16, v25;
	v19 =	vmov s6;
	v23 =	vbroadcast v18, $0x0;
	[tilespmem:v36+s7+$0x0] =	vst.idx.msk $0xffff, v35;
	v24 =	vld [tilespmem:s0+$0x0];
	(pc) =	sbr.rel @p0 .LBB2_9-.Ltmp6, $4  }
0x24f: {  	s17 =	sadd.s32 $0x3, s6;
	v37 =	vmov s8;
	s8 =	sadd.s32 $0x2, s6;
	v19 =	vshrl.u32 v19, $0x3;
	v27 =	vadd.s32 v11, v22;
	[tilespmem:v38+s7+$0x0] =	vst.idx.msk $0xffff, v26;
	v26 =	vld [tilespmem:s0+$0xFFFFFFB0]  }
0x250: {  	v28 =	vmov s17;
	s17 =	sadd.s32 $0x5, s6;
	v31 =	vadd.s32 v13, v23;
	v38 =	vmov s8;
	s8 =	sadd.s32 $0x4, s6;
	[tilespmem:v41+s7+$0x0] =	vst.idx.msk $0xffff, v40;
	v29 =	vld [tilespmem:s0+$0xFFFFFFD0]  }
0x251: {  	v18 =	vmov s17;
	v35 =	vadd.s32 v4, v30;
	v32 =	vmov s8;
	s8 =	sadd.s32 $0x6, s6;
	v33 =	vld [tilespmem:s0+$0xFFFFFF40];
	[tilespmem:v43+s7+$0x0] =	vst.idx.msk $0xffff, v42  }
0x252: {  	s17 =	sadd.s32 $0x7, s6;
	v30 =	vshll.u32 v19, v1;
	v36 =	vadd.s32 v6, v39;
	s6 =	sadd.s32 $0x8, s6;
	v19 =	vmov s8;
	v34 =	vld [tilespmem:s0+$0xFFFFFF60];
	[tilespmem:v45+s7+$0x0] =	vst.idx.msk $0xffff, v44  }
0x253: {  	_ =	sdelay $0x2  }
0x254: {  	v37 =	vshrl.u32 v37, $0x3;
	v39 =	vmov s17  }
0x255: {  	v40 =	vld [tilespmem:s0+$0xFFFFFF80];
	v21 =	vadd.s32 v8, v21;
	[tilespmem:v25+s7+$0x0] =	vst.idx.msk $0xffff, v24;
	v59 =	vshrl.u32 v38, $0x3;
	v20 =	vadd.s32 v10, v20  }
0x256: {  	v61 =	vld [tilespmem:s0+$0xFFFFFFA0];
	v62 =	vshrl.u32 v28, $0x3;
	v22 =	vadd.s32 v12, v22;
	v63 =	vshrl.u32 v32, $0x3;
	[tilespmem:v27+s7+$0x0] =	vst.idx.msk $0xffff, v26  }
0x257: {  	v23 =	vadd.s32 v14, v23;
	v30 =	vbroadcast v30, $0x0;
	v41 =	vld [tilespmem:s0+$0xFFFFFF20];
	v17 =	vadd.s32 v2, v17;
	[tilespmem:v31+s7+$0x0] =	vst.idx.msk $0xffff, v29  }
0x258: {  	s22 =	sadd.s32 $0x100, s0;
	v18 =	vshrl.u32 v18, $0x3;
	v60 =	vshrl.u32 v39, $0x3;
	v39 =	vshll.u32 v37, v1;
	v27 =	vld [tilespmem:s0+$0xFFFFFFC0];
	[tilespmem:v35+s7+$0x0] =	vst.idx.msk $0xffff, v33  }
0x259: {  	v24 =	vshll.u32 v59, v1;
	v44 =	vld [tilespmem:s22+$0xFFFFFF10];
	v31 =	vbroadcast v39, $0x0;
	v45 =	vadd.s32 v0, v30;
	[tilespmem:v36+s7+$0x0] =	vst.idx.msk $0xffff, v34  }
0x25a: {  	v19 =	vshrl.u32 v19, $0x3;
	v26 =	vshll.u32 v62, v1;
	v24 =	vbroadcast v24, $0x0;
	v29 =	vld [tilespmem:s0+$0xFFFFFFE0];
	[tilespmem:v21+s7+$0x0] =	vst.idx.msk $0xffff, v40  }
0x25b: {  	v46 =	vld [tilespmem:s22+$0xFFFFFF30];
	v18 =	vshll.u32 v18, v1;
	v26 =	vbroadcast v26, $0x0;
	v47 =	vadd.s32 v3, v31;
	[tilespmem:v20+s7+$0x0] =	vst.idx.msk $0xffff, v61  }
0x25c: {  	v48 =	vld [tilespmem:s22+$0xFFFFFF50];
	v19 =	vshll.u32 v19, v1;
	v18 =	vbroadcast v18, $0x0;
	v49 =	vadd.s32 v5, v24;
	[tilespmem:v17+s7+$0x0] =	vst.idx.msk $0xffff, v41  }
0x25d: {  	v28 =	vshll.u32 v63, v1;
	v50 =	vld [tilespmem:s22+$0xFFFFFF70];
	v19 =	vbroadcast v19, $0x0;
	v51 =	vadd.s32 v7, v26;
	[tilespmem:v22+s7+$0x0] =	vst.idx.msk $0xffff, v27  }
0x25e: {  	v54 =	vld [tilespmem:s22+$0xFFFFFFB0];
	v25 =	vshll.u32 v60, v1;
	v28 =	vbroadcast v28, $0x0;
	v55 =	vadd.s32 v11, v18;
	[tilespmem:v45+s7+$0x0] =	vst.idx.msk $0xffff, v44  }
0x25f: {  	v56 =	vld [tilespmem:s22+$0xFFFFFFD0];
	v25 =	vbroadcast v25, $0x0;
	v57 =	vadd.s32 v13, v19;
	[tilespmem:v23+s7+$0x0] =	vst.idx.msk $0xffff, v29  }
0x260: {  	v52 =	vadd.s32 v9, v28;
	v17 =	vld [tilespmem:s22+$0xFFFFFF90];
	[tilespmem:v47+s7+$0x0] =	vst.idx.msk $0xffff, v46  }
0x261: {  	v42 =	vld [tilespmem:s22+$0xFFFFFFF0];
	v43 =	vadd.s32 v15, v25;
	[tilespmem:v49+s7+$0x0] =	vst.idx.msk $0xffff, v48  }
0x262: {  	v63 =	vadd.s32 v2, v30;
	v62 =	vld [tilespmem:s22+$0xFFFFFF20];
	[tilespmem:v51+s7+$0x0] =	vst.idx.msk $0xffff, v50  }
0x263: {  	v31 =	vadd.s32 v4, v31;
	[tilespmem:v55+s7+$0x0] =	vst.idx.msk $0xffff, v54;
	v58 =	vld [tilespmem:s22+$0xFFFFFF40]  }
0x264: {  	v24 =	vadd.s32 v6, v24;
	[tilespmem:v57+s7+$0x0] =	vst.idx.msk $0xffff, v56;
	v59 =	vld [tilespmem:s22+$0xFFFFFF60]  }
0x265: {  	v26 =	vadd.s32 v8, v26;
	[tilespmem:v52+s7+$0x0] =	vst.idx.msk $0xffff, v17;
	v17 =	vld [tilespmem:s22+$0xFFFFFF80]  }
0x266: {  	v18 =	vadd.s32 v12, v18;
	[tilespmem:v43+s7+$0x0] =	vst.idx.msk $0xffff, v42;
	v20 =	vld [tilespmem:s22+$0xFFFFFFC0]  }
0x267: {  	v19 =	vadd.s32 v14, v19;
	v22 =	vld [tilespmem:s22+$0xFFFFFFE0];
	[tilespmem:v63+s7+$0x0] =	vst.idx.msk $0xffff, v62  }
0x268: {  	v25 =	vadd.s32 v16, v25;
	v53 =	vld [tilespmem:s22+$0x0];
	[tilespmem:v31+s7+$0x0] =	vst.idx.msk $0xffff, v58  }
0x269: {  	v61 =	vadd.s32 v10, v28;
	v60 =	vld [tilespmem:s22+$0xFFFFFFA0];
	[tilespmem:v24+s7+$0x0] =	vst.idx.msk $0xffff, v59  }
0x26a: {  	[tilespmem:v26+s7+$0x0] =	vst.idx.msk $0xffff, v17  }
0x26b: {  	s8 =	sshll.u32 s30, $0x13;
	[tilespmem:v18+s7+$0x0] =	vst.idx.msk $0xffff, v20  }
0x26c: {  	s30 =	sor.u32 s10, s8;
	[tilespmem:v19+s7+$0x0] =	vst.idx.msk $0xffff, v22  }
0x26d: {  	s6 =	sshrl.u32 s30, $0x3;
	[tilespmem:v25+s7+$0x0] =	vst.idx.msk $0xffff, v53  }
0x26e: {  	s0 =	sadd.s32 s2, s6;
	[tilespmem:v61+s7+$0x0] =	vst.idx.msk $0xffff, v60  }
0x26f: {  	[hbm4b:s0+s3] =	stream.linear.scatter [tilespmem:s7], [sflag:$0x6], $0x80, $0x38;
	[tilespmem:$0x10600] =	vst v63  }
0x270: {  	s19 =	simm.s32 $0xC708;
	s31 =	sadd.s32 $0x10, s0  }
0x271: {  	[hbm4b:s31+s3] =	stream.linear.scatter [tilespmem:s19], [sflag:$0x6], $0x80, $0x38;
	[tilespmem:$0x10600] =	vst v63  }
0x272: {  	s22 =	simm.s32 $0xC910;
	s19 =	sadd.s32 $0x20, s0  }
0x273: {  	[hbm4b:s19+s3] =	stream.linear.scatter [tilespmem:s22], [sflag:$0x6], $0x80, $0x38;
	[tilespmem:$0x10600] =	vst v63  }
0x274: {  	s30 =	sadd.s32 $0x30, s0;
	s31 =	simm.s32 $0xCB18  }
0x275: {  	[hbm4b:s30+s3] =	stream.linear.scatter [tilespmem:s31], [sflag:$0x6], $0x80, $0x38;
	[tilespmem:$0x10600] =	vst v63  }
0x276: {  	s19 =	sadd.s32 $0x40, s0;
	s22 =	simm.s32 $0xCD20  }
0x277: {  	[hbm4b:s19+s3] =	stream.linear.scatter [tilespmem:s22], [sflag:$0x6], $0x80, $0x38;
	[tilespmem:$0x10600] =	vst v63  }
0x278: {  	s30 =	sadd.s32 $0x50, s0;
	s31 =	simm.s32 $0xCF28  }
0x279: {  	[hbm4b:s30+s3] =	stream.linear.scatter [tilespmem:s31], [sflag:$0x6], $0x80, $0x38;
	[tilespmem:$0x10600] =	vst v63  }
0x27a: {  	s22 =	sadd.s32 $0x60, s0;
	s30 =	simm.s32 $0xD130  }
0x27b: {  	[hbm4b:s22+s3] =	stream.linear.scatter [tilespmem:s30], [sflag:$0x6], $0x80, $0x38;
	[tilespmem:$0x10600] =	vst v63  }
0x27c: {  	s17 =	sor.u32 s11, s8;
	s0 =	sadd.s32 $0x70, s0;
	s31 =	simm.s32 $0xD338  }
0x27d: {  	[hbm4b:s0+s3] =	stream.linear.scatter [tilespmem:s31], [sflag:$0x6], $0x80, $0x38;
	[tilespmem:$0x10600] =	vst v63  }
0x27e: {  	s0 =	sshrl.u32 s17, $0x3  }
0x27f: {  	s19 =	simm.s32 $0xC580;
	s30 =	sadd.s32 s2, s0  }
0x280: {  	[hbm4b:s30+s3] =	stream.linear.scatter [tilespmem:s19], [sflag:$0x6], $0x80, $0x38;
	[tilespmem:$0x10600] =	vst v63  }
0x281: {  	s31 =	simm.s32 $0xC788;
	s22 =	sadd.s32 $0x10, s30  }
0x282: {  	[hbm4b:s22+s3] =	stream.linear.scatter [tilespmem:s31], [sflag:$0x6], $0x80, $0x38;
	[tilespmem:$0x10600] =	vst v63  }
0x283: {  	s17 =	sadd.s32 $0x20, s30;
	s19 =	simm.s32 $0xC990  }
0x284: {  	[hbm4b:s17+s3] =	stream.linear.scatter [tilespmem:s19], [sflag:$0x6], $0x80, $0x38;
	[tilespmem:$0x10600] =	vst v63  }
0x285: {  	s22 =	sadd.s32 $0x30, s30;
	s31 =	simm.s32 $0xCB98  }
0x286: {  	[hbm4b:s22+s3] =	stream.linear.scatter [tilespmem:s31], [sflag:$0x6], $0x80, $0x38;
	[tilespmem:$0x10600] =	vst v63  }
0x287: {  	s17 =	sadd.s32 $0x40, s30;
	s19 =	simm.s32 $0xCDA0  }
0x288: {  	[hbm4b:s17+s3] =	stream.linear.scatter [tilespmem:s19], [sflag:$0x6], $0x80, $0x38;
	[tilespmem:$0x10600] =	vst v63  }
0x289: {  	s22 =	sadd.s32 $0x50, s30;
	s31 =	simm.s32 $0xCFA8  }
0x28a: {  	[hbm4b:s22+s3] =	stream.linear.scatter [tilespmem:s31], [sflag:$0x6], $0x80, $0x38;
	[tilespmem:$0x10600] =	vst v63  }
0x28b: {  	s17 =	sadd.s32 $0x60, s30;
	s19 =	simm.s32 $0xD1B0  }
0x28c: {  	[hbm4b:s17+s3] =	stream.linear.scatter [tilespmem:s19], [sflag:$0x6], $0x80, $0x38;
	[tilespmem:$0x10600] =	vst v63  }
0x28d: {  	s17 =	sor.u32 s12, s8  }
0x28e: {  	s22 =	sadd.s32 $0x70, s30;
	s31 =	simm.s32 $0xD3B8;
	s0 =	sshrl.u32 s17, $0x3  }
0x28f: {  	[hbm4b:s22+s3] =	stream.linear.scatter [tilespmem:s31], [sflag:$0x6], $0x80, $0x38;
	[tilespmem:$0x10600] =	vst v63  }
0x290: {  	s19 =	simm.s32 $0xC600;
	s0 =	sadd.s32 s2, s0  }
0x291: {  	[hbm4b:s0+s3] =	stream.linear.scatter [tilespmem:s19], [sflag:$0x6], $0x80, $0x38;
	[tilespmem:$0x10600] =	vst v63  }
0x292: {  	s31 =	simm.s32 $0xC808;
	s22 =	sadd.s32 $0x10, s0  }
0x293: {  	[hbm4b:s22+s3] =	stream.linear.scatter [tilespmem:s31], [sflag:$0x6], $0x80, $0x38;
	[tilespmem:$0x10600] =	vst v63  }
0x294: {  	s22 =	sadd.s32 $0x20, s0;
	s31 =	simm.s32 $0xCA10  }
0x295: {  	[hbm4b:s22+s3] =	stream.linear.scatter [tilespmem:s31], [sflag:$0x6], $0x80, $0x38;
	[tilespmem:$0x10600] =	vst v63  }
0x296: {  	s22 =	sadd.s32 $0x30, s0;
	s31 =	simm.s32 $0xCC18  }
0x297: {  	[hbm4b:s22+s3] =	stream.linear.scatter [tilespmem:s31], [sflag:$0x6], $0x80, $0x38;
	[tilespmem:$0x10600] =	vst v63  }
0x298: {  	s22 =	sadd.s32 $0x40, s0;
	s31 =	simm.s32 $0xCE20  }
0x299: {  	[hbm4b:s22+s3] =	stream.linear.scatter [tilespmem:s31], [sflag:$0x6], $0x80, $0x38;
	[tilespmem:$0x10600] =	vst v63  }
0x29a: {  	s22 =	sadd.s32 $0x50, s0;
	s31 =	simm.s32 $0xD028  }
0x29b: {  	[hbm4b:s22+s3] =	stream.linear.scatter [tilespmem:s31], [sflag:$0x6], $0x80, $0x38;
	[tilespmem:$0x10600] =	vst v63  }
0x29c: {  	s8 =	sor.u32 s13, s8;
	s22 =	sadd.s32 $0x60, s0;
	s31 =	simm.s32 $0xD230  }
0x29d: {  	[hbm4b:s22+s3] =	stream.linear.scatter [tilespmem:s31], [sflag:$0x6], $0x80, $0x38;
	[tilespmem:$0x10600] =	vst v63  }
0x29e: {  	s8 =	sshrl.u32 s8, $0x3;
	s22 =	sadd.s32 $0x70, s0;
	s31 =	simm.s32 $0xD438  }
0x29f: {  	[hbm4b:s22+s3] =	stream.linear.scatter [tilespmem:s31], [sflag:$0x6], $0x80, $0x38;
	[tilespmem:$0x10600] =	vst v63  }
0x2a0: {  	s17 =	sadd.s32 s2, s8;
	s19 =	simm.s32 $0xC680  }
0x2a1: {  	[hbm4b:s17+s3] =	stream.linear.scatter [tilespmem:s19], [sflag:$0x6], $0x80, $0x38;
	[tilespmem:$0x10600] =	vst v63  }
0x2a2: {  	s22 =	sadd.s32 $0x10, s17;
	s31 =	simm.s32 $0xC888  }
0x2a3: {  	[hbm4b:s22+s3] =	stream.linear.scatter [tilespmem:s31], [sflag:$0x6], $0x80, $0x38;
	[tilespmem:$0x10600] =	vst v63  }
0x2a4: {  	s22 =	sadd.s32 $0x20, s17;
	s31 =	simm.s32 $0xCA90  }
0x2a5: {  	[hbm4b:s22+s3] =	stream.linear.scatter [tilespmem:s31], [sflag:$0x6], $0x80, $0x38;
	[tilespmem:$0x10600] =	vst v63  }
0x2a6: {  	s22 =	sadd.s32 $0x30, s17;
	s31 =	simm.s32 $0xCC98  }
0x2a7: {  	[hbm4b:s22+s3] =	stream.linear.scatter [tilespmem:s31], [sflag:$0x6], $0x80, $0x38;
	[tilespmem:$0x10600] =	vst v63  }
0x2a8: {  	s22 =	sadd.s32 $0x40, s17;
	s31 =	simm.s32 $0xCEA0  }
0x2a9: {  	[hbm4b:s22+s3] =	stream.linear.scatter [tilespmem:s31], [sflag:$0x6], $0x80, $0x38;
	[tilespmem:$0x10600] =	vst v63  }
0x2aa: {  	s22 =	sadd.s32 $0x50, s17;
	s31 =	simm.s32 $0xD0A8  }
0x2ab: {  	[hbm4b:s22+s3] =	stream.linear.scatter [tilespmem:s31], [sflag:$0x6], $0x80, $0x38;
	[tilespmem:$0x10600] =	vst v63  }
0x2ac: {  	s22 =	sadd.s32 $0x60, s17;
	s31 =	simm.s32 $0xD2B0  }
0x2ad: {  	[hbm4b:s22+s3] =	stream.linear.scatter [tilespmem:s31], [sflag:$0x6], $0x80, $0x38;
	[tilespmem:$0x10600] =	vst v63  }
0x2ae: {  	s22 =	sadd.s32 $0x70, s17;
	s31 =	simm.s32 $0xD4B8  }
0x2af: {  	[hbm4b:s22+s3] =	stream.linear.scatter [tilespmem:s31], [sflag:$0x6], $0x80, $0x38;
	[tilespmem:$0x10600] =	vst v63  }
0x2b0: {  	s8 =	sadd.s32 s6, s14;
	s22 =	simm.s32 $0xD540  }
0x2b1: {  	[hbm4b:s8+s3] =	stream.linear.scatter [tilespmem:s22], [sflag:$0x6], $0x80, $0x38;
	[tilespmem:$0x10600] =	vst v63  }
0x2b2: {  	s31 =	sadd.s32 $0x10, s8;
	s22 =	simm.s32 $0xD748  }
0x2b3: {  	[hbm4b:s31+s3] =	stream.linear.scatter [tilespmem:s22], [sflag:$0x6], $0x80, $0x38;
	[tilespmem:$0x10600] =	vst v63  }
0x2b4: {  	s22 =	sadd.s32 $0x20, s8;
	s31 =	simm.s32 $0xD950  }
0x2b5: {  	[hbm4b:s22+s3] =	stream.linear.scatter [tilespmem:s31], [sflag:$0x6], $0x80, $0x38;
	[tilespmem:$0x10600] =	vst v63  }
0x2b6: {  	s22 =	sadd.s32 $0x30, s8;
	s31 =	simm.s32 $0xDB58  }
0x2b7: {  	[hbm4b:s22+s3] =	stream.linear.scatter [tilespmem:s31], [sflag:$0x6], $0x80, $0x38;
	[tilespmem:$0x10600] =	vst v63  }
0x2b8: {  	s22 =	sadd.s32 $0x40, s8;
	s31 =	simm.s32 $0xDD60  }
0x2b9: {  	[hbm4b:s22+s3] =	stream.linear.scatter [tilespmem:s31], [sflag:$0x6], $0x80, $0x38;
	[tilespmem:$0x10600] =	vst v63  }
0x2ba: {  	s22 =	sadd.s32 $0x50, s8;
	s31 =	simm.s32 $0xDF68  }
0x2bb: {  	[hbm4b:s22+s3] =	stream.linear.scatter [tilespmem:s31], [sflag:$0x6], $0x80, $0x38;
	[tilespmem:$0x10600] =	vst v63  }
0x2bc: {  	s22 =	sadd.s32 $0x60, s8;
	s31 =	simm.s32 $0xE170  }
0x2bd: {  	[hbm4b:s22+s3] =	stream.linear.scatter [tilespmem:s31], [sflag:$0x6], $0x80, $0x38;
	[tilespmem:$0x10600] =	vst v63  }
0x2be: {  	s8 =	sadd.s32 $0x70, s8;
	s31 =	simm.s32 $0xE378  }
0x2bf: {  	[hbm4b:s8+s3] =	stream.linear.scatter [tilespmem:s31], [sflag:$0x6], $0x80, $0x38;
	[tilespmem:$0x10600] =	vst v63  }
0x2c0: {  	s22 =	sadd.s32 $0x4000, s30;
	s31 =	simm.s32 $0xD5C0  }
0x2c1: {  	[hbm4b:s22+s3] =	stream.linear.scatter [tilespmem:s31], [sflag:$0x6], $0x80, $0x38;
	[tilespmem:$0x10600] =	vst v63  }
0x2c2: {  	s22 =	sadd.s32 $0x4010, s30;
	s31 =	simm.s32 $0xD7C8  }
0x2c3: {  	[hbm4b:s22+s3] =	stream.linear.scatter [tilespmem:s31], [sflag:$0x6], $0x80, $0x38;
	[tilespmem:$0x10600] =	vst v63  }
0x2c4: {  	s22 =	sadd.s32 $0x4020, s30;
	s31 =	simm.s32 $0xD9D0  }
0x2c5: {  	[hbm4b:s22+s3] =	stream.linear.scatter [tilespmem:s31], [sflag:$0x6], $0x80, $0x38;
	[tilespmem:$0x10600] =	vst v63  }
0x2c6: {  	s22 =	sadd.s32 $0x4030, s30;
	s31 =	simm.s32 $0xDBD8  }
0x2c7: {  	[hbm4b:s22+s3] =	stream.linear.scatter [tilespmem:s31], [sflag:$0x6], $0x80, $0x38;
	[tilespmem:$0x10600] =	vst v63  }
0x2c8: {  	s22 =	sadd.s32 $0x4040, s30;
	s31 =	simm.s32 $0xDDE0  }
0x2c9: {  	[hbm4b:s22+s3] =	stream.linear.scatter [tilespmem:s31], [sflag:$0x6], $0x80, $0x38;
	[tilespmem:$0x10600] =	vst v63  }
0x2ca: {  	s22 =	sadd.s32 $0x4050, s30;
	s31 =	simm.s32 $0xDFE8  }
0x2cb: {  	[hbm4b:s22+s3] =	stream.linear.scatter [tilespmem:s31], [sflag:$0x6], $0x80, $0x38;
	[tilespmem:$0x10600] =	vst v63  }
0x2cc: {  	s22 =	sadd.s32 $0x4060, s30;
	s31 =	simm.s32 $0xE1F0  }
0x2cd: {  	[hbm4b:s22+s3] =	stream.linear.scatter [tilespmem:s31], [sflag:$0x6], $0x80, $0x38;
	[tilespmem:$0x10600] =	vst v63  }
0x2ce: {  	s22 =	sadd.s32 $0x4070, s30;
	s31 =	simm.s32 $0xE3F8  }
0x2cf: {  	[hbm4b:s22+s3] =	stream.linear.scatter [tilespmem:s31], [sflag:$0x6], $0x80, $0x38;
	[tilespmem:$0x10600] =	vst v63  }
0x2d0: {  	s22 =	sadd.s32 $0x4000, s0;
	s31 =	simm.s32 $0xD640  }
0x2d1: {  	[hbm4b:s22+s3] =	stream.linear.scatter [tilespmem:s31], [sflag:$0x6], $0x80, $0x38;
	[tilespmem:$0x10600] =	vst v63  }
0x2d2: {  	s22 =	sadd.s32 $0x4010, s0;
	s31 =	simm.s32 $0xD848  }
0x2d3: {  	[hbm4b:s22+s3] =	stream.linear.scatter [tilespmem:s31], [sflag:$0x6], $0x80, $0x38;
	[tilespmem:$0x10600] =	vst v63  }
0x2d4: {  	s22 =	sadd.s32 $0x4020, s0;
	s31 =	simm.s32 $0xDA50  }
0x2d5: {  	[hbm4b:s22+s3] =	stream.linear.scatter [tilespmem:s31], [sflag:$0x6], $0x80, $0x38;
	[tilespmem:$0x10600] =	vst v63  }
0x2d6: {  	s22 =	sadd.s32 $0x4030, s0;
	s31 =	simm.s32 $0xDC58  }
0x2d7: {  	[hbm4b:s22+s3] =	stream.linear.scatter [tilespmem:s31], [sflag:$0x6], $0x80, $0x38;
	[tilespmem:$0x10600] =	vst v63  }
0x2d8: {  	s22 =	sadd.s32 $0x4040, s0;
	s31 =	simm.s32 $0xDE60  }
0x2d9: {  	[hbm4b:s22+s3] =	stream.linear.scatter [tilespmem:s31], [sflag:$0x6], $0x80, $0x38;
	[tilespmem:$0x10600] =	vst v63  }
0x2da: {  	s22 =	sadd.s32 $0x4050, s0;
	s31 =	simm.s32 $0xE068  }
0x2db: {  	[hbm4b:s22+s3] =	stream.linear.scatter [tilespmem:s31], [sflag:$0x6], $0x80, $0x38;
	[tilespmem:$0x10600] =	vst v63  }
0x2dc: {  	s22 =	sadd.s32 $0x4060, s0;
	s31 =	simm.s32 $0xE270  }
0x2dd: {  	[hbm4b:s22+s3] =	stream.linear.scatter [tilespmem:s31], [sflag:$0x6], $0x80, $0x38;
	[tilespmem:$0x10600] =	vst v63  }
0x2de: {  	s22 =	sadd.s32 $0x4070, s0;
	s31 =	simm.s32 $0xE478  }
0x2df: {  	[hbm4b:s22+s3] =	stream.linear.scatter [tilespmem:s31], [sflag:$0x6], $0x80, $0x38;
	[tilespmem:$0x10600] =	vst v63  }
0x2e0: {  	s22 =	sadd.s32 $0x4000, s17;
	s31 =	simm.s32 $0xD6C0  }
0x2e1: {  	[hbm4b:s22+s3] =	stream.linear.scatter [tilespmem:s31], [sflag:$0x6], $0x80, $0x38;
	[tilespmem:$0x10600] =	vst v63  }
0x2e2: {  	s22 =	sadd.s32 $0x4010, s17;
	s31 =	simm.s32 $0xD8C8  }
0x2e3: {  	[hbm4b:s22+s3] =	stream.linear.scatter [tilespmem:s31], [sflag:$0x6], $0x80, $0x38;
	[tilespmem:$0x10600] =	vst v63  }
0x2e4: {  	s22 =	sadd.s32 $0x4020, s17;
	s31 =	simm.s32 $0xDAD0  }
0x2e5: {  	[hbm4b:s22+s3] =	stream.linear.scatter [tilespmem:s31], [sflag:$0x6], $0x80, $0x38;
	[tilespmem:$0x10600] =	vst v63  }
0x2e6: {  	s22 =	sadd.s32 $0x4030, s17;
	s31 =	simm.s32 $0xDCD8  }
0x2e7: {  	[hbm4b:s22+s3] =	stream.linear.scatter [tilespmem:s31], [sflag:$0x6], $0x80, $0x38;
	[tilespmem:$0x10600] =	vst v63  }
0x2e8: {  	s22 =	sadd.s32 $0x4040, s17;
	s31 =	simm.s32 $0xDEE0  }
0x2e9: {  	[hbm4b:s22+s3] =	stream.linear.scatter [tilespmem:s31], [sflag:$0x6], $0x80, $0x38;
	[tilespmem:$0x10600] =	vst v63  }
0x2ea: {  	s22 =	sadd.s32 $0x4050, s17;
	s31 =	simm.s32 $0xE0E8  }
0x2eb: {  	[hbm4b:s22+s3] =	stream.linear.scatter [tilespmem:s31], [sflag:$0x6], $0x80, $0x38;
	[tilespmem:$0x10600] =	vst v63  }
0x2ec: {  	s22 =	sadd.s32 $0x4060, s17;
	s31 =	simm.s32 $0xE2F0  }
0x2ed: {  	[hbm4b:s22+s3] =	stream.linear.scatter [tilespmem:s31], [sflag:$0x6], $0x80, $0x38;
	[tilespmem:$0x10600] =	vst v63  }
0x2ee: {  	s19 =	sadd.s32 $0x4070, s17;
	s22 =	simm.s32 $0xE4F8  }
0x2ef: {  	[hbm4b:s19+s3] =	stream.linear.scatter [tilespmem:s22], [sflag:$0x6], $0x80, $0x38;
	[tilespmem:$0x10600] =	vst v63  }
0x2f0: {  	s8 =	sadd.s32 s6, s15;
	s31 =	simm.s32 $0xE580  }
0x2f1: {  	[hbm4b:s8+s3] =	stream.linear.scatter [tilespmem:s31], [sflag:$0x6], $0x80, $0x38;
	[tilespmem:$0x10600] =	vst v63  }
0x2f2: {  	s22 =	sadd.s32 $0x10, s8;
	s31 =	simm.s32 $0xE788  }
0x2f3: {  	[hbm4b:s22+s3] =	stream.linear.scatter [tilespmem:s31], [sflag:$0x6], $0x80, $0x38;
	[tilespmem:$0x10600] =	vst v63  }
0x2f4: {  	s22 =	sadd.s32 $0x20, s8;
	s31 =	simm.s32 $0xE990  }
0x2f5: {  	[hbm4b:s22+s3] =	stream.linear.scatter [tilespmem:s31], [sflag:$0x6], $0x80, $0x38;
	[tilespmem:$0x10600] =	vst v63  }
0x2f6: {  	s22 =	sadd.s32 $0x30, s8;
	s31 =	simm.s32 $0xEB98  }
0x2f7: {  	[hbm4b:s22+s3] =	stream.linear.scatter [tilespmem:s31], [sflag:$0x6], $0x80, $0x38;
	[tilespmem:$0x10600] =	vst v63  }
0x2f8: {  	s22 =	sadd.s32 $0x40, s8;
	s31 =	simm.s32 $0xEDA0  }
0x2f9: {  	[hbm4b:s22+s3] =	stream.linear.scatter [tilespmem:s31], [sflag:$0x6], $0x80, $0x38;
	[tilespmem:$0x10600] =	vst v63  }
0x2fa: {  	s22 =	sadd.s32 $0x50, s8;
	s31 =	simm.s32 $0xEFA8  }
0x2fb: {  	[hbm4b:s22+s3] =	stream.linear.scatter [tilespmem:s31], [sflag:$0x6], $0x80, $0x38;
	[tilespmem:$0x10600] =	vst v63  }
0x2fc: {  	s22 =	sadd.s32 $0x60, s8;
	s31 =	simm.s32 $0xF1B0  }
0x2fd: {  	[hbm4b:s22+s3] =	stream.linear.scatter [tilespmem:s31], [sflag:$0x6], $0x80, $0x38;
	[tilespmem:$0x10600] =	vst v63  }
0x2fe: {  	s8 =	sadd.s32 $0x70, s8;
	s31 =	simm.s32 $0xF3B8  }
0x2ff: {  	[hbm4b:s8+s3] =	stream.linear.scatter [tilespmem:s31], [sflag:$0x6], $0x80, $0x38;
	[tilespmem:$0x10600] =	vst v63  }
0x300: {  	s22 =	sadd.s32 $0x8000, s30;
	s31 =	simm.s32 $0xE600  }
0x301: {  	[hbm4b:s22+s3] =	stream.linear.scatter [tilespmem:s31], [sflag:$0x6], $0x80, $0x38;
	[tilespmem:$0x10600] =	vst v63  }
0x302: {  	s22 =	sadd.s32 $0x8010, s30;
	s31 =	simm.s32 $0xE808  }
0x303: {  	[hbm4b:s22+s3] =	stream.linear.scatter [tilespmem:s31], [sflag:$0x6], $0x80, $0x38;
	[tilespmem:$0x10600] =	vst v63  }
0x304: {  	s22 =	sadd.s32 $0x8020, s30;
	s31 =	simm.s32 $0xEA10  }
0x305: {  	[hbm4b:s22+s3] =	stream.linear.scatter [tilespmem:s31], [sflag:$0x6], $0x80, $0x38;
	[tilespmem:$0x10600] =	vst v63  }
0x306: {  	s22 =	sadd.s32 $0x8030, s30;
	s31 =	simm.s32 $0xEC18  }
0x307: {  	[hbm4b:s22+s3] =	stream.linear.scatter [tilespmem:s31], [sflag:$0x6], $0x80, $0x38;
	[tilespmem:$0x10600] =	vst v63  }
0x308: {  	s22 =	sadd.s32 $0x8040, s30;
	s31 =	simm.s32 $0xEE20  }
0x309: {  	[hbm4b:s22+s3] =	stream.linear.scatter [tilespmem:s31], [sflag:$0x6], $0x80, $0x38;
	[tilespmem:$0x10600] =	vst v63  }
0x30a: {  	s22 =	sadd.s32 $0x8050, s30;
	s31 =	simm.s32 $0xF028  }
0x30b: {  	[hbm4b:s22+s3] =	stream.linear.scatter [tilespmem:s31], [sflag:$0x6], $0x80, $0x38;
	[tilespmem:$0x10600] =	vst v63  }
0x30c: {  	s22 =	sadd.s32 $0x8060, s30;
	s31 =	simm.s32 $0xF230  }
0x30d: {  	[hbm4b:s22+s3] =	stream.linear.scatter [tilespmem:s31], [sflag:$0x6], $0x80, $0x38;
	[tilespmem:$0x10600] =	vst v63  }
0x30e: {  	s22 =	sadd.s32 $0x8070, s30;
	s31 =	simm.s32 $0xF438  }
0x30f: {  	[hbm4b:s22+s3] =	stream.linear.scatter [tilespmem:s31], [sflag:$0x6], $0x80, $0x38;
	[tilespmem:$0x10600] =	vst v63  }
0x310: {  	s22 =	sadd.s32 $0x8000, s0;
	s31 =	simm.s32 $0xE680  }
0x311: {  	[hbm4b:s22+s3] =	stream.linear.scatter [tilespmem:s31], [sflag:$0x6], $0x80, $0x38;
	[tilespmem:$0x10600] =	vst v63  }
0x312: {  	s22 =	sadd.s32 $0x8010, s0;
	s31 =	simm.s32 $0xE888  }
0x313: {  	[hbm4b:s22+s3] =	stream.linear.scatter [tilespmem:s31], [sflag:$0x6], $0x80, $0x38;
	[tilespmem:$0x10600] =	vst v63  }
0x314: {  	s22 =	sadd.s32 $0x8020, s0;
	s31 =	simm.s32 $0xEA90  }
0x315: {  	[hbm4b:s22+s3] =	stream.linear.scatter [tilespmem:s31], [sflag:$0x6], $0x80, $0x38;
	[tilespmem:$0x10600] =	vst v63  }
0x316: {  	s22 =	sadd.s32 $0x8030, s0;
	s31 =	simm.s32 $0xEC98  }
0x317: {  	[hbm4b:s22+s3] =	stream.linear.scatter [tilespmem:s31], [sflag:$0x6], $0x80, $0x38;
	[tilespmem:$0x10600] =	vst v63  }
0x318: {  	s22 =	sadd.s32 $0x8040, s0;
	s31 =	simm.s32 $0xEEA0  }
0x319: {  	[hbm4b:s22+s3] =	stream.linear.scatter [tilespmem:s31], [sflag:$0x6], $0x80, $0x38;
	[tilespmem:$0x10600] =	vst v63  }
0x31a: {  	s22 =	sadd.s32 $0x8050, s0;
	s31 =	simm.s32 $0xF0A8  }
0x31b: {  	[hbm4b:s22+s3] =	stream.linear.scatter [tilespmem:s31], [sflag:$0x6], $0x80, $0x38;
	[tilespmem:$0x10600] =	vst v63  }
0x31c: {  	s22 =	sadd.s32 $0x8060, s0;
	s31 =	simm.s32 $0xF2B0  }
0x31d: {  	[hbm4b:s22+s3] =	stream.linear.scatter [tilespmem:s31], [sflag:$0x6], $0x80, $0x38;
	[tilespmem:$0x10600] =	vst v63  }
0x31e: {  	s22 =	sadd.s32 $0x8070, s0;
	s31 =	simm.s32 $0xF4B8  }
0x31f: {  	[hbm4b:s22+s3] =	stream.linear.scatter [tilespmem:s31], [sflag:$0x6], $0x80, $0x38;
	[tilespmem:$0x10600] =	vst v63  }
0x320: {  	s22 =	sadd.s32 $0x8000, s17;
	s31 =	simm.s32 $0xE700  }
0x321: {  	[hbm4b:s22+s3] =	stream.linear.scatter [tilespmem:s31], [sflag:$0x6], $0x80, $0x38;
	[tilespmem:$0x10600] =	vst v63  }
0x322: {  	s22 =	sadd.s32 $0x8010, s17;
	s31 =	simm.s32 $0xE908  }
0x323: {  	[hbm4b:s22+s3] =	stream.linear.scatter [tilespmem:s31], [sflag:$0x6], $0x80, $0x38;
	[tilespmem:$0x10600] =	vst v63  }
0x324: {  	s22 =	sadd.s32 $0x8020, s17;
	s31 =	simm.s32 $0xEB10  }
0x325: {  	[hbm4b:s22+s3] =	stream.linear.scatter [tilespmem:s31], [sflag:$0x6], $0x80, $0x38;
	[tilespmem:$0x10600] =	vst v63  }
0x326: {  	s22 =	sadd.s32 $0x8030, s17;
	s31 =	simm.s32 $0xED18  }
0x327: {  	[hbm4b:s22+s3] =	stream.linear.scatter [tilespmem:s31], [sflag:$0x6], $0x80, $0x38;
	[tilespmem:$0x10600] =	vst v63  }
0x328: {  	s22 =	sadd.s32 $0x8040, s17;
	s31 =	simm.s32 $0xEF20  }
0x329: {  	[hbm4b:s22+s3] =	stream.linear.scatter [tilespmem:s31], [sflag:$0x6], $0x80, $0x38;
	[tilespmem:$0x10600] =	vst v63  }
0x32a: {  	s22 =	sadd.s32 $0x8050, s17;
	s31 =	simm.s32 $0xF128  }
0x32b: {  	[hbm4b:s22+s3] =	stream.linear.scatter [tilespmem:s31], [sflag:$0x6], $0x80, $0x38;
	[tilespmem:$0x10600] =	vst v63  }
0x32c: {  	s22 =	sadd.s32 $0x8060, s17;
	s31 =	simm.s32 $0xF330  }
0x32d: {  	[hbm4b:s22+s3] =	stream.linear.scatter [tilespmem:s31], [sflag:$0x6], $0x80, $0x38;
	[tilespmem:$0x10600] =	vst v63  }
0x32e: {  	s22 =	sadd.s32 $0x8070, s17;
	s31 =	simm.s32 $0xF538  }
0x32f: {  	[hbm4b:s22+s3] =	stream.linear.scatter [tilespmem:s31], [sflag:$0x6], $0x80, $0x38;
	[tilespmem:$0x10600] =	vst v63  }
0x330: {  	s6 =	sadd.s32 s6, s16;
	s19 =	simm.s32 $0xF5C0  }
0x331: {  	[hbm4b:s6+s3] =	stream.linear.scatter [tilespmem:s19], [sflag:$0x6], $0x80, $0x38;
	[tilespmem:$0x10600] =	vst v63  }
0x332: {  	s22 =	sadd.s32 $0x10, s6;
	s31 =	simm.s32 $0xF7C8  }
0x333: {  	[hbm4b:s22+s3] =	stream.linear.scatter [tilespmem:s31], [sflag:$0x6], $0x80, $0x38;
	[tilespmem:$0x10600] =	vst v63  }
0x334: {  	s22 =	sadd.s32 $0x20, s6;
	s31 =	simm.s32 $0xF9D0  }
0x335: {  	[hbm4b:s22+s3] =	stream.linear.scatter [tilespmem:s31], [sflag:$0x6], $0x80, $0x38;
	[tilespmem:$0x10600] =	vst v63  }
0x336: {  	s22 =	sadd.s32 $0x30, s6;
	s31 =	simm.s32 $0xFBD8  }
0x337: {  	[hbm4b:s22+s3] =	stream.linear.scatter [tilespmem:s31], [sflag:$0x6], $0x80, $0x38;
	[tilespmem:$0x10600] =	vst v63  }
0x338: {  	s22 =	sadd.s32 $0x40, s6;
	s31 =	simm.s32 $0xFDE0  }
0x339: {  	[hbm4b:s22+s3] =	stream.linear.scatter [tilespmem:s31], [sflag:$0x6], $0x80, $0x38;
	[tilespmem:$0x10600] =	vst v63  }
0x33a: {  	s22 =	sadd.s32 $0x50, s6;
	s31 =	simm.s32 $0xFFE8  }
0x33b: {  	[hbm4b:s22+s3] =	stream.linear.scatter [tilespmem:s31], [sflag:$0x6], $0x80, $0x38;
	[tilespmem:$0x10600] =	vst v63  }
0x33c: {  	s19 =	sadd.s32 $0x60, s6;
	s22 =	simm.s32 $0x101F0  }
0x33d: {  	[hbm4b:s19+s3] =	stream.linear.scatter [tilespmem:s22], [sflag:$0x6], $0x80, $0x38;
	[tilespmem:$0x10600] =	vst v63  }
0x33e: {  	s6 =	sadd.s32 $0x70, s6;
	s31 =	simm.s32 $0x103F8  }
0x33f: {  	[hbm4b:s6+s3] =	stream.linear.scatter [tilespmem:s31], [sflag:$0x6], $0x80, $0x38;
	[tilespmem:$0x10600] =	vst v63  }
0x340: {  	s8 =	sadd.s32 $0xC000, s30;
	s19 =	simm.s32 $0xF640  }
0x341: {  	[hbm4b:s8+s3] =	stream.linear.scatter [tilespmem:s19], [sflag:$0x6], $0x80, $0x38;
	[tilespmem:$0x10600] =	vst v63  }
0x342: {  	s22 =	sadd.s32 $0xC010, s30;
	s31 =	simm.s32 $0xF848  }
0x343: {  	[hbm4b:s22+s3] =	stream.linear.scatter [tilespmem:s31], [sflag:$0x6], $0x80, $0x38;
	[tilespmem:$0x10600] =	vst v63  }
0x344: {  	s8 =	sadd.s32 $0xC020, s30;
	s19 =	simm.s32 $0xFA50  }
0x345: {  	[hbm4b:s8+s3] =	stream.linear.scatter [tilespmem:s19], [sflag:$0x6], $0x80, $0x38;
	[tilespmem:$0x10600] =	vst v63  }
0x346: {  	s22 =	sadd.s32 $0xC030, s30;
	s31 =	simm.s32 $0xFC58  }
0x347: {  	[hbm4b:s22+s3] =	stream.linear.scatter [tilespmem:s31], [sflag:$0x6], $0x80, $0x38;
	[tilespmem:$0x10600] =	vst v63  }
0x348: {  	s8 =	sadd.s32 $0xC040, s30;
	s19 =	simm.s32 $0xFE60  }
0x349: {  	[hbm4b:s8+s3] =	stream.linear.scatter [tilespmem:s19], [sflag:$0x6], $0x80, $0x38;
	[tilespmem:$0x10600] =	vst v63  }
0x34a: {  	s22 =	sadd.s32 $0xC050, s30;
	s31 =	simm.s32 $0x10068  }
0x34b: {  	[hbm4b:s22+s3] =	stream.linear.scatter [tilespmem:s31], [sflag:$0x6], $0x80, $0x38;
	[tilespmem:$0x10600] =	vst v63  }
0x34c: {  	s19 =	sadd.s32 $0xC060, s30;
	s22 =	simm.s32 $0x10270  }
0x34d: {  	[hbm4b:s19+s3] =	stream.linear.scatter [tilespmem:s22], [sflag:$0x6], $0x80, $0x38;
	[tilespmem:$0x10600] =	vst v63  }
0x34e: {  	s30 =	sadd.s32 $0xC070, s30;
	s31 =	simm.s32 $0x10478  }
0x34f: {  	[hbm4b:s30+s3] =	stream.linear.scatter [tilespmem:s31], [sflag:$0x6], $0x80, $0x38;
	[tilespmem:$0x10600] =	vst v63  }
0x350: {  	s8 =	sadd.s32 $0xC000, s0  }
0x351: {  	[hbm4b:s8+s3] =	stream.linear.scatter [tilespmem:s25], [sflag:$0x6], $0x80, $0x38;
	[tilespmem:$0x10600] =	vst v63  }
0x352: {  	s19 =	sadd.s32 $0xC010, s0;
	s22 =	simm.s32 $0xF8C8  }
0x353: {  	[hbm4b:s19+s3] =	stream.linear.scatter [tilespmem:s22], [sflag:$0x6], $0x80, $0x38;
	[tilespmem:$0x10600] =	vst v63  }
0x354: {  	s30 =	sadd.s32 $0xC020, s0;
	s31 =	simm.s32 $0xFAD0  }
0x355: {  	[hbm4b:s30+s3] =	stream.linear.scatter [tilespmem:s31], [sflag:$0x6], $0x80, $0x38;
	[tilespmem:$0x10600] =	vst v63  }
0x356: {  	s19 =	sadd.s32 $0xC030, s0;
	s22 =	simm.s32 $0xFCD8  }
0x357: {  	[hbm4b:s19+s3] =	stream.linear.scatter [tilespmem:s22], [sflag:$0x6], $0x80, $0x38;
	[tilespmem:$0x10600] =	vst v63  }
0x358: {  	s30 =	sadd.s32 $0xC040, s0;
	s31 =	simm.s32 $0xFEE0  }
0x359: {  	[hbm4b:s30+s3] =	stream.linear.scatter [tilespmem:s31], [sflag:$0x6], $0x80, $0x38;
	[tilespmem:$0x10600] =	vst v63  }
0x35a: {  	s19 =	sadd.s32 $0xC050, s0;
	s22 =	simm.s32 $0x100E8  }
0x35b: {  	[hbm4b:s19+s3] =	stream.linear.scatter [tilespmem:s22], [sflag:$0x6], $0x80, $0x38;
	[tilespmem:$0x10600] =	vst v63  }
0x35c: {  	s30 =	sadd.s32 $0xC060, s0;
	s31 =	simm.s32 $0x102F0  }
0x35d: {  	[hbm4b:s30+s3] =	stream.linear.scatter [tilespmem:s31], [sflag:$0x6], $0x80, $0x38;
	[tilespmem:$0x10600] =	vst v63  }
0x35e: {  	s8 =	simm.s32 $0x104F8;
	s0 =	sadd.s32 $0xC070, s0  }
0x35f: {  	[hbm4b:s0+s3] =	stream.linear.scatter [tilespmem:s8], [sflag:$0x6], $0x80, $0x38;
	[tilespmem:$0x10600] =	vst v63  }
0x360: {  	s19 =	sadd.s32 $0xC000, s17;
	s22 =	simm.s32 $0xF740  }
0x361: {  	[hbm4b:s19+s3] =	stream.linear.scatter [tilespmem:s22], [sflag:$0x6], $0x80, $0x38;
	[tilespmem:$0x10600] =	vst v63  }
0x362: {  	s30 =	sadd.s32 $0xC010, s17;
	s31 =	simm.s32 $0xF948  }
0x363: {  	[hbm4b:s30+s3] =	stream.linear.scatter [tilespmem:s31], [sflag:$0x6], $0x80, $0x38;
	[tilespmem:$0x10600] =	vst v63  }
0x364: {  	s6 =	sadd.s32 $0xC020, s17;
	s8 =	simm.s32 $0xFB50  }
0x365: {  	[hbm4b:s6+s3] =	stream.linear.scatter [tilespmem:s8], [sflag:$0x6], $0x80, $0x38;
	[tilespmem:$0x10600] =	vst v63  }
0x366: {  	s19 =	sadd.s32 $0xC030, s17;
	s22 =	simm.s32 $0xFD58  }
0x367: {  	[hbm4b:s19+s3] =	stream.linear.scatter [tilespmem:s22], [sflag:$0x6], $0x80, $0x38;
	[tilespmem:$0x10600] =	vst v63  }
0x368: {  	s30 =	sadd.s32 $0xC040, s17;
	s31 =	simm.s32 $0xFF60  }
0x369: {  	[hbm4b:s30+s3] =	stream.linear.scatter [tilespmem:s31], [sflag:$0x6], $0x80, $0x38;
	[tilespmem:$0x10600] =	vst v63  }
0x36a: {  	p0 =	seq.s32 s29, $0x31;
	s8 =	sadd.s32 $0xC050, s17;
	s19 =	simm.s32 $0x10168  }
0x36b: {  	[hbm4b:s8+s3] =	stream.linear.scatter [tilespmem:s19], [sflag:$0x6], $0x80, $0x38;
	[tilespmem:$0x10600] =	vst v63  }
.Ltmp7:
0x36c: {  	_ = 	snop;
	(pc) =	sbr.rel @p0 .LBB2_12-.Ltmp7, $4  }
0x36d: {  	s22 =	sadd.s32 $0xC060, s17;
	s30 =	simm.s32 $0x10370  }
0x36e: {  	[hbm4b:s22+s3] =	stream.linear.scatter [tilespmem:s30], [sflag:$0x6], $0x80, $0x38;
	[tilespmem:$0x10600] =	vst v63  }
0x36f: {  	s31 =	sadd.s32 $0xC070, s17  }
0x370: {  	[hbm4b:s31+s3] =	stream.linear.scatter [tilespmem:s26], [sflag:$0x6], $0x80, $0x38;
	[tilespmem:$0x10600] =	vst v63  }
.Ltmp8:
0x371: {  	s0 =	sshll.u32 s29, $0xF;
	(pc) =	sbr.rel .LBB2_2-.Ltmp8, $4  }
0x372: {  	s0 =	sadd.s32 s9, s0  }
0x373: {  	s0 =	sshrl.u32 s0, $0x3  }
0x374: {  	s29 =	sadd.s32 $0x1, s29;
	s0 =	sadd.s32 s4, s0  }
0x375: {  	[tilespmem:s18], [sflag:$0x2] =	stream.linear.gather [hbm4b:s0+s3], $0x200, $0x38;
	[tilespmem:$0x10600] =	vst v63  }
.LBB2_13:
0x376: {  	_ =	sfence.sel $0x180000  }
0x377: {  	[bflag:$0x0] =	sbarrier.arrive $0xFFFF  }
0x378: {  	_ =	strace $0x90000047  }
0x379: {  	s0 =	stileid.u32;
	[bflag:$0x2] =	sbarrier.arrive $0xFFFF  }
0x37a: {  	p0 =	sne.s32 s0, $0x0;
	s0 =	rddreg [dreg:$0x2]  }
0x37b: {  	s0 =	sadd.s32 @!p0 $0x100000, s0  }
0x37c: {  	[sflag:s0] =	ssyncadd.tile.s32 @!p0 $0x1;
	_ =	shalt  }
.Lfunc_end2:
_tile_overlayer_lowered:
.L_overlay_start_2:
0x37d: {  	(tag) =	ssettag $0x2  }
0x37e: {  	s0 =	rddreg [dreg:$0x0];
	s2 =	stileid.u32  }
0x37f: {  	s1 =	rddreg [dreg:$0x1];
	p0 =	sne.s32 s2, $0x0  }
0x380: {  	s3 =	rddreg [dreg:$0x2];
	[bflag:$0x3] =	sbarrier.arrive $0xFFFF;
	s2 =	simm.s32 @!p0 $0x1C07  }
0x381: {  	[timem:s3], [sflag:s2] =	dma.local @!p0 [hbm:s0], s1  }
0x382: {  	s0 =	simm.s32 @!p0 $0x7  }
0x383: {  	_ =	swait.ge @!p0 [sflag:s0], s1  }
0x384: {  	s1 =	ssub.s32 @!p0 $0x0, s1;
	[sflag:s0] =	ssyncset.done @!p0 $0x0  }
0x385: {  	[sflag:s0] =	ssyncadd.s32 @!p0 s1  }
0x386: {  	[bflag:$0x3] =	sbarrier.arrive $0xFFFF  }
0x387: {  	_ =	shalt  }

</sc_bundles>
